<compile_context>
chip_gen: v7x
topology: tpu7x:2x2x1
jax: 0.10.2.dev20260603
libtpu: 0.0.44.dev20260713+nightly
codegen_flags: <defaults>
</compile_context>

<pallas_src>
import functools

import jax
import jax.numpy as jnp
from jax import lax
from jax.experimental import pallas as pl
from jax.experimental.pallas import tpu as pltpu
from jax.experimental.pallas import tpu_sc as plsc

EMBED = 32
B = 16384
H1 = 128
H2 = 64
NC = 2
NS = 16
NW = NC * NS
BPW = B // NW
CH = 128
NCH = BPW // CH
NROW = 100000
BLKC = 2048
NBLK = (NROW + BLKC - 1) // BLKC
NPAD = NBLK * BLKC


def _tc_transpose(ugt, igt, umt, imt):

    SRB = BLKC // 4

    def body(a_r, b_r, c_r, d_r, oa, ob, oc, od):
        for src, dst in ((a_r, oa), (b_r, ob), (c_r, oc), (d_r, od)):
            y = jnp.transpose(src[...])
            parts = [y[a * SRB:(a + 1) * SRB, :] for a in range(4)]
            dst[...] = jnp.concatenate(parts, axis=1)

    sup = jax.ShapeDtypeStruct((NPAD // 4, 128), jnp.float32)
    return pl.pallas_call(
        body,
        grid=(NBLK,),
        in_specs=[pl.BlockSpec((EMBED, BLKC), lambda i: (0, i))] * 4,
        out_specs=[pl.BlockSpec((SRB, 128), lambda i: (i, 0))] * 4,
        out_shape=[sup] * 4,
    )(ugt, igt, umt, imt)


def _sc_gather(uid, iid, ug1, ig1, um1, im1, ub, ib):
    mesh = plsc.VectorSubcoreMesh(core_axis_name="c", subcore_axis_name="s")

    @functools.partial(
        pl.kernel,
        mesh=mesh,
        compiler_params=pltpu.CompilerParams(use_tc_tiling_on_sc=False),
        out_type=[
            jax.ShapeDtypeStruct((B * EMBED,), jnp.float32),
            jax.ShapeDtypeStruct((B * EMBED,), jnp.float32),
            jax.ShapeDtypeStruct((B * EMBED,), jnp.float32),
            jax.ShapeDtypeStruct((B * EMBED,), jnp.float32),
            jax.ShapeDtypeStruct((B,), jnp.float32),
            jax.ShapeDtypeStruct((B,), jnp.float32),
        ],
        scratch_types=[
            pltpu.VMEM((BPW,), jnp.int32),
            pltpu.VMEM((BPW,), jnp.int32),
            pltpu.VMEM((BPW + 16,), jnp.int32),
            pltpu.VMEM((BPW + 16,), jnp.int32),
            pltpu.VMEM((2, CH * EMBED), jnp.float32),
            pltpu.VMEM((2, CH * EMBED), jnp.float32),
            pltpu.VMEM((2, CH * EMBED), jnp.float32),
            pltpu.VMEM((2, CH * EMBED), jnp.float32),
            pltpu.VMEM((BPW,), jnp.float32),
            pltpu.VMEM((BPW,), jnp.float32),
            pltpu.SemaphoreType.DMA,
            pltpu.SemaphoreType.DMA,
            pltpu.SemaphoreType.DMA,
        ],
    )
    def k(uid_h, iid_h, ug_h, ig_h, um_h, im_h, ub_h, ib_h,
          oug, oig, oum, oim, obu, obi,
          uidx, iidx, uofs, iofs,
          cug, cig, cum, cim, vbu, vbi, gsem, wsem, bsem):
        wid = lax.axis_index("s") * NC + lax.axis_index("c")
        base = wid * BPW
        pltpu.sync_copy(uid_h.at[pl.ds(base, BPW)], uidx)
        pltpu.sync_copy(iid_h.at[pl.ds(base, BPW)], iidx)
        for t in range(BPW // 16):
            sl = pl.ds(t * 16, 16)
            for src_, dst_ in ((uidx, uofs), (iidx, iofs)):
                v = src_[sl]
                blk = lax.shift_right_logical(v, 11)
                rem = jnp.bitwise_and(v, 2047)
                sub = lax.shift_right_logical(rem, 9)
                r = jnp.bitwise_and(rem, 511)
                dst_[sl] = (lax.shift_left(blk, 16) + lax.shift_left(r, 7)
                            + lax.shift_left(sub, 5))
        bias = []
        for j in range(NCH):
            sl = pl.ds(j * CH, CH)
            bias.append(pltpu.async_copy(ub_h.at[uidx.at[sl]], vbu.at[sl], bsem))
            bias.append(pltpu.async_copy(ib_h.at[iidx.at[sl]], vbi.at[sl], bsem))
        pend = {0: [], 1: []}
        for j in range(NCH):
            par = j % 2

            def body(r, carry, j=j, par=par):
                row = j * CH + r
                uo = pl.multiple_of(uofs[pl.ds(row, 16)][0], EMBED)
                io = pl.multiple_of(iofs[pl.ds(row, 16)][0], EMBED)
                d = pl.ds(r * EMBED, EMBED)
                pltpu.async_copy(ug_h.at[pl.ds(uo, EMBED)], cug.at[par, d], gsem)
                pltpu.async_copy(um_h.at[pl.ds(uo, EMBED)], cum.at[par, d], gsem)
                pltpu.async_copy(ig_h.at[pl.ds(io, EMBED)], cig.at[par, d], gsem)
                pltpu.async_copy(im_h.at[pl.ds(io, EMBED)], cim.at[par, d], gsem)
                return carry

            lax.fori_loop(0, CH, body, 0)
            for _ in range(4):
                pltpu.make_async_copy(oug.at[pl.ds(0, CH * EMBED)],
                                      cug.at[par], gsem).wait()

            for w in pend[par]:
                w.wait()
            osl = pl.ds((base + j * CH) * EMBED, CH * EMBED)
            pend[par] = [
                pltpu.async_copy(cug.at[par], oug.at[osl], wsem),
                pltpu.async_copy(cig.at[par], oig.at[osl], wsem),
                pltpu.async_copy(cum.at[par], oum.at[osl], wsem),
                pltpu.async_copy(cim.at[par], oim.at[osl], wsem),
            ]
        for b in bias:
            b.wait()
        bw = [
            pltpu.async_copy(vbu, obu.at[pl.ds(base, BPW)], wsem),
            pltpu.async_copy(vbi, obi.at[pl.ds(base, BPW)], wsem),
        ]
        for par in (0, 1):
            for w in pend[par]:
                w.wait()
        for w in bw:
            w.wait()

    return k(uid, iid, ug1, ig1, um1, im1, ub, ib)


def _tc_mlp(ug, ig, um, im, bu2, bi2, w1u, w1i, b1r, W2, b2r, wog, woh, bo):
    BLK = BPW
    G = B // BLK

    def body(ug_r, ig_r, um_r, im_r, bu_r, bi_r, w1u_r, w1i_r, b1_r,
             w2_r, b2_r, wog_r, woh_r, bo_r, out_r):
        g = ug_r[...] * ig_r[...]
        x1 = jnp.dot(um_r[...], w1u_r[...], preferred_element_type=jnp.float32)
        x1 = x1 + jnp.dot(im_r[...], w1i_r[...], preferred_element_type=jnp.float32)
        h1 = jnp.maximum(x1 + b1_r[...], 0.0)
        x2 = jnp.dot(h1, w2_r[...], preferred_element_type=jnp.float32)
        h2 = jnp.maximum(x2 + b2_r[...], 0.0)
        p = jnp.sum(g * wog_r[...], axis=1) + jnp.sum(h2 * woh_r[...], axis=1)
        out_r[...] = (p + bo_r[0]).reshape(1, 1, BLK) + bu_r[...] + bi_r[...]

    out = pl.pallas_call(
        body,
        grid=(G,),
        in_specs=[
            pl.BlockSpec((BLK, EMBED), lambda i: (i, 0)),
            pl.BlockSpec((BLK, EMBED), lambda i: (i, 0)),
            pl.BlockSpec((BLK, EMBED), lambda i: (i, 0)),
            pl.BlockSpec((BLK, EMBED), lambda i: (i, 0)),
            pl.BlockSpec((1, 1, BLK), lambda i: (i, 0, 0)),
            pl.BlockSpec((1, 1, BLK), lambda i: (i, 0, 0)),
            pl.BlockSpec((EMBED, H1), lambda i: (0, 0)),
            pl.BlockSpec((EMBED, H1), lambda i: (0, 0)),
            pl.BlockSpec((1, H1), lambda i: (0, 0)),
            pl.BlockSpec((H1, H2), lambda i: (0, 0)),
            pl.BlockSpec((1, H2), lambda i: (0, 0)),
            pl.BlockSpec((1, EMBED), lambda i: (0, 0)),
            pl.BlockSpec((1, H2), lambda i: (0, 0)),
            pl.BlockSpec(memory_space=pltpu.SMEM),
        ],
        out_specs=pl.BlockSpec((1, 1, BLK), lambda i: (i, 0, 0)),
        out_shape=jax.ShapeDtypeStruct((G, 1, BLK), jnp.float32),
    )(ug, ig, um, im, bu2, bi2, w1u, w1i, b1r, W2, b2r, wog, woh, bo)
    return out.reshape(B)


def kernel(user_ids, item_ids, Ug, Ig, Um, Im, Ub, Ib, W1, b1, W2, b2, Wo, bo):
    uid = user_ids.astype(jnp.int32)
    iid = item_ids.astype(jnp.int32)
    ug1, ig1, um1, im1 = (t.reshape(-1)
                          for t in _tc_transpose(Ug.T, Ig.T, Um.T, Im.T))
    ug, ig, um, im, bu, bi = _sc_gather(
        uid, iid, ug1, ig1, um1, im1, Ub.reshape(-1), Ib.reshape(-1))
    return _tc_mlp(
        ug.reshape(B, EMBED), ig.reshape(B, EMBED),
        um.reshape(B, EMBED), im.reshape(B, EMBED),
        bu.reshape(B // BPW, 1, BPW), bi.reshape(B // BPW, 1, BPW),
        W1[:EMBED], W1[EMBED:], b1.reshape(1, H1),
        W2, b2.reshape(1, H2),
        Wo[:EMBED].reshape(1, EMBED), Wo[EMBED:].reshape(1, H2), bo)

# --- scband reference (transcript-rebuilt; emitter-appended) ---
"""Pipeline reference for scband-neu-mf-31215822307641 (READ-ONLY COPY).

The authoritative reference and input builder live on the scoring server;
editing this copy changes nothing except your own understanding.
"""

import jax, jax.numpy as jnp
import numpy as np

N_USERS = 100000
N_ITEMS = 100000
EMBED_DIM = 32
BATCH = 16384
GLOBAL_MEAN = 0.0


def setup_inputs(seed: int = 0) -> dict:
    key = jax.random.key(seed)
    ks = jax.random.split(key, 12)
    user_ids = jax.random.randint(ks[0], (BATCH,), 0, N_USERS, dtype=jnp.int64 if jax.config.jax_enable_x64 else jnp.int32)
    item_ids = jax.random.randint(ks[1], (BATCH,), 0, N_ITEMS, dtype=jnp.int64 if jax.config.jax_enable_x64 else jnp.int32)
    Ug = jax.random.normal(ks[2], (N_USERS, EMBED_DIM), dtype=jnp.float32) * 0.01
    Ig = jax.random.normal(ks[3], (N_ITEMS, EMBED_DIM), dtype=jnp.float32) * 0.01
    Um = jax.random.normal(ks[4], (N_USERS, EMBED_DIM), dtype=jnp.float32) * 0.01
    Im = jax.random.normal(ks[5], (N_ITEMS, EMBED_DIM), dtype=jnp.float32) * 0.01
    Ub = jnp.zeros((N_USERS, 1), dtype=jnp.float32)
    Ib = jnp.zeros((N_ITEMS, 1), dtype=jnp.float32)
    # MLP: Linear(64->128), Linear(128->64); weights stored (in, out)
    W1 = jax.random.normal(ks[6], (2 * EMBED_DIM, 128), dtype=jnp.float32) * (1.0 / np.sqrt(2 * EMBED_DIM))
    b1 = jnp.zeros((128,), dtype=jnp.float32)
    W2 = jax.random.normal(ks[7], (128, 64), dtype=jnp.float32) * (1.0 / np.sqrt(128))
    b2 = jnp.zeros((64,), dtype=jnp.float32)
    # output layer: Linear(embed_dim + 64 = 96 -> 1), xavier uniform
    fan_in = EMBED_DIM + 64
    limit = float(np.sqrt(6.0 / (fan_in + 1)))
    Wo = jax.random.uniform(ks[8], (fan_in, 1), dtype=jnp.float32, minval=-limit, maxval=limit)
    bo = jnp.zeros((1,), dtype=jnp.float32)
    return {"user_ids": user_ids, "item_ids": item_ids, "Ug": Ug, "Ig": Ig, "Um": Um, "Im": Im,
            "Ub": Ub, "Ib": Ib, "W1": W1, "b1": b1, "W2": W2, "b2": b2, "Wo": Wo, "bo": bo}


def reference(user_ids, item_ids, Ug, Ig, Um, Im, Ub, Ib, W1, b1, W2, b2, Wo, bo):
    # GMF branch
    u_gmf = jnp.take(Ug, user_ids, axis=0)
    i_gmf = jnp.take(Ig, item_ids, axis=0)
    gmf_out = u_gmf * i_gmf
    # MLP branch (dropout is identity in eval mode)
    u_mlp = jnp.take(Um, user_ids, axis=0)
    i_mlp = jnp.take(Im, item_ids, axis=0)
    h = jnp.concatenate([u_mlp, i_mlp], axis=-1)
    h = jax.nn.relu(h @ W1 + b1)
    h = jax.nn.relu(h @ W2 + b2)
    fusion = jnp.concatenate([gmf_out, h], axis=-1)
    pred = (fusion @ Wo + bo).squeeze(-1)
    bu = jnp.take(Ub, user_ids, axis=0).squeeze(-1)
    bi = jnp.take(Ib, item_ids, axis=0).squeeze(-1)
    return pred + bu + bi + GLOBAL_MEAN

if __name__ == "__main__":
    import jax
    _d = setup_inputs()
    print(jax.jit(kernel)(*tuple(_d.values())))

</pallas_src>

<mosaic_0001>
#map = affine_map<(d0, d1) -> (0)>
module attributes {stable_mosaic.version = 14 : i64} {
  func.func @k(%arg0: i32, %arg1: i32, %arg2: memref<16384xi32, #tpu.memory_space<hbm>>, %arg3: memref<16384xi32, #tpu.memory_space<hbm>>, %arg4: memref<3211264xf32, #tpu.memory_space<hbm>>, %arg5: memref<3211264xf32, #tpu.memory_space<hbm>>, %arg6: memref<3211264xf32, #tpu.memory_space<hbm>>, %arg7: memref<3211264xf32, #tpu.memory_space<hbm>>, %arg8: memref<100000xf32, #tpu.memory_space<hbm>>, %arg9: memref<100000xf32, #tpu.memory_space<hbm>>, %arg10: memref<524288xf32, #tpu.memory_space<hbm>>, %arg11: memref<524288xf32, #tpu.memory_space<hbm>>, %arg12: memref<524288xf32, #tpu.memory_space<hbm>>, %arg13: memref<524288xf32, #tpu.memory_space<hbm>>, %arg14: memref<16384xf32, #tpu.memory_space<hbm>>, %arg15: memref<16384xf32, #tpu.memory_space<hbm>>, %arg16: memref<512xi32, #tpu.memory_space<vmem>>, %arg17: memref<512xi32, #tpu.memory_space<vmem>>, %arg18: memref<528xi32, #tpu.memory_space<vmem>>, %arg19: memref<528xi32, #tpu.memory_space<vmem>>, %arg20: memref<2x4096xf32, #tpu.memory_space<vmem>>, %arg21: memref<2x4096xf32, #tpu.memory_space<vmem>>, %arg22: memref<2x4096xf32, #tpu.memory_space<vmem>>, %arg23: memref<2x4096xf32, #tpu.memory_space<vmem>>, %arg24: memref<512xf32, #tpu.memory_space<vmem>>, %arg25: memref<512xf32, #tpu.memory_space<vmem>>, %arg26: memref<!tpu.dma_semaphore, #tpu.memory_space<semaphore_mem>>, %arg27: memref<!tpu.dma_semaphore, #tpu.memory_space<semaphore_mem>>, %arg28: memref<!tpu.dma_semaphore, #tpu.memory_space<semaphore_mem>>) attributes {dimension_semantics = [#tpu.dimension_semantics<core_parallel>, #tpu.dimension_semantics<subcore_parallel>], iteration_bounds = array<i64: 2, 16>, scalar_prefetch = 0 : i64, scratch_operands = 13 : i64, tpu.core_type = #tpu.core_type<sc_vector_subcore>, window_params = [{transform_indices = #map}, {transform_indices = #map}, {transform_indices = #map}, {transform_indices = #map}, {transform_indices = #map}, {transform_indices = #map}, {transform_indices = #map}, {transform_indices = #map}, {transform_indices = #map}, {transform_indices = #map}, {transform_indices = #map}, {transform_indices = #map}, {transform_indices = #map}, {transform_indices = #map}]} {
    %mul3A = arith.constant 2 : i32
    %mul3A_0 = arith.muli %arg1, %mul3A : i32
    %add3A = arith.addi %mul3A_0, %arg0 : i32
    %mul3A_1 = arith.constant 512 : i32
    %mul3A_2 = arith.muli %add3A, %mul3A_1 : i32
    "tpu.region"() ({
      %run_scoped3A = tpu.sem_alloc : memref<!tpu.dma_semaphore, #tpu.memory_space<semaphore_mem>>
      %dma_start3A_2523 = tpu.memref_slice %arg2[%mul3A_2] : memref<16384xi32, #tpu.memory_space<hbm>> -> memref<512xi32, #tpu.memory_space<hbm>>
      %dma_start3A_2524 = tpu.memref_slice %arg2[%mul3A_2] : memref<16384xi32, #tpu.memory_space<hbm>> -> memref<512xi32, #tpu.memory_space<hbm>>
      tpu.enqueue_dma source(%dma_start3A_2524 : memref<512xi32, #tpu.memory_space<hbm>>) target(%arg16 : memref<512xi32, #tpu.memory_space<vmem>>) target_semaphore(%run_scoped3A : memref<!tpu.dma_semaphore, #tpu.memory_space<semaphore_mem>>)
      %dma_wait3A_2525 = tpu.memref_slice %arg2[%mul3A_2] : memref<16384xi32, #tpu.memory_space<hbm>> -> memref<512xi32, #tpu.memory_space<hbm>>
      %dma_wait3A_2526 = tpu.memref_slice %arg2[%mul3A_2] : memref<16384xi32, #tpu.memory_space<hbm>> -> memref<512xi32, #tpu.memory_space<hbm>>
      tpu.wait_dma2 semaphore(%run_scoped3A : memref<!tpu.dma_semaphore, #tpu.memory_space<semaphore_mem>>) src(%dma_wait3A_2526 : memref<512xi32, #tpu.memory_space<hbm>>) dst(%arg16 : memref<512xi32, #tpu.memory_space<vmem>>)
      tpu.yield
    }) : () -> ()
    "tpu.region"() ({
      %run_scoped3A = tpu.sem_alloc : memref<!tpu.dma_semaphore, #tpu.memory_space<semaphore_mem>>
      %dma_start3A_2523 = tpu.memref_slice %arg3[%mul3A_2] : memref<16384xi32, #tpu.memory_space<hbm>> -> memref<512xi32, #tpu.memory_space<hbm>>
      %dma_start3A_2524 = tpu.memref_slice %arg3[%mul3A_2] : memref<16384xi32, #tpu.memory_space<hbm>> -> memref<512xi32, #tpu.memory_space<hbm>>
      tpu.enqueue_dma source(%dma_start3A_2524 : memref<512xi32, #tpu.memory_space<hbm>>) target(%arg17 : memref<512xi32, #tpu.memory_space<vmem>>) target_semaphore(%run_scoped3A : memref<!tpu.dma_semaphore, #tpu.memory_space<semaphore_mem>>)
      %dma_wait3A_2525 = tpu.memref_slice %arg3[%mul3A_2] : memref<16384xi32, #tpu.memory_space<hbm>> -> memref<512xi32, #tpu.memory_space<hbm>>
      %dma_wait3A_2526 = tpu.memref_slice %arg3[%mul3A_2] : memref<16384xi32, #tpu.memory_space<hbm>> -> memref<512xi32, #tpu.memory_space<hbm>>
      tpu.wait_dma2 semaphore(%run_scoped3A : memref<!tpu.dma_semaphore, #tpu.memory_space<semaphore_mem>>) src(%dma_wait3A_2526 : memref<512xi32, #tpu.memory_space<hbm>>) dst(%arg17 : memref<512xi32, #tpu.memory_space<vmem>>)
      tpu.yield
    }) : () -> ()
    %get3A = arith.constant 0 : index
    %get3A_3 = tpu.vector_load %arg16[%get3A] {strides = array<i32>} : memref<512xi32, #tpu.memory_space<vmem>>, vector<16xi32>,
    %get3A_4 = vector.shape_cast %get3A_3 : vector<16xi32> to vector<16xi32>
    %shift_right_logical3A = arith.constant 11 : i32
    %shift_right_logical3A_5 = vector.broadcast %shift_right_logical3A : i32 to vector<16xi32>
    %shift_right_logical3A_6 = arith.shrui %get3A_4, %shift_right_logical3A_5 : vector<16xi32>
    %and3A = arith.constant 2047 : i32
    %and3A_7 = vector.broadcast %and3A : i32 to vector<16xi32>
    %and3A_8 = arith.andi %get3A_4, %and3A_7 : vector<16xi32>
    %shift_right_logical3A_9 = arith.constant 9 : i32
    %shift_right_logical3A_10 = vector.broadcast %shift_right_logical3A_9 : i32 to vector<16xi32>
    %shift_right_logical3A_11 = arith.shrui %and3A_8, %shift_right_logical3A_10 : vector<16xi32>
    %and3A_12 = arith.constant 511 : i32
    %and3A_13 = vector.broadcast %and3A_12 : i32 to vector<16xi32>
    %and3A_14 = arith.andi %and3A_8, %and3A_13 : vector<16xi32>
    %shift_left3A = arith.constant 16 : i32
    %shift_left3A_15 = vector.broadcast %shift_left3A : i32 to vector<16xi32>
    %shift_left3A_16 = arith.shli %shift_right_logical3A_6, %shift_left3A_15 : vector<16xi32>
    %shift_left3A_17 = arith.constant 7 : i32
    %shift_left3A_18 = vector.broadcast %shift_left3A_17 : i32 to vector<16xi32>
    %shift_left3A_19 = arith.shli %and3A_14, %shift_left3A_18 : vector<16xi32>
    %add3A_20 = arith.addi %shift_left3A_16, %shift_left3A_19 : vector<16xi32>
    %shift_left3A_21 = arith.constant 5 : i32
    %shift_left3A_22 = vector.broadcast %shift_left3A_21 : i32 to vector<16xi32>
    %shift_left3A_23 = arith.shli %shift_right_logical3A_11, %shift_left3A_22 : vector<16xi32>
    %add3A_24 = arith.addi %add3A_20, %shift_left3A_23 : vector<16xi32>
    %swap3A = arith.constant 0 : index
    %swap3A_25 = tpu.vector_load %arg18[%swap3A] {strides = array<i32>} : memref<528xi32, #tpu.memory_space<vmem>>, vector<16xi32>,
    %swap3A_26 = vector.shape_cast %swap3A_25 : vector<16xi32> to vector<16xi32>
    %swap3A_27 = vector.shape_cast %add3A_24 : vector<16xi32> to vector<16xi32>
    tpu.vector_store %arg18[%swap3A], %swap3A_27 {strides = array<i32>} : memref<528xi32, #tpu.memory_space<vmem>>, vector<16xi32>,
    %get3A_28 = arith.constant 0 : index
    %get3A_29 = tpu.vector_load %arg17[%get3A_28] {strides = array<i32>} : memref<512xi32, #tpu.memory_space<vmem>>, vector<16xi32>,
    %get3A_30 = vector.shape_cast %get3A_29 : vector<16xi32> to vector<16xi32>
    %shift_right_logical3A_31 = arith.constant 11 : i32
    %shift_right_logical3A_32 = vector.broadcast %shift_right_logical3A_31 : i32 to vector<16xi32>
    %shift_right_logical3A_33 = arith.shrui %get3A_30, %shift_right_logical3A_32 : vector<16xi32>
    %and3A_34 = arith.constant 2047 : i32
    %and3A_35 = vector.broadcast %and3A_34 : i32 to vector<16xi32>
    %and3A_36 = arith.andi %get3A_30, %and3A_35 : vector<16xi32>
    %shift_right_logical3A_37 = arith.constant 9 : i32
    %shift_right_logical3A_38 = vector.broadcast %shift_right_logical3A_37 : i32 to vector<16xi32>
    %shift_right_logical3A_39 = arith.shrui %and3A_36, %shift_right_logical3A_38 : vector<16xi32>
    %and3A_40 = arith.constant 511 : i32
    %and3A_41 = vector.broadcast %and3A_40 : i32 to vector<16xi32>
    %and3A_42 = arith.andi %and3A_36, %and3A_41 : vector<16xi32>
    %shift_left3A_43 = arith.constant 16 : i32
    %shift_left3A_44 = vector.broadcast %shift_left3A_43 : i32 to vector<16xi32>
    %shift_left3A_45 = arith.shli %shift_right_logical3A_33, %shift_left3A_44 : vector<16xi32>
    %shift_left3A_46 = arith.constant 7 : i32
    %shift_left3A_47 = vector.broadcast %shift_left3A_46 : i32 to vector<16xi32>
    %shift_left3A_48 = arith.shli %and3A_42, %shift_left3A_47 : vector<16xi32>
    %add3A_49 = arith.addi %shift_left3A_45, %shift_left3A_48 : vector<16xi32>
    %shift_left3A_50 = arith.constant 5 : i32
    %shift_left3A_51 = vector.broadcast %shift_left3A_50 : i32 to vector<16xi32>
    %shift_left3A_52 = arith.shli %shift_right_logical3A_39, %shift_left3A_51 : vector<16xi32>
    %add3A_53 = arith.addi %add3A_49, %shift_left3A_52 : vector<16xi32>
    %swap3A_54 = arith.constant 0 : index
    %swap3A_55 = tpu.vector_load %arg19[%swap3A_54] {strides = array<i32>} : memref<528xi32, #tpu.memory_space<vmem>>, vector<16xi32>,
    %swap3A_56 = vector.shape_cast %swap3A_55 : vector<16xi32> to vector<16xi32>
    %swap3A_57 = vector.shape_cast %add3A_53 : vector<16xi32> to vector<16xi32>
    tpu.vector_store %arg19[%swap3A_54], %swap3A_57 {strides = array<i32>} : memref<528xi32, #tpu.memory_space<vmem>>, vector<16xi32>,
    %get3A_58 = arith.constant 16 : index
    %get3A_59 = tpu.vector_load %arg16[%get3A_58] {strides = array<i32>} : memref<512xi32, #tpu.memory_space<vmem>>, vector<16xi32>,
    %get3A_60 = vector.shape_cast %get3A_59 : vector<16xi32> to vector<16xi32>
    %shift_right_logical3A_61 = arith.constant 11 : i32
    %shift_right_logical3A_62 = vector.broadcast %shift_right_logical3A_61 : i32 to vector<16xi32>
    %shift_right_logical3A_63 = arith.shrui %get3A_60, %shift_right_logical3A_62 : vector<16xi32>
    %and3A_64 = arith.constant 2047 : i32
    %and3A_65 = vector.broadcast %and3A_64 : i32 to vector<16xi32>
    %and3A_66 = arith.andi %get3A_60, %and3A_65 : vector<16xi32>
    %shift_right_logical3A_67 = arith.constant 9 : i32
    %shift_right_logical3A_68 = vector.broadcast %shift_right_logical3A_67 : i32 to vector<16xi32>
    %shift_right_logical3A_69 = arith.shrui %and3A_66, %shift_right_logical3A_68 : vector<16xi32>
    %and3A_70 = arith.constant 511 : i32
    %and3A_71 = vector.broadcast %and3A_70 : i32 to vector<16xi32>
    %and3A_72 = arith.andi %and3A_66, %and3A_71 : vector<16xi32>
    %shift_left3A_73 = arith.constant 16 : i32
    %shift_left3A_74 = vector.broadcast %shift_left3A_73 : i32 to vector<16xi32>
    %shift_left3A_75 = arith.shli %shift_right_logical3A_63, %shift_left3A_74 : vector<16xi32>
    %shift_left3A_76 = arith.constant 7 : i32
    %shift_left3A_77 = vector.broadcast %shift_left3A_76 : i32 to vector<16xi32>
    %shift_left3A_78 = arith.shli %and3A_72, %shift_left3A_77 : vector<16xi32>
    %add3A_79 = arith.addi %shift_left3A_75, %shift_left3A_78 : vector<16xi32>
    %shift_left3A_80 = arith.constant 5 : i32
    %shift_left3A_81 = vector.broadcast %shift_left3A_80 : i32 to vector<16xi32>
    %shift_left3A_82 = arith.shli %shift_right_logical3A_69, %shift_left3A_81 : vector<16xi32>
    %add3A_83 = arith.addi %add3A_79, %shift_left3A_82 : vector<16xi32>
    %swap3A_84 = arith.constant 16 : index
    %swap3A_85 = tpu.vector_load %arg18[%swap3A_84] {strides = array<i32>} : memref<528xi32, #tpu.memory_space<vmem>>, vector<16xi32>,
    %swap3A_86 = vector.shape_cast %swap3A_85 : vector<16xi32> to vector<16xi32>
    %swap3A_87 = vector.shape_cast %add3A_83 : vector<16xi32> to vector<16xi32>
    tpu.vector_store %arg18[%swap3A_84], %swap3A_87 {strides = array<i32>} : memref<528xi32, #tpu.memory_space<vmem>>, vector<16xi32>,
    %get3A_88 = arith.constant 16 : index
    %get3A_89 = tpu.vector_load %arg17[%get3A_88] {strides = array<i32>} : memref<512xi32, #tpu.memory_space<vmem>>, vector<16xi32>,
    %get3A_90 = vector.shape_cast %get3A_89 : vector<16xi32> to vector<16xi32>
    %shift_right_logical3A_91 = arith.constant 11 : i32
    %shift_right_logical3A_92 = vector.broadcast %shift_right_logical3A_91 : i32 to vector<16xi32>
    %shift_right_logical3A_93 = arith.shrui %get3A_90, %shift_right_logical3A_92 : vector<16xi32>
    %and3A_94 = arith.constant 2047 : i32
    %and3A_95 = vector.broadcast %and3A_94 : i32 to vector<16xi32>
    %and3A_96 = arith.andi %get3A_90, %and3A_95 : vector<16xi32>
    %shift_right_logical3A_97 = arith.constant 9 : i32
    %shift_right_logical3A_98 = vector.broadcast %shift_right_logical3A_97 : i32 to vector<16xi32>
    %shift_right_logical3A_99 = arith.shrui %and3A_96, %shift_right_logical3A_98 : vector<16xi32>
    %and3A_100 = arith.constant 511 : i32
    %and3A_101 = vector.broadcast %and3A_100 : i32 to vector<16xi32>
    %and3A_102 = arith.andi %and3A_96, %and3A_101 : vector<16xi32>
    %shift_left3A_103 = arith.constant 16 : i32
    %shift_left3A_104 = vector.broadcast %shift_left3A_103 : i32 to vector<16xi32>
    %shift_left3A_105 = arith.shli %shift_right_logical3A_93, %shift_left3A_104 : vector<16xi32>
    %shift_left3A_106 = arith.constant 7 : i32
    %shift_left3A_107 = vector.broadcast %shift_left3A_106 : i32 to vector<16xi32>
    %shift_left3A_108 = arith.shli %and3A_102, %shift_left3A_107 : vector<16xi32>
    %add3A_109 = arith.addi %shift_left3A_105, %shift_left3A_108 : vector<16xi32>
    %shift_left3A_110 = arith.constant 5 : i32
    %shift_left3A_111 = vector.broadcast %shift_left3A_110 : i32 to vector<16xi32>
    %shift_left3A_112 = arith.shli %shift_right_logical3A_99, %shift_left3A_111 : vector<16xi32>
    %add3A_113 = arith.addi %add3A_109, %shift_left3A_112 : vector<16xi32>
    %swap3A_114 = arith.constant 16 : index
    %swap3A_115 = tpu.vector_load %arg19[%swap3A_114] {strides = array<i32>} : memref<528xi32, #tpu.memory_space<vmem>>, vector<16xi32>,
    %swap3A_116 = vector.shape_cast %swap3A_115 : vector<16xi32> to vector<16xi32>
    %swap3A_117 = vector.shape_cast %add3A_113 : vector<16xi32> to vector<16xi32>
    tpu.vector_store %arg19[%swap3A_114], %swap3A_117 {strides = array<i32>} : memref<528xi32, #tpu.memory_space<vmem>>, vector<16xi32>,
    %get3A_118 = arith.constant 32 : index
    %get3A_119 = tpu.vector_load %arg16[%get3A_118] {strides = array<i32>} : memref<512xi32, #tpu.memory_space<vmem>>, vector<16xi32>,
    %get3A_120 = vector.shape_cast %get3A_119 : vector<16xi32> to vector<16xi32>
    %shift_right_logical3A_121 = arith.constant 11 : i32
    %shift_right_logical3A_122 = vector.broadcast %shift_right_logical3A_121 : i32 to vector<16xi32>
    %shift_right_logical3A_123 = arith.shrui %get3A_120, %shift_right_logical3A_122 : vector<16xi32>
    %and3A_124 = arith.constant 2047 : i32
    %and3A_125 = vector.broadcast %and3A_124 : i32 to vector<16xi32>
    %and3A_126 = arith.andi %get3A_120, %and3A_125 : vector<16xi32>
    %shift_right_logical3A_127 = arith.constant 9 : i32
    %shift_right_logical3A_128 = vector.broadcast %shift_right_logical3A_127 : i32 to vector<16xi32>
    %shift_right_logical3A_129 = arith.shrui %and3A_126, %shift_right_logical3A_128 : vector<16xi32>
    %and3A_130 = arith.constant 511 : i32
    %and3A_131 = vector.broadcast %and3A_130 : i32 to vector<16xi32>
    %and3A_132 = arith.andi %and3A_126, %and3A_131 : vector<16xi32>
    %shift_left3A_133 = arith.constant 16 : i32
    %shift_left3A_134 = vector.broadcast %shift_left3A_133 : i32 to vector<16xi32>
    %shift_left3A_135 = arith.shli %shift_right_logical3A_123, %shift_left3A_134 : vector<16xi32>
    %shift_left3A_136 = arith.constant 7 : i32
    %shift_left3A_137 = vector.broadcast %shift_left3A_136 : i32 to vector<16xi32>
    %shift_left3A_138 = arith.shli %and3A_132, %shift_left3A_137 : vector<16xi32>
    %add3A_139 = arith.addi %shift_left3A_135, %shift_left3A_138 : vector<16xi32>
    %shift_left3A_140 = arith.constant 5 : i32
    %shift_left3A_141 = vector.broadcast %shift_left3A_140 : i32 to vector<16xi32>
    %shift_left3A_142 = arith.shli %shift_right_logical3A_129, %shift_left3A_141 : vector<16xi32>
    %add3A_143 = arith.addi %add3A_139, %shift_left3A_142 : vector<16xi32>
    %swap3A_144 = arith.constant 32 : index
    %swap3A_145 = tpu.vector_load %arg18[%swap3A_144] {strides = array<i32>} : memref<528xi32, #tpu.memory_space<vmem>>, vector<16xi32>,
    %swap3A_146 = vector.shape_cast %swap3A_145 : vector<16xi32> to vector<16xi32>
    %swap3A_147 = vector.shape_cast %add3A_143 : vector<16xi32> to vector<16xi32>
    tpu.vector_store %arg18[%swap3A_144], %swap3A_147 {strides = array<i32>} : memref<528xi32, #tpu.memory_space<vmem>>, vector<16xi32>,
    %get3A_148 = arith.constant 32 : index
    %get3A_149 = tpu.vector_load %arg17[%get3A_148] {strides = array<i32>} : memref<512xi32, #tpu.memory_space<vmem>>, vector<16xi32>,
    %get3A_150 = vector.shape_cast %get3A_149 : vector<16xi32> to vector<16xi32>
    %shift_right_logical3A_151 = arith.constant 11 : i32
    %shift_right_logical3A_152 = vector.broadcast %shift_right_logical3A_151 : i32 to vector<16xi32>
    %shift_right_logical3A_153 = arith.shrui %get3A_150, %shift_right_logical3A_152 : vector<16xi32>
    %and3A_154 = arith.constant 2047 : i32
    %and3A_155 = vector.broadcast %and3A_154 : i32 to vector<16xi32>
    %and3A_156 = arith.andi %get3A_150, %and3A_155 : vector<16xi32>
    %shift_right_logical3A_157 = arith.constant 9 : i32
    %shift_right_logical3A_158 = vector.broadcast %shift_right_logical3A_157 : i32 to vector<16xi32>
    %shift_right_logical3A_159 = arith.shrui %and3A_156, %shift_right_logical3A_158 : vector<16xi32>
    %and3A_160 = arith.constant 511 : i32
    %and3A_161 = vector.broadcast %and3A_160 : i32 to vector<16xi32>
    %and3A_162 = arith.andi %and3A_156, %and3A_161 : vector<16xi32>
    %shift_left3A_163 = arith.constant 16 : i32
    %shift_left3A_164 = vector.broadcast %shift_left3A_163 : i32 to vector<16xi32>
    %shift_left3A_165 = arith.shli %shift_right_logical3A_153, %shift_left3A_164 : vector<16xi32>
    %shift_left3A_166 = arith.constant 7 : i32
    %shift_left3A_167 = vector.broadcast %shift_left3A_166 : i32 to vector<16xi32>
    %shift_left3A_168 = arith.shli %and3A_162, %shift_left3A_167 : vector<16xi32>
    %add3A_169 = arith.addi %shift_left3A_165, %shift_left3A_168 : vector<16xi32>
    %shift_left3A_170 = arith.constant 5 : i32
    %shift_left3A_171 = vector.broadcast %shift_left3A_170 : i32 to vector<16xi32>
    %shift_left3A_172 = arith.shli %shift_right_logical3A_159, %shift_left3A_171 : vector<16xi32>
    %add3A_173 = arith.addi %add3A_169, %shift_left3A_172 : vector<16xi32>
    %swap3A_174 = arith.constant 32 : index
    %swap3A_175 = tpu.vector_load %arg19[%swap3A_174] {strides = array<i32>} : memref<528xi32, #tpu.memory_space<vmem>>, vector<16xi32>,
    %swap3A_176 = vector.shape_cast %swap3A_175 : vector<16xi32> to vector<16xi32>
    %swap3A_177 = vector.shape_cast %add3A_173 : vector<16xi32> to vector<16xi32>
    tpu.vector_store %arg19[%swap3A_174], %swap3A_177 {strides = array<i32>} : memref<528xi32, #tpu.memory_space<vmem>>, vector<16xi32>,
    %get3A_178 = arith.constant 48 : index
    %get3A_179 = tpu.vector_load %arg16[%get3A_178] {strides = array<i32>} : memref<512xi32, #tpu.memory_space<vmem>>, vector<16xi32>,
    %get3A_180 = vector.shape_cast %get3A_179 : vector<16xi32> to vector<16xi32>
    %shift_right_logical3A_181 = arith.constant 11 : i32
    %shift_right_logical3A_182 = vector.broadcast %shift_right_logical3A_181 : i32 to vector<16xi32>
    %shift_right_logical3A_183 = arith.shrui %get3A_180, %shift_right_logical3A_182 : vector<16xi32>
    %and3A_184 = arith.constant 2047 : i32
    %and3A_185 = vector.broadcast %and3A_184 : i32 to vector<16xi32>
    %and3A_186 = arith.andi %get3A_180, %and3A_185 : vector<16xi32>
    %shift_right_logical3A_187 = arith.constant 9 : i32
    %shift_right_logical3A_188 = vector.broadcast %shift_right_logical3A_187 : i32 to vector<16xi32>
    %shift_right_logical3A_189 = arith.shrui %and3A_186, %shift_right_logical3A_188 : vector<16xi32>
    %and3A_190 = arith.constant 511 : i32
    %and3A_191 = vector.broadcast %and3A_190 : i32 to vector<16xi32>
    %and3A_192 = arith.andi %and3A_186, %and3A_191 : vector<16xi32>
    %shift_left3A_193 = arith.constant 16 : i32
    %shift_left3A_194 = vector.broadcast %shift_left3A_193 : i32 to vector<16xi32>
    %shift_left3A_195 = arith.shli %shift_right_logical3A_183, %shift_left3A_194 : vector<16xi32>
    %shift_left3A_196 = arith.constant 7 : i32
    %shift_left3A_197 = vector.broadcast %shift_left3A_196 : i32 to vector<16xi32>
    %shift_left3A_198 = arith.shli %and3A_192, %shift_left3A_197 : vector<16xi32>
    %add3A_199 = arith.addi %shift_left3A_195, %shift_left3A_198 : vector<16xi32>
    %shift_left3A_200 = arith.constant 5 : i32
    %shift_left3A_201 = vector.broadcast %shift_left3A_200 : i32 to vector<16xi32>
    %shift_left3A_202 = arith.shli %shift_right_logical3A_189, %shift_left3A_201 : vector<16xi32>
    %add3A_203 = arith.addi %add3A_199, %shift_left3A_202 : vector<16xi32>
    %swap3A_204 = arith.constant 48 : index
    %swap3A_205 = tpu.vector_load %arg18[%swap3A_204] {strides = array<i32>} : memref<528xi32, #tpu.memory_space<vmem>>, vector<16xi32>,
    %swap3A_206 = vector.shape_cast %swap3A_205 : vector<16xi32> to vector<16xi32>
    %swap3A_207 = vector.shape_cast %add3A_203 : vector<16xi32> to vector<16xi32>
    tpu.vector_store %arg18[%swap3A_204], %swap3A_207 {strides = array<i32>} : memref<528xi32, #tpu.memory_space<vmem>>, vector<16xi32>,
    %get3A_208 = arith.constant 48 : index
    %get3A_209 = tpu.vector_load %arg17[%get3A_208] {strides = array<i32>} : memref<512xi32, #tpu.memory_space<vmem>>, vector<16xi32>,
    %get3A_210 = vector.shape_cast %get3A_209 : vector<16xi32> to vector<16xi32>
    %shift_right_logical3A_211 = arith.constant 11 : i32
    %shift_right_logical3A_212 = vector.broadcast %shift_right_logical3A_211 : i32 to vector<16xi32>
    %shift_right_logical3A_213 = arith.shrui %get3A_210, %shift_right_logical3A_212 : vector<16xi32>
    %and3A_214 = arith.constant 2047 : i32
    %and3A_215 = vector.broadcast %and3A_214 : i32 to vector<16xi32>
    %and3A_216 = arith.andi %get3A_210, %and3A_215 : vector<16xi32>
    %shift_right_logical3A_217 = arith.constant 9 : i32
    %shift_right_logical3A_218 = vector.broadcast %shift_right_logical3A_217 : i32 to vector<16xi32>
    %shift_right_logical3A_219 = arith.shrui %and3A_216, %shift_right_logical3A_218 : vector<16xi32>
    %and3A_220 = arith.constant 511 : i32
    %and3A_221 = vector.broadcast %and3A_220 : i32 to vector<16xi32>
    %and3A_222 = arith.andi %and3A_216, %and3A_221 : vector<16xi32>
    %shift_left3A_223 = arith.constant 16 : i32
    %shift_left3A_224 = vector.broadcast %shift_left3A_223 : i32 to vector<16xi32>
    %shift_left3A_225 = arith.shli %shift_right_logical3A_213, %shift_left3A_224 : vector<16xi32>
    %shift_left3A_226 = arith.constant 7 : i32
    %shift_left3A_227 = vector.broadcast %shift_left3A_226 : i32 to vector<16xi32>
    %shift_left3A_228 = arith.shli %and3A_222, %shift_left3A_227 : vector<16xi32>
    %add3A_229 = arith.addi %shift_left3A_225, %shift_left3A_228 : vector<16xi32>
    %shift_left3A_230 = arith.constant 5 : i32
    %shift_left3A_231 = vector.broadcast %shift_left3A_230 : i32 to vector<16xi32>
    %shift_left3A_232 = arith.shli %shift_right_logical3A_219, %shift_left3A_231 : vector<16xi32>
    %add3A_233 = arith.addi %add3A_229, %shift_left3A_232 : vector<16xi32>
    %swap3A_234 = arith.constant 48 : index
    %swap3A_235 = tpu.vector_load %arg19[%swap3A_234] {strides = array<i32>} : memref<528xi32, #tpu.memory_space<vmem>>, vector<16xi32>,
    %swap3A_236 = vector.shape_cast %swap3A_235 : vector<16xi32> to vector<16xi32>
    %swap3A_237 = vector.shape_cast %add3A_233 : vector<16xi32> to vector<16xi32>
    tpu.vector_store %arg19[%swap3A_234], %swap3A_237 {strides = array<i32>} : memref<528xi32, #tpu.memory_space<vmem>>, vector<16xi32>,
    %get3A_238 = arith.constant 64 : index
    %get3A_239 = tpu.vector_load %arg16[%get3A_238] {strides = array<i32>} : memref<512xi32, #tpu.memory_space<vmem>>, vector<16xi32>,
    %get3A_240 = vector.shape_cast %get3A_239 : vector<16xi32> to vector<16xi32>
    %shift_right_logical3A_241 = arith.constant 11 : i32
    %shift_right_logical3A_242 = vector.broadcast %shift_right_logical3A_241 : i32 to vector<16xi32>
    %shift_right_logical3A_243 = arith.shrui %get3A_240, %shift_right_logical3A_242 : vector<16xi32>
    %and3A_244 = arith.constant 2047 : i32
    %and3A_245 = vector.broadcast %and3A_244 : i32 to vector<16xi32>
    %and3A_246 = arith.andi %get3A_240, %and3A_245 : vector<16xi32>
    %shift_right_logical3A_247 = arith.constant 9 : i32
    %shift_right_logical3A_248 = vector.broadcast %shift_right_logical3A_247 : i32 to vector<16xi32>
    %shift_right_logical3A_249 = arith.shrui %and3A_246, %shift_right_logical3A_248 : vector<16xi32>
    %and3A_250 = arith.constant 511 : i32
    %and3A_251 = vector.broadcast %and3A_250 : i32 to vector<16xi32>
    %and3A_252 = arith.andi %and3A_246, %and3A_251 : vector<16xi32>
    %shift_left3A_253 = arith.constant 16 : i32
    %shift_left3A_254 = vector.broadcast %shift_left3A_253 : i32 to vector<16xi32>
    %shift_left3A_255 = arith.shli %shift_right_logical3A_243, %shift_left3A_254 : vector<16xi32>
    %shift_left3A_256 = arith.constant 7 : i32
    %shift_left3A_257 = vector.broadcast %shift_left3A_256 : i32 to vector<16xi32>
    %shift_left3A_258 = arith.shli %and3A_252, %shift_left3A_257 : vector<16xi32>
    %add3A_259 = arith.addi %shift_left3A_255, %shift_left3A_258 : vector<16xi32>
    %shift_left3A_260 = arith.constant 5 : i32
    %shift_left3A_261 = vector.broadcast %shift_left3A_260 : i32 to vector<16xi32>
    %shift_left3A_262 = arith.shli %shift_right_logical3A_249, %shift_left3A_261 : vector<16xi32>
    %add3A_263 = arith.addi %add3A_259, %shift_left3A_262 : vector<16xi32>
    %swap3A_264 = arith.constant 64 : index
    %swap3A_265 = tpu.vector_load %arg18[%swap3A_264] {strides = array<i32>} : memref<528xi32, #tpu.memory_space<vmem>>, vector<16xi32>,
    %swap3A_266 = vector.shape_cast %swap3A_265 : vector<16xi32> to vector<16xi32>
    %swap3A_267 = vector.shape_cast %add3A_263 : vector<16xi32> to vector<16xi32>
    tpu.vector_store %arg18[%swap3A_264], %swap3A_267 {strides = array<i32>} : memref<528xi32, #tpu.memory_space<vmem>>, vector<16xi32>,
    %get3A_268 = arith.constant 64 : index
    %get3A_269 = tpu.vector_load %arg17[%get3A_268] {strides = array<i32>} : memref<512xi32, #tpu.memory_space<vmem>>, vector<16xi32>,
    %get3A_270 = vector.shape_cast %get3A_269 : vector<16xi32> to vector<16xi32>
    %shift_right_logical3A_271 = arith.constant 11 : i32
    %shift_right_logical3A_272 = vector.broadcast %shift_right_logical3A_271 : i32 to vector<16xi32>
    %shift_right_logical3A_273 = arith.shrui %get3A_270, %shift_right_logical3A_272 : vector<16xi32>
    %and3A_274 = arith.constant 2047 : i32
    %and3A_275 = vector.broadcast %and3A_274 : i32 to vector<16xi32>
    %and3A_276 = arith.andi %get3A_270, %and3A_275 : vector<16xi32>
    %shift_right_logical3A_277 = arith.constant 9 : i32
    %shift_right_logical3A_278 = vector.broadcast %shift_right_logical3A_277 : i32 to vector<16xi32>
    %shift_right_logical3A_279 = arith.shrui %and3A_276, %shift_right_logical3A_278 : vector<16xi32>
    %and3A_280 = arith.constant 511 : i32
    %and3A_281 = vector.broadcast %and3A_280 : i32 to vector<16xi32>
    %and3A_282 = arith.andi %and3A_276, %and3A_281 : vector<16xi32>
    %shift_left3A_283 = arith.constant 16 : i32
    %shift_left3A_284 = vector.broadcast %shift_left3A_283 : i32 to vector<16xi32>
    %shift_left3A_285 = arith.shli %shift_right_logical3A_273, %shift_left3A_284 : vector<16xi32>
    %shift_left3A_286 = arith.constant 7 : i32
    %shift_left3A_287 = vector.broadcast %shift_left3A_286 : i32 to vector<16xi32>
    %shift_left3A_288 = arith.shli %and3A_282, %shift_left3A_287 : vector<16xi32>
    %add3A_289 = arith.addi %shift_left3A_285, %shift_left3A_288 : vector<16xi32>
    %shift_left3A_290 = arith.constant 5 : i32
    %shift_left3A_291 = vector.broadcast %shift_left3A_290 : i32 to vector<16xi32>
    %shift_left3A_292 = arith.shli %shift_right_logical3A_279, %shift_left3A_291 : vector<16xi32>
    %add3A_293 = arith.addi %add3A_289, %shift_left3A_292 : vector<16xi32>
    %swap3A_294 = arith.constant 64 : index
    %swap3A_295 = tpu.vector_load %arg19[%swap3A_294] {strides = array<i32>} : memref<528xi32, #tpu.memory_space<vmem>>, vector<16xi32>,
    %swap3A_296 = vector.shape_cast %swap3A_295 : vector<16xi32> to vector<16xi32>
    %swap3A_297 = vector.shape_cast %add3A_293 : vector<16xi32> to vector<16xi32>
    tpu.vector_store %arg19[%swap3A_294], %swap3A_297 {strides = array<i32>} : memref<528xi32, #tpu.memory_space<vmem>>, vector<16xi32>,
    %get3A_298 = arith.constant 80 : index
    %get3A_299 = tpu.vector_load %arg16[%get3A_298] {strides = array<i32>} : memref<512xi32, #tpu.memory_space<vmem>>, vector<16xi32>,
    %get3A_300 = vector.shape_cast %get3A_299 : vector<16xi32> to vector<16xi32>
    %shift_right_logical3A_301 = arith.constant 11 : i32
    %shift_right_logical3A_302 = vector.broadcast %shift_right_logical3A_301 : i32 to vector<16xi32>
    %shift_right_logical3A_303 = arith.shrui %get3A_300, %shift_right_logical3A_302 : vector<16xi32>
    %and3A_304 = arith.constant 2047 : i32
    %and3A_305 = vector.broadcast %and3A_304 : i32 to vector<16xi32>
    %and3A_306 = arith.andi %get3A_300, %and3A_305 : vector<16xi32>
    %shift_right_logical3A_307 = arith.constant 9 : i32
    %shift_right_logical3A_308 = vector.broadcast %shift_right_logical3A_307 : i32 to vector<16xi32>
    %shift_right_logical3A_309 = arith.shrui %and3A_306, %shift_right_logical3A_308 : vector<16xi32>
    %and3A_310 = arith.constant 511 : i32
    %and3A_311 = vector.broadcast %and3A_310 : i32 to vector<16xi32>
    %and3A_312 = arith.andi %and3A_306, %and3A_311 : vector<16xi32>
    %shift_left3A_313 = arith.constant 16 : i32
    %shift_left3A_314 = vector.broadcast %shift_left3A_313 : i32 to vector<16xi32>
    %shift_left3A_315 = arith.shli %shift_right_logical3A_303, %shift_left3A_314 : vector<16xi32>
    %shift_left3A_316 = arith.constant 7 : i32
    %shift_left3A_317 = vector.broadcast %shift_left3A_316 : i32 to vector<16xi32>
    %shift_left3A_318 = arith.shli %and3A_312, %shift_left3A_317 : vector<16xi32>
    %add3A_319 = arith.addi %shift_left3A_315, %shift_left3A_318 : vector<16xi32>
    %shift_left3A_320 = arith.constant 5 : i32
    %shift_left3A_321 = vector.broadcast %shift_left3A_320 : i32 to vector<16xi32>
    %shift_left3A_322 = arith.shli %shift_right_logical3A_309, %shift_left3A_321 : vector<16xi32>
    %add3A_323 = arith.addi %add3A_319, %shift_left3A_322 : vector<16xi32>
    %swap3A_324 = arith.constant 80 : index
    %swap3A_325 = tpu.vector_load %arg18[%swap3A_324] {strides = array<i32>} : memref<528xi32, #tpu.memory_space<vmem>>, vector<16xi32>,
    %swap3A_326 = vector.shape_cast %swap3A_325 : vector<16xi32> to vector<16xi32>
    %swap3A_327 = vector.shape_cast %add3A_323 : vector<16xi32> to vector<16xi32>
    tpu.vector_store %arg18[%swap3A_324], %swap3A_327 {strides = array<i32>} : memref<528xi32, #tpu.memory_space<vmem>>, vector<16xi32>,
    %get3A_328 = arith.constant 80 : index
    %get3A_329 = tpu.vector_load %arg17[%get3A_328] {strides = array<i32>} : memref<512xi32, #tpu.memory_space<vmem>>, vector<16xi32>,
    %get3A_330 = vector.shape_cast %get3A_329 : vector<16xi32> to vector<16xi32>
    %shift_right_logical3A_331 = arith.constant 11 : i32
    %shift_right_logical3A_332 = vector.broadcast %shift_right_logical3A_331 : i32 to vector<16xi32>
    %shift_right_logical3A_333 = arith.shrui %get3A_330, %shift_right_logical3A_332 : vector<16xi32>
    %and3A_334 = arith.constant 2047 : i32
    %and3A_335 = vector.broadcast %and3A_334 : i32 to vector<16xi32>
    %and3A_336 = arith.andi %get3A_330, %and3A_335 : vector<16xi32>
    %shift_right_logical3A_337 = arith.constant 9 : i32
    %shift_right_logical3A_338 = vector.broadcast %shift_right_logical3A_337 : i32 to vector<16xi32>
    %shift_right_logical3A_339 = arith.shrui %and3A_336, %shift_right_logical3A_338 : vector<16xi32>
    %and3A_340 = arith.constant 511 : i32
    %and3A_341 = vector.broadcast %and3A_340 : i32 to vector<16xi32>
    %and3A_342 = arith.andi %and3A_336, %and3A_341 : vector<16xi32>
    %shift_left3A_343 = arith.constant 16 : i32
    %shift_left3A_344 = vector.broadcast %shift_left3A_343 : i32 to vector<16xi32>
    %shift_left3A_345 = arith.shli %shift_right_logical3A_333, %shift_left3A_344 : vector<16xi32>
    %shift_left3A_346 = arith.constant 7 : i32
    %shift_left3A_347 = vector.broadcast %shift_left3A_346 : i32 to vector<16xi32>
    %shift_left3A_348 = arith.shli %and3A_342, %shift_left3A_347 : vector<16xi32>
    %add3A_349 = arith.addi %shift_left3A_345, %shift_left3A_348 : vector<16xi32>
    %shift_left3A_350 = arith.constant 5 : i32
    %shift_left3A_351 = vector.broadcast %shift_left3A_350 : i32 to vector<16xi32>
    %shift_left3A_352 = arith.shli %shift_right_logical3A_339, %shift_left3A_351 : vector<16xi32>
    %add3A_353 = arith.addi %add3A_349, %shift_left3A_352 : vector<16xi32>
    %swap3A_354 = arith.constant 80 : index
    %swap3A_355 = tpu.vector_load %arg19[%swap3A_354] {strides = array<i32>} : memref<528xi32, #tpu.memory_space<vmem>>, vector<16xi32>,
    %swap3A_356 = vector.shape_cast %swap3A_355 : vector<16xi32> to vector<16xi32>
    %swap3A_357 = vector.shape_cast %add3A_353 : vector<16xi32> to vector<16xi32>
    tpu.vector_store %arg19[%swap3A_354], %swap3A_357 {strides = array<i32>} : memref<528xi32, #tpu.memory_space<vmem>>, vector<16xi32>,
    %get3A_358 = arith.constant 96 : index
    %get3A_359 = tpu.vector_load %arg16[%get3A_358] {strides = array<i32>} : memref<512xi32, #tpu.memory_space<vmem>>, vector<16xi32>,
    %get3A_360 = vector.shape_cast %get3A_359 : vector<16xi32> to vector<16xi32>
    %shift_right_logical3A_361 = arith.constant 11 : i32
    %shift_right_logical3A_362 = vector.broadcast %shift_right_logical3A_361 : i32 to vector<16xi32>
    %shift_right_logical3A_363 = arith.shrui %get3A_360, %shift_right_logical3A_362 : vector<16xi32>
    %and3A_364 = arith.constant 2047 : i32
    %and3A_365 = vector.broadcast %and3A_364 : i32 to vector<16xi32>
    %and3A_366 = arith.andi %get3A_360, %and3A_365 : vector<16xi32>
    %shift_right_logical3A_367 = arith.constant 9 : i32
    %shift_right_logical3A_368 = vector.broadcast %shift_right_logical3A_367 : i32 to vector<16xi32>
    %shift_right_logical3A_369 = arith.shrui %and3A_366, %shift_right_logical3A_368 : vector<16xi32>
    %and3A_370 = arith.constant 511 : i32
    %and3A_371 = vector.broadcast %and3A_370 : i32 to vector<16xi32>
    %and3A_372 = arith.andi %and3A_366, %and3A_371 : vector<16xi32>
    %shift_left3A_373 = arith.constant 16 : i32
    %shift_left3A_374 = vector.broadcast %shift_left3A_373 : i32 to vector<16xi32>
    %shift_left3A_375 = arith.shli %shift_right_logical3A_363, %shift_left3A_374 : vector<16xi32>
    %shift_left3A_376 = arith.constant 7 : i32
    %shift_left3A_377 = vector.broadcast %shift_left3A_376 : i32 to vector<16xi32>
    %shift_left3A_378 = arith.shli %and3A_372, %shift_left3A_377 : vector<16xi32>
    %add3A_379 = arith.addi %shift_left3A_375, %shift_left3A_378 : vector<16xi32>
    %shift_left3A_380 = arith.constant 5 : i32
    %shift_left3A_381 = vector.broadcast %shift_left3A_380 : i32 to vector<16xi32>
    %shift_left3A_382 = arith.shli %shift_right_logical3A_369, %shift_left3A_381 : vector<16xi32>
    %add3A_383 = arith.addi %add3A_379, %shift_left3A_382 : vector<16xi32>
    %swap3A_384 = arith.constant 96 : index
    %swap3A_385 = tpu.vector_load %arg18[%swap3A_384] {strides = array<i32>} : memref<528xi32, #tpu.memory_space<vmem>>, vector<16xi32>,
    %swap3A_386 = vector.shape_cast %swap3A_385 : vector<16xi32> to vector<16xi32>
    %swap3A_387 = vector.shape_cast %add3A_383 : vector<16xi32> to vector<16xi32>
    tpu.vector_store %arg18[%swap3A_384], %swap3A_387 {strides = array<i32>} : memref<528xi32, #tpu.memory_space<vmem>>, vector<16xi32>,
    %get3A_388 = arith.constant 96 : index
    %get3A_389 = tpu.vector_load %arg17[%get3A_388] {strides = array<i32>} : memref<512xi32, #tpu.memory_space<vmem>>, vector<16xi32>,
    %get3A_390 = vector.shape_cast %get3A_389 : vector<16xi32> to vector<16xi32>
    %shift_right_logical3A_391 = arith.constant 11 : i32
    %shift_right_logical3A_392 = vector.broadcast %shift_right_logical3A_391 : i32 to vector<16xi32>
    %shift_right_logical3A_393 = arith.shrui %get3A_390, %shift_right_logical3A_392 : vector<16xi32>
    %and3A_394 = arith.constant 2047 : i32
    %and3A_395 = vector.broadcast %and3A_394 : i32 to vector<16xi32>
    %and3A_396 = arith.andi %get3A_390, %and3A_395 : vector<16xi32>
    %shift_right_logical3A_397 = arith.constant 9 : i32
    %shift_right_logical3A_398 = vector.broadcast %shift_right_logical3A_397 : i32 to vector<16xi32>
    %shift_right_logical3A_399 = arith.shrui %and3A_396, %shift_right_logical3A_398 : vector<16xi32>
    %and3A_400 = arith.constant 511 : i32
    %and3A_401 = vector.broadcast %and3A_400 : i32 to vector<16xi32>
    %and3A_402 = arith.andi %and3A_396, %and3A_401 : vector<16xi32>
    %shift_left3A_403 = arith.constant 16 : i32
    %shift_left3A_404 = vector.broadcast %shift_left3A_403 : i32 to vector<16xi32>
    %shift_left3A_405 = arith.shli %shift_right_logical3A_393, %shift_left3A_404 : vector<16xi32>
    %shift_left3A_406 = arith.constant 7 : i32
    %shift_left3A_407 = vector.broadcast %shift_left3A_406 : i32 to vector<16xi32>
    %shift_left3A_408 = arith.shli %and3A_402, %shift_left3A_407 : vector<16xi32>
    %add3A_409 = arith.addi %shift_left3A_405, %shift_left3A_408 : vector<16xi32>
    %shift_left3A_410 = arith.constant 5 : i32
    %shift_left3A_411 = vector.broadcast %shift_left3A_410 : i32 to vector<16xi32>
    %shift_left3A_412 = arith.shli %shift_right_logical3A_399, %shift_left3A_411 : vector<16xi32>
    %add3A_413 = arith.addi %add3A_409, %shift_left3A_412 : vector<16xi32>
    %swap3A_414 = arith.constant 96 : index
    %swap3A_415 = tpu.vector_load %arg19[%swap3A_414] {strides = array<i32>} : memref<528xi32, #tpu.memory_space<vmem>>, vector<16xi32>,
    %swap3A_416 = vector.shape_cast %swap3A_415 : vector<16xi32> to vector<16xi32>
    %swap3A_417 = vector.shape_cast %add3A_413 : vector<16xi32> to vector<16xi32>
    tpu.vector_store %arg19[%swap3A_414], %swap3A_417 {strides = array<i32>} : memref<528xi32, #tpu.memory_space<vmem>>, vector<16xi32>,
    %get3A_418 = arith.constant 112 : index
    %get3A_419 = tpu.vector_load %arg16[%get3A_418] {strides = array<i32>} : memref<512xi32, #tpu.memory_space<vmem>>, vector<16xi32>,
    %get3A_420 = vector.shape_cast %get3A_419 : vector<16xi32> to vector<16xi32>
    %shift_right_logical3A_421 = arith.constant 11 : i32
    %shift_right_logical3A_422 = vector.broadcast %shift_right_logical3A_421 : i32 to vector<16xi32>
    %shift_right_logical3A_423 = arith.shrui %get3A_420, %shift_right_logical3A_422 : vector<16xi32>
    %and3A_424 = arith.constant 2047 : i32
    %and3A_425 = vector.broadcast %and3A_424 : i32 to vector<16xi32>
    %and3A_426 = arith.andi %get3A_420, %and3A_425 : vector<16xi32>
    %shift_right_logical3A_427 = arith.constant 9 : i32
    %shift_right_logical3A_428 = vector.broadcast %shift_right_logical3A_427 : i32 to vector<16xi32>
    %shift_right_logical3A_429 = arith.shrui %and3A_426, %shift_right_logical3A_428 : vector<16xi32>
    %and3A_430 = arith.constant 511 : i32
    %and3A_431 = vector.broadcast %and3A_430 : i32 to vector<16xi32>
    %and3A_432 = arith.andi %and3A_426, %and3A_431 : vector<16xi32>
    %shift_left3A_433 = arith.constant 16 : i32
    %shift_left3A_434 = vector.broadcast %shift_left3A_433 : i32 to vector<16xi32>
    %shift_left3A_435 = arith.shli %shift_right_logical3A_423, %shift_left3A_434 : vector<16xi32>
    %shift_left3A_436 = arith.constant 7 : i32
    %shift_left3A_437 = vector.broadcast %shift_left3A_436 : i32 to vector<16xi32>
    %shift_left3A_438 = arith.shli %and3A_432, %shift_left3A_437 : vector<16xi32>
    %add3A_439 = arith.addi %shift_left3A_435, %shift_left3A_438 : vector<16xi32>
    %shift_left3A_440 = arith.constant 5 : i32
    %shift_left3A_441 = vector.broadcast %shift_left3A_440 : i32 to vector<16xi32>
    %shift_left3A_442 = arith.shli %shift_right_logical3A_429, %shift_left3A_441 : vector<16xi32>
    %add3A_443 = arith.addi %add3A_439, %shift_left3A_442 : vector<16xi32>
    %swap3A_444 = arith.constant 112 : index
    %swap3A_445 = tpu.vector_load %arg18[%swap3A_444] {strides = array<i32>} : memref<528xi32, #tpu.memory_space<vmem>>, vector<16xi32>,
    %swap3A_446 = vector.shape_cast %swap3A_445 : vector<16xi32> to vector<16xi32>
    %swap3A_447 = vector.shape_cast %add3A_443 : vector<16xi32> to vector<16xi32>
    tpu.vector_store %arg18[%swap3A_444], %swap3A_447 {strides = array<i32>} : memref<528xi32, #tpu.memory_space<vmem>>, vector<16xi32>,
    %get3A_448 = arith.constant 112 : index
    %get3A_449 = tpu.vector_load %arg17[%get3A_448] {strides = array<i32>} : memref<512xi32, #tpu.memory_space<vmem>>, vector<16xi32>,
    %get3A_450 = vector.shape_cast %get3A_449 : vector<16xi32> to vector<16xi32>
    %shift_right_logical3A_451 = arith.constant 11 : i32
    %shift_right_logical3A_452 = vector.broadcast %shift_right_logical3A_451 : i32 to vector<16xi32>
    %shift_right_logical3A_453 = arith.shrui %get3A_450, %shift_right_logical3A_452 : vector<16xi32>
    %and3A_454 = arith.constant 2047 : i32
    %and3A_455 = vector.broadcast %and3A_454 : i32 to vector<16xi32>
    %and3A_456 = arith.andi %get3A_450, %and3A_455 : vector<16xi32>
    %shift_right_logical3A_457 = arith.constant 9 : i32
    %shift_right_logical3A_458 = vector.broadcast %shift_right_logical3A_457 : i32 to vector<16xi32>
    %shift_right_logical3A_459 = arith.shrui %and3A_456, %shift_right_logical3A_458 : vector<16xi32>
    %and3A_460 = arith.constant 511 : i32
    %and3A_461 = vector.broadcast %and3A_460 : i32 to vector<16xi32>
    %and3A_462 = arith.andi %and3A_456, %and3A_461 : vector<16xi32>
    %shift_left3A_463 = arith.constant 16 : i32
    %shift_left3A_464 = vector.broadcast %shift_left3A_463 : i32 to vector<16xi32>
    %shift_left3A_465 = arith.shli %shift_right_logical3A_453, %shift_left3A_464 : vector<16xi32>
    %shift_left3A_466 = arith.constant 7 : i32
    %shift_left3A_467 = vector.broadcast %shift_left3A_466 : i32 to vector<16xi32>
    %shift_left3A_468 = arith.shli %and3A_462, %shift_left3A_467 : vector<16xi32>
    %add3A_469 = arith.addi %shift_left3A_465, %shift_left3A_468 : vector<16xi32>
    %shift_left3A_470 = arith.constant 5 : i32
    %shift_left3A_471 = vector.broadcast %shift_left3A_470 : i32 to vector<16xi32>
    %shift_left3A_472 = arith.shli %shift_right_logical3A_459, %shift_left3A_471 : vector<16xi32>
    %add3A_473 = arith.addi %add3A_469, %shift_left3A_472 : vector<16xi32>
    %swap3A_474 = arith.constant 112 : index
    %swap3A_475 = tpu.vector_load %arg19[%swap3A_474] {strides = array<i32>} : memref<528xi32, #tpu.memory_space<vmem>>, vector<16xi32>,
    %swap3A_476 = vector.shape_cast %swap3A_475 : vector<16xi32> to vector<16xi32>
    %swap3A_477 = vector.shape_cast %add3A_473 : vector<16xi32> to vector<16xi32>
    tpu.vector_store %arg19[%swap3A_474], %swap3A_477 {strides = array<i32>} : memref<528xi32, #tpu.memory_space<vmem>>, vector<16xi32>,
    %get3A_478 = arith.constant 128 : index
    %get3A_479 = tpu.vector_load %arg16[%get3A_478] {strides = array<i32>} : memref<512xi32, #tpu.memory_space<vmem>>, vector<16xi32>,
    %get3A_480 = vector.shape_cast %get3A_479 : vector<16xi32> to vector<16xi32>
    %shift_right_logical3A_481 = arith.constant 11 : i32
    %shift_right_logical3A_482 = vector.broadcast %shift_right_logical3A_481 : i32 to vector<16xi32>
    %shift_right_logical3A_483 = arith.shrui %get3A_480, %shift_right_logical3A_482 : vector<16xi32>
    %and3A_484 = arith.constant 2047 : i32
    %and3A_485 = vector.broadcast %and3A_484 : i32 to vector<16xi32>
    %and3A_486 = arith.andi %get3A_480, %and3A_485 : vector<16xi32>
    %shift_right_logical3A_487 = arith.constant 9 : i32
    %shift_right_logical3A_488 = vector.broadcast %shift_right_logical3A_487 : i32 to vector<16xi32>
    %shift_right_logical3A_489 = arith.shrui %and3A_486, %shift_right_logical3A_488 : vector<16xi32>
    %and3A_490 = arith.constant 511 : i32
    %and3A_491 = vector.broadcast %and3A_490 : i32 to vector<16xi32>
    %and3A_492 = arith.andi %and3A_486, %and3A_491 : vector<16xi32>
    %shift_left3A_493 = arith.constant 16 : i32
    %shift_left3A_494 = vector.broadcast %shift_left3A_493 : i32 to vector<16xi32>
    %shift_left3A_495 = arith.shli %shift_right_logical3A_483, %shift_left3A_494 : vector<16xi32>
    %shift_left3A_496 = arith.constant 7 : i32
    %shift_left3A_497 = vector.broadcast %shift_left3A_496 : i32 to vector<16xi32>
    %shift_left3A_498 = arith.shli %and3A_492, %shift_left3A_497 : vector<16xi32>
    %add3A_499 = arith.addi %shift_left3A_495, %shift_left3A_498 : vector<16xi32>
    %shift_left3A_500 = arith.constant 5 : i32
    %shift_left3A_501 = vector.broadcast %shift_left3A_500 : i32 to vector<16xi32>
    %shift_left3A_502 = arith.shli %shift_right_logical3A_489, %shift_left3A_501 : vector<16xi32>
    %add3A_503 = arith.addi %add3A_499, %shift_left3A_502 : vector<16xi32>
    %swap3A_504 = arith.constant 128 : index
    %swap3A_505 = tpu.vector_load %arg18[%swap3A_504] {strides = array<i32>} : memref<528xi32, #tpu.memory_space<vmem>>, vector<16xi32>,
    %swap3A_506 = vector.shape_cast %swap3A_505 : vector<16xi32> to vector<16xi32>
    %swap3A_507 = vector.shape_cast %add3A_503 : vector<16xi32> to vector<16xi32>
    tpu.vector_store %arg18[%swap3A_504], %swap3A_507 {strides = array<i32>} : memref<528xi32, #tpu.memory_space<vmem>>, vector<16xi32>,
    %get3A_508 = arith.constant 128 : index
    %get3A_509 = tpu.vector_load %arg17[%get3A_508] {strides = array<i32>} : memref<512xi32, #tpu.memory_space<vmem>>, vector<16xi32>,
    %get3A_510 = vector.shape_cast %get3A_509 : vector<16xi32> to vector<16xi32>
    %shift_right_logical3A_511 = arith.constant 11 : i32
    %shift_right_logical3A_512 = vector.broadcast %shift_right_logical3A_511 : i32 to vector<16xi32>
    %shift_right_logical3A_513 = arith.shrui %get3A_510, %shift_right_logical3A_512 : vector<16xi32>
    %and3A_514 = arith.constant 2047 : i32
    %and3A_515 = vector.broadcast %and3A_514 : i32 to vector<16xi32>
    %and3A_516 = arith.andi %get3A_510, %and3A_515 : vector<16xi32>
    %shift_right_logical3A_517 = arith.constant 9 : i32
    %shift_right_logical3A_518 = vector.broadcast %shift_right_logical3A_517 : i32 to vector<16xi32>
    %shift_right_logical3A_519 = arith.shrui %and3A_516, %shift_right_logical3A_518 : vector<16xi32>
    %and3A_520 = arith.constant 511 : i32
    %and3A_521 = vector.broadcast %and3A_520 : i32 to vector<16xi32>
    %and3A_522 = arith.andi %and3A_516, %and3A_521 : vector<16xi32>
    %shift_left3A_523 = arith.constant 16 : i32
    %shift_left3A_524 = vector.broadcast %shift_left3A_523 : i32 to vector<16xi32>
    %shift_left3A_525 = arith.shli %shift_right_logical3A_513, %shift_left3A_524 : vector<16xi32>
    %shift_left3A_526 = arith.constant 7 : i32
    %shift_left3A_527 = vector.broadcast %shift_left3A_526 : i32 to vector<16xi32>
    %shift_left3A_528 = arith.shli %and3A_522, %shift_left3A_527 : vector<16xi32>
    %add3A_529 = arith.addi %shift_left3A_525, %shift_left3A_528 : vector<16xi32>
    %shift_left3A_530 = arith.constant 5 : i32
    %shift_left3A_531 = vector.broadcast %shift_left3A_530 : i32 to vector<16xi32>
    %shift_left3A_532 = arith.shli %shift_right_logical3A_519, %shift_left3A_531 : vector<16xi32>
    %add3A_533 = arith.addi %add3A_529, %shift_left3A_532 : vector<16xi32>
    %swap3A_534 = arith.constant 128 : index
    %swap3A_535 = tpu.vector_load %arg19[%swap3A_534] {strides = array<i32>} : memref<528xi32, #tpu.memory_space<vmem>>, vector<16xi32>,
    %swap3A_536 = vector.shape_cast %swap3A_535 : vector<16xi32> to vector<16xi32>
    %swap3A_537 = vector.shape_cast %add3A_533 : vector<16xi32> to vector<16xi32>
    tpu.vector_store %arg19[%swap3A_534], %swap3A_537 {strides = array<i32>} : memref<528xi32, #tpu.memory_space<vmem>>, vector<16xi32>,
    %get3A_538 = arith.constant 144 : index
    %get3A_539 = tpu.vector_load %arg16[%get3A_538] {strides = array<i32>} : memref<512xi32, #tpu.memory_space<vmem>>, vector<16xi32>,
    %get3A_540 = vector.shape_cast %get3A_539 : vector<16xi32> to vector<16xi32>
    %shift_right_logical3A_541 = arith.constant 11 : i32
    %shift_right_logical3A_542 = vector.broadcast %shift_right_logical3A_541 : i32 to vector<16xi32>
    %shift_right_logical3A_543 = arith.shrui %get3A_540, %shift_right_logical3A_542 : vector<16xi32>
    %and3A_544 = arith.constant 2047 : i32
    %and3A_545 = vector.broadcast %and3A_544 : i32 to vector<16xi32>
    %and3A_546 = arith.andi %get3A_540, %and3A_545 : vector<16xi32>
    %shift_right_logical3A_547 = arith.constant 9 : i32
    %shift_right_logical3A_548 = vector.broadcast %shift_right_logical3A_547 : i32 to vector<16xi32>
    %shift_right_logical3A_549 = arith.shrui %and3A_546, %shift_right_logical3A_548 : vector<16xi32>
    %and3A_550 = arith.constant 511 : i32
    %and3A_551 = vector.broadcast %and3A_550 : i32 to vector<16xi32>
    %and3A_552 = arith.andi %and3A_546, %and3A_551 : vector<16xi32>
    %shift_left3A_553 = arith.constant 16 : i32
    %shift_left3A_554 = vector.broadcast %shift_left3A_553 : i32 to vector<16xi32>
    %shift_left3A_555 = arith.shli %shift_right_logical3A_543, %shift_left3A_554 : vector<16xi32>
    %shift_left3A_556 = arith.constant 7 : i32
    %shift_left3A_557 = vector.broadcast %shift_left3A_556 : i32 to vector<16xi32>
    %shift_left3A_558 = arith.shli %and3A_552, %shift_left3A_557 : vector<16xi32>
    %add3A_559 = arith.addi %shift_left3A_555, %shift_left3A_558 : vector<16xi32>
    %shift_left3A_560 = arith.constant 5 : i32
    %shift_left3A_561 = vector.broadcast %shift_left3A_560 : i32 to vector<16xi32>
    %shift_left3A_562 = arith.shli %shift_right_logical3A_549, %shift_left3A_561 : vector<16xi32>
    %add3A_563 = arith.addi %add3A_559, %shift_left3A_562 : vector<16xi32>
    %swap3A_564 = arith.constant 144 : index
    %swap3A_565 = tpu.vector_load %arg18[%swap3A_564] {strides = array<i32>} : memref<528xi32, #tpu.memory_space<vmem>>, vector<16xi32>,
    %swap3A_566 = vector.shape_cast %swap3A_565 : vector<16xi32> to vector<16xi32>
    %swap3A_567 = vector.shape_cast %add3A_563 : vector<16xi32> to vector<16xi32>
    tpu.vector_store %arg18[%swap3A_564], %swap3A_567 {strides = array<i32>} : memref<528xi32, #tpu.memory_space<vmem>>, vector<16xi32>,
    %get3A_568 = arith.constant 144 : index
    %get3A_569 = tpu.vector_load %arg17[%get3A_568] {strides = array<i32>} : memref<512xi32, #tpu.memory_space<vmem>>, vector<16xi32>,
    %get3A_570 = vector.shape_cast %get3A_569 : vector<16xi32> to vector<16xi32>
    %shift_right_logical3A_571 = arith.constant 11 : i32
    %shift_right_logical3A_572 = vector.broadcast %shift_right_logical3A_571 : i32 to vector<16xi32>
    %shift_right_logical3A_573 = arith.shrui %get3A_570, %shift_right_logical3A_572 : vector<16xi32>
    %and3A_574 = arith.constant 2047 : i32
    %and3A_575 = vector.broadcast %and3A_574 : i32 to vector<16xi32>
    %and3A_576 = arith.andi %get3A_570, %and3A_575 : vector<16xi32>
    %shift_right_logical3A_577 = arith.constant 9 : i32
    %shift_right_logical3A_578 = vector.broadcast %shift_right_logical3A_577 : i32 to vector<16xi32>
    %shift_right_logical3A_579 = arith.shrui %and3A_576, %shift_right_logical3A_578 : vector<16xi32>
    %and3A_580 = arith.constant 511 : i32
    %and3A_581 = vector.broadcast %and3A_580 : i32 to vector<16xi32>
    %and3A_582 = arith.andi %and3A_576, %and3A_581 : vector<16xi32>
    %shift_left3A_583 = arith.constant 16 : i32
    %shift_left3A_584 = vector.broadcast %shift_left3A_583 : i32 to vector<16xi32>
    %shift_left3A_585 = arith.shli %shift_right_logical3A_573, %shift_left3A_584 : vector<16xi32>
    %shift_left3A_586 = arith.constant 7 : i32
    %shift_left3A_587 = vector.broadcast %shift_left3A_586 : i32 to vector<16xi32>
    %shift_left3A_588 = arith.shli %and3A_582, %shift_left3A_587 : vector<16xi32>
    %add3A_589 = arith.addi %shift_left3A_585, %shift_left3A_588 : vector<16xi32>
    %shift_left3A_590 = arith.constant 5 : i32
    %shift_left3A_591 = vector.broadcast %shift_left3A_590 : i32 to vector<16xi32>
    %shift_left3A_592 = arith.shli %shift_right_logical3A_579, %shift_left3A_591 : vector<16xi32>
    %add3A_593 = arith.addi %add3A_589, %shift_left3A_592 : vector<16xi32>
    %swap3A_594 = arith.constant 144 : index
    %swap3A_595 = tpu.vector_load %arg19[%swap3A_594] {strides = array<i32>} : memref<528xi32, #tpu.memory_space<vmem>>, vector<16xi32>,
    %swap3A_596 = vector.shape_cast %swap3A_595 : vector<16xi32> to vector<16xi32>
    %swap3A_597 = vector.shape_cast %add3A_593 : vector<16xi32> to vector<16xi32>
    tpu.vector_store %arg19[%swap3A_594], %swap3A_597 {strides = array<i32>} : memref<528xi32, #tpu.memory_space<vmem>>, vector<16xi32>,
    %get3A_598 = arith.constant 160 : index
    %get3A_599 = tpu.vector_load %arg16[%get3A_598] {strides = array<i32>} : memref<512xi32, #tpu.memory_space<vmem>>, vector<16xi32>,
    %get3A_600 = vector.shape_cast %get3A_599 : vector<16xi32> to vector<16xi32>
    %shift_right_logical3A_601 = arith.constant 11 : i32
    %shift_right_logical3A_602 = vector.broadcast %shift_right_logical3A_601 : i32 to vector<16xi32>
    %shift_right_logical3A_603 = arith.shrui %get3A_600, %shift_right_logical3A_602 : vector<16xi32>
    %and3A_604 = arith.constant 2047 : i32
    %and3A_605 = vector.broadcast %and3A_604 : i32 to vector<16xi32>
    %and3A_606 = arith.andi %get3A_600, %and3A_605 : vector<16xi32>
    %shift_right_logical3A_607 = arith.constant 9 : i32
    %shift_right_logical3A_608 = vector.broadcast %shift_right_logical3A_607 : i32 to vector<16xi32>
    %shift_right_logical3A_609 = arith.shrui %and3A_606, %shift_right_logical3A_608 : vector<16xi32>
    %and3A_610 = arith.constant 511 : i32
    %and3A_611 = vector.broadcast %and3A_610 : i32 to vector<16xi32>
    %and3A_612 = arith.andi %and3A_606, %and3A_611 : vector<16xi32>
    %shift_left3A_613 = arith.constant 16 : i32
    %shift_left3A_614 = vector.broadcast %shift_left3A_613 : i32 to vector<16xi32>
    %shift_left3A_615 = arith.shli %shift_right_logical3A_603, %shift_left3A_614 : vector<16xi32>
    %shift_left3A_616 = arith.constant 7 : i32
    %shift_left3A_617 = vector.broadcast %shift_left3A_616 : i32 to vector<16xi32>
    %shift_left3A_618 = arith.shli %and3A_612, %shift_left3A_617 : vector<16xi32>
    %add3A_619 = arith.addi %shift_left3A_615, %shift_left3A_618 : vector<16xi32>
    %shift_left3A_620 = arith.constant 5 : i32
    %shift_left3A_621 = vector.broadcast %shift_left3A_620 : i32 to vector<16xi32>
    %shift_left3A_622 = arith.shli %shift_right_logical3A_609, %shift_left3A_621 : vector<16xi32>
    %add3A_623 = arith.addi %add3A_619, %shift_left3A_622 : vector<16xi32>
    %swap3A_624 = arith.constant 160 : index
    %swap3A_625 = tpu.vector_load %arg18[%swap3A_624] {strides = array<i32>} : memref<528xi32, #tpu.memory_space<vmem>>, vector<16xi32>,
    %swap3A_626 = vector.shape_cast %swap3A_625 : vector<16xi32> to vector<16xi32>
    %swap3A_627 = vector.shape_cast %add3A_623 : vector<16xi32> to vector<16xi32>
    tpu.vector_store %arg18[%swap3A_624], %swap3A_627 {strides = array<i32>} : memref<528xi32, #tpu.memory_space<vmem>>, vector<16xi32>,
    %get3A_628 = arith.constant 160 : index
    %get3A_629 = tpu.vector_load %arg17[%get3A_628] {strides = array<i32>} : memref<512xi32, #tpu.memory_space<vmem>>, vector<16xi32>,
    %get3A_630 = vector.shape_cast %get3A_629 : vector<16xi32> to vector<16xi32>
    %shift_right_logical3A_631 = arith.constant 11 : i32
    %shift_right_logical3A_632 = vector.broadcast %shift_right_logical3A_631 : i32 to vector<16xi32>
    %shift_right_logical3A_633 = arith.shrui %get3A_630, %shift_right_logical3A_632 : vector<16xi32>
    %and3A_634 = arith.constant 2047 : i32
    %and3A_635 = vector.broadcast %and3A_634 : i32 to vector<16xi32>
    %and3A_636 = arith.andi %get3A_630, %and3A_635 : vector<16xi32>
    %shift_right_logical3A_637 = arith.constant 9 : i32
    %shift_right_logical3A_638 = vector.broadcast %shift_right_logical3A_637 : i32 to vector<16xi32>
    %shift_right_logical3A_639 = arith.shrui %and3A_636, %shift_right_logical3A_638 : vector<16xi32>
    %and3A_640 = arith.constant 511 : i32
    %and3A_641 = vector.broadcast %and3A_640 : i32 to vector<16xi32>
    %and3A_642 = arith.andi %and3A_636, %and3A_641 : vector<16xi32>
    %shift_left3A_643 = arith.constant 16 : i32
    %shift_left3A_644 = vector.broadcast %shift_left3A_643 : i32 to vector<16xi32>
    %shift_left3A_645 = arith.shli %shift_right_logical3A_633, %shift_left3A_644 : vector<16xi32>
    %shift_left3A_646 = arith.constant 7 : i32
    %shift_left3A_647 = vector.broadcast %shift_left3A_646 : i32 to vector<16xi32>
    %shift_left3A_648 = arith.shli %and3A_642, %shift_left3A_647 : vector<16xi32>
    %add3A_649 = arith.addi %shift_left3A_645, %shift_left3A_648 : vector<16xi32>
    %shift_left3A_650 = arith.constant 5 : i32
    %shift_left3A_651 = vector.broadcast %shift_left3A_650 : i32 to vector<16xi32>
    %shift_left3A_652 = arith.shli %shift_right_logical3A_639, %shift_left3A_651 : vector<16xi32>
    %add3A_653 = arith.addi %add3A_649, %shift_left3A_652 : vector<16xi32>
    %swap3A_654 = arith.constant 160 : index
    %swap3A_655 = tpu.vector_load %arg19[%swap3A_654] {strides = array<i32>} : memref<528xi32, #tpu.memory_space<vmem>>, vector<16xi32>,
    %swap3A_656 = vector.shape_cast %swap3A_655 : vector<16xi32> to vector<16xi32>
    %swap3A_657 = vector.shape_cast %add3A_653 : vector<16xi32> to vector<16xi32>
    tpu.vector_store %arg19[%swap3A_654], %swap3A_657 {strides = array<i32>} : memref<528xi32, #tpu.memory_space<vmem>>, vector<16xi32>,
    %get3A_658 = arith.constant 176 : index
    %get3A_659 = tpu.vector_load %arg16[%get3A_658] {strides = array<i32>} : memref<512xi32, #tpu.memory_space<vmem>>, vector<16xi32>,
    %get3A_660 = vector.shape_cast %get3A_659 : vector<16xi32> to vector<16xi32>
    %shift_right_logical3A_661 = arith.constant 11 : i32
    %shift_right_logical3A_662 = vector.broadcast %shift_right_logical3A_661 : i32 to vector<16xi32>
    %shift_right_logical3A_663 = arith.shrui %get3A_660, %shift_right_logical3A_662 : vector<16xi32>
    %and3A_664 = arith.constant 2047 : i32
    %and3A_665 = vector.broadcast %and3A_664 : i32 to vector<16xi32>
    %and3A_666 = arith.andi %get3A_660, %and3A_665 : vector<16xi32>
    %shift_right_logical3A_667 = arith.constant 9 : i32
    %shift_right_logical3A_668 = vector.broadcast %shift_right_logical3A_667 : i32 to vector<16xi32>
    %shift_right_logical3A_669 = arith.shrui %and3A_666, %shift_right_logical3A_668 : vector<16xi32>
    %and3A_670 = arith.constant 511 : i32
    %and3A_671 = vector.broadcast %and3A_670 : i32 to vector<16xi32>
    %and3A_672 = arith.andi %and3A_666, %and3A_671 : vector<16xi32>
    %shift_left3A_673 = arith.constant 16 : i32
    %shift_left3A_674 = vector.broadcast %shift_left3A_673 : i32 to vector<16xi32>
    %shift_left3A_675 = arith.shli %shift_right_logical3A_663, %shift_left3A_674 : vector<16xi32>
    %shift_left3A_676 = arith.constant 7 : i32
    %shift_left3A_677 = vector.broadcast %shift_left3A_676 : i32 to vector<16xi32>
    %shift_left3A_678 = arith.shli %and3A_672, %shift_left3A_677 : vector<16xi32>
    %add3A_679 = arith.addi %shift_left3A_675, %shift_left3A_678 : vector<16xi32>
    %shift_left3A_680 = arith.constant 5 : i32
    %shift_left3A_681 = vector.broadcast %shift_left3A_680 : i32 to vector<16xi32>
    %shift_left3A_682 = arith.shli %shift_right_logical3A_669, %shift_left3A_681 : vector<16xi32>
    %add3A_683 = arith.addi %add3A_679, %shift_left3A_682 : vector<16xi32>
    %swap3A_684 = arith.constant 176 : index
    %swap3A_685 = tpu.vector_load %arg18[%swap3A_684] {strides = array<i32>} : memref<528xi32, #tpu.memory_space<vmem>>, vector<16xi32>,
    %swap3A_686 = vector.shape_cast %swap3A_685 : vector<16xi32> to vector<16xi32>
    %swap3A_687 = vector.shape_cast %add3A_683 : vector<16xi32> to vector<16xi32>
    tpu.vector_store %arg18[%swap3A_684], %swap3A_687 {strides = array<i32>} : memref<528xi32, #tpu.memory_space<vmem>>, vector<16xi32>,
    %get3A_688 = arith.constant 176 : index
    %get3A_689 = tpu.vector_load %arg17[%get3A_688] {strides = array<i32>} : memref<512xi32, #tpu.memory_space<vmem>>, vector<16xi32>,
    %get3A_690 = vector.shape_cast %get3A_689 : vector<16xi32> to vector<16xi32>
    %shift_right_logical3A_691 = arith.constant 11 : i32
    %shift_right_logical3A_692 = vector.broadcast %shift_right_logical3A_691 : i32 to vector<16xi32>
    %shift_right_logical3A_693 = arith.shrui %get3A_690, %shift_right_logical3A_692 : vector<16xi32>
    %and3A_694 = arith.constant 2047 : i32
    %and3A_695 = vector.broadcast %and3A_694 : i32 to vector<16xi32>
    %and3A_696 = arith.andi %get3A_690, %and3A_695 : vector<16xi32>
    %shift_right_logical3A_697 = arith.constant 9 : i32
    %shift_right_logical3A_698 = vector.broadcast %shift_right_logical3A_697 : i32 to vector<16xi32>
    %shift_right_logical3A_699 = arith.shrui %and3A_696, %shift_right_logical3A_698 : vector<16xi32>
    %and3A_700 = arith.constant 511 : i32
    %and3A_701 = vector.broadcast %and3A_700 : i32 to vector<16xi32>
    %and3A_702 = arith.andi %and3A_696, %and3A_701 : vector<16xi32>
    %shift_left3A_703 = arith.constant 16 : i32
    %shift_left3A_704 = vector.broadcast %shift_left3A_703 : i32 to vector<16xi32>
    %shift_left3A_705 = arith.shli %shift_right_logical3A_693, %shift_left3A_704 : vector<16xi32>
    %shift_left3A_706 = arith.constant 7 : i32
    %shift_left3A_707 = vector.broadcast %shift_left3A_706 : i32 to vector<16xi32>
    %shift_left3A_708 = arith.shli %and3A_702, %shift_left3A_707 : vector<16xi32>
    %add3A_709 = arith.addi %shift_left3A_705, %shift_left3A_708 : vector<16xi32>
    %shift_left3A_710 = arith.constant 5 : i32
    %shift_left3A_711 = vector.broadcast %shift_left3A_710 : i32 to vector<16xi32>
    %shift_left3A_712 = arith.shli %shift_right_logical3A_699, %shift_left3A_711 : vector<16xi32>
    %add3A_713 = arith.addi %add3A_709, %shift_left3A_712 : vector<16xi32>
    %swap3A_714 = arith.constant 176 : index
    %swap3A_715 = tpu.vector_load %arg19[%swap3A_714] {strides = array<i32>} : memref<528xi32, #tpu.memory_space<vmem>>, vector<16xi32>,
    %swap3A_716 = vector.shape_cast %swap3A_715 : vector<16xi32> to vector<16xi32>
    %swap3A_717 = vector.shape_cast %add3A_713 : vector<16xi32> to vector<16xi32>
    tpu.vector_store %arg19[%swap3A_714], %swap3A_717 {strides = array<i32>} : memref<528xi32, #tpu.memory_space<vmem>>, vector<16xi32>,
    %get3A_718 = arith.constant 192 : index
    %get3A_719 = tpu.vector_load %arg16[%get3A_718] {strides = array<i32>} : memref<512xi32, #tpu.memory_space<vmem>>, vector<16xi32>,
    %get3A_720 = vector.shape_cast %get3A_719 : vector<16xi32> to vector<16xi32>
    %shift_right_logical3A_721 = arith.constant 11 : i32
    %shift_right_logical3A_722 = vector.broadcast %shift_right_logical3A_721 : i32 to vector<16xi32>
    %shift_right_logical3A_723 = arith.shrui %get3A_720, %shift_right_logical3A_722 : vector<16xi32>
    %and3A_724 = arith.constant 2047 : i32
    %and3A_725 = vector.broadcast %and3A_724 : i32 to vector<16xi32>
    %and3A_726 = arith.andi %get3A_720, %and3A_725 : vector<16xi32>
    %shift_right_logical3A_727 = arith.constant 9 : i32
    %shift_right_logical3A_728 = vector.broadcast %shift_right_logical3A_727 : i32 to vector<16xi32>
    %shift_right_logical3A_729 = arith.shrui %and3A_726, %shift_right_logical3A_728 : vector<16xi32>
    %and3A_730 = arith.constant 511 : i32
    %and3A_731 = vector.broadcast %and3A_730 : i32 to vector<16xi32>
    %and3A_732 = arith.andi %and3A_726, %and3A_731 : vector<16xi32>
    %shift_left3A_733 = arith.constant 16 : i32
    %shift_left3A_734 = vector.broadcast %shift_left3A_733 : i32 to vector<16xi32>
    %shift_left3A_735 = arith.shli %shift_right_logical3A_723, %shift_left3A_734 : vector<16xi32>
    %shift_left3A_736 = arith.constant 7 : i32
    %shift_left3A_737 = vector.broadcast %shift_left3A_736 : i32 to vector<16xi32>
    %shift_left3A_738 = arith.shli %and3A_732, %shift_left3A_737 : vector<16xi32>
    %add3A_739 = arith.addi %shift_left3A_735, %shift_left3A_738 : vector<16xi32>
    %shift_left3A_740 = arith.constant 5 : i32
    %shift_left3A_741 = vector.broadcast %shift_left3A_740 : i32 to vector<16xi32>
    %shift_left3A_742 = arith.shli %shift_right_logical3A_729, %shift_left3A_741 : vector<16xi32>
    %add3A_743 = arith.addi %add3A_739, %shift_left3A_742 : vector<16xi32>
    %swap3A_744 = arith.constant 192 : index
    %swap3A_745 = tpu.vector_load %arg18[%swap3A_744] {strides = array<i32>} : memref<528xi32, #tpu.memory_space<vmem>>, vector<16xi32>,
    %swap3A_746 = vector.shape_cast %swap3A_745 : vector<16xi32> to vector<16xi32>
    %swap3A_747 = vector.shape_cast %add3A_743 : vector<16xi32> to vector<16xi32>
    tpu.vector_store %arg18[%swap3A_744], %swap3A_747 {strides = array<i32>} : memref<528xi32, #tpu.memory_space<vmem>>, vector<16xi32>,
    %get3A_748 = arith.constant 192 : index
    %get3A_749 = tpu.vector_load %arg17[%get3A_748] {strides = array<i32>} : memref<512xi32, #tpu.memory_space<vmem>>, vector<16xi32>,
    %get3A_750 = vector.shape_cast %get3A_749 : vector<16xi32> to vector<16xi32>
    %shift_right_logical3A_751 = arith.constant 11 : i32
    %shift_right_logical3A_752 = vector.broadcast %shift_right_logical3A_751 : i32 to vector<16xi32>
    %shift_right_logical3A_753 = arith.shrui %get3A_750, %shift_right_logical3A_752 : vector<16xi32>
    %and3A_754 = arith.constant 2047 : i32
    %and3A_755 = vector.broadcast %and3A_754 : i32 to vector<16xi32>
    %and3A_756 = arith.andi %get3A_750, %and3A_755 : vector<16xi32>
    %shift_right_logical3A_757 = arith.constant 9 : i32
    %shift_right_logical3A_758 = vector.broadcast %shift_right_logical3A_757 : i32 to vector<16xi32>
    %shift_right_logical3A_759 = arith.shrui %and3A_756, %shift_right_logical3A_758 : vector<16xi32>
    %and3A_760 = arith.constant 511 : i32
    %and3A_761 = vector.broadcast %and3A_760 : i32 to vector<16xi32>
    %and3A_762 = arith.andi %and3A_756, %and3A_761 : vector<16xi32>
    %shift_left3A_763 = arith.constant 16 : i32
    %shift_left3A_764 = vector.broadcast %shift_left3A_763 : i32 to vector<16xi32>
    %shift_left3A_765 = arith.shli %shift_right_logical3A_753, %shift_left3A_764 : vector<16xi32>
    %shift_left3A_766 = arith.constant 7 : i32
    %shift_left3A_767 = vector.broadcast %shift_left3A_766 : i32 to vector<16xi32>
    %shift_left3A_768 = arith.shli %and3A_762, %shift_left3A_767 : vector<16xi32>
    %add3A_769 = arith.addi %shift_left3A_765, %shift_left3A_768 : vector<16xi32>
    %shift_left3A_770 = arith.constant 5 : i32
    %shift_left3A_771 = vector.broadcast %shift_left3A_770 : i32 to vector<16xi32>
    %shift_left3A_772 = arith.shli %shift_right_logical3A_759, %shift_left3A_771 : vector<16xi32>
    %add3A_773 = arith.addi %add3A_769, %shift_left3A_772 : vector<16xi32>
    %swap3A_774 = arith.constant 192 : index
    %swap3A_775 = tpu.vector_load %arg19[%swap3A_774] {strides = array<i32>} : memref<528xi32, #tpu.memory_space<vmem>>, vector<16xi32>,
    %swap3A_776 = vector.shape_cast %swap3A_775 : vector<16xi32> to vector<16xi32>
    %swap3A_777 = vector.shape_cast %add3A_773 : vector<16xi32> to vector<16xi32>
    tpu.vector_store %arg19[%swap3A_774], %swap3A_777 {strides = array<i32>} : memref<528xi32, #tpu.memory_space<vmem>>, vector<16xi32>,
    %get3A_778 = arith.constant 208 : index
    %get3A_779 = tpu.vector_load %arg16[%get3A_778] {strides = array<i32>} : memref<512xi32, #tpu.memory_space<vmem>>, vector<16xi32>,
    %get3A_780 = vector.shape_cast %get3A_779 : vector<16xi32> to vector<16xi32>
    %shift_right_logical3A_781 = arith.constant 11 : i32
    %shift_right_logical3A_782 = vector.broadcast %shift_right_logical3A_781 : i32 to vector<16xi32>
    %shift_right_logical3A_783 = arith.shrui %get3A_780, %shift_right_logical3A_782 : vector<16xi32>
    %and3A_784 = arith.constant 2047 : i32
    %and3A_785 = vector.broadcast %and3A_784 : i32 to vector<16xi32>
    %and3A_786 = arith.andi %get3A_780, %and3A_785 : vector<16xi32>
    %shift_right_logical3A_787 = arith.constant 9 : i32
    %shift_right_logical3A_788 = vector.broadcast %shift_right_logical3A_787 : i32 to vector<16xi32>
    %shift_right_logical3A_789 = arith.shrui %and3A_786, %shift_right_logical3A_788 : vector<16xi32>
    %and3A_790 = arith.constant 511 : i32
    %and3A_791 = vector.broadcast %and3A_790 : i32 to vector<16xi32>
    %and3A_792 = arith.andi %and3A_786, %and3A_791 : vector<16xi32>
    %shift_left3A_793 = arith.constant 16 : i32
    %shift_left3A_794 = vector.broadcast %shift_left3A_793 : i32 to vector<16xi32>
    %shift_left3A_795 = arith.shli %shift_right_logical3A_783, %shift_left3A_794 : vector<16xi32>
    %shift_left3A_796 = arith.constant 7 : i32
    %shift_left3A_797 = vector.broadcast %shift_left3A_796 : i32 to vector<16xi32>
    %shift_left3A_798 = arith.shli %and3A_792, %shift_left3A_797 : vector<16xi32>
    %add3A_799 = arith.addi %shift_left3A_795, %shift_left3A_798 : vector<16xi32>
    %shift_left3A_800 = arith.constant 5 : i32
    %shift_left3A_801 = vector.broadcast %shift_left3A_800 : i32 to vector<16xi32>
    %shift_left3A_802 = arith.shli %shift_right_logical3A_789, %shift_left3A_801 : vector<16xi32>
    %add3A_803 = arith.addi %add3A_799, %shift_left3A_802 : vector<16xi32>
    %swap3A_804 = arith.constant 208 : index
    %swap3A_805 = tpu.vector_load %arg18[%swap3A_804] {strides = array<i32>} : memref<528xi32, #tpu.memory_space<vmem>>, vector<16xi32>,
    %swap3A_806 = vector.shape_cast %swap3A_805 : vector<16xi32> to vector<16xi32>
    %swap3A_807 = vector.shape_cast %add3A_803 : vector<16xi32> to vector<16xi32>
    tpu.vector_store %arg18[%swap3A_804], %swap3A_807 {strides = array<i32>} : memref<528xi32, #tpu.memory_space<vmem>>, vector<16xi32>,
    %get3A_808 = arith.constant 208 : index
    %get3A_809 = tpu.vector_load %arg17[%get3A_808] {strides = array<i32>} : memref<512xi32, #tpu.memory_space<vmem>>, vector<16xi32>,
    %get3A_810 = vector.shape_cast %get3A_809 : vector<16xi32> to vector<16xi32>
    %shift_right_logical3A_811 = arith.constant 11 : i32
    %shift_right_logical3A_812 = vector.broadcast %shift_right_logical3A_811 : i32 to vector<16xi32>
    %shift_right_logical3A_813 = arith.shrui %get3A_810, %shift_right_logical3A_812 : vector<16xi32>
    %and3A_814 = arith.constant 2047 : i32
    %and3A_815 = vector.broadcast %and3A_814 : i32 to vector<16xi32>
    %and3A_816 = arith.andi %get3A_810, %and3A_815 : vector<16xi32>
    %shift_right_logical3A_817 = arith.constant 9 : i32
    %shift_right_logical3A_818 = vector.broadcast %shift_right_logical3A_817 : i32 to vector<16xi32>
    %shift_right_logical3A_819 = arith.shrui %and3A_816, %shift_right_logical3A_818 : vector<16xi32>
    %and3A_820 = arith.constant 511 : i32
    %and3A_821 = vector.broadcast %and3A_820 : i32 to vector<16xi32>
    %and3A_822 = arith.andi %and3A_816, %and3A_821 : vector<16xi32>
    %shift_left3A_823 = arith.constant 16 : i32
    %shift_left3A_824 = vector.broadcast %shift_left3A_823 : i32 to vector<16xi32>
    %shift_left3A_825 = arith.shli %shift_right_logical3A_813, %shift_left3A_824 : vector<16xi32>
    %shift_left3A_826 = arith.constant 7 : i32
    %shift_left3A_827 = vector.broadcast %shift_left3A_826 : i32 to vector<16xi32>
    %shift_left3A_828 = arith.shli %and3A_822, %shift_left3A_827 : vector<16xi32>
    %add3A_829 = arith.addi %shift_left3A_825, %shift_left3A_828 : vector<16xi32>
    %shift_left3A_830 = arith.constant 5 : i32
    %shift_left3A_831 = vector.broadcast %shift_left3A_830 : i32 to vector<16xi32>
    %shift_left3A_832 = arith.shli %shift_right_logical3A_819, %shift_left3A_831 : vector<16xi32>
    %add3A_833 = arith.addi %add3A_829, %shift_left3A_832 : vector<16xi32>
    %swap3A_834 = arith.constant 208 : index
    %swap3A_835 = tpu.vector_load %arg19[%swap3A_834] {strides = array<i32>} : memref<528xi32, #tpu.memory_space<vmem>>, vector<16xi32>,
    %swap3A_836 = vector.shape_cast %swap3A_835 : vector<16xi32> to vector<16xi32>
    %swap3A_837 = vector.shape_cast %add3A_833 : vector<16xi32> to vector<16xi32>
    tpu.vector_store %arg19[%swap3A_834], %swap3A_837 {strides = array<i32>} : memref<528xi32, #tpu.memory_space<vmem>>, vector<16xi32>,
    %get3A_838 = arith.constant 224 : index
    %get3A_839 = tpu.vector_load %arg16[%get3A_838] {strides = array<i32>} : memref<512xi32, #tpu.memory_space<vmem>>, vector<16xi32>,
    %get3A_840 = vector.shape_cast %get3A_839 : vector<16xi32> to vector<16xi32>
    %shift_right_logical3A_841 = arith.constant 11 : i32
    %shift_right_logical3A_842 = vector.broadcast %shift_right_logical3A_841 : i32 to vector<16xi32>
    %shift_right_logical3A_843 = arith.shrui %get3A_840, %shift_right_logical3A_842 : vector<16xi32>
    %and3A_844 = arith.constant 2047 : i32
    %and3A_845 = vector.broadcast %and3A_844 : i32 to vector<16xi32>
    %and3A_846 = arith.andi %get3A_840, %and3A_845 : vector<16xi32>
    %shift_right_logical3A_847 = arith.constant 9 : i32
    %shift_right_logical3A_848 = vector.broadcast %shift_right_logical3A_847 : i32 to vector<16xi32>
    %shift_right_logical3A_849 = arith.shrui %and3A_846, %shift_right_logical3A_848 : vector<16xi32>
    %and3A_850 = arith.constant 511 : i32
    %and3A_851 = vector.broadcast %and3A_850 : i32 to vector<16xi32>
    %and3A_852 = arith.andi %and3A_846, %and3A_851 : vector<16xi32>
    %shift_left3A_853 = arith.constant 16 : i32
    %shift_left3A_854 = vector.broadcast %shift_left3A_853 : i32 to vector<16xi32>
    %shift_left3A_855 = arith.shli %shift_right_logical3A_843, %shift_left3A_854 : vector<16xi32>
    %shift_left3A_856 = arith.constant 7 : i32
    %shift_left3A_857 = vector.broadcast %shift_left3A_856 : i32 to vector<16xi32>
    %shift_left3A_858 = arith.shli %and3A_852, %shift_left3A_857 : vector<16xi32>
    %add3A_859 = arith.addi %shift_left3A_855, %shift_left3A_858 : vector<16xi32>
    %shift_left3A_860 = arith.constant 5 : i32
    %shift_left3A_861 = vector.broadcast %shift_left3A_860 : i32 to vector<16xi32>
    %shift_left3A_862 = arith.shli %shift_right_logical3A_849, %shift_left3A_861 : vector<16xi32>
    %add3A_863 = arith.addi %add3A_859, %shift_left3A_862 : vector<16xi32>
    %swap3A_864 = arith.constant 224 : index
    %swap3A_865 = tpu.vector_load %arg18[%swap3A_864] {strides = array<i32>} : memref<528xi32, #tpu.memory_space<vmem>>, vector<16xi32>,
    %swap3A_866 = vector.shape_cast %swap3A_865 : vector<16xi32> to vector<16xi32>
    %swap3A_867 = vector.shape_cast %add3A_863 : vector<16xi32> to vector<16xi32>
    tpu.vector_store %arg18[%swap3A_864], %swap3A_867 {strides = array<i32>} : memref<528xi32, #tpu.memory_space<vmem>>, vector<16xi32>,
    %get3A_868 = arith.constant 224 : index
    %get3A_869 = tpu.vector_load %arg17[%get3A_868] {strides = array<i32>} : memref<512xi32, #tpu.memory_space<vmem>>, vector<16xi32>,
    %get3A_870 = vector.shape_cast %get3A_869 : vector<16xi32> to vector<16xi32>
    %shift_right_logical3A_871 = arith.constant 11 : i32
    %shift_right_logical3A_872 = vector.broadcast %shift_right_logical3A_871 : i32 to vector<16xi32>
    %shift_right_logical3A_873 = arith.shrui %get3A_870, %shift_right_logical3A_872 : vector<16xi32>
    %and3A_874 = arith.constant 2047 : i32
    %and3A_875 = vector.broadcast %and3A_874 : i32 to vector<16xi32>
    %and3A_876 = arith.andi %get3A_870, %and3A_875 : vector<16xi32>
    %shift_right_logical3A_877 = arith.constant 9 : i32
    %shift_right_logical3A_878 = vector.broadcast %shift_right_logical3A_877 : i32 to vector<16xi32>
    %shift_right_logical3A_879 = arith.shrui %and3A_876, %shift_right_logical3A_878 : vector<16xi32>
    %and3A_880 = arith.constant 511 : i32
    %and3A_881 = vector.broadcast %and3A_880 : i32 to vector<16xi32>
    %and3A_882 = arith.andi %and3A_876, %and3A_881 : vector<16xi32>
    %shift_left3A_883 = arith.constant 16 : i32
    %shift_left3A_884 = vector.broadcast %shift_left3A_883 : i32 to vector<16xi32>
    %shift_left3A_885 = arith.shli %shift_right_logical3A_873, %shift_left3A_884 : vector<16xi32>
    %shift_left3A_886 = arith.constant 7 : i32
    %shift_left3A_887 = vector.broadcast %shift_left3A_886 : i32 to vector<16xi32>
    %shift_left3A_888 = arith.shli %and3A_882, %shift_left3A_887 : vector<16xi32>
    %add3A_889 = arith.addi %shift_left3A_885, %shift_left3A_888 : vector<16xi32>
    %shift_left3A_890 = arith.constant 5 : i32
    %shift_left3A_891 = vector.broadcast %shift_left3A_890 : i32 to vector<16xi32>
    %shift_left3A_892 = arith.shli %shift_right_logical3A_879, %shift_left3A_891 : vector<16xi32>
    %add3A_893 = arith.addi %add3A_889, %shift_left3A_892 : vector<16xi32>
    %swap3A_894 = arith.constant 224 : index
    %swap3A_895 = tpu.vector_load %arg19[%swap3A_894] {strides = array<i32>} : memref<528xi32, #tpu.memory_space<vmem>>, vector<16xi32>,
    %swap3A_896 = vector.shape_cast %swap3A_895 : vector<16xi32> to vector<16xi32>
    %swap3A_897 = vector.shape_cast %add3A_893 : vector<16xi32> to vector<16xi32>
    tpu.vector_store %arg19[%swap3A_894], %swap3A_897 {strides = array<i32>} : memref<528xi32, #tpu.memory_space<vmem>>, vector<16xi32>,
    %get3A_898 = arith.constant 240 : index
    %get3A_899 = tpu.vector_load %arg16[%get3A_898] {strides = array<i32>} : memref<512xi32, #tpu.memory_space<vmem>>, vector<16xi32>,
    %get3A_900 = vector.shape_cast %get3A_899 : vector<16xi32> to vector<16xi32>
    %shift_right_logical3A_901 = arith.constant 11 : i32
    %shift_right_logical3A_902 = vector.broadcast %shift_right_logical3A_901 : i32 to vector<16xi32>
    %shift_right_logical3A_903 = arith.shrui %get3A_900, %shift_right_logical3A_902 : vector<16xi32>
    %and3A_904 = arith.constant 2047 : i32
    %and3A_905 = vector.broadcast %and3A_904 : i32 to vector<16xi32>
    %and3A_906 = arith.andi %get3A_900, %and3A_905 : vector<16xi32>
    %shift_right_logical3A_907 = arith.constant 9 : i32
    %shift_right_logical3A_908 = vector.broadcast %shift_right_logical3A_907 : i32 to vector<16xi32>
    %shift_right_logical3A_909 = arith.shrui %and3A_906, %shift_right_logical3A_908 : vector<16xi32>
    %and3A_910 = arith.constant 511 : i32
    %and3A_911 = vector.broadcast %and3A_910 : i32 to vector<16xi32>
    %and3A_912 = arith.andi %and3A_906, %and3A_911 : vector<16xi32>
    %shift_left3A_913 = arith.constant 16 : i32
    %shift_left3A_914 = vector.broadcast %shift_left3A_913 : i32 to vector<16xi32>
    %shift_left3A_915 = arith.shli %shift_right_logical3A_903, %shift_left3A_914 : vector<16xi32>
    %shift_left3A_916 = arith.constant 7 : i32
    %shift_left3A_917 = vector.broadcast %shift_left3A_916 : i32 to vector<16xi32>
    %shift_left3A_918 = arith.shli %and3A_912, %shift_left3A_917 : vector<16xi32>
    %add3A_919 = arith.addi %shift_left3A_915, %shift_left3A_918 : vector<16xi32>
    %shift_left3A_920 = arith.constant 5 : i32
    %shift_left3A_921 = vector.broadcast %shift_left3A_920 : i32 to vector<16xi32>
    %shift_left3A_922 = arith.shli %shift_right_logical3A_909, %shift_left3A_921 : vector<16xi32>
    %add3A_923 = arith.addi %add3A_919, %shift_left3A_922 : vector<16xi32>
    %swap3A_924 = arith.constant 240 : index
    %swap3A_925 = tpu.vector_load %arg18[%swap3A_924] {strides = array<i32>} : memref<528xi32, #tpu.memory_space<vmem>>, vector<16xi32>,
    %swap3A_926 = vector.shape_cast %swap3A_925 : vector<16xi32> to vector<16xi32>
    %swap3A_927 = vector.shape_cast %add3A_923 : vector<16xi32> to vector<16xi32>
    tpu.vector_store %arg18[%swap3A_924], %swap3A_927 {strides = array<i32>} : memref<528xi32, #tpu.memory_space<vmem>>, vector<16xi32>,
    %get3A_928 = arith.constant 240 : index
    %get3A_929 = tpu.vector_load %arg17[%get3A_928] {strides = array<i32>} : memref<512xi32, #tpu.memory_space<vmem>>, vector<16xi32>,
    %get3A_930 = vector.shape_cast %get3A_929 : vector<16xi32> to vector<16xi32>
    %shift_right_logical3A_931 = arith.constant 11 : i32
    %shift_right_logical3A_932 = vector.broadcast %shift_right_logical3A_931 : i32 to vector<16xi32>
    %shift_right_logical3A_933 = arith.shrui %get3A_930, %shift_right_logical3A_932 : vector<16xi32>
    %and3A_934 = arith.constant 2047 : i32
    %and3A_935 = vector.broadcast %and3A_934 : i32 to vector<16xi32>
    %and3A_936 = arith.andi %get3A_930, %and3A_935 : vector<16xi32>
    %shift_right_logical3A_937 = arith.constant 9 : i32
    %shift_right_logical3A_938 = vector.broadcast %shift_right_logical3A_937 : i32 to vector<16xi32>
    %shift_right_logical3A_939 = arith.shrui %and3A_936, %shift_right_logical3A_938 : vector<16xi32>
    %and3A_940 = arith.constant 511 : i32
    %and3A_941 = vector.broadcast %and3A_940 : i32 to vector<16xi32>
    %and3A_942 = arith.andi %and3A_936, %and3A_941 : vector<16xi32>
    %shift_left3A_943 = arith.constant 16 : i32
    %shift_left3A_944 = vector.broadcast %shift_left3A_943 : i32 to vector<16xi32>
    %shift_left3A_945 = arith.shli %shift_right_logical3A_933, %shift_left3A_944 : vector<16xi32>
    %shift_left3A_946 = arith.constant 7 : i32
    %shift_left3A_947 = vector.broadcast %shift_left3A_946 : i32 to vector<16xi32>
    %shift_left3A_948 = arith.shli %and3A_942, %shift_left3A_947 : vector<16xi32>
    %add3A_949 = arith.addi %shift_left3A_945, %shift_left3A_948 : vector<16xi32>
    %shift_left3A_950 = arith.constant 5 : i32
    %shift_left3A_951 = vector.broadcast %shift_left3A_950 : i32 to vector<16xi32>
    %shift_left3A_952 = arith.shli %shift_right_logical3A_939, %shift_left3A_951 : vector<16xi32>
    %add3A_953 = arith.addi %add3A_949, %shift_left3A_952 : vector<16xi32>
    %swap3A_954 = arith.constant 240 : index
    %swap3A_955 = tpu.vector_load %arg19[%swap3A_954] {strides = array<i32>} : memref<528xi32, #tpu.memory_space<vmem>>, vector<16xi32>,
    %swap3A_956 = vector.shape_cast %swap3A_955 : vector<16xi32> to vector<16xi32>
    %swap3A_957 = vector.shape_cast %add3A_953 : vector<16xi32> to vector<16xi32>
    tpu.vector_store %arg19[%swap3A_954], %swap3A_957 {strides = array<i32>} : memref<528xi32, #tpu.memory_space<vmem>>, vector<16xi32>,
    %get3A_958 = arith.constant 256 : index
    %get3A_959 = tpu.vector_load %arg16[%get3A_958] {strides = array<i32>} : memref<512xi32, #tpu.memory_space<vmem>>, vector<16xi32>,
    %get3A_960 = vector.shape_cast %get3A_959 : vector<16xi32> to vector<16xi32>
    %shift_right_logical3A_961 = arith.constant 11 : i32
    %shift_right_logical3A_962 = vector.broadcast %shift_right_logical3A_961 : i32 to vector<16xi32>
    %shift_right_logical3A_963 = arith.shrui %get3A_960, %shift_right_logical3A_962 : vector<16xi32>
    %and3A_964 = arith.constant 2047 : i32
    %and3A_965 = vector.broadcast %and3A_964 : i32 to vector<16xi32>
    %and3A_966 = arith.andi %get3A_960, %and3A_965 : vector<16xi32>
    %shift_right_logical3A_967 = arith.constant 9 : i32
    %shift_right_logical3A_968 = vector.broadcast %shift_right_logical3A_967 : i32 to vector<16xi32>
    %shift_right_logical3A_969 = arith.shrui %and3A_966, %shift_right_logical3A_968 : vector<16xi32>
    %and3A_970 = arith.constant 511 : i32
    %and3A_971 = vector.broadcast %and3A_970 : i32 to vector<16xi32>
    %and3A_972 = arith.andi %and3A_966, %and3A_971 : vector<16xi32>
    %shift_left3A_973 = arith.constant 16 : i32
    %shift_left3A_974 = vector.broadcast %shift_left3A_973 : i32 to vector<16xi32>
    %shift_left3A_975 = arith.shli %shift_right_logical3A_963, %shift_left3A_974 : vector<16xi32>
    %shift_left3A_976 = arith.constant 7 : i32
    %shift_left3A_977 = vector.broadcast %shift_left3A_976 : i32 to vector<16xi32>
    %shift_left3A_978 = arith.shli %and3A_972, %shift_left3A_977 : vector<16xi32>
    %add3A_979 = arith.addi %shift_left3A_975, %shift_left3A_978 : vector<16xi32>
    %shift_left3A_980 = arith.constant 5 : i32
    %shift_left3A_981 = vector.broadcast %shift_left3A_980 : i32 to vector<16xi32>
    %shift_left3A_982 = arith.shli %shift_right_logical3A_969, %shift_left3A_981 : vector<16xi32>
    %add3A_983 = arith.addi %add3A_979, %shift_left3A_982 : vector<16xi32>
    %swap3A_984 = arith.constant 256 : index
    %swap3A_985 = tpu.vector_load %arg18[%swap3A_984] {strides = array<i32>} : memref<528xi32, #tpu.memory_space<vmem>>, vector<16xi32>,
    %swap3A_986 = vector.shape_cast %swap3A_985 : vector<16xi32> to vector<16xi32>
    %swap3A_987 = vector.shape_cast %add3A_983 : vector<16xi32> to vector<16xi32>
    tpu.vector_store %arg18[%swap3A_984], %swap3A_987 {strides = array<i32>} : memref<528xi32, #tpu.memory_space<vmem>>, vector<16xi32>,
    %get3A_988 = arith.constant 256 : index
    %get3A_989 = tpu.vector_load %arg17[%get3A_988] {strides = array<i32>} : memref<512xi32, #tpu.memory_space<vmem>>, vector<16xi32>,
    %get3A_990 = vector.shape_cast %get3A_989 : vector<16xi32> to vector<16xi32>
    %shift_right_logical3A_991 = arith.constant 11 : i32
    %shift_right_logical3A_992 = vector.broadcast %shift_right_logical3A_991 : i32 to vector<16xi32>
    %shift_right_logical3A_993 = arith.shrui %get3A_990, %shift_right_logical3A_992 : vector<16xi32>
    %and3A_994 = arith.constant 2047 : i32
    %and3A_995 = vector.broadcast %and3A_994 : i32 to vector<16xi32>
    %and3A_996 = arith.andi %get3A_990, %and3A_995 : vector<16xi32>
    %shift_right_logical3A_997 = arith.constant 9 : i32
    %shift_right_logical3A_998 = vector.broadcast %shift_right_logical3A_997 : i32 to vector<16xi32>
    %shift_right_logical3A_999 = arith.shrui %and3A_996, %shift_right_logical3A_998 : vector<16xi32>
    %and3A_1000 = arith.constant 511 : i32
    %and3A_1001 = vector.broadcast %and3A_1000 : i32 to vector<16xi32>
    %and3A_1002 = arith.andi %and3A_996, %and3A_1001 : vector<16xi32>
    %shift_left3A_1003 = arith.constant 16 : i32
    %shift_left3A_1004 = vector.broadcast %shift_left3A_1003 : i32 to vector<16xi32>
    %shift_left3A_1005 = arith.shli %shift_right_logical3A_993, %shift_left3A_1004 : vector<16xi32>
    %shift_left3A_1006 = arith.constant 7 : i32
    %shift_left3A_1007 = vector.broadcast %shift_left3A_1006 : i32 to vector<16xi32>
    %shift_left3A_1008 = arith.shli %and3A_1002, %shift_left3A_1007 : vector<16xi32>
    %add3A_1009 = arith.addi %shift_left3A_1005, %shift_left3A_1008 : vector<16xi32>
    %shift_left3A_1010 = arith.constant 5 : i32
    %shift_left3A_1011 = vector.broadcast %shift_left3A_1010 : i32 to vector<16xi32>
    %shift_left3A_1012 = arith.shli %shift_right_logical3A_999, %shift_left3A_1011 : vector<16xi32>
    %add3A_1013 = arith.addi %add3A_1009, %shift_left3A_1012 : vector<16xi32>
    %swap3A_1014 = arith.constant 256 : index
    %swap3A_1015 = tpu.vector_load %arg19[%swap3A_1014] {strides = array<i32>} : memref<528xi32, #tpu.memory_space<vmem>>, vector<16xi32>,
    %swap3A_1016 = vector.shape_cast %swap3A_1015 : vector<16xi32> to vector<16xi32>
    %swap3A_1017 = vector.shape_cast %add3A_1013 : vector<16xi32> to vector<16xi32>
    tpu.vector_store %arg19[%swap3A_1014], %swap3A_1017 {strides = array<i32>} : memref<528xi32, #tpu.memory_space<vmem>>, vector<16xi32>,
    %get3A_1018 = arith.constant 272 : index
    %get3A_1019 = tpu.vector_load %arg16[%get3A_1018] {strides = array<i32>} : memref<512xi32, #tpu.memory_space<vmem>>, vector<16xi32>,
    %get3A_1020 = vector.shape_cast %get3A_1019 : vector<16xi32> to vector<16xi32>
    %shift_right_logical3A_1021 = arith.constant 11 : i32
    %shift_right_logical3A_1022 = vector.broadcast %shift_right_logical3A_1021 : i32 to vector<16xi32>
    %shift_right_logical3A_1023 = arith.shrui %get3A_1020, %shift_right_logical3A_1022 : vector<16xi32>
    %and3A_1024 = arith.constant 2047 : i32
    %and3A_1025 = vector.broadcast %and3A_1024 : i32 to vector<16xi32>
    %and3A_1026 = arith.andi %get3A_1020, %and3A_1025 : vector<16xi32>
    %shift_right_logical3A_1027 = arith.constant 9 : i32
    %shift_right_logical3A_1028 = vector.broadcast %shift_right_logical3A_1027 : i32 to vector<16xi32>
    %shift_right_logical3A_1029 = arith.shrui %and3A_1026, %shift_right_logical3A_1028 : vector<16xi32>
    %and3A_1030 = arith.constant 511 : i32
    %and3A_1031 = vector.broadcast %and3A_1030 : i32 to vector<16xi32>
    %and3A_1032 = arith.andi %and3A_1026, %and3A_1031 : vector<16xi32>
    %shift_left3A_1033 = arith.constant 16 : i32
    %shift_left3A_1034 = vector.broadcast %shift_left3A_1033 : i32 to vector<16xi32>
    %shift_left3A_1035 = arith.shli %shift_right_logical3A_1023, %shift_left3A_1034 : vector<16xi32>
    %shift_left3A_1036 = arith.constant 7 : i32
    %shift_left3A_1037 = vector.broadcast %shift_left3A_1036 : i32 to vector<16xi32>
    %shift_left3A_1038 = arith.shli %and3A_1032, %shift_left3A_1037 : vector<16xi32>
    %add3A_1039 = arith.addi %shift_left3A_1035, %shift_left3A_1038 : vector<16xi32>
    %shift_left3A_1040 = arith.constant 5 : i32
    %shift_left3A_1041 = vector.broadcast %shift_left3A_1040 : i32 to vector<16xi32>
    %shift_left3A_1042 = arith.shli %shift_right_logical3A_1029, %shift_left3A_1041 : vector<16xi32>
    %add3A_1043 = arith.addi %add3A_1039, %shift_left3A_1042 : vector<16xi32>
    %swap3A_1044 = arith.constant 272 : index
    %swap3A_1045 = tpu.vector_load %arg18[%swap3A_1044] {strides = array<i32>} : memref<528xi32, #tpu.memory_space<vmem>>, vector<16xi32>,
    %swap3A_1046 = vector.shape_cast %swap3A_1045 : vector<16xi32> to vector<16xi32>
    %swap3A_1047 = vector.shape_cast %add3A_1043 : vector<16xi32> to vector<16xi32>
    tpu.vector_store %arg18[%swap3A_1044], %swap3A_1047 {strides = array<i32>} : memref<528xi32, #tpu.memory_space<vmem>>, vector<16xi32>,
    %get3A_1048 = arith.constant 272 : index
    %get3A_1049 = tpu.vector_load %arg17[%get3A_1048] {strides = array<i32>} : memref<512xi32, #tpu.memory_space<vmem>>, vector<16xi32>,
    %get3A_1050 = vector.shape_cast %get3A_1049 : vector<16xi32> to vector<16xi32>
    %shift_right_logical3A_1051 = arith.constant 11 : i32
    %shift_right_logical3A_1052 = vector.broadcast %shift_right_logical3A_1051 : i32 to vector<16xi32>
    %shift_right_logical3A_1053 = arith.shrui %get3A_1050, %shift_right_logical3A_1052 : vector<16xi32>
    %and3A_1054 = arith.constant 2047 : i32
    %and3A_1055 = vector.broadcast %and3A_1054 : i32 to vector<16xi32>
    %and3A_1056 = arith.andi %get3A_1050, %and3A_1055 : vector<16xi32>
    %shift_right_logical3A_1057 = arith.constant 9 : i32
    %shift_right_logical3A_1058 = vector.broadcast %shift_right_logical3A_1057 : i32 to vector<16xi32>
    %shift_right_logical3A_1059 = arith.shrui %and3A_1056, %shift_right_logical3A_1058 : vector<16xi32>
    %and3A_1060 = arith.constant 511 : i32
    %and3A_1061 = vector.broadcast %and3A_1060 : i32 to vector<16xi32>
    %and3A_1062 = arith.andi %and3A_1056, %and3A_1061 : vector<16xi32>
    %shift_left3A_1063 = arith.constant 16 : i32
    %shift_left3A_1064 = vector.broadcast %shift_left3A_1063 : i32 to vector<16xi32>
    %shift_left3A_1065 = arith.shli %shift_right_logical3A_1053, %shift_left3A_1064 : vector<16xi32>
    %shift_left3A_1066 = arith.constant 7 : i32
    %shift_left3A_1067 = vector.broadcast %shift_left3A_1066 : i32 to vector<16xi32>
    %shift_left3A_1068 = arith.shli %and3A_1062, %shift_left3A_1067 : vector<16xi32>
    %add3A_1069 = arith.addi %shift_left3A_1065, %shift_left3A_1068 : vector<16xi32>
    %shift_left3A_1070 = arith.constant 5 : i32
    %shift_left3A_1071 = vector.broadcast %shift_left3A_1070 : i32 to vector<16xi32>
    %shift_left3A_1072 = arith.shli %shift_right_logical3A_1059, %shift_left3A_1071 : vector<16xi32>
    %add3A_1073 = arith.addi %add3A_1069, %shift_left3A_1072 : vector<16xi32>
    %swap3A_1074 = arith.constant 272 : index
    %swap3A_1075 = tpu.vector_load %arg19[%swap3A_1074] {strides = array<i32>} : memref<528xi32, #tpu.memory_space<vmem>>, vector<16xi32>,
    %swap3A_1076 = vector.shape_cast %swap3A_1075 : vector<16xi32> to vector<16xi32>
    %swap3A_1077 = vector.shape_cast %add3A_1073 : vector<16xi32> to vector<16xi32>
    tpu.vector_store %arg19[%swap3A_1074], %swap3A_1077 {strides = array<i32>} : memref<528xi32, #tpu.memory_space<vmem>>, vector<16xi32>,
    %get3A_1078 = arith.constant 288 : index
    %get3A_1079 = tpu.vector_load %arg16[%get3A_1078] {strides = array<i32>} : memref<512xi32, #tpu.memory_space<vmem>>, vector<16xi32>,
    %get3A_1080 = vector.shape_cast %get3A_1079 : vector<16xi32> to vector<16xi32>
    %shift_right_logical3A_1081 = arith.constant 11 : i32
    %shift_right_logical3A_1082 = vector.broadcast %shift_right_logical3A_1081 : i32 to vector<16xi32>
    %shift_right_logical3A_1083 = arith.shrui %get3A_1080, %shift_right_logical3A_1082 : vector<16xi32>
    %and3A_1084 = arith.constant 2047 : i32
    %and3A_1085 = vector.broadcast %and3A_1084 : i32 to vector<16xi32>
    %and3A_1086 = arith.andi %get3A_1080, %and3A_1085 : vector<16xi32>
    %shift_right_logical3A_1087 = arith.constant 9 : i32
    %shift_right_logical3A_1088 = vector.broadcast %shift_right_logical3A_1087 : i32 to vector<16xi32>
    %shift_right_logical3A_1089 = arith.shrui %and3A_1086, %shift_right_logical3A_1088 : vector<16xi32>
    %and3A_1090 = arith.constant 511 : i32
    %and3A_1091 = vector.broadcast %and3A_1090 : i32 to vector<16xi32>
    %and3A_1092 = arith.andi %and3A_1086, %and3A_1091 : vector<16xi32>
    %shift_left3A_1093 = arith.constant 16 : i32
    %shift_left3A_1094 = vector.broadcast %shift_left3A_1093 : i32 to vector<16xi32>
    %shift_left3A_1095 = arith.shli %shift_right_logical3A_1083, %shift_left3A_1094 : vector<16xi32>
    %shift_left3A_1096 = arith.constant 7 : i32
    %shift_left3A_1097 = vector.broadcast %shift_left3A_1096 : i32 to vector<16xi32>
    %shift_left3A_1098 = arith.shli %and3A_1092, %shift_left3A_1097 : vector<16xi32>
    %add3A_1099 = arith.addi %shift_left3A_1095, %shift_left3A_1098 : vector<16xi32>
    %shift_left3A_1100 = arith.constant 5 : i32
    %shift_left3A_1101 = vector.broadcast %shift_left3A_1100 : i32 to vector<16xi32>
    %shift_left3A_1102 = arith.shli %shift_right_logical3A_1089, %shift_left3A_1101 : vector<16xi32>
    %add3A_1103 = arith.addi %add3A_1099, %shift_left3A_1102 : vector<16xi32>
    %swap3A_1104 = arith.constant 288 : index
    %swap3A_1105 = tpu.vector_load %arg18[%swap3A_1104] {strides = array<i32>} : memref<528xi32, #tpu.memory_space<vmem>>, vector<16xi32>,
    %swap3A_1106 = vector.shape_cast %swap3A_1105 : vector<16xi32> to vector<16xi32>
    %swap3A_1107 = vector.shape_cast %add3A_1103 : vector<16xi32> to vector<16xi32>
    tpu.vector_store %arg18[%swap3A_1104], %swap3A_1107 {strides = array<i32>} : memref<528xi32, #tpu.memory_space<vmem>>, vector<16xi32>,
    %get3A_1108 = arith.constant 288 : index
    %get3A_1109 = tpu.vector_load %arg17[%get3A_1108] {strides = array<i32>} : memref<512xi32, #tpu.memory_space<vmem>>, vector<16xi32>,
    %get3A_1110 = vector.shape_cast %get3A_1109 : vector<16xi32> to vector<16xi32>
    %shift_right_logical3A_1111 = arith.constant 11 : i32
    %shift_right_logical3A_1112 = vector.broadcast %shift_right_logical3A_1111 : i32 to vector<16xi32>
    %shift_right_logical3A_1113 = arith.shrui %get3A_1110, %shift_right_logical3A_1112 : vector<16xi32>
    %and3A_1114 = arith.constant 2047 : i32
    %and3A_1115 = vector.broadcast %and3A_1114 : i32 to vector<16xi32>
    %and3A_1116 = arith.andi %get3A_1110, %and3A_1115 : vector<16xi32>
    %shift_right_logical3A_1117 = arith.constant 9 : i32
    %shift_right_logical3A_1118 = vector.broadcast %shift_right_logical3A_1117 : i32 to vector<16xi32>
    %shift_right_logical3A_1119 = arith.shrui %and3A_1116, %shift_right_logical3A_1118 : vector<16xi32>
    %and3A_1120 = arith.constant 511 : i32
    %and3A_1121 = vector.broadcast %and3A_1120 : i32 to vector<16xi32>
    %and3A_1122 = arith.andi %and3A_1116, %and3A_1121 : vector<16xi32>
    %shift_left3A_1123 = arith.constant 16 : i32
    %shift_left3A_1124 = vector.broadcast %shift_left3A_1123 : i32 to vector<16xi32>
    %shift_left3A_1125 = arith.shli %shift_right_logical3A_1113, %shift_left3A_1124 : vector<16xi32>
    %shift_left3A_1126 = arith.constant 7 : i32
    %shift_left3A_1127 = vector.broadcast %shift_left3A_1126 : i32 to vector<16xi32>
    %shift_left3A_1128 = arith.shli %and3A_1122, %shift_left3A_1127 : vector<16xi32>
    %add3A_1129 = arith.addi %shift_left3A_1125, %shift_left3A_1128 : vector<16xi32>
    %shift_left3A_1130 = arith.constant 5 : i32
    %shift_left3A_1131 = vector.broadcast %shift_left3A_1130 : i32 to vector<16xi32>
    %shift_left3A_1132 = arith.shli %shift_right_logical3A_1119, %shift_left3A_1131 : vector<16xi32>
    %add3A_1133 = arith.addi %add3A_1129, %shift_left3A_1132 : vector<16xi32>
    %swap3A_1134 = arith.constant 288 : index
    %swap3A_1135 = tpu.vector_load %arg19[%swap3A_1134] {strides = array<i32>} : memref<528xi32, #tpu.memory_space<vmem>>, vector<16xi32>,
    %swap3A_1136 = vector.shape_cast %swap3A_1135 : vector<16xi32> to vector<16xi32>
    %swap3A_1137 = vector.shape_cast %add3A_1133 : vector<16xi32> to vector<16xi32>
    tpu.vector_store %arg19[%swap3A_1134], %swap3A_1137 {strides = array<i32>} : memref<528xi32, #tpu.memory_space<vmem>>, vector<16xi32>,
    %get3A_1138 = arith.constant 304 : index
    %get3A_1139 = tpu.vector_load %arg16[%get3A_1138] {strides = array<i32>} : memref<512xi32, #tpu.memory_space<vmem>>, vector<16xi32>,
    %get3A_1140 = vector.shape_cast %get3A_1139 : vector<16xi32> to vector<16xi32>
    %shift_right_logical3A_1141 = arith.constant 11 : i32
    %shift_right_logical3A_1142 = vector.broadcast %shift_right_logical3A_1141 : i32 to vector<16xi32>
    %shift_right_logical3A_1143 = arith.shrui %get3A_1140, %shift_right_logical3A_1142 : vector<16xi32>
    %and3A_1144 = arith.constant 2047 : i32
    %and3A_1145 = vector.broadcast %and3A_1144 : i32 to vector<16xi32>
    %and3A_1146 = arith.andi %get3A_1140, %and3A_1145 : vector<16xi32>
    %shift_right_logical3A_1147 = arith.constant 9 : i32
    %shift_right_logical3A_1148 = vector.broadcast %shift_right_logical3A_1147 : i32 to vector<16xi32>
    %shift_right_logical3A_1149 = arith.shrui %and3A_1146, %shift_right_logical3A_1148 : vector<16xi32>
    %and3A_1150 = arith.constant 511 : i32
    %and3A_1151 = vector.broadcast %and3A_1150 : i32 to vector<16xi32>
    %and3A_1152 = arith.andi %and3A_1146, %and3A_1151 : vector<16xi32>
    %shift_left3A_1153 = arith.constant 16 : i32
    %shift_left3A_1154 = vector.broadcast %shift_left3A_1153 : i32 to vector<16xi32>
    %shift_left3A_1155 = arith.shli %shift_right_logical3A_1143, %shift_left3A_1154 : vector<16xi32>
    %shift_left3A_1156 = arith.constant 7 : i32
    %shift_left3A_1157 = vector.broadcast %shift_left3A_1156 : i32 to vector<16xi32>
    %shift_left3A_1158 = arith.shli %and3A_1152, %shift_left3A_1157 : vector<16xi32>
    %add3A_1159 = arith.addi %shift_left3A_1155, %shift_left3A_1158 : vector<16xi32>
    %shift_left3A_1160 = arith.constant 5 : i32
    %shift_left3A_1161 = vector.broadcast %shift_left3A_1160 : i32 to vector<16xi32>
    %shift_left3A_1162 = arith.shli %shift_right_logical3A_1149, %shift_left3A_1161 : vector<16xi32>
    %add3A_1163 = arith.addi %add3A_1159, %shift_left3A_1162 : vector<16xi32>
    %swap3A_1164 = arith.constant 304 : index
    %swap3A_1165 = tpu.vector_load %arg18[%swap3A_1164] {strides = array<i32>} : memref<528xi32, #tpu.memory_space<vmem>>, vector<16xi32>,
    %swap3A_1166 = vector.shape_cast %swap3A_1165 : vector<16xi32> to vector<16xi32>
    %swap3A_1167 = vector.shape_cast %add3A_1163 : vector<16xi32> to vector<16xi32>
    tpu.vector_store %arg18[%swap3A_1164], %swap3A_1167 {strides = array<i32>} : memref<528xi32, #tpu.memory_space<vmem>>, vector<16xi32>,
    %get3A_1168 = arith.constant 304 : index
    %get3A_1169 = tpu.vector_load %arg17[%get3A_1168] {strides = array<i32>} : memref<512xi32, #tpu.memory_space<vmem>>, vector<16xi32>,
    %get3A_1170 = vector.shape_cast %get3A_1169 : vector<16xi32> to vector<16xi32>
    %shift_right_logical3A_1171 = arith.constant 11 : i32
    %shift_right_logical3A_1172 = vector.broadcast %shift_right_logical3A_1171 : i32 to vector<16xi32>
    %shift_right_logical3A_1173 = arith.shrui %get3A_1170, %shift_right_logical3A_1172 : vector<16xi32>
    %and3A_1174 = arith.constant 2047 : i32
    %and3A_1175 = vector.broadcast %and3A_1174 : i32 to vector<16xi32>
    %and3A_1176 = arith.andi %get3A_1170, %and3A_1175 : vector<16xi32>
    %shift_right_logical3A_1177 = arith.constant 9 : i32
    %shift_right_logical3A_1178 = vector.broadcast %shift_right_logical3A_1177 : i32 to vector<16xi32>
    %shift_right_logical3A_1179 = arith.shrui %and3A_1176, %shift_right_logical3A_1178 : vector<16xi32>
    %and3A_1180 = arith.constant 511 : i32
    %and3A_1181 = vector.broadcast %and3A_1180 : i32 to vector<16xi32>
    %and3A_1182 = arith.andi %and3A_1176, %and3A_1181 : vector<16xi32>
    %shift_left3A_1183 = arith.constant 16 : i32
    %shift_left3A_1184 = vector.broadcast %shift_left3A_1183 : i32 to vector<16xi32>
    %shift_left3A_1185 = arith.shli %shift_right_logical3A_1173, %shift_left3A_1184 : vector<16xi32>
    %shift_left3A_1186 = arith.constant 7 : i32
    %shift_left3A_1187 = vector.broadcast %shift_left3A_1186 : i32 to vector<16xi32>
    %shift_left3A_1188 = arith.shli %and3A_1182, %shift_left3A_1187 : vector<16xi32>
    %add3A_1189 = arith.addi %shift_left3A_1185, %shift_left3A_1188 : vector<16xi32>
    %shift_left3A_1190 = arith.constant 5 : i32
    %shift_left3A_1191 = vector.broadcast %shift_left3A_1190 : i32 to vector<16xi32>
    %shift_left3A_1192 = arith.shli %shift_right_logical3A_1179, %shift_left3A_1191 : vector<16xi32>
    %add3A_1193 = arith.addi %add3A_1189, %shift_left3A_1192 : vector<16xi32>
    %swap3A_1194 = arith.constant 304 : index
    %swap3A_1195 = tpu.vector_load %arg19[%swap3A_1194] {strides = array<i32>} : memref<528xi32, #tpu.memory_space<vmem>>, vector<16xi32>,
    %swap3A_1196 = vector.shape_cast %swap3A_1195 : vector<16xi32> to vector<16xi32>
    %swap3A_1197 = vector.shape_cast %add3A_1193 : vector<16xi32> to vector<16xi32>
    tpu.vector_store %arg19[%swap3A_1194], %swap3A_1197 {strides = array<i32>} : memref<528xi32, #tpu.memory_space<vmem>>, vector<16xi32>,
    %get3A_1198 = arith.constant 320 : index
    %get3A_1199 = tpu.vector_load %arg16[%get3A_1198] {strides = array<i32>} : memref<512xi32, #tpu.memory_space<vmem>>, vector<16xi32>,
    %get3A_1200 = vector.shape_cast %get3A_1199 : vector<16xi32> to vector<16xi32>
    %shift_right_logical3A_1201 = arith.constant 11 : i32
    %shift_right_logical3A_1202 = vector.broadcast %shift_right_logical3A_1201 : i32 to vector<16xi32>
    %shift_right_logical3A_1203 = arith.shrui %get3A_1200, %shift_right_logical3A_1202 : vector<16xi32>
    %and3A_1204 = arith.constant 2047 : i32
    %and3A_1205 = vector.broadcast %and3A_1204 : i32 to vector<16xi32>
    %and3A_1206 = arith.andi %get3A_1200, %and3A_1205 : vector<16xi32>
    %shift_right_logical3A_1207 = arith.constant 9 : i32
    %shift_right_logical3A_1208 = vector.broadcast %shift_right_logical3A_1207 : i32 to vector<16xi32>
    %shift_right_logical3A_1209 = arith.shrui %and3A_1206, %shift_right_logical3A_1208 : vector<16xi32>
    %and3A_1210 = arith.constant 511 : i32
    %and3A_1211 = vector.broadcast %and3A_1210 : i32 to vector<16xi32>
    %and3A_1212 = arith.andi %and3A_1206, %and3A_1211 : vector<16xi32>
    %shift_left3A_1213 = arith.constant 16 : i32
    %shift_left3A_1214 = vector.broadcast %shift_left3A_1213 : i32 to vector<16xi32>
    %shift_left3A_1215 = arith.shli %shift_right_logical3A_1203, %shift_left3A_1214 : vector<16xi32>
    %shift_left3A_1216 = arith.constant 7 : i32
    %shift_left3A_1217 = vector.broadcast %shift_left3A_1216 : i32 to vector<16xi32>
    %shift_left3A_1218 = arith.shli %and3A_1212, %shift_left3A_1217 : vector<16xi32>
    %add3A_1219 = arith.addi %shift_left3A_1215, %shift_left3A_1218 : vector<16xi32>
    %shift_left3A_1220 = arith.constant 5 : i32
    %shift_left3A_1221 = vector.broadcast %shift_left3A_1220 : i32 to vector<16xi32>
    %shift_left3A_1222 = arith.shli %shift_right_logical3A_1209, %shift_left3A_1221 : vector<16xi32>
    %add3A_1223 = arith.addi %add3A_1219, %shift_left3A_1222 : vector<16xi32>
    %swap3A_1224 = arith.constant 320 : index
    %swap3A_1225 = tpu.vector_load %arg18[%swap3A_1224] {strides = array<i32>} : memref<528xi32, #tpu.memory_space<vmem>>, vector<16xi32>,
    %swap3A_1226 = vector.shape_cast %swap3A_1225 : vector<16xi32> to vector<16xi32>
    %swap3A_1227 = vector.shape_cast %add3A_1223 : vector<16xi32> to vector<16xi32>
    tpu.vector_store %arg18[%swap3A_1224], %swap3A_1227 {strides = array<i32>} : memref<528xi32, #tpu.memory_space<vmem>>, vector<16xi32>,
    %get3A_1228 = arith.constant 320 : index
    %get3A_1229 = tpu.vector_load %arg17[%get3A_1228] {strides = array<i32>} : memref<512xi32, #tpu.memory_space<vmem>>, vector<16xi32>,
    %get3A_1230 = vector.shape_cast %get3A_1229 : vector<16xi32> to vector<16xi32>
    %shift_right_logical3A_1231 = arith.constant 11 : i32
    %shift_right_logical3A_1232 = vector.broadcast %shift_right_logical3A_1231 : i32 to vector<16xi32>
    %shift_right_logical3A_1233 = arith.shrui %get3A_1230, %shift_right_logical3A_1232 : vector<16xi32>
    %and3A_1234 = arith.constant 2047 : i32
    %and3A_1235 = vector.broadcast %and3A_1234 : i32 to vector<16xi32>
    %and3A_1236 = arith.andi %get3A_1230, %and3A_1235 : vector<16xi32>
    %shift_right_logical3A_1237 = arith.constant 9 : i32
    %shift_right_logical3A_1238 = vector.broadcast %shift_right_logical3A_1237 : i32 to vector<16xi32>
    %shift_right_logical3A_1239 = arith.shrui %and3A_1236, %shift_right_logical3A_1238 : vector<16xi32>
    %and3A_1240 = arith.constant 511 : i32
    %and3A_1241 = vector.broadcast %and3A_1240 : i32 to vector<16xi32>
    %and3A_1242 = arith.andi %and3A_1236, %and3A_1241 : vector<16xi32>
    %shift_left3A_1243 = arith.constant 16 : i32
    %shift_left3A_1244 = vector.broadcast %shift_left3A_1243 : i32 to vector<16xi32>
    %shift_left3A_1245 = arith.shli %shift_right_logical3A_1233, %shift_left3A_1244 : vector<16xi32>
    %shift_left3A_1246 = arith.constant 7 : i32
    %shift_left3A_1247 = vector.broadcast %shift_left3A_1246 : i32 to vector<16xi32>
    %shift_left3A_1248 = arith.shli %and3A_1242, %shift_left3A_1247 : vector<16xi32>
    %add3A_1249 = arith.addi %shift_left3A_1245, %shift_left3A_1248 : vector<16xi32>
    %shift_left3A_1250 = arith.constant 5 : i32
    %shift_left3A_1251 = vector.broadcast %shift_left3A_1250 : i32 to vector<16xi32>
    %shift_left3A_1252 = arith.shli %shift_right_logical3A_1239, %shift_left3A_1251 : vector<16xi32>
    %add3A_1253 = arith.addi %add3A_1249, %shift_left3A_1252 : vector<16xi32>
    %swap3A_1254 = arith.constant 320 : index
    %swap3A_1255 = tpu.vector_load %arg19[%swap3A_1254] {strides = array<i32>} : memref<528xi32, #tpu.memory_space<vmem>>, vector<16xi32>,
    %swap3A_1256 = vector.shape_cast %swap3A_1255 : vector<16xi32> to vector<16xi32>
    %swap3A_1257 = vector.shape_cast %add3A_1253 : vector<16xi32> to vector<16xi32>
    tpu.vector_store %arg19[%swap3A_1254], %swap3A_1257 {strides = array<i32>} : memref<528xi32, #tpu.memory_space<vmem>>, vector<16xi32>,
    %get3A_1258 = arith.constant 336 : index
    %get3A_1259 = tpu.vector_load %arg16[%get3A_1258] {strides = array<i32>} : memref<512xi32, #tpu.memory_space<vmem>>, vector<16xi32>,
    %get3A_1260 = vector.shape_cast %get3A_1259 : vector<16xi32> to vector<16xi32>
    %shift_right_logical3A_1261 = arith.constant 11 : i32
    %shift_right_logical3A_1262 = vector.broadcast %shift_right_logical3A_1261 : i32 to vector<16xi32>
    %shift_right_logical3A_1263 = arith.shrui %get3A_1260, %shift_right_logical3A_1262 : vector<16xi32>
    %and3A_1264 = arith.constant 2047 : i32
    %and3A_1265 = vector.broadcast %and3A_1264 : i32 to vector<16xi32>
    %and3A_1266 = arith.andi %get3A_1260, %and3A_1265 : vector<16xi32>
    %shift_right_logical3A_1267 = arith.constant 9 : i32
    %shift_right_logical3A_1268 = vector.broadcast %shift_right_logical3A_1267 : i32 to vector<16xi32>
    %shift_right_logical3A_1269 = arith.shrui %and3A_1266, %shift_right_logical3A_1268 : vector<16xi32>
    %and3A_1270 = arith.constant 511 : i32
    %and3A_1271 = vector.broadcast %and3A_1270 : i32 to vector<16xi32>
    %and3A_1272 = arith.andi %and3A_1266, %and3A_1271 : vector<16xi32>
    %shift_left3A_1273 = arith.constant 16 : i32
    %shift_left3A_1274 = vector.broadcast %shift_left3A_1273 : i32 to vector<16xi32>
    %shift_left3A_1275 = arith.shli %shift_right_logical3A_1263, %shift_left3A_1274 : vector<16xi32>
    %shift_left3A_1276 = arith.constant 7 : i32
    %shift_left3A_1277 = vector.broadcast %shift_left3A_1276 : i32 to vector<16xi32>
    %shift_left3A_1278 = arith.shli %and3A_1272, %shift_left3A_1277 : vector<16xi32>
    %add3A_1279 = arith.addi %shift_left3A_1275, %shift_left3A_1278 : vector<16xi32>
    %shift_left3A_1280 = arith.constant 5 : i32
    %shift_left3A_1281 = vector.broadcast %shift_left3A_1280 : i32 to vector<16xi32>
    %shift_left3A_1282 = arith.shli %shift_right_logical3A_1269, %shift_left3A_1281 : vector<16xi32>
    %add3A_1283 = arith.addi %add3A_1279, %shift_left3A_1282 : vector<16xi32>
    %swap3A_1284 = arith.constant 336 : index
    %swap3A_1285 = tpu.vector_load %arg18[%swap3A_1284] {strides = array<i32>} : memref<528xi32, #tpu.memory_space<vmem>>, vector<16xi32>,
    %swap3A_1286 = vector.shape_cast %swap3A_1285 : vector<16xi32> to vector<16xi32>
    %swap3A_1287 = vector.shape_cast %add3A_1283 : vector<16xi32> to vector<16xi32>
    tpu.vector_store %arg18[%swap3A_1284], %swap3A_1287 {strides = array<i32>} : memref<528xi32, #tpu.memory_space<vmem>>, vector<16xi32>,
    %get3A_1288 = arith.constant 336 : index
    %get3A_1289 = tpu.vector_load %arg17[%get3A_1288] {strides = array<i32>} : memref<512xi32, #tpu.memory_space<vmem>>, vector<16xi32>,
    %get3A_1290 = vector.shape_cast %get3A_1289 : vector<16xi32> to vector<16xi32>
    %shift_right_logical3A_1291 = arith.constant 11 : i32
    %shift_right_logical3A_1292 = vector.broadcast %shift_right_logical3A_1291 : i32 to vector<16xi32>
    %shift_right_logical3A_1293 = arith.shrui %get3A_1290, %shift_right_logical3A_1292 : vector<16xi32>
    %and3A_1294 = arith.constant 2047 : i32
    %and3A_1295 = vector.broadcast %and3A_1294 : i32 to vector<16xi32>
    %and3A_1296 = arith.andi %get3A_1290, %and3A_1295 : vector<16xi32>
    %shift_right_logical3A_1297 = arith.constant 9 : i32
    %shift_right_logical3A_1298 = vector.broadcast %shift_right_logical3A_1297 : i32 to vector<16xi32>
    %shift_right_logical3A_1299 = arith.shrui %and3A_1296, %shift_right_logical3A_1298 : vector<16xi32>
    %and3A_1300 = arith.constant 511 : i32
    %and3A_1301 = vector.broadcast %and3A_1300 : i32 to vector<16xi32>
    %and3A_1302 = arith.andi %and3A_1296, %and3A_1301 : vector<16xi32>
    %shift_left3A_1303 = arith.constant 16 : i32
    %shift_left3A_1304 = vector.broadcast %shift_left3A_1303 : i32 to vector<16xi32>
    %shift_left3A_1305 = arith.shli %shift_right_logical3A_1293, %shift_left3A_1304 : vector<16xi32>
    %shift_left3A_1306 = arith.constant 7 : i32
    %shift_left3A_1307 = vector.broadcast %shift_left3A_1306 : i32 to vector<16xi32>
    %shift_left3A_1308 = arith.shli %and3A_1302, %shift_left3A_1307 : vector<16xi32>
    %add3A_1309 = arith.addi %shift_left3A_1305, %shift_left3A_1308 : vector<16xi32>
    %shift_left3A_1310 = arith.constant 5 : i32
    %shift_left3A_1311 = vector.broadcast %shift_left3A_1310 : i32 to vector<16xi32>
    %shift_left3A_1312 = arith.shli %shift_right_logical3A_1299, %shift_left3A_1311 : vector<16xi32>
    %add3A_1313 = arith.addi %add3A_1309, %shift_left3A_1312 : vector<16xi32>
    %swap3A_1314 = arith.constant 336 : index
    %swap3A_1315 = tpu.vector_load %arg19[%swap3A_1314] {strides = array<i32>} : memref<528xi32, #tpu.memory_space<vmem>>, vector<16xi32>,
    %swap3A_1316 = vector.shape_cast %swap3A_1315 : vector<16xi32> to vector<16xi32>
    %swap3A_1317 = vector.shape_cast %add3A_1313 : vector<16xi32> to vector<16xi32>
    tpu.vector_store %arg19[%swap3A_1314], %swap3A_1317 {strides = array<i32>} : memref<528xi32, #tpu.memory_space<vmem>>, vector<16xi32>,
    %get3A_1318 = arith.constant 352 : index
    %get3A_1319 = tpu.vector_load %arg16[%get3A_1318] {strides = array<i32>} : memref<512xi32, #tpu.memory_space<vmem>>, vector<16xi32>,
    %get3A_1320 = vector.shape_cast %get3A_1319 : vector<16xi32> to vector<16xi32>
    %shift_right_logical3A_1321 = arith.constant 11 : i32
    %shift_right_logical3A_1322 = vector.broadcast %shift_right_logical3A_1321 : i32 to vector<16xi32>
    %shift_right_logical3A_1323 = arith.shrui %get3A_1320, %shift_right_logical3A_1322 : vector<16xi32>
    %and3A_1324 = arith.constant 2047 : i32
    %and3A_1325 = vector.broadcast %and3A_1324 : i32 to vector<16xi32>
    %and3A_1326 = arith.andi %get3A_1320, %and3A_1325 : vector<16xi32>
    %shift_right_logical3A_1327 = arith.constant 9 : i32
    %shift_right_logical3A_1328 = vector.broadcast %shift_right_logical3A_1327 : i32 to vector<16xi32>
    %shift_right_logical3A_1329 = arith.shrui %and3A_1326, %shift_right_logical3A_1328 : vector<16xi32>
    %and3A_1330 = arith.constant 511 : i32
    %and3A_1331 = vector.broadcast %and3A_1330 : i32 to vector<16xi32>
    %and3A_1332 = arith.andi %and3A_1326, %and3A_1331 : vector<16xi32>
    %shift_left3A_1333 = arith.constant 16 : i32
    %shift_left3A_1334 = vector.broadcast %shift_left3A_1333 : i32 to vector<16xi32>
    %shift_left3A_1335 = arith.shli %shift_right_logical3A_1323, %shift_left3A_1334 : vector<16xi32>
    %shift_left3A_1336 = arith.constant 7 : i32
    %shift_left3A_1337 = vector.broadcast %shift_left3A_1336 : i32 to vector<16xi32>
    %shift_left3A_1338 = arith.shli %and3A_1332, %shift_left3A_1337 : vector<16xi32>
    %add3A_1339 = arith.addi %shift_left3A_1335, %shift_left3A_1338 : vector<16xi32>
    %shift_left3A_1340 = arith.constant 5 : i32
    %shift_left3A_1341 = vector.broadcast %shift_left3A_1340 : i32 to vector<16xi32>
    %shift_left3A_1342 = arith.shli %shift_right_logical3A_1329, %shift_left3A_1341 : vector<16xi32>
    %add3A_1343 = arith.addi %add3A_1339, %shift_left3A_1342 : vector<16xi32>
    %swap3A_1344 = arith.constant 352 : index
    %swap3A_1345 = tpu.vector_load %arg18[%swap3A_1344] {strides = array<i32>} : memref<528xi32, #tpu.memory_space<vmem>>, vector<16xi32>,
    %swap3A_1346 = vector.shape_cast %swap3A_1345 : vector<16xi32> to vector<16xi32>
    %swap3A_1347 = vector.shape_cast %add3A_1343 : vector<16xi32> to vector<16xi32>
    tpu.vector_store %arg18[%swap3A_1344], %swap3A_1347 {strides = array<i32>} : memref<528xi32, #tpu.memory_space<vmem>>, vector<16xi32>,
    %get3A_1348 = arith.constant 352 : index
    %get3A_1349 = tpu.vector_load %arg17[%get3A_1348] {strides = array<i32>} : memref<512xi32, #tpu.memory_space<vmem>>, vector<16xi32>,
    %get3A_1350 = vector.shape_cast %get3A_1349 : vector<16xi32> to vector<16xi32>
    %shift_right_logical3A_1351 = arith.constant 11 : i32
    %shift_right_logical3A_1352 = vector.broadcast %shift_right_logical3A_1351 : i32 to vector<16xi32>
    %shift_right_logical3A_1353 = arith.shrui %get3A_1350, %shift_right_logical3A_1352 : vector<16xi32>
    %and3A_1354 = arith.constant 2047 : i32
    %and3A_1355 = vector.broadcast %and3A_1354 : i32 to vector<16xi32>
    %and3A_1356 = arith.andi %get3A_1350, %and3A_1355 : vector<16xi32>
    %shift_right_logical3A_1357 = arith.constant 9 : i32
    %shift_right_logical3A_1358 = vector.broadcast %shift_right_logical3A_1357 : i32 to vector<16xi32>
    %shift_right_logical3A_1359 = arith.shrui %and3A_1356, %shift_right_logical3A_1358 : vector<16xi32>
    %and3A_1360 = arith.constant 511 : i32
    %and3A_1361 = vector.broadcast %and3A_1360 : i32 to vector<16xi32>
    %and3A_1362 = arith.andi %and3A_1356, %and3A_1361 : vector<16xi32>
    %shift_left3A_1363 = arith.constant 16 : i32
    %shift_left3A_1364 = vector.broadcast %shift_left3A_1363 : i32 to vector<16xi32>
    %shift_left3A_1365 = arith.shli %shift_right_logical3A_1353, %shift_left3A_1364 : vector<16xi32>
    %shift_left3A_1366 = arith.constant 7 : i32
    %shift_left3A_1367 = vector.broadcast %shift_left3A_1366 : i32 to vector<16xi32>
    %shift_left3A_1368 = arith.shli %and3A_1362, %shift_left3A_1367 : vector<16xi32>
    %add3A_1369 = arith.addi %shift_left3A_1365, %shift_left3A_1368 : vector<16xi32>
    %shift_left3A_1370 = arith.constant 5 : i32
    %shift_left3A_1371 = vector.broadcast %shift_left3A_1370 : i32 to vector<16xi32>
    %shift_left3A_1372 = arith.shli %shift_right_logical3A_1359, %shift_left3A_1371 : vector<16xi32>
    %add3A_1373 = arith.addi %add3A_1369, %shift_left3A_1372 : vector<16xi32>
    %swap3A_1374 = arith.constant 352 : index
    %swap3A_1375 = tpu.vector_load %arg19[%swap3A_1374] {strides = array<i32>} : memref<528xi32, #tpu.memory_space<vmem>>, vector<16xi32>,
    %swap3A_1376 = vector.shape_cast %swap3A_1375 : vector<16xi32> to vector<16xi32>
    %swap3A_1377 = vector.shape_cast %add3A_1373 : vector<16xi32> to vector<16xi32>
    tpu.vector_store %arg19[%swap3A_1374], %swap3A_1377 {strides = array<i32>} : memref<528xi32, #tpu.memory_space<vmem>>, vector<16xi32>,
    %get3A_1378 = arith.constant 368 : index
    %get3A_1379 = tpu.vector_load %arg16[%get3A_1378] {strides = array<i32>} : memref<512xi32, #tpu.memory_space<vmem>>, vector<16xi32>,
    %get3A_1380 = vector.shape_cast %get3A_1379 : vector<16xi32> to vector<16xi32>
    %shift_right_logical3A_1381 = arith.constant 11 : i32
    %shift_right_logical3A_1382 = vector.broadcast %shift_right_logical3A_1381 : i32 to vector<16xi32>
    %shift_right_logical3A_1383 = arith.shrui %get3A_1380, %shift_right_logical3A_1382 : vector<16xi32>
    %and3A_1384 = arith.constant 2047 : i32
    %and3A_1385 = vector.broadcast %and3A_1384 : i32 to vector<16xi32>
    %and3A_1386 = arith.andi %get3A_1380, %and3A_1385 : vector<16xi32>
    %shift_right_logical3A_1387 = arith.constant 9 : i32
    %shift_right_logical3A_1388 = vector.broadcast %shift_right_logical3A_1387 : i32 to vector<16xi32>
    %shift_right_logical3A_1389 = arith.shrui %and3A_1386, %shift_right_logical3A_1388 : vector<16xi32>
    %and3A_1390 = arith.constant 511 : i32
    %and3A_1391 = vector.broadcast %and3A_1390 : i32 to vector<16xi32>
    %and3A_1392 = arith.andi %and3A_1386, %and3A_1391 : vector<16xi32>
    %shift_left3A_1393 = arith.constant 16 : i32
    %shift_left3A_1394 = vector.broadcast %shift_left3A_1393 : i32 to vector<16xi32>
    %shift_left3A_1395 = arith.shli %shift_right_logical3A_1383, %shift_left3A_1394 : vector<16xi32>
    %shift_left3A_1396 = arith.constant 7 : i32
    %shift_left3A_1397 = vector.broadcast %shift_left3A_1396 : i32 to vector<16xi32>
    %shift_left3A_1398 = arith.shli %and3A_1392, %shift_left3A_1397 : vector<16xi32>
    %add3A_1399 = arith.addi %shift_left3A_1395, %shift_left3A_1398 : vector<16xi32>
    %shift_left3A_1400 = arith.constant 5 : i32
    %shift_left3A_1401 = vector.broadcast %shift_left3A_1400 : i32 to vector<16xi32>
    %shift_left3A_1402 = arith.shli %shift_right_logical3A_1389, %shift_left3A_1401 : vector<16xi32>
    %add3A_1403 = arith.addi %add3A_1399, %shift_left3A_1402 : vector<16xi32>
    %swap3A_1404 = arith.constant 368 : index
    %swap3A_1405 = tpu.vector_load %arg18[%swap3A_1404] {strides = array<i32>} : memref<528xi32, #tpu.memory_space<vmem>>, vector<16xi32>,
    %swap3A_1406 = vector.shape_cast %swap3A_1405 : vector<16xi32> to vector<16xi32>
    %swap3A_1407 = vector.shape_cast %add3A_1403 : vector<16xi32> to vector<16xi32>
    tpu.vector_store %arg18[%swap3A_1404], %swap3A_1407 {strides = array<i32>} : memref<528xi32, #tpu.memory_space<vmem>>, vector<16xi32>,
    %get3A_1408 = arith.constant 368 : index
    %get3A_1409 = tpu.vector_load %arg17[%get3A_1408] {strides = array<i32>} : memref<512xi32, #tpu.memory_space<vmem>>, vector<16xi32>,
    %get3A_1410 = vector.shape_cast %get3A_1409 : vector<16xi32> to vector<16xi32>
    %shift_right_logical3A_1411 = arith.constant 11 : i32
    %shift_right_logical3A_1412 = vector.broadcast %shift_right_logical3A_1411 : i32 to vector<16xi32>
    %shift_right_logical3A_1413 = arith.shrui %get3A_1410, %shift_right_logical3A_1412 : vector<16xi32>
    %and3A_1414 = arith.constant 2047 : i32
    %and3A_1415 = vector.broadcast %and3A_1414 : i32 to vector<16xi32>
    %and3A_1416 = arith.andi %get3A_1410, %and3A_1415 : vector<16xi32>
    %shift_right_logical3A_1417 = arith.constant 9 : i32
    %shift_right_logical3A_1418 = vector.broadcast %shift_right_logical3A_1417 : i32 to vector<16xi32>
    %shift_right_logical3A_1419 = arith.shrui %and3A_1416, %shift_right_logical3A_1418 : vector<16xi32>
    %and3A_1420 = arith.constant 511 : i32
    %and3A_1421 = vector.broadcast %and3A_1420 : i32 to vector<16xi32>
    %and3A_1422 = arith.andi %and3A_1416, %and3A_1421 : vector<16xi32>
    %shift_left3A_1423 = arith.constant 16 : i32
    %shift_left3A_1424 = vector.broadcast %shift_left3A_1423 : i32 to vector<16xi32>
    %shift_left3A_1425 = arith.shli %shift_right_logical3A_1413, %shift_left3A_1424 : vector<16xi32>
    %shift_left3A_1426 = arith.constant 7 : i32
    %shift_left3A_1427 = vector.broadcast %shift_left3A_1426 : i32 to vector<16xi32>
    %shift_left3A_1428 = arith.shli %and3A_1422, %shift_left3A_1427 : vector<16xi32>
    %add3A_1429 = arith.addi %shift_left3A_1425, %shift_left3A_1428 : vector<16xi32>
    %shift_left3A_1430 = arith.constant 5 : i32
    %shift_left3A_1431 = vector.broadcast %shift_left3A_1430 : i32 to vector<16xi32>
    %shift_left3A_1432 = arith.shli %shift_right_logical3A_1419, %shift_left3A_1431 : vector<16xi32>
    %add3A_1433 = arith.addi %add3A_1429, %shift_left3A_1432 : vector<16xi32>
    %swap3A_1434 = arith.constant 368 : index
    %swap3A_1435 = tpu.vector_load %arg19[%swap3A_1434] {strides = array<i32>} : memref<528xi32, #tpu.memory_space<vmem>>, vector<16xi32>,
    %swap3A_1436 = vector.shape_cast %swap3A_1435 : vector<16xi32> to vector<16xi32>
    %swap3A_1437 = vector.shape_cast %add3A_1433 : vector<16xi32> to vector<16xi32>
    tpu.vector_store %arg19[%swap3A_1434], %swap3A_1437 {strides = array<i32>} : memref<528xi32, #tpu.memory_space<vmem>>, vector<16xi32>,
    %get3A_1438 = arith.constant 384 : index
    %get3A_1439 = tpu.vector_load %arg16[%get3A_1438] {strides = array<i32>} : memref<512xi32, #tpu.memory_space<vmem>>, vector<16xi32>,
    %get3A_1440 = vector.shape_cast %get3A_1439 : vector<16xi32> to vector<16xi32>
    %shift_right_logical3A_1441 = arith.constant 11 : i32
    %shift_right_logical3A_1442 = vector.broadcast %shift_right_logical3A_1441 : i32 to vector<16xi32>
    %shift_right_logical3A_1443 = arith.shrui %get3A_1440, %shift_right_logical3A_1442 : vector<16xi32>
    %and3A_1444 = arith.constant 2047 : i32
    %and3A_1445 = vector.broadcast %and3A_1444 : i32 to vector<16xi32>
    %and3A_1446 = arith.andi %get3A_1440, %and3A_1445 : vector<16xi32>
    %shift_right_logical3A_1447 = arith.constant 9 : i32
    %shift_right_logical3A_1448 = vector.broadcast %shift_right_logical3A_1447 : i32 to vector<16xi32>
    %shift_right_logical3A_1449 = arith.shrui %and3A_1446, %shift_right_logical3A_1448 : vector<16xi32>
    %and3A_1450 = arith.constant 511 : i32
    %and3A_1451 = vector.broadcast %and3A_1450 : i32 to vector<16xi32>
    %and3A_1452 = arith.andi %and3A_1446, %and3A_1451 : vector<16xi32>
    %shift_left3A_1453 = arith.constant 16 : i32
    %shift_left3A_1454 = vector.broadcast %shift_left3A_1453 : i32 to vector<16xi32>
    %shift_left3A_1455 = arith.shli %shift_right_logical3A_1443, %shift_left3A_1454 : vector<16xi32>
    %shift_left3A_1456 = arith.constant 7 : i32
    %shift_left3A_1457 = vector.broadcast %shift_left3A_1456 : i32 to vector<16xi32>
    %shift_left3A_1458 = arith.shli %and3A_1452, %shift_left3A_1457 : vector<16xi32>
    %add3A_1459 = arith.addi %shift_left3A_1455, %shift_left3A_1458 : vector<16xi32>
    %shift_left3A_1460 = arith.constant 5 : i32
    %shift_left3A_1461 = vector.broadcast %shift_left3A_1460 : i32 to vector<16xi32>
    %shift_left3A_1462 = arith.shli %shift_right_logical3A_1449, %shift_left3A_1461 : vector<16xi32>
    %add3A_1463 = arith.addi %add3A_1459, %shift_left3A_1462 : vector<16xi32>
    %swap3A_1464 = arith.constant 384 : index
    %swap3A_1465 = tpu.vector_load %arg18[%swap3A_1464] {strides = array<i32>} : memref<528xi32, #tpu.memory_space<vmem>>, vector<16xi32>,
    %swap3A_1466 = vector.shape_cast %swap3A_1465 : vector<16xi32> to vector<16xi32>
    %swap3A_1467 = vector.shape_cast %add3A_1463 : vector<16xi32> to vector<16xi32>
    tpu.vector_store %arg18[%swap3A_1464], %swap3A_1467 {strides = array<i32>} : memref<528xi32, #tpu.memory_space<vmem>>, vector<16xi32>,
    %get3A_1468 = arith.constant 384 : index
    %get3A_1469 = tpu.vector_load %arg17[%get3A_1468] {strides = array<i32>} : memref<512xi32, #tpu.memory_space<vmem>>, vector<16xi32>,
    %get3A_1470 = vector.shape_cast %get3A_1469 : vector<16xi32> to vector<16xi32>
    %shift_right_logical3A_1471 = arith.constant 11 : i32
    %shift_right_logical3A_1472 = vector.broadcast %shift_right_logical3A_1471 : i32 to vector<16xi32>
    %shift_right_logical3A_1473 = arith.shrui %get3A_1470, %shift_right_logical3A_1472 : vector<16xi32>
    %and3A_1474 = arith.constant 2047 : i32
    %and3A_1475 = vector.broadcast %and3A_1474 : i32 to vector<16xi32>
    %and3A_1476 = arith.andi %get3A_1470, %and3A_1475 : vector<16xi32>
    %shift_right_logical3A_1477 = arith.constant 9 : i32
    %shift_right_logical3A_1478 = vector.broadcast %shift_right_logical3A_1477 : i32 to vector<16xi32>
    %shift_right_logical3A_1479 = arith.shrui %and3A_1476, %shift_right_logical3A_1478 : vector<16xi32>
    %and3A_1480 = arith.constant 511 : i32
    %and3A_1481 = vector.broadcast %and3A_1480 : i32 to vector<16xi32>
    %and3A_1482 = arith.andi %and3A_1476, %and3A_1481 : vector<16xi32>
    %shift_left3A_1483 = arith.constant 16 : i32
    %shift_left3A_1484 = vector.broadcast %shift_left3A_1483 : i32 to vector<16xi32>
    %shift_left3A_1485 = arith.shli %shift_right_logical3A_1473, %shift_left3A_1484 : vector<16xi32>
    %shift_left3A_1486 = arith.constant 7 : i32
    %shift_left3A_1487 = vector.broadcast %shift_left3A_1486 : i32 to vector<16xi32>
    %shift_left3A_1488 = arith.shli %and3A_1482, %shift_left3A_1487 : vector<16xi32>
    %add3A_1489 = arith.addi %shift_left3A_1485, %shift_left3A_1488 : vector<16xi32>
    %shift_left3A_1490 = arith.constant 5 : i32
    %shift_left3A_1491 = vector.broadcast %shift_left3A_1490 : i32 to vector<16xi32>
    %shift_left3A_1492 = arith.shli %shift_right_logical3A_1479, %shift_left3A_1491 : vector<16xi32>
    %add3A_1493 = arith.addi %add3A_1489, %shift_left3A_1492 : vector<16xi32>
    %swap3A_1494 = arith.constant 384 : index
    %swap3A_1495 = tpu.vector_load %arg19[%swap3A_1494] {strides = array<i32>} : memref<528xi32, #tpu.memory_space<vmem>>, vector<16xi32>,
    %swap3A_1496 = vector.shape_cast %swap3A_1495 : vector<16xi32> to vector<16xi32>
    %swap3A_1497 = vector.shape_cast %add3A_1493 : vector<16xi32> to vector<16xi32>
    tpu.vector_store %arg19[%swap3A_1494], %swap3A_1497 {strides = array<i32>} : memref<528xi32, #tpu.memory_space<vmem>>, vector<16xi32>,
    %get3A_1498 = arith.constant 400 : index
    %get3A_1499 = tpu.vector_load %arg16[%get3A_1498] {strides = array<i32>} : memref<512xi32, #tpu.memory_space<vmem>>, vector<16xi32>,
    %get3A_1500 = vector.shape_cast %get3A_1499 : vector<16xi32> to vector<16xi32>
    %shift_right_logical3A_1501 = arith.constant 11 : i32
    %shift_right_logical3A_1502 = vector.broadcast %shift_right_logical3A_1501 : i32 to vector<16xi32>
    %shift_right_logical3A_1503 = arith.shrui %get3A_1500, %shift_right_logical3A_1502 : vector<16xi32>
    %and3A_1504 = arith.constant 2047 : i32
    %and3A_1505 = vector.broadcast %and3A_1504 : i32 to vector<16xi32>
    %and3A_1506 = arith.andi %get3A_1500, %and3A_1505 : vector<16xi32>
    %shift_right_logical3A_1507 = arith.constant 9 : i32
    %shift_right_logical3A_1508 = vector.broadcast %shift_right_logical3A_1507 : i32 to vector<16xi32>
    %shift_right_logical3A_1509 = arith.shrui %and3A_1506, %shift_right_logical3A_1508 : vector<16xi32>
    %and3A_1510 = arith.constant 511 : i32
    %and3A_1511 = vector.broadcast %and3A_1510 : i32 to vector<16xi32>
    %and3A_1512 = arith.andi %and3A_1506, %and3A_1511 : vector<16xi32>
    %shift_left3A_1513 = arith.constant 16 : i32
    %shift_left3A_1514 = vector.broadcast %shift_left3A_1513 : i32 to vector<16xi32>
    %shift_left3A_1515 = arith.shli %shift_right_logical3A_1503, %shift_left3A_1514 : vector<16xi32>
    %shift_left3A_1516 = arith.constant 7 : i32
    %shift_left3A_1517 = vector.broadcast %shift_left3A_1516 : i32 to vector<16xi32>
    %shift_left3A_1518 = arith.shli %and3A_1512, %shift_left3A_1517 : vector<16xi32>
    %add3A_1519 = arith.addi %shift_left3A_1515, %shift_left3A_1518 : vector<16xi32>
    %shift_left3A_1520 = arith.constant 5 : i32
    %shift_left3A_1521 = vector.broadcast %shift_left3A_1520 : i32 to vector<16xi32>
    %shift_left3A_1522 = arith.shli %shift_right_logical3A_1509, %shift_left3A_1521 : vector<16xi32>
    %add3A_1523 = arith.addi %add3A_1519, %shift_left3A_1522 : vector<16xi32>
    %swap3A_1524 = arith.constant 400 : index
    %swap3A_1525 = tpu.vector_load %arg18[%swap3A_1524] {strides = array<i32>} : memref<528xi32, #tpu.memory_space<vmem>>, vector<16xi32>,
    %swap3A_1526 = vector.shape_cast %swap3A_1525 : vector<16xi32> to vector<16xi32>
    %swap3A_1527 = vector.shape_cast %add3A_1523 : vector<16xi32> to vector<16xi32>
    tpu.vector_store %arg18[%swap3A_1524], %swap3A_1527 {strides = array<i32>} : memref<528xi32, #tpu.memory_space<vmem>>, vector<16xi32>,
    %get3A_1528 = arith.constant 400 : index
    %get3A_1529 = tpu.vector_load %arg17[%get3A_1528] {strides = array<i32>} : memref<512xi32, #tpu.memory_space<vmem>>, vector<16xi32>,
    %get3A_1530 = vector.shape_cast %get3A_1529 : vector<16xi32> to vector<16xi32>
    %shift_right_logical3A_1531 = arith.constant 11 : i32
    %shift_right_logical3A_1532 = vector.broadcast %shift_right_logical3A_1531 : i32 to vector<16xi32>
    %shift_right_logical3A_1533 = arith.shrui %get3A_1530, %shift_right_logical3A_1532 : vector<16xi32>
    %and3A_1534 = arith.constant 2047 : i32
    %and3A_1535 = vector.broadcast %and3A_1534 : i32 to vector<16xi32>
    %and3A_1536 = arith.andi %get3A_1530, %and3A_1535 : vector<16xi32>
    %shift_right_logical3A_1537 = arith.constant 9 : i32
    %shift_right_logical3A_1538 = vector.broadcast %shift_right_logical3A_1537 : i32 to vector<16xi32>
    %shift_right_logical3A_1539 = arith.shrui %and3A_1536, %shift_right_logical3A_1538 : vector<16xi32>
    %and3A_1540 = arith.constant 511 : i32
    %and3A_1541 = vector.broadcast %and3A_1540 : i32 to vector<16xi32>
    %and3A_1542 = arith.andi %and3A_1536, %and3A_1541 : vector<16xi32>
    %shift_left3A_1543 = arith.constant 16 : i32
    %shift_left3A_1544 = vector.broadcast %shift_left3A_1543 : i32 to vector<16xi32>
    %shift_left3A_1545 = arith.shli %shift_right_logical3A_1533, %shift_left3A_1544 : vector<16xi32>
    %shift_left3A_1546 = arith.constant 7 : i32
    %shift_left3A_1547 = vector.broadcast %shift_left3A_1546 : i32 to vector<16xi32>
    %shift_left3A_1548 = arith.shli %and3A_1542, %shift_left3A_1547 : vector<16xi32>
    %add3A_1549 = arith.addi %shift_left3A_1545, %shift_left3A_1548 : vector<16xi32>
    %shift_left3A_1550 = arith.constant 5 : i32
    %shift_left3A_1551 = vector.broadcast %shift_left3A_1550 : i32 to vector<16xi32>
    %shift_left3A_1552 = arith.shli %shift_right_logical3A_1539, %shift_left3A_1551 : vector<16xi32>
    %add3A_1553 = arith.addi %add3A_1549, %shift_left3A_1552 : vector<16xi32>
    %swap3A_1554 = arith.constant 400 : index
    %swap3A_1555 = tpu.vector_load %arg19[%swap3A_1554] {strides = array<i32>} : memref<528xi32, #tpu.memory_space<vmem>>, vector<16xi32>,
    %swap3A_1556 = vector.shape_cast %swap3A_1555 : vector<16xi32> to vector<16xi32>
    %swap3A_1557 = vector.shape_cast %add3A_1553 : vector<16xi32> to vector<16xi32>
    tpu.vector_store %arg19[%swap3A_1554], %swap3A_1557 {strides = array<i32>} : memref<528xi32, #tpu.memory_space<vmem>>, vector<16xi32>,
    %get3A_1558 = arith.constant 416 : index
    %get3A_1559 = tpu.vector_load %arg16[%get3A_1558] {strides = array<i32>} : memref<512xi32, #tpu.memory_space<vmem>>, vector<16xi32>,
    %get3A_1560 = vector.shape_cast %get3A_1559 : vector<16xi32> to vector<16xi32>
    %shift_right_logical3A_1561 = arith.constant 11 : i32
    %shift_right_logical3A_1562 = vector.broadcast %shift_right_logical3A_1561 : i32 to vector<16xi32>
    %shift_right_logical3A_1563 = arith.shrui %get3A_1560, %shift_right_logical3A_1562 : vector<16xi32>
    %and3A_1564 = arith.constant 2047 : i32
    %and3A_1565 = vector.broadcast %and3A_1564 : i32 to vector<16xi32>
    %and3A_1566 = arith.andi %get3A_1560, %and3A_1565 : vector<16xi32>
    %shift_right_logical3A_1567 = arith.constant 9 : i32
    %shift_right_logical3A_1568 = vector.broadcast %shift_right_logical3A_1567 : i32 to vector<16xi32>
    %shift_right_logical3A_1569 = arith.shrui %and3A_1566, %shift_right_logical3A_1568 : vector<16xi32>
    %and3A_1570 = arith.constant 511 : i32
    %and3A_1571 = vector.broadcast %and3A_1570 : i32 to vector<16xi32>
    %and3A_1572 = arith.andi %and3A_1566, %and3A_1571 : vector<16xi32>
    %shift_left3A_1573 = arith.constant 16 : i32
    %shift_left3A_1574 = vector.broadcast %shift_left3A_1573 : i32 to vector<16xi32>
    %shift_left3A_1575 = arith.shli %shift_right_logical3A_1563, %shift_left3A_1574 : vector<16xi32>
    %shift_left3A_1576 = arith.constant 7 : i32
    %shift_left3A_1577 = vector.broadcast %shift_left3A_1576 : i32 to vector<16xi32>
    %shift_left3A_1578 = arith.shli %and3A_1572, %shift_left3A_1577 : vector<16xi32>
    %add3A_1579 = arith.addi %shift_left3A_1575, %shift_left3A_1578 : vector<16xi32>
    %shift_left3A_1580 = arith.constant 5 : i32
    %shift_left3A_1581 = vector.broadcast %shift_left3A_1580 : i32 to vector<16xi32>
    %shift_left3A_1582 = arith.shli %shift_right_logical3A_1569, %shift_left3A_1581 : vector<16xi32>
    %add3A_1583 = arith.addi %add3A_1579, %shift_left3A_1582 : vector<16xi32>
    %swap3A_1584 = arith.constant 416 : index
    %swap3A_1585 = tpu.vector_load %arg18[%swap3A_1584] {strides = array<i32>} : memref<528xi32, #tpu.memory_space<vmem>>, vector<16xi32>,
    %swap3A_1586 = vector.shape_cast %swap3A_1585 : vector<16xi32> to vector<16xi32>
    %swap3A_1587 = vector.shape_cast %add3A_1583 : vector<16xi32> to vector<16xi32>
    tpu.vector_store %arg18[%swap3A_1584], %swap3A_1587 {strides = array<i32>} : memref<528xi32, #tpu.memory_space<vmem>>, vector<16xi32>,
    %get3A_1588 = arith.constant 416 : index
    %get3A_1589 = tpu.vector_load %arg17[%get3A_1588] {strides = array<i32>} : memref<512xi32, #tpu.memory_space<vmem>>, vector<16xi32>,
    %get3A_1590 = vector.shape_cast %get3A_1589 : vector<16xi32> to vector<16xi32>
    %shift_right_logical3A_1591 = arith.constant 11 : i32
    %shift_right_logical3A_1592 = vector.broadcast %shift_right_logical3A_1591 : i32 to vector<16xi32>
    %shift_right_logical3A_1593 = arith.shrui %get3A_1590, %shift_right_logical3A_1592 : vector<16xi32>
    %and3A_1594 = arith.constant 2047 : i32
    %and3A_1595 = vector.broadcast %and3A_1594 : i32 to vector<16xi32>
    %and3A_1596 = arith.andi %get3A_1590, %and3A_1595 : vector<16xi32>
    %shift_right_logical3A_1597 = arith.constant 9 : i32
    %shift_right_logical3A_1598 = vector.broadcast %shift_right_logical3A_1597 : i32 to vector<16xi32>
    %shift_right_logical3A_1599 = arith.shrui %and3A_1596, %shift_right_logical3A_1598 : vector<16xi32>
    %and3A_1600 = arith.constant 511 : i32
    %and3A_1601 = vector.broadcast %and3A_1600 : i32 to vector<16xi32>
    %and3A_1602 = arith.andi %and3A_1596, %and3A_1601 : vector<16xi32>
    %shift_left3A_1603 = arith.constant 16 : i32
    %shift_left3A_1604 = vector.broadcast %shift_left3A_1603 : i32 to vector<16xi32>
    %shift_left3A_1605 = arith.shli %shift_right_logical3A_1593, %shift_left3A_1604 : vector<16xi32>
    %shift_left3A_1606 = arith.constant 7 : i32
    %shift_left3A_1607 = vector.broadcast %shift_left3A_1606 : i32 to vector<16xi32>
    %shift_left3A_1608 = arith.shli %and3A_1602, %shift_left3A_1607 : vector<16xi32>
    %add3A_1609 = arith.addi %shift_left3A_1605, %shift_left3A_1608 : vector<16xi32>
    %shift_left3A_1610 = arith.constant 5 : i32
    %shift_left3A_1611 = vector.broadcast %shift_left3A_1610 : i32 to vector<16xi32>
    %shift_left3A_1612 = arith.shli %shift_right_logical3A_1599, %shift_left3A_1611 : vector<16xi32>
    %add3A_1613 = arith.addi %add3A_1609, %shift_left3A_1612 : vector<16xi32>
    %swap3A_1614 = arith.constant 416 : index
    %swap3A_1615 = tpu.vector_load %arg19[%swap3A_1614] {strides = array<i32>} : memref<528xi32, #tpu.memory_space<vmem>>, vector<16xi32>,
    %swap3A_1616 = vector.shape_cast %swap3A_1615 : vector<16xi32> to vector<16xi32>
    %swap3A_1617 = vector.shape_cast %add3A_1613 : vector<16xi32> to vector<16xi32>
    tpu.vector_store %arg19[%swap3A_1614], %swap3A_1617 {strides = array<i32>} : memref<528xi32, #tpu.memory_space<vmem>>, vector<16xi32>,
    %get3A_1618 = arith.constant 432 : index
    %get3A_1619 = tpu.vector_load %arg16[%get3A_1618] {strides = array<i32>} : memref<512xi32, #tpu.memory_space<vmem>>, vector<16xi32>,
    %get3A_1620 = vector.shape_cast %get3A_1619 : vector<16xi32> to vector<16xi32>
    %shift_right_logical3A_1621 = arith.constant 11 : i32
    %shift_right_logical3A_1622 = vector.broadcast %shift_right_logical3A_1621 : i32 to vector<16xi32>
    %shift_right_logical3A_1623 = arith.shrui %get3A_1620, %shift_right_logical3A_1622 : vector<16xi32>
    %and3A_1624 = arith.constant 2047 : i32
    %and3A_1625 = vector.broadcast %and3A_1624 : i32 to vector<16xi32>
    %and3A_1626 = arith.andi %get3A_1620, %and3A_1625 : vector<16xi32>
    %shift_right_logical3A_1627 = arith.constant 9 : i32
    %shift_right_logical3A_1628 = vector.broadcast %shift_right_logical3A_1627 : i32 to vector<16xi32>
    %shift_right_logical3A_1629 = arith.shrui %and3A_1626, %shift_right_logical3A_1628 : vector<16xi32>
    %and3A_1630 = arith.constant 511 : i32
    %and3A_1631 = vector.broadcast %and3A_1630 : i32 to vector<16xi32>
    %and3A_1632 = arith.andi %and3A_1626, %and3A_1631 : vector<16xi32>
    %shift_left3A_1633 = arith.constant 16 : i32
    %shift_left3A_1634 = vector.broadcast %shift_left3A_1633 : i32 to vector<16xi32>
    %shift_left3A_1635 = arith.shli %shift_right_logical3A_1623, %shift_left3A_1634 : vector<16xi32>
    %shift_left3A_1636 = arith.constant 7 : i32
    %shift_left3A_1637 = vector.broadcast %shift_left3A_1636 : i32 to vector<16xi32>
    %shift_left3A_1638 = arith.shli %and3A_1632, %shift_left3A_1637 : vector<16xi32>
    %add3A_1639 = arith.addi %shift_left3A_1635, %shift_left3A_1638 : vector<16xi32>
    %shift_left3A_1640 = arith.constant 5 : i32
    %shift_left3A_1641 = vector.broadcast %shift_left3A_1640 : i32 to vector<16xi32>
    %shift_left3A_1642 = arith.shli %shift_right_logical3A_1629, %shift_left3A_1641 : vector<16xi32>
    %add3A_1643 = arith.addi %add3A_1639, %shift_left3A_1642 : vector<16xi32>
    %swap3A_1644 = arith.constant 432 : index
    %swap3A_1645 = tpu.vector_load %arg18[%swap3A_1644] {strides = array<i32>} : memref<528xi32, #tpu.memory_space<vmem>>, vector<16xi32>,
    %swap3A_1646 = vector.shape_cast %swap3A_1645 : vector<16xi32> to vector<16xi32>
    %swap3A_1647 = vector.shape_cast %add3A_1643 : vector<16xi32> to vector<16xi32>
    tpu.vector_store %arg18[%swap3A_1644], %swap3A_1647 {strides = array<i32>} : memref<528xi32, #tpu.memory_space<vmem>>, vector<16xi32>,
    %get3A_1648 = arith.constant 432 : index
    %get3A_1649 = tpu.vector_load %arg17[%get3A_1648] {strides = array<i32>} : memref<512xi32, #tpu.memory_space<vmem>>, vector<16xi32>,
    %get3A_1650 = vector.shape_cast %get3A_1649 : vector<16xi32> to vector<16xi32>
    %shift_right_logical3A_1651 = arith.constant 11 : i32
    %shift_right_logical3A_1652 = vector.broadcast %shift_right_logical3A_1651 : i32 to vector<16xi32>
    %shift_right_logical3A_1653 = arith.shrui %get3A_1650, %shift_right_logical3A_1652 : vector<16xi32>
    %and3A_1654 = arith.constant 2047 : i32
    %and3A_1655 = vector.broadcast %and3A_1654 : i32 to vector<16xi32>
    %and3A_1656 = arith.andi %get3A_1650, %and3A_1655 : vector<16xi32>
    %shift_right_logical3A_1657 = arith.constant 9 : i32
    %shift_right_logical3A_1658 = vector.broadcast %shift_right_logical3A_1657 : i32 to vector<16xi32>
    %shift_right_logical3A_1659 = arith.shrui %and3A_1656, %shift_right_logical3A_1658 : vector<16xi32>
    %and3A_1660 = arith.constant 511 : i32
    %and3A_1661 = vector.broadcast %and3A_1660 : i32 to vector<16xi32>
    %and3A_1662 = arith.andi %and3A_1656, %and3A_1661 : vector<16xi32>
    %shift_left3A_1663 = arith.constant 16 : i32
    %shift_left3A_1664 = vector.broadcast %shift_left3A_1663 : i32 to vector<16xi32>
    %shift_left3A_1665 = arith.shli %shift_right_logical3A_1653, %shift_left3A_1664 : vector<16xi32>
    %shift_left3A_1666 = arith.constant 7 : i32
    %shift_left3A_1667 = vector.broadcast %shift_left3A_1666 : i32 to vector<16xi32>
    %shift_left3A_1668 = arith.shli %and3A_1662, %shift_left3A_1667 : vector<16xi32>
    %add3A_1669 = arith.addi %shift_left3A_1665, %shift_left3A_1668 : vector<16xi32>
    %shift_left3A_1670 = arith.constant 5 : i32
    %shift_left3A_1671 = vector.broadcast %shift_left3A_1670 : i32 to vector<16xi32>
    %shift_left3A_1672 = arith.shli %shift_right_logical3A_1659, %shift_left3A_1671 : vector<16xi32>
    %add3A_1673 = arith.addi %add3A_1669, %shift_left3A_1672 : vector<16xi32>
    %swap3A_1674 = arith.constant 432 : index
    %swap3A_1675 = tpu.vector_load %arg19[%swap3A_1674] {strides = array<i32>} : memref<528xi32, #tpu.memory_space<vmem>>, vector<16xi32>,
    %swap3A_1676 = vector.shape_cast %swap3A_1675 : vector<16xi32> to vector<16xi32>
    %swap3A_1677 = vector.shape_cast %add3A_1673 : vector<16xi32> to vector<16xi32>
    tpu.vector_store %arg19[%swap3A_1674], %swap3A_1677 {strides = array<i32>} : memref<528xi32, #tpu.memory_space<vmem>>, vector<16xi32>,
    %get3A_1678 = arith.constant 448 : index
    %get3A_1679 = tpu.vector_load %arg16[%get3A_1678] {strides = array<i32>} : memref<512xi32, #tpu.memory_space<vmem>>, vector<16xi32>,
    %get3A_1680 = vector.shape_cast %get3A_1679 : vector<16xi32> to vector<16xi32>
    %shift_right_logical3A_1681 = arith.constant 11 : i32
    %shift_right_logical3A_1682 = vector.broadcast %shift_right_logical3A_1681 : i32 to vector<16xi32>
    %shift_right_logical3A_1683 = arith.shrui %get3A_1680, %shift_right_logical3A_1682 : vector<16xi32>
    %and3A_1684 = arith.constant 2047 : i32
    %and3A_1685 = vector.broadcast %and3A_1684 : i32 to vector<16xi32>
    %and3A_1686 = arith.andi %get3A_1680, %and3A_1685 : vector<16xi32>
    %shift_right_logical3A_1687 = arith.constant 9 : i32
    %shift_right_logical3A_1688 = vector.broadcast %shift_right_logical3A_1687 : i32 to vector<16xi32>
    %shift_right_logical3A_1689 = arith.shrui %and3A_1686, %shift_right_logical3A_1688 : vector<16xi32>
    %and3A_1690 = arith.constant 511 : i32
    %and3A_1691 = vector.broadcast %and3A_1690 : i32 to vector<16xi32>
    %and3A_1692 = arith.andi %and3A_1686, %and3A_1691 : vector<16xi32>
    %shift_left3A_1693 = arith.constant 16 : i32
    %shift_left3A_1694 = vector.broadcast %shift_left3A_1693 : i32 to vector<16xi32>
    %shift_left3A_1695 = arith.shli %shift_right_logical3A_1683, %shift_left3A_1694 : vector<16xi32>
    %shift_left3A_1696 = arith.constant 7 : i32
    %shift_left3A_1697 = vector.broadcast %shift_left3A_1696 : i32 to vector<16xi32>
    %shift_left3A_1698 = arith.shli %and3A_1692, %shift_left3A_1697 : vector<16xi32>
    %add3A_1699 = arith.addi %shift_left3A_1695, %shift_left3A_1698 : vector<16xi32>
    %shift_left3A_1700 = arith.constant 5 : i32
    %shift_left3A_1701 = vector.broadcast %shift_left3A_1700 : i32 to vector<16xi32>
    %shift_left3A_1702 = arith.shli %shift_right_logical3A_1689, %shift_left3A_1701 : vector<16xi32>
    %add3A_1703 = arith.addi %add3A_1699, %shift_left3A_1702 : vector<16xi32>
    %swap3A_1704 = arith.constant 448 : index
    %swap3A_1705 = tpu.vector_load %arg18[%swap3A_1704] {strides = array<i32>} : memref<528xi32, #tpu.memory_space<vmem>>, vector<16xi32>,
    %swap3A_1706 = vector.shape_cast %swap3A_1705 : vector<16xi32> to vector<16xi32>
    %swap3A_1707 = vector.shape_cast %add3A_1703 : vector<16xi32> to vector<16xi32>
    tpu.vector_store %arg18[%swap3A_1704], %swap3A_1707 {strides = array<i32>} : memref<528xi32, #tpu.memory_space<vmem>>, vector<16xi32>,
    %get3A_1708 = arith.constant 448 : index
    %get3A_1709 = tpu.vector_load %arg17[%get3A_1708] {strides = array<i32>} : memref<512xi32, #tpu.memory_space<vmem>>, vector<16xi32>,
    %get3A_1710 = vector.shape_cast %get3A_1709 : vector<16xi32> to vector<16xi32>
    %shift_right_logical3A_1711 = arith.constant 11 : i32
    %shift_right_logical3A_1712 = vector.broadcast %shift_right_logical3A_1711 : i32 to vector<16xi32>
    %shift_right_logical3A_1713 = arith.shrui %get3A_1710, %shift_right_logical3A_1712 : vector<16xi32>
    %and3A_1714 = arith.constant 2047 : i32
    %and3A_1715 = vector.broadcast %and3A_1714 : i32 to vector<16xi32>
    %and3A_1716 = arith.andi %get3A_1710, %and3A_1715 : vector<16xi32>
    %shift_right_logical3A_1717 = arith.constant 9 : i32
    %shift_right_logical3A_1718 = vector.broadcast %shift_right_logical3A_1717 : i32 to vector<16xi32>
    %shift_right_logical3A_1719 = arith.shrui %and3A_1716, %shift_right_logical3A_1718 : vector<16xi32>
    %and3A_1720 = arith.constant 511 : i32
    %and3A_1721 = vector.broadcast %and3A_1720 : i32 to vector<16xi32>
    %and3A_1722 = arith.andi %and3A_1716, %and3A_1721 : vector<16xi32>
    %shift_left3A_1723 = arith.constant 16 : i32
    %shift_left3A_1724 = vector.broadcast %shift_left3A_1723 : i32 to vector<16xi32>
    %shift_left3A_1725 = arith.shli %shift_right_logical3A_1713, %shift_left3A_1724 : vector<16xi32>
    %shift_left3A_1726 = arith.constant 7 : i32
    %shift_left3A_1727 = vector.broadcast %shift_left3A_1726 : i32 to vector<16xi32>
    %shift_left3A_1728 = arith.shli %and3A_1722, %shift_left3A_1727 : vector<16xi32>
    %add3A_1729 = arith.addi %shift_left3A_1725, %shift_left3A_1728 : vector<16xi32>
    %shift_left3A_1730 = arith.constant 5 : i32
    %shift_left3A_1731 = vector.broadcast %shift_left3A_1730 : i32 to vector<16xi32>
    %shift_left3A_1732 = arith.shli %shift_right_logical3A_1719, %shift_left3A_1731 : vector<16xi32>
    %add3A_1733 = arith.addi %add3A_1729, %shift_left3A_1732 : vector<16xi32>
    %swap3A_1734 = arith.constant 448 : index
    %swap3A_1735 = tpu.vector_load %arg19[%swap3A_1734] {strides = array<i32>} : memref<528xi32, #tpu.memory_space<vmem>>, vector<16xi32>,
    %swap3A_1736 = vector.shape_cast %swap3A_1735 : vector<16xi32> to vector<16xi32>
    %swap3A_1737 = vector.shape_cast %add3A_1733 : vector<16xi32> to vector<16xi32>
    tpu.vector_store %arg19[%swap3A_1734], %swap3A_1737 {strides = array<i32>} : memref<528xi32, #tpu.memory_space<vmem>>, vector<16xi32>,
    %get3A_1738 = arith.constant 464 : index
    %get3A_1739 = tpu.vector_load %arg16[%get3A_1738] {strides = array<i32>} : memref<512xi32, #tpu.memory_space<vmem>>, vector<16xi32>,
    %get3A_1740 = vector.shape_cast %get3A_1739 : vector<16xi32> to vector<16xi32>
    %shift_right_logical3A_1741 = arith.constant 11 : i32
    %shift_right_logical3A_1742 = vector.broadcast %shift_right_logical3A_1741 : i32 to vector<16xi32>
    %shift_right_logical3A_1743 = arith.shrui %get3A_1740, %shift_right_logical3A_1742 : vector<16xi32>
    %and3A_1744 = arith.constant 2047 : i32
    %and3A_1745 = vector.broadcast %and3A_1744 : i32 to vector<16xi32>
    %and3A_1746 = arith.andi %get3A_1740, %and3A_1745 : vector<16xi32>
    %shift_right_logical3A_1747 = arith.constant 9 : i32
    %shift_right_logical3A_1748 = vector.broadcast %shift_right_logical3A_1747 : i32 to vector<16xi32>
    %shift_right_logical3A_1749 = arith.shrui %and3A_1746, %shift_right_logical3A_1748 : vector<16xi32>
    %and3A_1750 = arith.constant 511 : i32
    %and3A_1751 = vector.broadcast %and3A_1750 : i32 to vector<16xi32>
    %and3A_1752 = arith.andi %and3A_1746, %and3A_1751 : vector<16xi32>
    %shift_left3A_1753 = arith.constant 16 : i32
    %shift_left3A_1754 = vector.broadcast %shift_left3A_1753 : i32 to vector<16xi32>
    %shift_left3A_1755 = arith.shli %shift_right_logical3A_1743, %shift_left3A_1754 : vector<16xi32>
    %shift_left3A_1756 = arith.constant 7 : i32
    %shift_left3A_1757 = vector.broadcast %shift_left3A_1756 : i32 to vector<16xi32>
    %shift_left3A_1758 = arith.shli %and3A_1752, %shift_left3A_1757 : vector<16xi32>
    %add3A_1759 = arith.addi %shift_left3A_1755, %shift_left3A_1758 : vector<16xi32>
    %shift_left3A_1760 = arith.constant 5 : i32
    %shift_left3A_1761 = vector.broadcast %shift_left3A_1760 : i32 to vector<16xi32>
    %shift_left3A_1762 = arith.shli %shift_right_logical3A_1749, %shift_left3A_1761 : vector<16xi32>
    %add3A_1763 = arith.addi %add3A_1759, %shift_left3A_1762 : vector<16xi32>
    %swap3A_1764 = arith.constant 464 : index
    %swap3A_1765 = tpu.vector_load %arg18[%swap3A_1764] {strides = array<i32>} : memref<528xi32, #tpu.memory_space<vmem>>, vector<16xi32>,
    %swap3A_1766 = vector.shape_cast %swap3A_1765 : vector<16xi32> to vector<16xi32>
    %swap3A_1767 = vector.shape_cast %add3A_1763 : vector<16xi32> to vector<16xi32>
    tpu.vector_store %arg18[%swap3A_1764], %swap3A_1767 {strides = array<i32>} : memref<528xi32, #tpu.memory_space<vmem>>, vector<16xi32>,
    %get3A_1768 = arith.constant 464 : index
    %get3A_1769 = tpu.vector_load %arg17[%get3A_1768] {strides = array<i32>} : memref<512xi32, #tpu.memory_space<vmem>>, vector<16xi32>,
    %get3A_1770 = vector.shape_cast %get3A_1769 : vector<16xi32> to vector<16xi32>
    %shift_right_logical3A_1771 = arith.constant 11 : i32
    %shift_right_logical3A_1772 = vector.broadcast %shift_right_logical3A_1771 : i32 to vector<16xi32>
    %shift_right_logical3A_1773 = arith.shrui %get3A_1770, %shift_right_logical3A_1772 : vector<16xi32>
    %and3A_1774 = arith.constant 2047 : i32
    %and3A_1775 = vector.broadcast %and3A_1774 : i32 to vector<16xi32>
    %and3A_1776 = arith.andi %get3A_1770, %and3A_1775 : vector<16xi32>
    %shift_right_logical3A_1777 = arith.constant 9 : i32
    %shift_right_logical3A_1778 = vector.broadcast %shift_right_logical3A_1777 : i32 to vector<16xi32>
    %shift_right_logical3A_1779 = arith.shrui %and3A_1776, %shift_right_logical3A_1778 : vector<16xi32>
    %and3A_1780 = arith.constant 511 : i32
    %and3A_1781 = vector.broadcast %and3A_1780 : i32 to vector<16xi32>
    %and3A_1782 = arith.andi %and3A_1776, %and3A_1781 : vector<16xi32>
    %shift_left3A_1783 = arith.constant 16 : i32
    %shift_left3A_1784 = vector.broadcast %shift_left3A_1783 : i32 to vector<16xi32>
    %shift_left3A_1785 = arith.shli %shift_right_logical3A_1773, %shift_left3A_1784 : vector<16xi32>
    %shift_left3A_1786 = arith.constant 7 : i32
    %shift_left3A_1787 = vector.broadcast %shift_left3A_1786 : i32 to vector<16xi32>
    %shift_left3A_1788 = arith.shli %and3A_1782, %shift_left3A_1787 : vector<16xi32>
    %add3A_1789 = arith.addi %shift_left3A_1785, %shift_left3A_1788 : vector<16xi32>
    %shift_left3A_1790 = arith.constant 5 : i32
    %shift_left3A_1791 = vector.broadcast %shift_left3A_1790 : i32 to vector<16xi32>
    %shift_left3A_1792 = arith.shli %shift_right_logical3A_1779, %shift_left3A_1791 : vector<16xi32>
    %add3A_1793 = arith.addi %add3A_1789, %shift_left3A_1792 : vector<16xi32>
    %swap3A_1794 = arith.constant 464 : index
    %swap3A_1795 = tpu.vector_load %arg19[%swap3A_1794] {strides = array<i32>} : memref<528xi32, #tpu.memory_space<vmem>>, vector<16xi32>,
    %swap3A_1796 = vector.shape_cast %swap3A_1795 : vector<16xi32> to vector<16xi32>
    %swap3A_1797 = vector.shape_cast %add3A_1793 : vector<16xi32> to vector<16xi32>
    tpu.vector_store %arg19[%swap3A_1794], %swap3A_1797 {strides = array<i32>} : memref<528xi32, #tpu.memory_space<vmem>>, vector<16xi32>,
    %get3A_1798 = arith.constant 480 : index
    %get3A_1799 = tpu.vector_load %arg16[%get3A_1798] {strides = array<i32>} : memref<512xi32, #tpu.memory_space<vmem>>, vector<16xi32>,
    %get3A_1800 = vector.shape_cast %get3A_1799 : vector<16xi32> to vector<16xi32>
    %shift_right_logical3A_1801 = arith.constant 11 : i32
    %shift_right_logical3A_1802 = vector.broadcast %shift_right_logical3A_1801 : i32 to vector<16xi32>
    %shift_right_logical3A_1803 = arith.shrui %get3A_1800, %shift_right_logical3A_1802 : vector<16xi32>
    %and3A_1804 = arith.constant 2047 : i32
    %and3A_1805 = vector.broadcast %and3A_1804 : i32 to vector<16xi32>
    %and3A_1806 = arith.andi %get3A_1800, %and3A_1805 : vector<16xi32>
    %shift_right_logical3A_1807 = arith.constant 9 : i32
    %shift_right_logical3A_1808 = vector.broadcast %shift_right_logical3A_1807 : i32 to vector<16xi32>
    %shift_right_logical3A_1809 = arith.shrui %and3A_1806, %shift_right_logical3A_1808 : vector<16xi32>
    %and3A_1810 = arith.constant 511 : i32
    %and3A_1811 = vector.broadcast %and3A_1810 : i32 to vector<16xi32>
    %and3A_1812 = arith.andi %and3A_1806, %and3A_1811 : vector<16xi32>
    %shift_left3A_1813 = arith.constant 16 : i32
    %shift_left3A_1814 = vector.broadcast %shift_left3A_1813 : i32 to vector<16xi32>
    %shift_left3A_1815 = arith.shli %shift_right_logical3A_1803, %shift_left3A_1814 : vector<16xi32>
    %shift_left3A_1816 = arith.constant 7 : i32
    %shift_left3A_1817 = vector.broadcast %shift_left3A_1816 : i32 to vector<16xi32>
    %shift_left3A_1818 = arith.shli %and3A_1812, %shift_left3A_1817 : vector<16xi32>
    %add3A_1819 = arith.addi %shift_left3A_1815, %shift_left3A_1818 : vector<16xi32>
    %shift_left3A_1820 = arith.constant 5 : i32
    %shift_left3A_1821 = vector.broadcast %shift_left3A_1820 : i32 to vector<16xi32>
    %shift_left3A_1822 = arith.shli %shift_right_logical3A_1809, %shift_left3A_1821 : vector<16xi32>
    %add3A_1823 = arith.addi %add3A_1819, %shift_left3A_1822 : vector<16xi32>
    %swap3A_1824 = arith.constant 480 : index
    %swap3A_1825 = tpu.vector_load %arg18[%swap3A_1824] {strides = array<i32>} : memref<528xi32, #tpu.memory_space<vmem>>, vector<16xi32>,
    %swap3A_1826 = vector.shape_cast %swap3A_1825 : vector<16xi32> to vector<16xi32>
    %swap3A_1827 = vector.shape_cast %add3A_1823 : vector<16xi32> to vector<16xi32>
    tpu.vector_store %arg18[%swap3A_1824], %swap3A_1827 {strides = array<i32>} : memref<528xi32, #tpu.memory_space<vmem>>, vector<16xi32>,
    %get3A_1828 = arith.constant 480 : index
    %get3A_1829 = tpu.vector_load %arg17[%get3A_1828] {strides = array<i32>} : memref<512xi32, #tpu.memory_space<vmem>>, vector<16xi32>,
    %get3A_1830 = vector.shape_cast %get3A_1829 : vector<16xi32> to vector<16xi32>
    %shift_right_logical3A_1831 = arith.constant 11 : i32
    %shift_right_logical3A_1832 = vector.broadcast %shift_right_logical3A_1831 : i32 to vector<16xi32>
    %shift_right_logical3A_1833 = arith.shrui %get3A_1830, %shift_right_logical3A_1832 : vector<16xi32>
    %and3A_1834 = arith.constant 2047 : i32
    %and3A_1835 = vector.broadcast %and3A_1834 : i32 to vector<16xi32>
    %and3A_1836 = arith.andi %get3A_1830, %and3A_1835 : vector<16xi32>
    %shift_right_logical3A_1837 = arith.constant 9 : i32
    %shift_right_logical3A_1838 = vector.broadcast %shift_right_logical3A_1837 : i32 to vector<16xi32>
    %shift_right_logical3A_1839 = arith.shrui %and3A_1836, %shift_right_logical3A_1838 : vector<16xi32>
    %and3A_1840 = arith.constant 511 : i32
    %and3A_1841 = vector.broadcast %and3A_1840 : i32 to vector<16xi32>
    %and3A_1842 = arith.andi %and3A_1836, %and3A_1841 : vector<16xi32>
    %shift_left3A_1843 = arith.constant 16 : i32
    %shift_left3A_1844 = vector.broadcast %shift_left3A_1843 : i32 to vector<16xi32>
    %shift_left3A_1845 = arith.shli %shift_right_logical3A_1833, %shift_left3A_1844 : vector<16xi32>
    %shift_left3A_1846 = arith.constant 7 : i32
    %shift_left3A_1847 = vector.broadcast %shift_left3A_1846 : i32 to vector<16xi32>
    %shift_left3A_1848 = arith.shli %and3A_1842, %shift_left3A_1847 : vector<16xi32>
    %add3A_1849 = arith.addi %shift_left3A_1845, %shift_left3A_1848 : vector<16xi32>
    %shift_left3A_1850 = arith.constant 5 : i32
    %shift_left3A_1851 = vector.broadcast %shift_left3A_1850 : i32 to vector<16xi32>
    %shift_left3A_1852 = arith.shli %shift_right_logical3A_1839, %shift_left3A_1851 : vector<16xi32>
    %add3A_1853 = arith.addi %add3A_1849, %shift_left3A_1852 : vector<16xi32>
    %swap3A_1854 = arith.constant 480 : index
    %swap3A_1855 = tpu.vector_load %arg19[%swap3A_1854] {strides = array<i32>} : memref<528xi32, #tpu.memory_space<vmem>>, vector<16xi32>,
    %swap3A_1856 = vector.shape_cast %swap3A_1855 : vector<16xi32> to vector<16xi32>
    %swap3A_1857 = vector.shape_cast %add3A_1853 : vector<16xi32> to vector<16xi32>
    tpu.vector_store %arg19[%swap3A_1854], %swap3A_1857 {strides = array<i32>} : memref<528xi32, #tpu.memory_space<vmem>>, vector<16xi32>,
    %get3A_1858 = arith.constant 496 : index
    %get3A_1859 = tpu.vector_load %arg16[%get3A_1858] {strides = array<i32>} : memref<512xi32, #tpu.memory_space<vmem>>, vector<16xi32>,
    %get3A_1860 = vector.shape_cast %get3A_1859 : vector<16xi32> to vector<16xi32>
    %shift_right_logical3A_1861 = arith.constant 11 : i32
    %shift_right_logical3A_1862 = vector.broadcast %shift_right_logical3A_1861 : i32 to vector<16xi32>
    %shift_right_logical3A_1863 = arith.shrui %get3A_1860, %shift_right_logical3A_1862 : vector<16xi32>
    %and3A_1864 = arith.constant 2047 : i32
    %and3A_1865 = vector.broadcast %and3A_1864 : i32 to vector<16xi32>
    %and3A_1866 = arith.andi %get3A_1860, %and3A_1865 : vector<16xi32>
    %shift_right_logical3A_1867 = arith.constant 9 : i32
    %shift_right_logical3A_1868 = vector.broadcast %shift_right_logical3A_1867 : i32 to vector<16xi32>
    %shift_right_logical3A_1869 = arith.shrui %and3A_1866, %shift_right_logical3A_1868 : vector<16xi32>
    %and3A_1870 = arith.constant 511 : i32
    %and3A_1871 = vector.broadcast %and3A_1870 : i32 to vector<16xi32>
    %and3A_1872 = arith.andi %and3A_1866, %and3A_1871 : vector<16xi32>
    %shift_left3A_1873 = arith.constant 16 : i32
    %shift_left3A_1874 = vector.broadcast %shift_left3A_1873 : i32 to vector<16xi32>
    %shift_left3A_1875 = arith.shli %shift_right_logical3A_1863, %shift_left3A_1874 : vector<16xi32>
    %shift_left3A_1876 = arith.constant 7 : i32
    %shift_left3A_1877 = vector.broadcast %shift_left3A_1876 : i32 to vector<16xi32>
    %shift_left3A_1878 = arith.shli %and3A_1872, %shift_left3A_1877 : vector<16xi32>
    %add3A_1879 = arith.addi %shift_left3A_1875, %shift_left3A_1878 : vector<16xi32>
    %shift_left3A_1880 = arith.constant 5 : i32
    %shift_left3A_1881 = vector.broadcast %shift_left3A_1880 : i32 to vector<16xi32>
    %shift_left3A_1882 = arith.shli %shift_right_logical3A_1869, %shift_left3A_1881 : vector<16xi32>
    %add3A_1883 = arith.addi %add3A_1879, %shift_left3A_1882 : vector<16xi32>
    %swap3A_1884 = arith.constant 496 : index
    %swap3A_1885 = tpu.vector_load %arg18[%swap3A_1884] {strides = array<i32>} : memref<528xi32, #tpu.memory_space<vmem>>, vector<16xi32>,
    %swap3A_1886 = vector.shape_cast %swap3A_1885 : vector<16xi32> to vector<16xi32>
    %swap3A_1887 = vector.shape_cast %add3A_1883 : vector<16xi32> to vector<16xi32>
    tpu.vector_store %arg18[%swap3A_1884], %swap3A_1887 {strides = array<i32>} : memref<528xi32, #tpu.memory_space<vmem>>, vector<16xi32>,
    %get3A_1888 = arith.constant 496 : index
    %get3A_1889 = tpu.vector_load %arg17[%get3A_1888] {strides = array<i32>} : memref<512xi32, #tpu.memory_space<vmem>>, vector<16xi32>,
    %get3A_1890 = vector.shape_cast %get3A_1889 : vector<16xi32> to vector<16xi32>
    %shift_right_logical3A_1891 = arith.constant 11 : i32
    %shift_right_logical3A_1892 = vector.broadcast %shift_right_logical3A_1891 : i32 to vector<16xi32>
    %shift_right_logical3A_1893 = arith.shrui %get3A_1890, %shift_right_logical3A_1892 : vector<16xi32>
    %and3A_1894 = arith.constant 2047 : i32
    %and3A_1895 = vector.broadcast %and3A_1894 : i32 to vector<16xi32>
    %and3A_1896 = arith.andi %get3A_1890, %and3A_1895 : vector<16xi32>
    %shift_right_logical3A_1897 = arith.constant 9 : i32
    %shift_right_logical3A_1898 = vector.broadcast %shift_right_logical3A_1897 : i32 to vector<16xi32>
    %shift_right_logical3A_1899 = arith.shrui %and3A_1896, %shift_right_logical3A_1898 : vector<16xi32>
    %and3A_1900 = arith.constant 511 : i32
    %and3A_1901 = vector.broadcast %and3A_1900 : i32 to vector<16xi32>
    %and3A_1902 = arith.andi %and3A_1896, %and3A_1901 : vector<16xi32>
    %shift_left3A_1903 = arith.constant 16 : i32
    %shift_left3A_1904 = vector.broadcast %shift_left3A_1903 : i32 to vector<16xi32>
    %shift_left3A_1905 = arith.shli %shift_right_logical3A_1893, %shift_left3A_1904 : vector<16xi32>
    %shift_left3A_1906 = arith.constant 7 : i32
    %shift_left3A_1907 = vector.broadcast %shift_left3A_1906 : i32 to vector<16xi32>
    %shift_left3A_1908 = arith.shli %and3A_1902, %shift_left3A_1907 : vector<16xi32>
    %add3A_1909 = arith.addi %shift_left3A_1905, %shift_left3A_1908 : vector<16xi32>
    %shift_left3A_1910 = arith.constant 5 : i32
    %shift_left3A_1911 = vector.broadcast %shift_left3A_1910 : i32 to vector<16xi32>
    %shift_left3A_1912 = arith.shli %shift_right_logical3A_1899, %shift_left3A_1911 : vector<16xi32>
    %add3A_1913 = arith.addi %add3A_1909, %shift_left3A_1912 : vector<16xi32>
    %swap3A_1914 = arith.constant 496 : index
    %swap3A_1915 = tpu.vector_load %arg19[%swap3A_1914] {strides = array<i32>} : memref<528xi32, #tpu.memory_space<vmem>>, vector<16xi32>,
    %swap3A_1916 = vector.shape_cast %swap3A_1915 : vector<16xi32> to vector<16xi32>
    %swap3A_1917 = vector.shape_cast %add3A_1913 : vector<16xi32> to vector<16xi32>
    tpu.vector_store %arg19[%swap3A_1914], %swap3A_1917 {strides = array<i32>} : memref<528xi32, #tpu.memory_space<vmem>>, vector<16xi32>,
    %dma_start3A = arith.constant 0 : i32
    %dma_start3A_1918 = tpu.memref_slice %arg24[%dma_start3A] : memref<512xf32, #tpu.memory_space<vmem>> -> memref<128xf32, #tpu.memory_space<vmem>>
    %dma_start3A_1919 = arith.constant 0 : i32
    %dma_start3A_1920 = tpu.memref_slice %arg16[%dma_start3A_1919] : memref<512xi32, #tpu.memory_space<vmem>> -> memref<128xi32, #tpu.memory_space<vmem>>
    %dma_start3A_1921 = arith.constant 0 : i32
    %dma_start3A_1922 = tpu.memref_slice %arg8[%dma_start3A_1921] : memref<100000xf32, #tpu.memory_space<hbm>> -> memref<100000xf32, #tpu.memory_space<hbm>>
    tpu.enqueue_indirect_dma source(%dma_start3A_1922 : memref<100000xf32, #tpu.memory_space<hbm>>) target(%dma_start3A_1918 : memref<128xf32, #tpu.memory_space<vmem>>) offsets(%dma_start3A_1920 : memref<128xi32, #tpu.memory_space<vmem>>) semaphore(%arg28 : memref<!tpu.dma_semaphore, #tpu.memory_space<semaphore_mem>>)
    %dma_start3A_1923 = arith.constant 0 : i32
    %dma_start3A_1924 = tpu.memref_slice %arg25[%dma_start3A_1923] : memref<512xf32, #tpu.memory_space<vmem>> -> memref<128xf32, #tpu.memory_space<vmem>>
    %dma_start3A_1925 = arith.constant 0 : i32
    %dma_start3A_1926 = tpu.memref_slice %arg17[%dma_start3A_1925] : memref<512xi32, #tpu.memory_space<vmem>> -> memref<128xi32, #tpu.memory_space<vmem>>
    %dma_start3A_1927 = arith.constant 0 : i32
    %dma_start3A_1928 = tpu.memref_slice %arg9[%dma_start3A_1927] : memref<100000xf32, #tpu.memory_space<hbm>> -> memref<100000xf32, #tpu.memory_space<hbm>>
    tpu.enqueue_indirect_dma source(%dma_start3A_1928 : memref<100000xf32, #tpu.memory_space<hbm>>) target(%dma_start3A_1924 : memref<128xf32, #tpu.memory_space<vmem>>) offsets(%dma_start3A_1926 : memref<128xi32, #tpu.memory_space<vmem>>) semaphore(%arg28 : memref<!tpu.dma_semaphore, #tpu.memory_space<semaphore_mem>>)
    %dma_start3A_1929 = arith.constant 128 : i32
    %dma_start3A_1930 = tpu.memref_slice %arg24[%dma_start3A_1929] : memref<512xf32, #tpu.memory_space<vmem>> -> memref<128xf32, #tpu.memory_space<vmem>>
    %dma_start3A_1931 = arith.constant 128 : i32
    %dma_start3A_1932 = tpu.memref_slice %arg16[%dma_start3A_1931] : memref<512xi32, #tpu.memory_space<vmem>> -> memref<128xi32, #tpu.memory_space<vmem>>
    %dma_start3A_1933 = arith.constant 0 : i32
    %dma_start3A_1934 = tpu.memref_slice %arg8[%dma_start3A_1933] : memref<100000xf32, #tpu.memory_space<hbm>> -> memref<100000xf32, #tpu.memory_space<hbm>>
    tpu.enqueue_indirect_dma source(%dma_start3A_1934 : memref<100000xf32, #tpu.memory_space<hbm>>) target(%dma_start3A_1930 : memref<128xf32, #tpu.memory_space<vmem>>) offsets(%dma_start3A_1932 : memref<128xi32, #tpu.memory_space<vmem>>) semaphore(%arg28 : memref<!tpu.dma_semaphore, #tpu.memory_space<semaphore_mem>>)
    %dma_start3A_1935 = arith.constant 128 : i32
    %dma_start3A_1936 = tpu.memref_slice %arg25[%dma_start3A_1935] : memref<512xf32, #tpu.memory_space<vmem>> -> memref<128xf32, #tpu.memory_space<vmem>>
    %dma_start3A_1937 = arith.constant 128 : i32
    %dma_start3A_1938 = tpu.memref_slice %arg17[%dma_start3A_1937] : memref<512xi32, #tpu.memory_space<vmem>> -> memref<128xi32, #tpu.memory_space<vmem>>
    %dma_start3A_1939 = arith.constant 0 : i32
    %dma_start3A_1940 = tpu.memref_slice %arg9[%dma_start3A_1939] : memref<100000xf32, #tpu.memory_space<hbm>> -> memref<100000xf32, #tpu.memory_space<hbm>>
    tpu.enqueue_indirect_dma source(%dma_start3A_1940 : memref<100000xf32, #tpu.memory_space<hbm>>) target(%dma_start3A_1936 : memref<128xf32, #tpu.memory_space<vmem>>) offsets(%dma_start3A_1938 : memref<128xi32, #tpu.memory_space<vmem>>) semaphore(%arg28 : memref<!tpu.dma_semaphore, #tpu.memory_space<semaphore_mem>>)
    %dma_start3A_1941 = arith.constant 256 : i32
    %dma_start3A_1942 = tpu.memref_slice %arg24[%dma_start3A_1941] : memref<512xf32, #tpu.memory_space<vmem>> -> memref<128xf32, #tpu.memory_space<vmem>>
    %dma_start3A_1943 = arith.constant 256 : i32
    %dma_start3A_1944 = tpu.memref_slice %arg16[%dma_start3A_1943] : memref<512xi32, #tpu.memory_space<vmem>> -> memref<128xi32, #tpu.memory_space<vmem>>
    %dma_start3A_1945 = arith.constant 0 : i32
    %dma_start3A_1946 = tpu.memref_slice %arg8[%dma_start3A_1945] : memref<100000xf32, #tpu.memory_space<hbm>> -> memref<100000xf32, #tpu.memory_space<hbm>>
    tpu.enqueue_indirect_dma source(%dma_start3A_1946 : memref<100000xf32, #tpu.memory_space<hbm>>) target(%dma_start3A_1942 : memref<128xf32, #tpu.memory_space<vmem>>) offsets(%dma_start3A_1944 : memref<128xi32, #tpu.memory_space<vmem>>) semaphore(%arg28 : memref<!tpu.dma_semaphore, #tpu.memory_space<semaphore_mem>>)
    %dma_start3A_1947 = arith.constant 256 : i32
    %dma_start3A_1948 = tpu.memref_slice %arg25[%dma_start3A_1947] : memref<512xf32, #tpu.memory_space<vmem>> -> memref<128xf32, #tpu.memory_space<vmem>>
    %dma_start3A_1949 = arith.constant 256 : i32
    %dma_start3A_1950 = tpu.memref_slice %arg17[%dma_start3A_1949] : memref<512xi32, #tpu.memory_space<vmem>> -> memref<128xi32, #tpu.memory_space<vmem>>
    %dma_start3A_1951 = arith.constant 0 : i32
    %dma_start3A_1952 = tpu.memref_slice %arg9[%dma_start3A_1951] : memref<100000xf32, #tpu.memory_space<hbm>> -> memref<100000xf32, #tpu.memory_space<hbm>>
    tpu.enqueue_indirect_dma source(%dma_start3A_1952 : memref<100000xf32, #tpu.memory_space<hbm>>) target(%dma_start3A_1948 : memref<128xf32, #tpu.memory_space<vmem>>) offsets(%dma_start3A_1950 : memref<128xi32, #tpu.memory_space<vmem>>) semaphore(%arg28 : memref<!tpu.dma_semaphore, #tpu.memory_space<semaphore_mem>>)
    %dma_start3A_1953 = arith.constant 384 : i32
    %dma_start3A_1954 = tpu.memref_slice %arg24[%dma_start3A_1953] : memref<512xf32, #tpu.memory_space<vmem>> -> memref<128xf32, #tpu.memory_space<vmem>>
    %dma_start3A_1955 = arith.constant 384 : i32
    %dma_start3A_1956 = tpu.memref_slice %arg16[%dma_start3A_1955] : memref<512xi32, #tpu.memory_space<vmem>> -> memref<128xi32, #tpu.memory_space<vmem>>
    %dma_start3A_1957 = arith.constant 0 : i32
    %dma_start3A_1958 = tpu.memref_slice %arg8[%dma_start3A_1957] : memref<100000xf32, #tpu.memory_space<hbm>> -> memref<100000xf32, #tpu.memory_space<hbm>>
    tpu.enqueue_indirect_dma source(%dma_start3A_1958 : memref<100000xf32, #tpu.memory_space<hbm>>) target(%dma_start3A_1954 : memref<128xf32, #tpu.memory_space<vmem>>) offsets(%dma_start3A_1956 : memref<128xi32, #tpu.memory_space<vmem>>) semaphore(%arg28 : memref<!tpu.dma_semaphore, #tpu.memory_space<semaphore_mem>>)
    %dma_start3A_1959 = arith.constant 384 : i32
    %dma_start3A_1960 = tpu.memref_slice %arg25[%dma_start3A_1959] : memref<512xf32, #tpu.memory_space<vmem>> -> memref<128xf32, #tpu.memory_space<vmem>>
    %dma_start3A_1961 = arith.constant 384 : i32
    %dma_start3A_1962 = tpu.memref_slice %arg17[%dma_start3A_1961] : memref<512xi32, #tpu.memory_space<vmem>> -> memref<128xi32, #tpu.memory_space<vmem>>
    %dma_start3A_1963 = arith.constant 0 : i32
    %dma_start3A_1964 = tpu.memref_slice %arg9[%dma_start3A_1963] : memref<100000xf32, #tpu.memory_space<hbm>> -> memref<100000xf32, #tpu.memory_space<hbm>>
    tpu.enqueue_indirect_dma source(%dma_start3A_1964 : memref<100000xf32, #tpu.memory_space<hbm>>) target(%dma_start3A_1960 : memref<128xf32, #tpu.memory_space<vmem>>) offsets(%dma_start3A_1962 : memref<128xi32, #tpu.memory_space<vmem>>) semaphore(%arg28 : memref<!tpu.dma_semaphore, #tpu.memory_space<semaphore_mem>>)
    %scan3A = arith.constant 0 : i32
    %scan3A_1965 = arith.constant 0 : i32
    %scan3A_1966 = arith.constant 128 : i32
    %scan3A_1967 = arith.addi %scan3A_1965, %scan3A_1966 : i32
    %scan3A_1968 = arith.constant 1 : i32
    scf.for %scan3A_2523 = %scan3A_1965 to %scan3A_1967 step %scan3A_1968  : i32 {
      %add3A_2524 = arith.constant 0 : i32
      %add3A_2525 = arith.addi %add3A_2524, %scan3A_2523 : i32
      %get3A_2526 = arith.index_cast %add3A_2525 : i32 to index
      %get3A_2527 = tpu.vector_load %arg18[%get3A_2526] {strides = array<i32>} : memref<528xi32, #tpu.memory_space<vmem>>, vector<16xi32>,
      %get3A_2528 = vector.shape_cast %get3A_2527 : vector<16xi32> to vector<16xi32>
      %slice3A = vector.extract_strided_slice %get3A_2528 {offsets = [0], sizes = [1], strides = [1]} : vector<16xi32> to vector<1xi32>
      %squeeze3A = vector.extract %slice3A[0] : i32 from vector<1xi32>
      %multiple_of3A = tpu.assume_multiple %squeeze3A, 32 : i32
      %get3A_2529 = arith.index_cast %add3A_2525 : i32 to index
      %get3A_2530 = tpu.vector_load %arg19[%get3A_2529] {strides = array<i32>} : memref<528xi32, #tpu.memory_space<vmem>>, vector<16xi32>,
      %get3A_2531 = vector.shape_cast %get3A_2530 : vector<16xi32> to vector<16xi32>
      %slice3A_2532 = vector.extract_strided_slice %get3A_2531 {offsets = [0], sizes = [1], strides = [1]} : vector<16xi32> to vector<1xi32>
      %squeeze3A_2533 = vector.extract %slice3A_2532[0] : i32 from vector<1xi32>
      %multiple_of3A_2534 = tpu.assume_multiple %squeeze3A_2533, 32 : i32
      %mul3A_2535 = arith.constant 32 : i32
      %mul3A_2536 = arith.muli %scan3A_2523, %mul3A_2535 : i32
      %dma_start3A_2537 = arith.constant 0 : i32
      %dma_start3A_2538 = tpu.memref_slice %arg20[%dma_start3A_2537, %mul3A_2536] : memref<2x4096xf32, #tpu.memory_space<vmem>> -> memref<1x32xf32, #tpu.memory_space<vmem>>
      %dma_start3A_2539 = tpu.memref_squeeze %dma_start3A_2538 : memref<1x32xf32, #tpu.memory_space<vmem>> -> memref<32xf32, #tpu.memory_space<vmem>>
      %dma_start3A_2540 = tpu.memref_slice %arg4[%multiple_of3A] : memref<3211264xf32, #tpu.memory_space<hbm>> -> memref<32xf32, #tpu.memory_space<hbm>>
      %dma_start3A_2541 = tpu.memref_slice %arg20[%dma_start3A_2537, %mul3A_2536] : memref<2x4096xf32, #tpu.memory_space<vmem>> -> memref<1x32xf32, #tpu.memory_space<vmem>>
      %dma_start3A_2542 = tpu.memref_squeeze %dma_start3A_2541 : memref<1x32xf32, #tpu.memory_space<vmem>> -> memref<32xf32, #tpu.memory_space<vmem>>
      %dma_start3A_2543 = tpu.memref_slice %arg4[%multiple_of3A] : memref<3211264xf32, #tpu.memory_space<hbm>> -> memref<32xf32, #tpu.memory_space<hbm>>
      tpu.enqueue_dma source(%dma_start3A_2543 : memref<32xf32, #tpu.memory_space<hbm>>) target(%dma_start3A_2542 : memref<32xf32, #tpu.memory_space<vmem>>) target_semaphore(%arg26 : memref<!tpu.dma_semaphore, #tpu.memory_space<semaphore_mem>>)
      %dma_start3A_2544 = arith.constant 0 : i32
      %dma_start3A_2545 = tpu.memref_slice %arg22[%dma_start3A_2544, %mul3A_2536] : memref<2x4096xf32, #tpu.memory_space<vmem>> -> memref<1x32xf32, #tpu.memory_space<vmem>>
      %dma_start3A_2546 = tpu.memref_squeeze %dma_start3A_2545 : memref<1x32xf32, #tpu.memory_space<vmem>> -> memref<32xf32, #tpu.memory_space<vmem>>
      %dma_start3A_2547 = tpu.memref_slice %arg6[%multiple_of3A] : memref<3211264xf32, #tpu.memory_space<hbm>> -> memref<32xf32, #tpu.memory_space<hbm>>
      %dma_start3A_2548 = tpu.memref_slice %arg22[%dma_start3A_2544, %mul3A_2536] : memref<2x4096xf32, #tpu.memory_space<vmem>> -> memref<1x32xf32, #tpu.memory_space<vmem>>
      %dma_start3A_2549 = tpu.memref_squeeze %dma_start3A_2548 : memref<1x32xf32, #tpu.memory_space<vmem>> -> memref<32xf32, #tpu.memory_space<vmem>>
      %dma_start3A_2550 = tpu.memref_slice %arg6[%multiple_of3A] : memref<3211264xf32, #tpu.memory_space<hbm>> -> memref<32xf32, #tpu.memory_space<hbm>>
      tpu.enqueue_dma source(%dma_start3A_2550 : memref<32xf32, #tpu.memory_space<hbm>>) target(%dma_start3A_2549 : memref<32xf32, #tpu.memory_space<vmem>>) target_semaphore(%arg26 : memref<!tpu.dma_semaphore, #tpu.memory_space<semaphore_mem>>)
      %dma_start3A_2551 = arith.constant 0 : i32
      %dma_start3A_2552 = tpu.memref_slice %arg21[%dma_start3A_2551, %mul3A_2536] : memref<2x4096xf32, #tpu.memory_space<vmem>> -> memref<1x32xf32, #tpu.memory_space<vmem>>
      %dma_start3A_2553 = tpu.memref_squeeze %dma_start3A_2552 : memref<1x32xf32, #tpu.memory_space<vmem>> -> memref<32xf32, #tpu.memory_space<vmem>>
      %dma_start3A_2554 = tpu.memref_slice %arg5[%multiple_of3A_2534] : memref<3211264xf32, #tpu.memory_space<hbm>> -> memref<32xf32, #tpu.memory_space<hbm>>
      %dma_start3A_2555 = tpu.memref_slice %arg21[%dma_start3A_2551, %mul3A_2536] : memref<2x4096xf32, #tpu.memory_space<vmem>> -> memref<1x32xf32, #tpu.memory_space<vmem>>
      %dma_start3A_2556 = tpu.memref_squeeze %dma_start3A_2555 : memref<1x32xf32, #tpu.memory_space<vmem>> -> memref<32xf32, #tpu.memory_space<vmem>>
      %dma_start3A_2557 = tpu.memref_slice %arg5[%multiple_of3A_2534] : memref<3211264xf32, #tpu.memory_space<hbm>> -> memref<32xf32, #tpu.memory_space<hbm>>
      tpu.enqueue_dma source(%dma_start3A_2557 : memref<32xf32, #tpu.memory_space<hbm>>) target(%dma_start3A_2556 : memref<32xf32, #tpu.memory_space<vmem>>) target_semaphore(%arg26 : memref<!tpu.dma_semaphore, #tpu.memory_space<semaphore_mem>>)
      %dma_start3A_2558 = arith.constant 0 : i32
      %dma_start3A_2559 = tpu.memref_slice %arg23[%dma_start3A_2558, %mul3A_2536] : memref<2x4096xf32, #tpu.memory_space<vmem>> -> memref<1x32xf32, #tpu.memory_space<vmem>>
      %dma_start3A_2560 = tpu.memref_squeeze %dma_start3A_2559 : memref<1x32xf32, #tpu.memory_space<vmem>> -> memref<32xf32, #tpu.memory_space<vmem>>
      %dma_start3A_2561 = tpu.memref_slice %arg7[%multiple_of3A_2534] : memref<3211264xf32, #tpu.memory_space<hbm>> -> memref<32xf32, #tpu.memory_space<hbm>>
      %dma_start3A_2562 = tpu.memref_slice %arg23[%dma_start3A_2558, %mul3A_2536] : memref<2x4096xf32, #tpu.memory_space<vmem>> -> memref<1x32xf32, #tpu.memory_space<vmem>>
      %dma_start3A_2563 = tpu.memref_squeeze %dma_start3A_2562 : memref<1x32xf32, #tpu.memory_space<vmem>> -> memref<32xf32, #tpu.memory_space<vmem>>
      %dma_start3A_2564 = tpu.memref_slice %arg7[%multiple_of3A_2534] : memref<3211264xf32, #tpu.memory_space<hbm>> -> memref<32xf32, #tpu.memory_space<hbm>>
      tpu.enqueue_dma source(%dma_start3A_2564 : memref<32xf32, #tpu.memory_space<hbm>>) target(%dma_start3A_2563 : memref<32xf32, #tpu.memory_space<vmem>>) target_semaphore(%arg26 : memref<!tpu.dma_semaphore, #tpu.memory_space<semaphore_mem>>)
    }
    %scan3A_1969 = arith.constant 128 : i32
    %dma_wait3A = arith.constant 0 : i32
    %dma_wait3A_1970 = arith.constant 0 : i32
    %dma_wait3A_1971 = tpu.memref_slice %arg20[%dma_wait3A, %dma_wait3A_1970] : memref<2x4096xf32, #tpu.memory_space<vmem>> -> memref<1x4096xf32, #tpu.memory_space<vmem>>
    %dma_wait3A_1972 = tpu.memref_squeeze %dma_wait3A_1971 : memref<1x4096xf32, #tpu.memory_space<vmem>> -> memref<4096xf32, #tpu.memory_space<vmem>>
    %dma_wait3A_1973 = arith.constant 0 : i32
    %dma_wait3A_1974 = tpu.memref_slice %arg10[%dma_wait3A_1973] : memref<524288xf32, #tpu.memory_space<hbm>> -> memref<4096xf32, #tpu.memory_space<hbm>>
    %dma_wait3A_1975 = arith.constant 0 : i32
    %dma_wait3A_1976 = tpu.memref_slice %arg20[%dma_wait3A, %dma_wait3A_1975] : memref<2x4096xf32, #tpu.memory_space<vmem>> -> memref<1x4096xf32, #tpu.memory_space<vmem>>
    %dma_wait3A_1977 = tpu.memref_squeeze %dma_wait3A_1976 : memref<1x4096xf32, #tpu.memory_space<vmem>> -> memref<4096xf32, #tpu.memory_space<vmem>>
    %dma_wait3A_1978 = arith.constant 0 : i32
    %dma_wait3A_1979 = tpu.memref_slice %arg10[%dma_wait3A_1978] : memref<524288xf32, #tpu.memory_space<hbm>> -> memref<4096xf32, #tpu.memory_space<hbm>>
    tpu.wait_dma2 semaphore(%arg26 : memref<!tpu.dma_semaphore, #tpu.memory_space<semaphore_mem>>) src(%dma_wait3A_1979 : memref<4096xf32, #tpu.memory_space<hbm>>) dst(%dma_wait3A_1977 : memref<4096xf32, #tpu.memory_space<vmem>>)
    %dma_wait3A_1980 = arith.constant 0 : i32
    %dma_wait3A_1981 = arith.constant 0 : i32
    %dma_wait3A_1982 = tpu.memref_slice %arg20[%dma_wait3A_1980, %dma_wait3A_1981] : memref<2x4096xf32, #tpu.memory_space<vmem>> -> memref<1x4096xf32, #tpu.memory_space<vmem>>
    %dma_wait3A_1983 = tpu.memref_squeeze %dma_wait3A_1982 : memref<1x4096xf32, #tpu.memory_space<vmem>> -> memref<4096xf32, #tpu.memory_space<vmem>>
    %dma_wait3A_1984 = arith.constant 0 : i32
    %dma_wait3A_1985 = tpu.memref_slice %arg10[%dma_wait3A_1984] : memref<524288xf32, #tpu.memory_space<hbm>> -> memref<4096xf32, #tpu.memory_space<hbm>>
    %dma_wait3A_1986 = arith.constant 0 : i32
    %dma_wait3A_1987 = tpu.memref_slice %arg20[%dma_wait3A_1980, %dma_wait3A_1986] : memref<2x4096xf32, #tpu.memory_space<vmem>> -> memref<1x4096xf32, #tpu.memory_space<vmem>>
    %dma_wait3A_1988 = tpu.memref_squeeze %dma_wait3A_1987 : memref<1x4096xf32, #tpu.memory_space<vmem>> -> memref<4096xf32, #tpu.memory_space<vmem>>
    %dma_wait3A_1989 = arith.constant 0 : i32
    %dma_wait3A_1990 = tpu.memref_slice %arg10[%dma_wait3A_1989] : memref<524288xf32, #tpu.memory_space<hbm>> -> memref<4096xf32, #tpu.memory_space<hbm>>
    tpu.wait_dma2 semaphore(%arg26 : memref<!tpu.dma_semaphore, #tpu.memory_space<semaphore_mem>>) src(%dma_wait3A_1990 : memref<4096xf32, #tpu.memory_space<hbm>>) dst(%dma_wait3A_1988 : memref<4096xf32, #tpu.memory_space<vmem>>)
    %dma_wait3A_1991 = arith.constant 0 : i32
    %dma_wait3A_1992 = arith.constant 0 : i32
    %dma_wait3A_1993 = tpu.memref_slice %arg20[%dma_wait3A_1991, %dma_wait3A_1992] : memref<2x4096xf32, #tpu.memory_space<vmem>> -> memref<1x4096xf32, #tpu.memory_space<vmem>>
    %dma_wait3A_1994 = tpu.memref_squeeze %dma_wait3A_1993 : memref<1x4096xf32, #tpu.memory_space<vmem>> -> memref<4096xf32, #tpu.memory_space<vmem>>
    %dma_wait3A_1995 = arith.constant 0 : i32
    %dma_wait3A_1996 = tpu.memref_slice %arg10[%dma_wait3A_1995] : memref<524288xf32, #tpu.memory_space<hbm>> -> memref<4096xf32, #tpu.memory_space<hbm>>
    %dma_wait3A_1997 = arith.constant 0 : i32
    %dma_wait3A_1998 = tpu.memref_slice %arg20[%dma_wait3A_1991, %dma_wait3A_1997] : memref<2x4096xf32, #tpu.memory_space<vmem>> -> memref<1x4096xf32, #tpu.memory_space<vmem>>
    %dma_wait3A_1999 = tpu.memref_squeeze %dma_wait3A_1998 : memref<1x4096xf32, #tpu.memory_space<vmem>> -> memref<4096xf32, #tpu.memory_space<vmem>>
    %dma_wait3A_2000 = arith.constant 0 : i32
    %dma_wait3A_2001 = tpu.memref_slice %arg10[%dma_wait3A_2000] : memref<524288xf32, #tpu.memory_space<hbm>> -> memref<4096xf32, #tpu.memory_space<hbm>>
    tpu.wait_dma2 semaphore(%arg26 : memref<!tpu.dma_semaphore, #tpu.memory_space<semaphore_mem>>) src(%dma_wait3A_2001 : memref<4096xf32, #tpu.memory_space<hbm>>) dst(%dma_wait3A_1999 : memref<4096xf32, #tpu.memory_space<vmem>>)
    %dma_wait3A_2002 = arith.constant 0 : i32
    %dma_wait3A_2003 = arith.constant 0 : i32
    %dma_wait3A_2004 = tpu.memref_slice %arg20[%dma_wait3A_2002, %dma_wait3A_2003] : memref<2x4096xf32, #tpu.memory_space<vmem>> -> memref<1x4096xf32, #tpu.memory_space<vmem>>
    %dma_wait3A_2005 = tpu.memref_squeeze %dma_wait3A_2004 : memref<1x4096xf32, #tpu.memory_space<vmem>> -> memref<4096xf32, #tpu.memory_space<vmem>>
    %dma_wait3A_2006 = arith.constant 0 : i32
    %dma_wait3A_2007 = tpu.memref_slice %arg10[%dma_wait3A_2006] : memref<524288xf32, #tpu.memory_space<hbm>> -> memref<4096xf32, #tpu.memory_space<hbm>>
    %dma_wait3A_2008 = arith.constant 0 : i32
    %dma_wait3A_2009 = tpu.memref_slice %arg20[%dma_wait3A_2002, %dma_wait3A_2008] : memref<2x4096xf32, #tpu.memory_space<vmem>> -> memref<1x4096xf32, #tpu.memory_space<vmem>>
    %dma_wait3A_2010 = tpu.memref_squeeze %dma_wait3A_2009 : memref<1x4096xf32, #tpu.memory_space<vmem>> -> memref<4096xf32, #tpu.memory_space<vmem>>
    %dma_wait3A_2011 = arith.constant 0 : i32
    %dma_wait3A_2012 = tpu.memref_slice %arg10[%dma_wait3A_2011] : memref<524288xf32, #tpu.memory_space<hbm>> -> memref<4096xf32, #tpu.memory_space<hbm>>
    tpu.wait_dma2 semaphore(%arg26 : memref<!tpu.dma_semaphore, #tpu.memory_space<semaphore_mem>>) src(%dma_wait3A_2012 : memref<4096xf32, #tpu.memory_space<hbm>>) dst(%dma_wait3A_2010 : memref<4096xf32, #tpu.memory_space<vmem>>)
    %add3A_2013 = arith.constant 0 : i32
    %add3A_2014 = arith.addi %mul3A_2, %add3A_2013 : i32
    %mul3A_2015 = arith.constant 32 : i32
    %mul3A_2016 = arith.muli %add3A_2014, %mul3A_2015 : i32
    %dma_start3A_2017 = arith.constant 0 : i32
    %dma_start3A_2018 = arith.constant 0 : i32
    %dma_start3A_2019 = tpu.memref_slice %arg20[%dma_start3A_2017, %dma_start3A_2018] : memref<2x4096xf32, #tpu.memory_space<vmem>> -> memref<1x4096xf32, #tpu.memory_space<vmem>>
    %dma_start3A_2020 = tpu.memref_squeeze %dma_start3A_2019 : memref<1x4096xf32, #tpu.memory_space<vmem>> -> memref<4096xf32, #tpu.memory_space<vmem>>
    %dma_start3A_2021 = tpu.memref_slice %arg10[%mul3A_2016] : memref<524288xf32, #tpu.memory_space<hbm>> -> memref<4096xf32, #tpu.memory_space<hbm>>
    %dma_start3A_2022 = tpu.memref_slice %arg10[%mul3A_2016] : memref<524288xf32, #tpu.memory_space<hbm>> -> memref<4096xf32, #tpu.memory_space<hbm>>
    %dma_start3A_2023 = arith.constant 0 : i32
    %dma_start3A_2024 = tpu.memref_slice %arg20[%dma_start3A_2017, %dma_start3A_2023] : memref<2x4096xf32, #tpu.memory_space<vmem>> -> memref<1x4096xf32, #tpu.memory_space<vmem>>
    %dma_start3A_2025 = tpu.memref_squeeze %dma_start3A_2024 : memref<1x4096xf32, #tpu.memory_space<vmem>> -> memref<4096xf32, #tpu.memory_space<vmem>>
    tpu.enqueue_dma source(%dma_start3A_2025 : memref<4096xf32, #tpu.memory_space<vmem>>) target(%dma_start3A_2022 : memref<4096xf32, #tpu.memory_space<hbm>>) target_semaphore(%arg27 : memref<!tpu.dma_semaphore, #tpu.memory_space<semaphore_mem>>)
    %dma_start3A_2026 = arith.constant 0 : i32
    %dma_start3A_2027 = arith.constant 0 : i32
    %dma_start3A_2028 = tpu.memref_slice %arg21[%dma_start3A_2026, %dma_start3A_2027] : memref<2x4096xf32, #tpu.memory_space<vmem>> -> memref<1x4096xf32, #tpu.memory_space<vmem>>
    %dma_start3A_2029 = tpu.memref_squeeze %dma_start3A_2028 : memref<1x4096xf32, #tpu.memory_space<vmem>> -> memref<4096xf32, #tpu.memory_space<vmem>>
    %dma_start3A_2030 = tpu.memref_slice %arg11[%mul3A_2016] : memref<524288xf32, #tpu.memory_space<hbm>> -> memref<4096xf32, #tpu.memory_space<hbm>>
    %dma_start3A_2031 = tpu.memref_slice %arg11[%mul3A_2016] : memref<524288xf32, #tpu.memory_space<hbm>> -> memref<4096xf32, #tpu.memory_space<hbm>>
    %dma_start3A_2032 = arith.constant 0 : i32
    %dma_start3A_2033 = tpu.memref_slice %arg21[%dma_start3A_2026, %dma_start3A_2032] : memref<2x4096xf32, #tpu.memory_space<vmem>> -> memref<1x4096xf32, #tpu.memory_space<vmem>>
    %dma_start3A_2034 = tpu.memref_squeeze %dma_start3A_2033 : memref<1x4096xf32, #tpu.memory_space<vmem>> -> memref<4096xf32, #tpu.memory_space<vmem>>
    tpu.enqueue_dma source(%dma_start3A_2034 : memref<4096xf32, #tpu.memory_space<vmem>>) target(%dma_start3A_2031 : memref<4096xf32, #tpu.memory_space<hbm>>) target_semaphore(%arg27 : memref<!tpu.dma_semaphore, #tpu.memory_space<semaphore_mem>>)
    %dma_start3A_2035 = arith.constant 0 : i32
    %dma_start3A_2036 = arith.constant 0 : i32
    %dma_start3A_2037 = tpu.memref_slice %arg22[%dma_start3A_2035, %dma_start3A_2036] : memref<2x4096xf32, #tpu.memory_space<vmem>> -> memref<1x4096xf32, #tpu.memory_space<vmem>>
    %dma_start3A_2038 = tpu.memref_squeeze %dma_start3A_2037 : memref<1x4096xf32, #tpu.memory_space<vmem>> -> memref<4096xf32, #tpu.memory_space<vmem>>
    %dma_start3A_2039 = tpu.memref_slice %arg12[%mul3A_2016] : memref<524288xf32, #tpu.memory_space<hbm>> -> memref<4096xf32, #tpu.memory_space<hbm>>
    %dma_start3A_2040 = tpu.memref_slice %arg12[%mul3A_2016] : memref<524288xf32, #tpu.memory_space<hbm>> -> memref<4096xf32, #tpu.memory_space<hbm>>
    %dma_start3A_2041 = arith.constant 0 : i32
    %dma_start3A_2042 = tpu.memref_slice %arg22[%dma_start3A_2035, %dma_start3A_2041] : memref<2x4096xf32, #tpu.memory_space<vmem>> -> memref<1x4096xf32, #tpu.memory_space<vmem>>
    %dma_start3A_2043 = tpu.memref_squeeze %dma_start3A_2042 : memref<1x4096xf32, #tpu.memory_space<vmem>> -> memref<4096xf32, #tpu.memory_space<vmem>>
    tpu.enqueue_dma source(%dma_start3A_2043 : memref<4096xf32, #tpu.memory_space<vmem>>) target(%dma_start3A_2040 : memref<4096xf32, #tpu.memory_space<hbm>>) target_semaphore(%arg27 : memref<!tpu.dma_semaphore, #tpu.memory_space<semaphore_mem>>)
    %dma_start3A_2044 = arith.constant 0 : i32
    %dma_start3A_2045 = arith.constant 0 : i32
    %dma_start3A_2046 = tpu.memref_slice %arg23[%dma_start3A_2044, %dma_start3A_2045] : memref<2x4096xf32, #tpu.memory_space<vmem>> -> memref<1x4096xf32, #tpu.memory_space<vmem>>
    %dma_start3A_2047 = tpu.memref_squeeze %dma_start3A_2046 : memref<1x4096xf32, #tpu.memory_space<vmem>> -> memref<4096xf32, #tpu.memory_space<vmem>>
    %dma_start3A_2048 = tpu.memref_slice %arg13[%mul3A_2016] : memref<524288xf32, #tpu.memory_space<hbm>> -> memref<4096xf32, #tpu.memory_space<hbm>>
    %dma_start3A_2049 = tpu.memref_slice %arg13[%mul3A_2016] : memref<524288xf32, #tpu.memory_space<hbm>> -> memref<4096xf32, #tpu.memory_space<hbm>>
    %dma_start3A_2050 = arith.constant 0 : i32
    %dma_start3A_2051 = tpu.memref_slice %arg23[%dma_start3A_2044, %dma_start3A_2050] : memref<2x4096xf32, #tpu.memory_space<vmem>> -> memref<1x4096xf32, #tpu.memory_space<vmem>>
    %dma_start3A_2052 = tpu.memref_squeeze %dma_start3A_2051 : memref<1x4096xf32, #tpu.memory_space<vmem>> -> memref<4096xf32, #tpu.memory_space<vmem>>
    tpu.enqueue_dma source(%dma_start3A_2052 : memref<4096xf32, #tpu.memory_space<vmem>>) target(%dma_start3A_2049 : memref<4096xf32, #tpu.memory_space<hbm>>) target_semaphore(%arg27 : memref<!tpu.dma_semaphore, #tpu.memory_space<semaphore_mem>>)
    %scan3A_2053 = arith.constant 0 : i32
    %scan3A_2054 = arith.constant 0 : i32
    %scan3A_2055 = arith.constant 128 : i32
    %scan3A_2056 = arith.addi %scan3A_2054, %scan3A_2055 : i32
    %scan3A_2057 = arith.constant 1 : i32
    scf.for %scan3A_2523 = %scan3A_2054 to %scan3A_2056 step %scan3A_2057  : i32 {
      %add3A_2524 = arith.constant 128 : i32
      %add3A_2525 = arith.addi %add3A_2524, %scan3A_2523 : i32
      %get3A_2526 = arith.index_cast %add3A_2525 : i32 to index
      %get3A_2527 = tpu.vector_load %arg18[%get3A_2526] {strides = array<i32>} : memref<528xi32, #tpu.memory_space<vmem>>, vector<16xi32>,
      %get3A_2528 = vector.shape_cast %get3A_2527 : vector<16xi32> to vector<16xi32>
      %slice3A = vector.extract_strided_slice %get3A_2528 {offsets = [0], sizes = [1], strides = [1]} : vector<16xi32> to vector<1xi32>
      %squeeze3A = vector.extract %slice3A[0] : i32 from vector<1xi32>
      %multiple_of3A = tpu.assume_multiple %squeeze3A, 32 : i32
      %get3A_2529 = arith.index_cast %add3A_2525 : i32 to index
      %get3A_2530 = tpu.vector_load %arg19[%get3A_2529] {strides = array<i32>} : memref<528xi32, #tpu.memory_space<vmem>>, vector<16xi32>,
      %get3A_2531 = vector.shape_cast %get3A_2530 : vector<16xi32> to vector<16xi32>
      %slice3A_2532 = vector.extract_strided_slice %get3A_2531 {offsets = [0], sizes = [1], strides = [1]} : vector<16xi32> to vector<1xi32>
      %squeeze3A_2533 = vector.extract %slice3A_2532[0] : i32 from vector<1xi32>
      %multiple_of3A_2534 = tpu.assume_multiple %squeeze3A_2533, 32 : i32
      %mul3A_2535 = arith.constant 32 : i32
      %mul3A_2536 = arith.muli %scan3A_2523, %mul3A_2535 : i32
      %dma_start3A_2537 = arith.constant 1 : i32
      %dma_start3A_2538 = tpu.memref_slice %arg20[%dma_start3A_2537, %mul3A_2536] : memref<2x4096xf32, #tpu.memory_space<vmem>> -> memref<1x32xf32, #tpu.memory_space<vmem>>
      %dma_start3A_2539 = tpu.memref_squeeze %dma_start3A_2538 : memref<1x32xf32, #tpu.memory_space<vmem>> -> memref<32xf32, #tpu.memory_space<vmem>>
      %dma_start3A_2540 = tpu.memref_slice %arg4[%multiple_of3A] : memref<3211264xf32, #tpu.memory_space<hbm>> -> memref<32xf32, #tpu.memory_space<hbm>>
      %dma_start3A_2541 = tpu.memref_slice %arg20[%dma_start3A_2537, %mul3A_2536] : memref<2x4096xf32, #tpu.memory_space<vmem>> -> memref<1x32xf32, #tpu.memory_space<vmem>>
      %dma_start3A_2542 = tpu.memref_squeeze %dma_start3A_2541 : memref<1x32xf32, #tpu.memory_space<vmem>> -> memref<32xf32, #tpu.memory_space<vmem>>
      %dma_start3A_2543 = tpu.memref_slice %arg4[%multiple_of3A] : memref<3211264xf32, #tpu.memory_space<hbm>> -> memref<32xf32, #tpu.memory_space<hbm>>
      tpu.enqueue_dma source(%dma_start3A_2543 : memref<32xf32, #tpu.memory_space<hbm>>) target(%dma_start3A_2542 : memref<32xf32, #tpu.memory_space<vmem>>) target_semaphore(%arg26 : memref<!tpu.dma_semaphore, #tpu.memory_space<semaphore_mem>>)
      %dma_start3A_2544 = arith.constant 1 : i32
      %dma_start3A_2545 = tpu.memref_slice %arg22[%dma_start3A_2544, %mul3A_2536] : memref<2x4096xf32, #tpu.memory_space<vmem>> -> memref<1x32xf32, #tpu.memory_space<vmem>>
      %dma_start3A_2546 = tpu.memref_squeeze %dma_start3A_2545 : memref<1x32xf32, #tpu.memory_space<vmem>> -> memref<32xf32, #tpu.memory_space<vmem>>
      %dma_start3A_2547 = tpu.memref_slice %arg6[%multiple_of3A] : memref<3211264xf32, #tpu.memory_space<hbm>> -> memref<32xf32, #tpu.memory_space<hbm>>
      %dma_start3A_2548 = tpu.memref_slice %arg22[%dma_start3A_2544, %mul3A_2536] : memref<2x4096xf32, #tpu.memory_space<vmem>> -> memref<1x32xf32, #tpu.memory_space<vmem>>
      %dma_start3A_2549 = tpu.memref_squeeze %dma_start3A_2548 : memref<1x32xf32, #tpu.memory_space<vmem>> -> memref<32xf32, #tpu.memory_space<vmem>>
      %dma_start3A_2550 = tpu.memref_slice %arg6[%multiple_of3A] : memref<3211264xf32, #tpu.memory_space<hbm>> -> memref<32xf32, #tpu.memory_space<hbm>>
      tpu.enqueue_dma source(%dma_start3A_2550 : memref<32xf32, #tpu.memory_space<hbm>>) target(%dma_start3A_2549 : memref<32xf32, #tpu.memory_space<vmem>>) target_semaphore(%arg26 : memref<!tpu.dma_semaphore, #tpu.memory_space<semaphore_mem>>)
      %dma_start3A_2551 = arith.constant 1 : i32
      %dma_start3A_2552 = tpu.memref_slice %arg21[%dma_start3A_2551, %mul3A_2536] : memref<2x4096xf32, #tpu.memory_space<vmem>> -> memref<1x32xf32, #tpu.memory_space<vmem>>
      %dma_start3A_2553 = tpu.memref_squeeze %dma_start3A_2552 : memref<1x32xf32, #tpu.memory_space<vmem>> -> memref<32xf32, #tpu.memory_space<vmem>>
      %dma_start3A_2554 = tpu.memref_slice %arg5[%multiple_of3A_2534] : memref<3211264xf32, #tpu.memory_space<hbm>> -> memref<32xf32, #tpu.memory_space<hbm>>
      %dma_start3A_2555 = tpu.memref_slice %arg21[%dma_start3A_2551, %mul3A_2536] : memref<2x4096xf32, #tpu.memory_space<vmem>> -> memref<1x32xf32, #tpu.memory_space<vmem>>
      %dma_start3A_2556 = tpu.memref_squeeze %dma_start3A_2555 : memref<1x32xf32, #tpu.memory_space<vmem>> -> memref<32xf32, #tpu.memory_space<vmem>>
      %dma_start3A_2557 = tpu.memref_slice %arg5[%multiple_of3A_2534] : memref<3211264xf32, #tpu.memory_space<hbm>> -> memref<32xf32, #tpu.memory_space<hbm>>
      tpu.enqueue_dma source(%dma_start3A_2557 : memref<32xf32, #tpu.memory_space<hbm>>) target(%dma_start3A_2556 : memref<32xf32, #tpu.memory_space<vmem>>) target_semaphore(%arg26 : memref<!tpu.dma_semaphore, #tpu.memory_space<semaphore_mem>>)
      %dma_start3A_2558 = arith.constant 1 : i32
      %dma_start3A_2559 = tpu.memref_slice %arg23[%dma_start3A_2558, %mul3A_2536] : memref<2x4096xf32, #tpu.memory_space<vmem>> -> memref<1x32xf32, #tpu.memory_space<vmem>>
      %dma_start3A_2560 = tpu.memref_squeeze %dma_start3A_2559 : memref<1x32xf32, #tpu.memory_space<vmem>> -> memref<32xf32, #tpu.memory_space<vmem>>
      %dma_start3A_2561 = tpu.memref_slice %arg7[%multiple_of3A_2534] : memref<3211264xf32, #tpu.memory_space<hbm>> -> memref<32xf32, #tpu.memory_space<hbm>>
      %dma_start3A_2562 = tpu.memref_slice %arg23[%dma_start3A_2558, %mul3A_2536] : memref<2x4096xf32, #tpu.memory_space<vmem>> -> memref<1x32xf32, #tpu.memory_space<vmem>>
      %dma_start3A_2563 = tpu.memref_squeeze %dma_start3A_2562 : memref<1x32xf32, #tpu.memory_space<vmem>> -> memref<32xf32, #tpu.memory_space<vmem>>
      %dma_start3A_2564 = tpu.memref_slice %arg7[%multiple_of3A_2534] : memref<3211264xf32, #tpu.memory_space<hbm>> -> memref<32xf32, #tpu.memory_space<hbm>>
      tpu.enqueue_dma source(%dma_start3A_2564 : memref<32xf32, #tpu.memory_space<hbm>>) target(%dma_start3A_2563 : memref<32xf32, #tpu.memory_space<vmem>>) target_semaphore(%arg26 : memref<!tpu.dma_semaphore, #tpu.memory_space<semaphore_mem>>)
    }
    %scan3A_2058 = arith.constant 128 : i32
    %dma_wait3A_2059 = arith.constant 1 : i32
    %dma_wait3A_2060 = arith.constant 0 : i32
    %dma_wait3A_2061 = tpu.memref_slice %arg20[%dma_wait3A_2059, %dma_wait3A_2060] : memref<2x4096xf32, #tpu.memory_space<vmem>> -> memref<1x4096xf32, #tpu.memory_space<vmem>>
    %dma_wait3A_2062 = tpu.memref_squeeze %dma_wait3A_2061 : memref<1x4096xf32, #tpu.memory_space<vmem>> -> memref<4096xf32, #tpu.memory_space<vmem>>
    %dma_wait3A_2063 = arith.constant 0 : i32
    %dma_wait3A_2064 = tpu.memref_slice %arg10[%dma_wait3A_2063] : memref<524288xf32, #tpu.memory_space<hbm>> -> memref<4096xf32, #tpu.memory_space<hbm>>
    %dma_wait3A_2065 = arith.constant 0 : i32
    %dma_wait3A_2066 = tpu.memref_slice %arg20[%dma_wait3A_2059, %dma_wait3A_2065] : memref<2x4096xf32, #tpu.memory_space<vmem>> -> memref<1x4096xf32, #tpu.memory_space<vmem>>
    %dma_wait3A_2067 = tpu.memref_squeeze %dma_wait3A_2066 : memref<1x4096xf32, #tpu.memory_space<vmem>> -> memref<4096xf32, #tpu.memory_space<vmem>>
    %dma_wait3A_2068 = arith.constant 0 : i32
    %dma_wait3A_2069 = tpu.memref_slice %arg10[%dma_wait3A_2068] : memref<524288xf32, #tpu.memory_space<hbm>> -> memref<4096xf32, #tpu.memory_space<hbm>>
    tpu.wait_dma2 semaphore(%arg26 : memref<!tpu.dma_semaphore, #tpu.memory_space<semaphore_mem>>) src(%dma_wait3A_2069 : memref<4096xf32, #tpu.memory_space<hbm>>) dst(%dma_wait3A_2067 : memref<4096xf32, #tpu.memory_space<vmem>>)
    %dma_wait3A_2070 = arith.constant 1 : i32
    %dma_wait3A_2071 = arith.constant 0 : i32
    %dma_wait3A_2072 = tpu.memref_slice %arg20[%dma_wait3A_2070, %dma_wait3A_2071] : memref<2x4096xf32, #tpu.memory_space<vmem>> -> memref<1x4096xf32, #tpu.memory_space<vmem>>
    %dma_wait3A_2073 = tpu.memref_squeeze %dma_wait3A_2072 : memref<1x4096xf32, #tpu.memory_space<vmem>> -> memref<4096xf32, #tpu.memory_space<vmem>>
    %dma_wait3A_2074 = arith.constant 0 : i32
    %dma_wait3A_2075 = tpu.memref_slice %arg10[%dma_wait3A_2074] : memref<524288xf32, #tpu.memory_space<hbm>> -> memref<4096xf32, #tpu.memory_space<hbm>>
    %dma_wait3A_2076 = arith.constant 0 : i32
    %dma_wait3A_2077 = tpu.memref_slice %arg20[%dma_wait3A_2070, %dma_wait3A_2076] : memref<2x4096xf32, #tpu.memory_space<vmem>> -> memref<1x4096xf32, #tpu.memory_space<vmem>>
    %dma_wait3A_2078 = tpu.memref_squeeze %dma_wait3A_2077 : memref<1x4096xf32, #tpu.memory_space<vmem>> -> memref<4096xf32, #tpu.memory_space<vmem>>
    %dma_wait3A_2079 = arith.constant 0 : i32
    %dma_wait3A_2080 = tpu.memref_slice %arg10[%dma_wait3A_2079] : memref<524288xf32, #tpu.memory_space<hbm>> -> memref<4096xf32, #tpu.memory_space<hbm>>
    tpu.wait_dma2 semaphore(%arg26 : memref<!tpu.dma_semaphore, #tpu.memory_space<semaphore_mem>>) src(%dma_wait3A_2080 : memref<4096xf32, #tpu.memory_space<hbm>>) dst(%dma_wait3A_2078 : memref<4096xf32, #tpu.memory_space<vmem>>)
    %dma_wait3A_2081 = arith.constant 1 : i32
    %dma_wait3A_2082 = arith.constant 0 : i32
    %dma_wait3A_2083 = tpu.memref_slice %arg20[%dma_wait3A_2081, %dma_wait3A_2082] : memref<2x4096xf32, #tpu.memory_space<vmem>> -> memref<1x4096xf32, #tpu.memory_space<vmem>>
    %dma_wait3A_2084 = tpu.memref_squeeze %dma_wait3A_2083 : memref<1x4096xf32, #tpu.memory_space<vmem>> -> memref<4096xf32, #tpu.memory_space<vmem>>
    %dma_wait3A_2085 = arith.constant 0 : i32
    %dma_wait3A_2086 = tpu.memref_slice %arg10[%dma_wait3A_2085] : memref<524288xf32, #tpu.memory_space<hbm>> -> memref<4096xf32, #tpu.memory_space<hbm>>
    %dma_wait3A_2087 = arith.constant 0 : i32
    %dma_wait3A_2088 = tpu.memref_slice %arg20[%dma_wait3A_2081, %dma_wait3A_2087] : memref<2x4096xf32, #tpu.memory_space<vmem>> -> memref<1x4096xf32, #tpu.memory_space<vmem>>
    %dma_wait3A_2089 = tpu.memref_squeeze %dma_wait3A_2088 : memref<1x4096xf32, #tpu.memory_space<vmem>> -> memref<4096xf32, #tpu.memory_space<vmem>>
    %dma_wait3A_2090 = arith.constant 0 : i32
    %dma_wait3A_2091 = tpu.memref_slice %arg10[%dma_wait3A_2090] : memref<524288xf32, #tpu.memory_space<hbm>> -> memref<4096xf32, #tpu.memory_space<hbm>>
    tpu.wait_dma2 semaphore(%arg26 : memref<!tpu.dma_semaphore, #tpu.memory_space<semaphore_mem>>) src(%dma_wait3A_2091 : memref<4096xf32, #tpu.memory_space<hbm>>) dst(%dma_wait3A_2089 : memref<4096xf32, #tpu.memory_space<vmem>>)
    %dma_wait3A_2092 = arith.constant 1 : i32
    %dma_wait3A_2093 = arith.constant 0 : i32
    %dma_wait3A_2094 = tpu.memref_slice %arg20[%dma_wait3A_2092, %dma_wait3A_2093] : memref<2x4096xf32, #tpu.memory_space<vmem>> -> memref<1x4096xf32, #tpu.memory_space<vmem>>
    %dma_wait3A_2095 = tpu.memref_squeeze %dma_wait3A_2094 : memref<1x4096xf32, #tpu.memory_space<vmem>> -> memref<4096xf32, #tpu.memory_space<vmem>>
    %dma_wait3A_2096 = arith.constant 0 : i32
    %dma_wait3A_2097 = tpu.memref_slice %arg10[%dma_wait3A_2096] : memref<524288xf32, #tpu.memory_space<hbm>> -> memref<4096xf32, #tpu.memory_space<hbm>>
    %dma_wait3A_2098 = arith.constant 0 : i32
    %dma_wait3A_2099 = tpu.memref_slice %arg20[%dma_wait3A_2092, %dma_wait3A_2098] : memref<2x4096xf32, #tpu.memory_space<vmem>> -> memref<1x4096xf32, #tpu.memory_space<vmem>>
    %dma_wait3A_2100 = tpu.memref_squeeze %dma_wait3A_2099 : memref<1x4096xf32, #tpu.memory_space<vmem>> -> memref<4096xf32, #tpu.memory_space<vmem>>
    %dma_wait3A_2101 = arith.constant 0 : i32
    %dma_wait3A_2102 = tpu.memref_slice %arg10[%dma_wait3A_2101] : memref<524288xf32, #tpu.memory_space<hbm>> -> memref<4096xf32, #tpu.memory_space<hbm>>
    tpu.wait_dma2 semaphore(%arg26 : memref<!tpu.dma_semaphore, #tpu.memory_space<semaphore_mem>>) src(%dma_wait3A_2102 : memref<4096xf32, #tpu.memory_space<hbm>>) dst(%dma_wait3A_2100 : memref<4096xf32, #tpu.memory_space<vmem>>)
    %add3A_2103 = arith.constant 128 : i32
    %add3A_2104 = arith.addi %mul3A_2, %add3A_2103 : i32
    %mul3A_2105 = arith.constant 32 : i32
    %mul3A_2106 = arith.muli %add3A_2104, %mul3A_2105 : i32
    %dma_start3A_2107 = arith.constant 1 : i32
    %dma_start3A_2108 = arith.constant 0 : i32
    %dma_start3A_2109 = tpu.memref_slice %arg20[%dma_start3A_2107, %dma_start3A_2108] : memref<2x4096xf32, #tpu.memory_space<vmem>> -> memref<1x4096xf32, #tpu.memory_space<vmem>>
    %dma_start3A_2110 = tpu.memref_squeeze %dma_start3A_2109 : memref<1x4096xf32, #tpu.memory_space<vmem>> -> memref<4096xf32, #tpu.memory_space<vmem>>
    %dma_start3A_2111 = tpu.memref_slice %arg10[%mul3A_2106] : memref<524288xf32, #tpu.memory_space<hbm>> -> memref<4096xf32, #tpu.memory_space<hbm>>
    %dma_start3A_2112 = tpu.memref_slice %arg10[%mul3A_2106] : memref<524288xf32, #tpu.memory_space<hbm>> -> memref<4096xf32, #tpu.memory_space<hbm>>
    %dma_start3A_2113 = arith.constant 0 : i32
    %dma_start3A_2114 = tpu.memref_slice %arg20[%dma_start3A_2107, %dma_start3A_2113] : memref<2x4096xf32, #tpu.memory_space<vmem>> -> memref<1x4096xf32, #tpu.memory_space<vmem>>
    %dma_start3A_2115 = tpu.memref_squeeze %dma_start3A_2114 : memref<1x4096xf32, #tpu.memory_space<vmem>> -> memref<4096xf32, #tpu.memory_space<vmem>>
    tpu.enqueue_dma source(%dma_start3A_2115 : memref<4096xf32, #tpu.memory_space<vmem>>) target(%dma_start3A_2112 : memref<4096xf32, #tpu.memory_space<hbm>>) target_semaphore(%arg27 : memref<!tpu.dma_semaphore, #tpu.memory_space<semaphore_mem>>)
    %dma_start3A_2116 = arith.constant 1 : i32
    %dma_start3A_2117 = arith.constant 0 : i32
    %dma_start3A_2118 = tpu.memref_slice %arg21[%dma_start3A_2116, %dma_start3A_2117] : memref<2x4096xf32, #tpu.memory_space<vmem>> -> memref<1x4096xf32, #tpu.memory_space<vmem>>
    %dma_start3A_2119 = tpu.memref_squeeze %dma_start3A_2118 : memref<1x4096xf32, #tpu.memory_space<vmem>> -> memref<4096xf32, #tpu.memory_space<vmem>>
    %dma_start3A_2120 = tpu.memref_slice %arg11[%mul3A_2106] : memref<524288xf32, #tpu.memory_space<hbm>> -> memref<4096xf32, #tpu.memory_space<hbm>>
    %dma_start3A_2121 = tpu.memref_slice %arg11[%mul3A_2106] : memref<524288xf32, #tpu.memory_space<hbm>> -> memref<4096xf32, #tpu.memory_space<hbm>>
    %dma_start3A_2122 = arith.constant 0 : i32
    %dma_start3A_2123 = tpu.memref_slice %arg21[%dma_start3A_2116, %dma_start3A_2122] : memref<2x4096xf32, #tpu.memory_space<vmem>> -> memref<1x4096xf32, #tpu.memory_space<vmem>>
    %dma_start3A_2124 = tpu.memref_squeeze %dma_start3A_2123 : memref<1x4096xf32, #tpu.memory_space<vmem>> -> memref<4096xf32, #tpu.memory_space<vmem>>
    tpu.enqueue_dma source(%dma_start3A_2124 : memref<4096xf32, #tpu.memory_space<vmem>>) target(%dma_start3A_2121 : memref<4096xf32, #tpu.memory_space<hbm>>) target_semaphore(%arg27 : memref<!tpu.dma_semaphore, #tpu.memory_space<semaphore_mem>>)
    %dma_start3A_2125 = arith.constant 1 : i32
    %dma_start3A_2126 = arith.constant 0 : i32
    %dma_start3A_2127 = tpu.memref_slice %arg22[%dma_start3A_2125, %dma_start3A_2126] : memref<2x4096xf32, #tpu.memory_space<vmem>> -> memref<1x4096xf32, #tpu.memory_space<vmem>>
    %dma_start3A_2128 = tpu.memref_squeeze %dma_start3A_2127 : memref<1x4096xf32, #tpu.memory_space<vmem>> -> memref<4096xf32, #tpu.memory_space<vmem>>
    %dma_start3A_2129 = tpu.memref_slice %arg12[%mul3A_2106] : memref<524288xf32, #tpu.memory_space<hbm>> -> memref<4096xf32, #tpu.memory_space<hbm>>
    %dma_start3A_2130 = tpu.memref_slice %arg12[%mul3A_2106] : memref<524288xf32, #tpu.memory_space<hbm>> -> memref<4096xf32, #tpu.memory_space<hbm>>
    %dma_start3A_2131 = arith.constant 0 : i32
    %dma_start3A_2132 = tpu.memref_slice %arg22[%dma_start3A_2125, %dma_start3A_2131] : memref<2x4096xf32, #tpu.memory_space<vmem>> -> memref<1x4096xf32, #tpu.memory_space<vmem>>
    %dma_start3A_2133 = tpu.memref_squeeze %dma_start3A_2132 : memref<1x4096xf32, #tpu.memory_space<vmem>> -> memref<4096xf32, #tpu.memory_space<vmem>>
    tpu.enqueue_dma source(%dma_start3A_2133 : memref<4096xf32, #tpu.memory_space<vmem>>) target(%dma_start3A_2130 : memref<4096xf32, #tpu.memory_space<hbm>>) target_semaphore(%arg27 : memref<!tpu.dma_semaphore, #tpu.memory_space<semaphore_mem>>)
    %dma_start3A_2134 = arith.constant 1 : i32
    %dma_start3A_2135 = arith.constant 0 : i32
    %dma_start3A_2136 = tpu.memref_slice %arg23[%dma_start3A_2134, %dma_start3A_2135] : memref<2x4096xf32, #tpu.memory_space<vmem>> -> memref<1x4096xf32, #tpu.memory_space<vmem>>
    %dma_start3A_2137 = tpu.memref_squeeze %dma_start3A_2136 : memref<1x4096xf32, #tpu.memory_space<vmem>> -> memref<4096xf32, #tpu.memory_space<vmem>>
    %dma_start3A_2138 = tpu.memref_slice %arg13[%mul3A_2106] : memref<524288xf32, #tpu.memory_space<hbm>> -> memref<4096xf32, #tpu.memory_space<hbm>>
    %dma_start3A_2139 = tpu.memref_slice %arg13[%mul3A_2106] : memref<524288xf32, #tpu.memory_space<hbm>> -> memref<4096xf32, #tpu.memory_space<hbm>>
    %dma_start3A_2140 = arith.constant 0 : i32
    %dma_start3A_2141 = tpu.memref_slice %arg23[%dma_start3A_2134, %dma_start3A_2140] : memref<2x4096xf32, #tpu.memory_space<vmem>> -> memref<1x4096xf32, #tpu.memory_space<vmem>>
    %dma_start3A_2142 = tpu.memref_squeeze %dma_start3A_2141 : memref<1x4096xf32, #tpu.memory_space<vmem>> -> memref<4096xf32, #tpu.memory_space<vmem>>
    tpu.enqueue_dma source(%dma_start3A_2142 : memref<4096xf32, #tpu.memory_space<vmem>>) target(%dma_start3A_2139 : memref<4096xf32, #tpu.memory_space<hbm>>) target_semaphore(%arg27 : memref<!tpu.dma_semaphore, #tpu.memory_space<semaphore_mem>>)
    %scan3A_2143 = arith.constant 0 : i32
    %scan3A_2144 = arith.constant 0 : i32
    %scan3A_2145 = arith.constant 128 : i32
    %scan3A_2146 = arith.addi %scan3A_2144, %scan3A_2145 : i32
    %scan3A_2147 = arith.constant 1 : i32
    scf.for %scan3A_2523 = %scan3A_2144 to %scan3A_2146 step %scan3A_2147  : i32 {
      %add3A_2524 = arith.constant 256 : i32
      %add3A_2525 = arith.addi %add3A_2524, %scan3A_2523 : i32
      %get3A_2526 = arith.index_cast %add3A_2525 : i32 to index
      %get3A_2527 = tpu.vector_load %arg18[%get3A_2526] {strides = array<i32>} : memref<528xi32, #tpu.memory_space<vmem>>, vector<16xi32>,
      %get3A_2528 = vector.shape_cast %get3A_2527 : vector<16xi32> to vector<16xi32>
      %slice3A = vector.extract_strided_slice %get3A_2528 {offsets = [0], sizes = [1], strides = [1]} : vector<16xi32> to vector<1xi32>
      %squeeze3A = vector.extract %slice3A[0] : i32 from vector<1xi32>
      %multiple_of3A = tpu.assume_multiple %squeeze3A, 32 : i32
      %get3A_2529 = arith.index_cast %add3A_2525 : i32 to index
      %get3A_2530 = tpu.vector_load %arg19[%get3A_2529] {strides = array<i32>} : memref<528xi32, #tpu.memory_space<vmem>>, vector<16xi32>,
      %get3A_2531 = vector.shape_cast %get3A_2530 : vector<16xi32> to vector<16xi32>
      %slice3A_2532 = vector.extract_strided_slice %get3A_2531 {offsets = [0], sizes = [1], strides = [1]} : vector<16xi32> to vector<1xi32>
      %squeeze3A_2533 = vector.extract %slice3A_2532[0] : i32 from vector<1xi32>
      %multiple_of3A_2534 = tpu.assume_multiple %squeeze3A_2533, 32 : i32
      %mul3A_2535 = arith.constant 32 : i32
      %mul3A_2536 = arith.muli %scan3A_2523, %mul3A_2535 : i32
      %dma_start3A_2537 = arith.constant 0 : i32
      %dma_start3A_2538 = tpu.memref_slice %arg20[%dma_start3A_2537, %mul3A_2536] : memref<2x4096xf32, #tpu.memory_space<vmem>> -> memref<1x32xf32, #tpu.memory_space<vmem>>
      %dma_start3A_2539 = tpu.memref_squeeze %dma_start3A_2538 : memref<1x32xf32, #tpu.memory_space<vmem>> -> memref<32xf32, #tpu.memory_space<vmem>>
      %dma_start3A_2540 = tpu.memref_slice %arg4[%multiple_of3A] : memref<3211264xf32, #tpu.memory_space<hbm>> -> memref<32xf32, #tpu.memory_space<hbm>>
      %dma_start3A_2541 = tpu.memref_slice %arg20[%dma_start3A_2537, %mul3A_2536] : memref<2x4096xf32, #tpu.memory_space<vmem>> -> memref<1x32xf32, #tpu.memory_space<vmem>>
      %dma_start3A_2542 = tpu.memref_squeeze %dma_start3A_2541 : memref<1x32xf32, #tpu.memory_space<vmem>> -> memref<32xf32, #tpu.memory_space<vmem>>
      %dma_start3A_2543 = tpu.memref_slice %arg4[%multiple_of3A] : memref<3211264xf32, #tpu.memory_space<hbm>> -> memref<32xf32, #tpu.memory_space<hbm>>
      tpu.enqueue_dma source(%dma_start3A_2543 : memref<32xf32, #tpu.memory_space<hbm>>) target(%dma_start3A_2542 : memref<32xf32, #tpu.memory_space<vmem>>) target_semaphore(%arg26 : memref<!tpu.dma_semaphore, #tpu.memory_space<semaphore_mem>>)
      %dma_start3A_2544 = arith.constant 0 : i32
      %dma_start3A_2545 = tpu.memref_slice %arg22[%dma_start3A_2544, %mul3A_2536] : memref<2x4096xf32, #tpu.memory_space<vmem>> -> memref<1x32xf32, #tpu.memory_space<vmem>>
      %dma_start3A_2546 = tpu.memref_squeeze %dma_start3A_2545 : memref<1x32xf32, #tpu.memory_space<vmem>> -> memref<32xf32, #tpu.memory_space<vmem>>
      %dma_start3A_2547 = tpu.memref_slice %arg6[%multiple_of3A] : memref<3211264xf32, #tpu.memory_space<hbm>> -> memref<32xf32, #tpu.memory_space<hbm>>
      %dma_start3A_2548 = tpu.memref_slice %arg22[%dma_start3A_2544, %mul3A_2536] : memref<2x4096xf32, #tpu.memory_space<vmem>> -> memref<1x32xf32, #tpu.memory_space<vmem>>
      %dma_start3A_2549 = tpu.memref_squeeze %dma_start3A_2548 : memref<1x32xf32, #tpu.memory_space<vmem>> -> memref<32xf32, #tpu.memory_space<vmem>>
      %dma_start3A_2550 = tpu.memref_slice %arg6[%multiple_of3A] : memref<3211264xf32, #tpu.memory_space<hbm>> -> memref<32xf32, #tpu.memory_space<hbm>>
      tpu.enqueue_dma source(%dma_start3A_2550 : memref<32xf32, #tpu.memory_space<hbm>>) target(%dma_start3A_2549 : memref<32xf32, #tpu.memory_space<vmem>>) target_semaphore(%arg26 : memref<!tpu.dma_semaphore, #tpu.memory_space<semaphore_mem>>)
      %dma_start3A_2551 = arith.constant 0 : i32
      %dma_start3A_2552 = tpu.memref_slice %arg21[%dma_start3A_2551, %mul3A_2536] : memref<2x4096xf32, #tpu.memory_space<vmem>> -> memref<1x32xf32, #tpu.memory_space<vmem>>
      %dma_start3A_2553 = tpu.memref_squeeze %dma_start3A_2552 : memref<1x32xf32, #tpu.memory_space<vmem>> -> memref<32xf32, #tpu.memory_space<vmem>>
      %dma_start3A_2554 = tpu.memref_slice %arg5[%multiple_of3A_2534] : memref<3211264xf32, #tpu.memory_space<hbm>> -> memref<32xf32, #tpu.memory_space<hbm>>
      %dma_start3A_2555 = tpu.memref_slice %arg21[%dma_start3A_2551, %mul3A_2536] : memref<2x4096xf32, #tpu.memory_space<vmem>> -> memref<1x32xf32, #tpu.memory_space<vmem>>
      %dma_start3A_2556 = tpu.memref_squeeze %dma_start3A_2555 : memref<1x32xf32, #tpu.memory_space<vmem>> -> memref<32xf32, #tpu.memory_space<vmem>>
      %dma_start3A_2557 = tpu.memref_slice %arg5[%multiple_of3A_2534] : memref<3211264xf32, #tpu.memory_space<hbm>> -> memref<32xf32, #tpu.memory_space<hbm>>
      tpu.enqueue_dma source(%dma_start3A_2557 : memref<32xf32, #tpu.memory_space<hbm>>) target(%dma_start3A_2556 : memref<32xf32, #tpu.memory_space<vmem>>) target_semaphore(%arg26 : memref<!tpu.dma_semaphore, #tpu.memory_space<semaphore_mem>>)
      %dma_start3A_2558 = arith.constant 0 : i32
      %dma_start3A_2559 = tpu.memref_slice %arg23[%dma_start3A_2558, %mul3A_2536] : memref<2x4096xf32, #tpu.memory_space<vmem>> -> memref<1x32xf32, #tpu.memory_space<vmem>>
      %dma_start3A_2560 = tpu.memref_squeeze %dma_start3A_2559 : memref<1x32xf32, #tpu.memory_space<vmem>> -> memref<32xf32, #tpu.memory_space<vmem>>
      %dma_start3A_2561 = tpu.memref_slice %arg7[%multiple_of3A_2534] : memref<3211264xf32, #tpu.memory_space<hbm>> -> memref<32xf32, #tpu.memory_space<hbm>>
      %dma_start3A_2562 = tpu.memref_slice %arg23[%dma_start3A_2558, %mul3A_2536] : memref<2x4096xf32, #tpu.memory_space<vmem>> -> memref<1x32xf32, #tpu.memory_space<vmem>>
      %dma_start3A_2563 = tpu.memref_squeeze %dma_start3A_2562 : memref<1x32xf32, #tpu.memory_space<vmem>> -> memref<32xf32, #tpu.memory_space<vmem>>
      %dma_start3A_2564 = tpu.memref_slice %arg7[%multiple_of3A_2534] : memref<3211264xf32, #tpu.memory_space<hbm>> -> memref<32xf32, #tpu.memory_space<hbm>>
      tpu.enqueue_dma source(%dma_start3A_2564 : memref<32xf32, #tpu.memory_space<hbm>>) target(%dma_start3A_2563 : memref<32xf32, #tpu.memory_space<vmem>>) target_semaphore(%arg26 : memref<!tpu.dma_semaphore, #tpu.memory_space<semaphore_mem>>)
    }
    %scan3A_2148 = arith.constant 128 : i32
    %dma_wait3A_2149 = arith.constant 0 : i32
    %dma_wait3A_2150 = arith.constant 0 : i32
    %dma_wait3A_2151 = tpu.memref_slice %arg20[%dma_wait3A_2149, %dma_wait3A_2150] : memref<2x4096xf32, #tpu.memory_space<vmem>> -> memref<1x4096xf32, #tpu.memory_space<vmem>>
    %dma_wait3A_2152 = tpu.memref_squeeze %dma_wait3A_2151 : memref<1x4096xf32, #tpu.memory_space<vmem>> -> memref<4096xf32, #tpu.memory_space<vmem>>
    %dma_wait3A_2153 = arith.constant 0 : i32
    %dma_wait3A_2154 = tpu.memref_slice %arg10[%dma_wait3A_2153] : memref<524288xf32, #tpu.memory_space<hbm>> -> memref<4096xf32, #tpu.memory_space<hbm>>
    %dma_wait3A_2155 = arith.constant 0 : i32
    %dma_wait3A_2156 = tpu.memref_slice %arg20[%dma_wait3A_2149, %dma_wait3A_2155] : memref<2x4096xf32, #tpu.memory_space<vmem>> -> memref<1x4096xf32, #tpu.memory_space<vmem>>
    %dma_wait3A_2157 = tpu.memref_squeeze %dma_wait3A_2156 : memref<1x4096xf32, #tpu.memory_space<vmem>> -> memref<4096xf32, #tpu.memory_space<vmem>>
    %dma_wait3A_2158 = arith.constant 0 : i32
    %dma_wait3A_2159 = tpu.memref_slice %arg10[%dma_wait3A_2158] : memref<524288xf32, #tpu.memory_space<hbm>> -> memref<4096xf32, #tpu.memory_space<hbm>>
    tpu.wait_dma2 semaphore(%arg26 : memref<!tpu.dma_semaphore, #tpu.memory_space<semaphore_mem>>) src(%dma_wait3A_2159 : memref<4096xf32, #tpu.memory_space<hbm>>) dst(%dma_wait3A_2157 : memref<4096xf32, #tpu.memory_space<vmem>>)
    %dma_wait3A_2160 = arith.constant 0 : i32
    %dma_wait3A_2161 = arith.constant 0 : i32
    %dma_wait3A_2162 = tpu.memref_slice %arg20[%dma_wait3A_2160, %dma_wait3A_2161] : memref<2x4096xf32, #tpu.memory_space<vmem>> -> memref<1x4096xf32, #tpu.memory_space<vmem>>
    %dma_wait3A_2163 = tpu.memref_squeeze %dma_wait3A_2162 : memref<1x4096xf32, #tpu.memory_space<vmem>> -> memref<4096xf32, #tpu.memory_space<vmem>>
    %dma_wait3A_2164 = arith.constant 0 : i32
    %dma_wait3A_2165 = tpu.memref_slice %arg10[%dma_wait3A_2164] : memref<524288xf32, #tpu.memory_space<hbm>> -> memref<4096xf32, #tpu.memory_space<hbm>>
    %dma_wait3A_2166 = arith.constant 0 : i32
    %dma_wait3A_2167 = tpu.memref_slice %arg20[%dma_wait3A_2160, %dma_wait3A_2166] : memref<2x4096xf32, #tpu.memory_space<vmem>> -> memref<1x4096xf32, #tpu.memory_space<vmem>>
    %dma_wait3A_2168 = tpu.memref_squeeze %dma_wait3A_2167 : memref<1x4096xf32, #tpu.memory_space<vmem>> -> memref<4096xf32, #tpu.memory_space<vmem>>
    %dma_wait3A_2169 = arith.constant 0 : i32
    %dma_wait3A_2170 = tpu.memref_slice %arg10[%dma_wait3A_2169] : memref<524288xf32, #tpu.memory_space<hbm>> -> memref<4096xf32, #tpu.memory_space<hbm>>
    tpu.wait_dma2 semaphore(%arg26 : memref<!tpu.dma_semaphore, #tpu.memory_space<semaphore_mem>>) src(%dma_wait3A_2170 : memref<4096xf32, #tpu.memory_space<hbm>>) dst(%dma_wait3A_2168 : memref<4096xf32, #tpu.memory_space<vmem>>)
    %dma_wait3A_2171 = arith.constant 0 : i32
    %dma_wait3A_2172 = arith.constant 0 : i32
    %dma_wait3A_2173 = tpu.memref_slice %arg20[%dma_wait3A_2171, %dma_wait3A_2172] : memref<2x4096xf32, #tpu.memory_space<vmem>> -> memref<1x4096xf32, #tpu.memory_space<vmem>>
    %dma_wait3A_2174 = tpu.memref_squeeze %dma_wait3A_2173 : memref<1x4096xf32, #tpu.memory_space<vmem>> -> memref<4096xf32, #tpu.memory_space<vmem>>
    %dma_wait3A_2175 = arith.constant 0 : i32
    %dma_wait3A_2176 = tpu.memref_slice %arg10[%dma_wait3A_2175] : memref<524288xf32, #tpu.memory_space<hbm>> -> memref<4096xf32, #tpu.memory_space<hbm>>
    %dma_wait3A_2177 = arith.constant 0 : i32
    %dma_wait3A_2178 = tpu.memref_slice %arg20[%dma_wait3A_2171, %dma_wait3A_2177] : memref<2x4096xf32, #tpu.memory_space<vmem>> -> memref<1x4096xf32, #tpu.memory_space<vmem>>
    %dma_wait3A_2179 = tpu.memref_squeeze %dma_wait3A_2178 : memref<1x4096xf32, #tpu.memory_space<vmem>> -> memref<4096xf32, #tpu.memory_space<vmem>>
    %dma_wait3A_2180 = arith.constant 0 : i32
    %dma_wait3A_2181 = tpu.memref_slice %arg10[%dma_wait3A_2180] : memref<524288xf32, #tpu.memory_space<hbm>> -> memref<4096xf32, #tpu.memory_space<hbm>>
    tpu.wait_dma2 semaphore(%arg26 : memref<!tpu.dma_semaphore, #tpu.memory_space<semaphore_mem>>) src(%dma_wait3A_2181 : memref<4096xf32, #tpu.memory_space<hbm>>) dst(%dma_wait3A_2179 : memref<4096xf32, #tpu.memory_space<vmem>>)
    %dma_wait3A_2182 = arith.constant 0 : i32
    %dma_wait3A_2183 = arith.constant 0 : i32
    %dma_wait3A_2184 = tpu.memref_slice %arg20[%dma_wait3A_2182, %dma_wait3A_2183] : memref<2x4096xf32, #tpu.memory_space<vmem>> -> memref<1x4096xf32, #tpu.memory_space<vmem>>
    %dma_wait3A_2185 = tpu.memref_squeeze %dma_wait3A_2184 : memref<1x4096xf32, #tpu.memory_space<vmem>> -> memref<4096xf32, #tpu.memory_space<vmem>>
    %dma_wait3A_2186 = arith.constant 0 : i32
    %dma_wait3A_2187 = tpu.memref_slice %arg10[%dma_wait3A_2186] : memref<524288xf32, #tpu.memory_space<hbm>> -> memref<4096xf32, #tpu.memory_space<hbm>>
    %dma_wait3A_2188 = arith.constant 0 : i32
    %dma_wait3A_2189 = tpu.memref_slice %arg20[%dma_wait3A_2182, %dma_wait3A_2188] : memref<2x4096xf32, #tpu.memory_space<vmem>> -> memref<1x4096xf32, #tpu.memory_space<vmem>>
    %dma_wait3A_2190 = tpu.memref_squeeze %dma_wait3A_2189 : memref<1x4096xf32, #tpu.memory_space<vmem>> -> memref<4096xf32, #tpu.memory_space<vmem>>
    %dma_wait3A_2191 = arith.constant 0 : i32
    %dma_wait3A_2192 = tpu.memref_slice %arg10[%dma_wait3A_2191] : memref<524288xf32, #tpu.memory_space<hbm>> -> memref<4096xf32, #tpu.memory_space<hbm>>
    tpu.wait_dma2 semaphore(%arg26 : memref<!tpu.dma_semaphore, #tpu.memory_space<semaphore_mem>>) src(%dma_wait3A_2192 : memref<4096xf32, #tpu.memory_space<hbm>>) dst(%dma_wait3A_2190 : memref<4096xf32, #tpu.memory_space<vmem>>)
    %dma_wait3A_2193 = arith.constant 0 : i32
    %dma_wait3A_2194 = arith.constant 0 : i32
    %dma_wait3A_2195 = tpu.memref_slice %arg20[%dma_wait3A_2193, %dma_wait3A_2194] : memref<2x4096xf32, #tpu.memory_space<vmem>> -> memref<1x4096xf32, #tpu.memory_space<vmem>>
    %dma_wait3A_2196 = tpu.memref_squeeze %dma_wait3A_2195 : memref<1x4096xf32, #tpu.memory_space<vmem>> -> memref<4096xf32, #tpu.memory_space<vmem>>
    %dma_wait3A_2197 = tpu.memref_slice %arg10[%mul3A_2016] : memref<524288xf32, #tpu.memory_space<hbm>> -> memref<4096xf32, #tpu.memory_space<hbm>>
    %dma_wait3A_2198 = tpu.memref_slice %arg10[%mul3A_2016] : memref<524288xf32, #tpu.memory_space<hbm>> -> memref<4096xf32, #tpu.memory_space<hbm>>
    %dma_wait3A_2199 = arith.constant 0 : i32
    %dma_wait3A_2200 = tpu.memref_slice %arg20[%dma_wait3A_2193, %dma_wait3A_2199] : memref<2x4096xf32, #tpu.memory_space<vmem>> -> memref<1x4096xf32, #tpu.memory_space<vmem>>
    %dma_wait3A_2201 = tpu.memref_squeeze %dma_wait3A_2200 : memref<1x4096xf32, #tpu.memory_space<vmem>> -> memref<4096xf32, #tpu.memory_space<vmem>>
    tpu.wait_dma2 semaphore(%arg27 : memref<!tpu.dma_semaphore, #tpu.memory_space<semaphore_mem>>) src(%dma_wait3A_2201 : memref<4096xf32, #tpu.memory_space<vmem>>) dst(%dma_wait3A_2198 : memref<4096xf32, #tpu.memory_space<hbm>>)
    %dma_wait3A_2202 = arith.constant 0 : i32
    %dma_wait3A_2203 = arith.constant 0 : i32
    %dma_wait3A_2204 = tpu.memref_slice %arg21[%dma_wait3A_2202, %dma_wait3A_2203] : memref<2x4096xf32, #tpu.memory_space<vmem>> -> memref<1x4096xf32, #tpu.memory_space<vmem>>
    %dma_wait3A_2205 = tpu.memref_squeeze %dma_wait3A_2204 : memref<1x4096xf32, #tpu.memory_space<vmem>> -> memref<4096xf32, #tpu.memory_space<vmem>>
    %dma_wait3A_2206 = tpu.memref_slice %arg11[%mul3A_2016] : memref<524288xf32, #tpu.memory_space<hbm>> -> memref<4096xf32, #tpu.memory_space<hbm>>
    %dma_wait3A_2207 = tpu.memref_slice %arg11[%mul3A_2016] : memref<524288xf32, #tpu.memory_space<hbm>> -> memref<4096xf32, #tpu.memory_space<hbm>>
    %dma_wait3A_2208 = arith.constant 0 : i32
    %dma_wait3A_2209 = tpu.memref_slice %arg21[%dma_wait3A_2202, %dma_wait3A_2208] : memref<2x4096xf32, #tpu.memory_space<vmem>> -> memref<1x4096xf32, #tpu.memory_space<vmem>>
    %dma_wait3A_2210 = tpu.memref_squeeze %dma_wait3A_2209 : memref<1x4096xf32, #tpu.memory_space<vmem>> -> memref<4096xf32, #tpu.memory_space<vmem>>
    tpu.wait_dma2 semaphore(%arg27 : memref<!tpu.dma_semaphore, #tpu.memory_space<semaphore_mem>>) src(%dma_wait3A_2210 : memref<4096xf32, #tpu.memory_space<vmem>>) dst(%dma_wait3A_2207 : memref<4096xf32, #tpu.memory_space<hbm>>)
    %dma_wait3A_2211 = arith.constant 0 : i32
    %dma_wait3A_2212 = arith.constant 0 : i32
    %dma_wait3A_2213 = tpu.memref_slice %arg22[%dma_wait3A_2211, %dma_wait3A_2212] : memref<2x4096xf32, #tpu.memory_space<vmem>> -> memref<1x4096xf32, #tpu.memory_space<vmem>>
    %dma_wait3A_2214 = tpu.memref_squeeze %dma_wait3A_2213 : memref<1x4096xf32, #tpu.memory_space<vmem>> -> memref<4096xf32, #tpu.memory_space<vmem>>
    %dma_wait3A_2215 = tpu.memref_slice %arg12[%mul3A_2016] : memref<524288xf32, #tpu.memory_space<hbm>> -> memref<4096xf32, #tpu.memory_space<hbm>>
    %dma_wait3A_2216 = tpu.memref_slice %arg12[%mul3A_2016] : memref<524288xf32, #tpu.memory_space<hbm>> -> memref<4096xf32, #tpu.memory_space<hbm>>
    %dma_wait3A_2217 = arith.constant 0 : i32
    %dma_wait3A_2218 = tpu.memref_slice %arg22[%dma_wait3A_2211, %dma_wait3A_2217] : memref<2x4096xf32, #tpu.memory_space<vmem>> -> memref<1x4096xf32, #tpu.memory_space<vmem>>
    %dma_wait3A_2219 = tpu.memref_squeeze %dma_wait3A_2218 : memref<1x4096xf32, #tpu.memory_space<vmem>> -> memref<4096xf32, #tpu.memory_space<vmem>>
    tpu.wait_dma2 semaphore(%arg27 : memref<!tpu.dma_semaphore, #tpu.memory_space<semaphore_mem>>) src(%dma_wait3A_2219 : memref<4096xf32, #tpu.memory_space<vmem>>) dst(%dma_wait3A_2216 : memref<4096xf32, #tpu.memory_space<hbm>>)
    %dma_wait3A_2220 = arith.constant 0 : i32
    %dma_wait3A_2221 = arith.constant 0 : i32
    %dma_wait3A_2222 = tpu.memref_slice %arg23[%dma_wait3A_2220, %dma_wait3A_2221] : memref<2x4096xf32, #tpu.memory_space<vmem>> -> memref<1x4096xf32, #tpu.memory_space<vmem>>
    %dma_wait3A_2223 = tpu.memref_squeeze %dma_wait3A_2222 : memref<1x4096xf32, #tpu.memory_space<vmem>> -> memref<4096xf32, #tpu.memory_space<vmem>>
    %dma_wait3A_2224 = tpu.memref_slice %arg13[%mul3A_2016] : memref<524288xf32, #tpu.memory_space<hbm>> -> memref<4096xf32, #tpu.memory_space<hbm>>
    %dma_wait3A_2225 = tpu.memref_slice %arg13[%mul3A_2016] : memref<524288xf32, #tpu.memory_space<hbm>> -> memref<4096xf32, #tpu.memory_space<hbm>>
    %dma_wait3A_2226 = arith.constant 0 : i32
    %dma_wait3A_2227 = tpu.memref_slice %arg23[%dma_wait3A_2220, %dma_wait3A_2226] : memref<2x4096xf32, #tpu.memory_space<vmem>> -> memref<1x4096xf32, #tpu.memory_space<vmem>>
    %dma_wait3A_2228 = tpu.memref_squeeze %dma_wait3A_2227 : memref<1x4096xf32, #tpu.memory_space<vmem>> -> memref<4096xf32, #tpu.memory_space<vmem>>
    tpu.wait_dma2 semaphore(%arg27 : memref<!tpu.dma_semaphore, #tpu.memory_space<semaphore_mem>>) src(%dma_wait3A_2228 : memref<4096xf32, #tpu.memory_space<vmem>>) dst(%dma_wait3A_2225 : memref<4096xf32, #tpu.memory_space<hbm>>)
    %add3A_2229 = arith.constant 256 : i32
    %add3A_2230 = arith.addi %mul3A_2, %add3A_2229 : i32
    %mul3A_2231 = arith.constant 32 : i32
    %mul3A_2232 = arith.muli %add3A_2230, %mul3A_2231 : i32
    %dma_start3A_2233 = arith.constant 0 : i32
    %dma_start3A_2234 = arith.constant 0 : i32
    %dma_start3A_2235 = tpu.memref_slice %arg20[%dma_start3A_2233, %dma_start3A_2234] : memref<2x4096xf32, #tpu.memory_space<vmem>> -> memref<1x4096xf32, #tpu.memory_space<vmem>>
    %dma_start3A_2236 = tpu.memref_squeeze %dma_start3A_2235 : memref<1x4096xf32, #tpu.memory_space<vmem>> -> memref<4096xf32, #tpu.memory_space<vmem>>
    %dma_start3A_2237 = tpu.memref_slice %arg10[%mul3A_2232] : memref<524288xf32, #tpu.memory_space<hbm>> -> memref<4096xf32, #tpu.memory_space<hbm>>
    %dma_start3A_2238 = tpu.memref_slice %arg10[%mul3A_2232] : memref<524288xf32, #tpu.memory_space<hbm>> -> memref<4096xf32, #tpu.memory_space<hbm>>
    %dma_start3A_2239 = arith.constant 0 : i32
    %dma_start3A_2240 = tpu.memref_slice %arg20[%dma_start3A_2233, %dma_start3A_2239] : memref<2x4096xf32, #tpu.memory_space<vmem>> -> memref<1x4096xf32, #tpu.memory_space<vmem>>
    %dma_start3A_2241 = tpu.memref_squeeze %dma_start3A_2240 : memref<1x4096xf32, #tpu.memory_space<vmem>> -> memref<4096xf32, #tpu.memory_space<vmem>>
    tpu.enqueue_dma source(%dma_start3A_2241 : memref<4096xf32, #tpu.memory_space<vmem>>) target(%dma_start3A_2238 : memref<4096xf32, #tpu.memory_space<hbm>>) target_semaphore(%arg27 : memref<!tpu.dma_semaphore, #tpu.memory_space<semaphore_mem>>)
    %dma_start3A_2242 = arith.constant 0 : i32
    %dma_start3A_2243 = arith.constant 0 : i32
    %dma_start3A_2244 = tpu.memref_slice %arg21[%dma_start3A_2242, %dma_start3A_2243] : memref<2x4096xf32, #tpu.memory_space<vmem>> -> memref<1x4096xf32, #tpu.memory_space<vmem>>
    %dma_start3A_2245 = tpu.memref_squeeze %dma_start3A_2244 : memref<1x4096xf32, #tpu.memory_space<vmem>> -> memref<4096xf32, #tpu.memory_space<vmem>>
    %dma_start3A_2246 = tpu.memref_slice %arg11[%mul3A_2232] : memref<524288xf32, #tpu.memory_space<hbm>> -> memref<4096xf32, #tpu.memory_space<hbm>>
    %dma_start3A_2247 = tpu.memref_slice %arg11[%mul3A_2232] : memref<524288xf32, #tpu.memory_space<hbm>> -> memref<4096xf32, #tpu.memory_space<hbm>>
    %dma_start3A_2248 = arith.constant 0 : i32
    %dma_start3A_2249 = tpu.memref_slice %arg21[%dma_start3A_2242, %dma_start3A_2248] : memref<2x4096xf32, #tpu.memory_space<vmem>> -> memref<1x4096xf32, #tpu.memory_space<vmem>>
    %dma_start3A_2250 = tpu.memref_squeeze %dma_start3A_2249 : memref<1x4096xf32, #tpu.memory_space<vmem>> -> memref<4096xf32, #tpu.memory_space<vmem>>
    tpu.enqueue_dma source(%dma_start3A_2250 : memref<4096xf32, #tpu.memory_space<vmem>>) target(%dma_start3A_2247 : memref<4096xf32, #tpu.memory_space<hbm>>) target_semaphore(%arg27 : memref<!tpu.dma_semaphore, #tpu.memory_space<semaphore_mem>>)
    %dma_start3A_2251 = arith.constant 0 : i32
    %dma_start3A_2252 = arith.constant 0 : i32
    %dma_start3A_2253 = tpu.memref_slice %arg22[%dma_start3A_2251, %dma_start3A_2252] : memref<2x4096xf32, #tpu.memory_space<vmem>> -> memref<1x4096xf32, #tpu.memory_space<vmem>>
    %dma_start3A_2254 = tpu.memref_squeeze %dma_start3A_2253 : memref<1x4096xf32, #tpu.memory_space<vmem>> -> memref<4096xf32, #tpu.memory_space<vmem>>
    %dma_start3A_2255 = tpu.memref_slice %arg12[%mul3A_2232] : memref<524288xf32, #tpu.memory_space<hbm>> -> memref<4096xf32, #tpu.memory_space<hbm>>
    %dma_start3A_2256 = tpu.memref_slice %arg12[%mul3A_2232] : memref<524288xf32, #tpu.memory_space<hbm>> -> memref<4096xf32, #tpu.memory_space<hbm>>
    %dma_start3A_2257 = arith.constant 0 : i32
    %dma_start3A_2258 = tpu.memref_slice %arg22[%dma_start3A_2251, %dma_start3A_2257] : memref<2x4096xf32, #tpu.memory_space<vmem>> -> memref<1x4096xf32, #tpu.memory_space<vmem>>
    %dma_start3A_2259 = tpu.memref_squeeze %dma_start3A_2258 : memref<1x4096xf32, #tpu.memory_space<vmem>> -> memref<4096xf32, #tpu.memory_space<vmem>>
    tpu.enqueue_dma source(%dma_start3A_2259 : memref<4096xf32, #tpu.memory_space<vmem>>) target(%dma_start3A_2256 : memref<4096xf32, #tpu.memory_space<hbm>>) target_semaphore(%arg27 : memref<!tpu.dma_semaphore, #tpu.memory_space<semaphore_mem>>)
    %dma_start3A_2260 = arith.constant 0 : i32
    %dma_start3A_2261 = arith.constant 0 : i32
    %dma_start3A_2262 = tpu.memref_slice %arg23[%dma_start3A_2260, %dma_start3A_2261] : memref<2x4096xf32, #tpu.memory_space<vmem>> -> memref<1x4096xf32, #tpu.memory_space<vmem>>
    %dma_start3A_2263 = tpu.memref_squeeze %dma_start3A_2262 : memref<1x4096xf32, #tpu.memory_space<vmem>> -> memref<4096xf32, #tpu.memory_space<vmem>>
    %dma_start3A_2264 = tpu.memref_slice %arg13[%mul3A_2232] : memref<524288xf32, #tpu.memory_space<hbm>> -> memref<4096xf32, #tpu.memory_space<hbm>>
    %dma_start3A_2265 = tpu.memref_slice %arg13[%mul3A_2232] : memref<524288xf32, #tpu.memory_space<hbm>> -> memref<4096xf32, #tpu.memory_space<hbm>>
    %dma_start3A_2266 = arith.constant 0 : i32
    %dma_start3A_2267 = tpu.memref_slice %arg23[%dma_start3A_2260, %dma_start3A_2266] : memref<2x4096xf32, #tpu.memory_space<vmem>> -> memref<1x4096xf32, #tpu.memory_space<vmem>>
    %dma_start3A_2268 = tpu.memref_squeeze %dma_start3A_2267 : memref<1x4096xf32, #tpu.memory_space<vmem>> -> memref<4096xf32, #tpu.memory_space<vmem>>
    tpu.enqueue_dma source(%dma_start3A_2268 : memref<4096xf32, #tpu.memory_space<vmem>>) target(%dma_start3A_2265 : memref<4096xf32, #tpu.memory_space<hbm>>) target_semaphore(%arg27 : memref<!tpu.dma_semaphore, #tpu.memory_space<semaphore_mem>>)
    %scan3A_2269 = arith.constant 0 : i32
    %scan3A_2270 = arith.constant 0 : i32
    %scan3A_2271 = arith.constant 128 : i32
    %scan3A_2272 = arith.addi %scan3A_2270, %scan3A_2271 : i32
    %scan3A_2273 = arith.constant 1 : i32
    scf.for %scan3A_2523 = %scan3A_2270 to %scan3A_2272 step %scan3A_2273  : i32 {
      %add3A_2524 = arith.constant 384 : i32
      %add3A_2525 = arith.addi %add3A_2524, %scan3A_2523 : i32
      %get3A_2526 = arith.index_cast %add3A_2525 : i32 to index
      %get3A_2527 = tpu.vector_load %arg18[%get3A_2526] {strides = array<i32>} : memref<528xi32, #tpu.memory_space<vmem>>, vector<16xi32>,
      %get3A_2528 = vector.shape_cast %get3A_2527 : vector<16xi32> to vector<16xi32>
      %slice3A = vector.extract_strided_slice %get3A_2528 {offsets = [0], sizes = [1], strides = [1]} : vector<16xi32> to vector<1xi32>
      %squeeze3A = vector.extract %slice3A[0] : i32 from vector<1xi32>
      %multiple_of3A = tpu.assume_multiple %squeeze3A, 32 : i32
      %get3A_2529 = arith.index_cast %add3A_2525 : i32 to index
      %get3A_2530 = tpu.vector_load %arg19[%get3A_2529] {strides = array<i32>} : memref<528xi32, #tpu.memory_space<vmem>>, vector<16xi32>,
      %get3A_2531 = vector.shape_cast %get3A_2530 : vector<16xi32> to vector<16xi32>
      %slice3A_2532 = vector.extract_strided_slice %get3A_2531 {offsets = [0], sizes = [1], strides = [1]} : vector<16xi32> to vector<1xi32>
      %squeeze3A_2533 = vector.extract %slice3A_2532[0] : i32 from vector<1xi32>
      %multiple_of3A_2534 = tpu.assume_multiple %squeeze3A_2533, 32 : i32
      %mul3A_2535 = arith.constant 32 : i32
      %mul3A_2536 = arith.muli %scan3A_2523, %mul3A_2535 : i32
      %dma_start3A_2537 = arith.constant 1 : i32
      %dma_start3A_2538 = tpu.memref_slice %arg20[%dma_start3A_2537, %mul3A_2536] : memref<2x4096xf32, #tpu.memory_space<vmem>> -> memref<1x32xf32, #tpu.memory_space<vmem>>
      %dma_start3A_2539 = tpu.memref_squeeze %dma_start3A_2538 : memref<1x32xf32, #tpu.memory_space<vmem>> -> memref<32xf32, #tpu.memory_space<vmem>>
      %dma_start3A_2540 = tpu.memref_slice %arg4[%multiple_of3A] : memref<3211264xf32, #tpu.memory_space<hbm>> -> memref<32xf32, #tpu.memory_space<hbm>>
      %dma_start3A_2541 = tpu.memref_slice %arg20[%dma_start3A_2537, %mul3A_2536] : memref<2x4096xf32, #tpu.memory_space<vmem>> -> memref<1x32xf32, #tpu.memory_space<vmem>>
      %dma_start3A_2542 = tpu.memref_squeeze %dma_start3A_2541 : memref<1x32xf32, #tpu.memory_space<vmem>> -> memref<32xf32, #tpu.memory_space<vmem>>
      %dma_start3A_2543 = tpu.memref_slice %arg4[%multiple_of3A] : memref<3211264xf32, #tpu.memory_space<hbm>> -> memref<32xf32, #tpu.memory_space<hbm>>
      tpu.enqueue_dma source(%dma_start3A_2543 : memref<32xf32, #tpu.memory_space<hbm>>) target(%dma_start3A_2542 : memref<32xf32, #tpu.memory_space<vmem>>) target_semaphore(%arg26 : memref<!tpu.dma_semaphore, #tpu.memory_space<semaphore_mem>>)
      %dma_start3A_2544 = arith.constant 1 : i32
      %dma_start3A_2545 = tpu.memref_slice %arg22[%dma_start3A_2544, %mul3A_2536] : memref<2x4096xf32, #tpu.memory_space<vmem>> -> memref<1x32xf32, #tpu.memory_space<vmem>>
      %dma_start3A_2546 = tpu.memref_squeeze %dma_start3A_2545 : memref<1x32xf32, #tpu.memory_space<vmem>> -> memref<32xf32, #tpu.memory_space<vmem>>
      %dma_start3A_2547 = tpu.memref_slice %arg6[%multiple_of3A] : memref<3211264xf32, #tpu.memory_space<hbm>> -> memref<32xf32, #tpu.memory_space<hbm>>
      %dma_start3A_2548 = tpu.memref_slice %arg22[%dma_start3A_2544, %mul3A_2536] : memref<2x4096xf32, #tpu.memory_space<vmem>> -> memref<1x32xf32, #tpu.memory_space<vmem>>
      %dma_start3A_2549 = tpu.memref_squeeze %dma_start3A_2548 : memref<1x32xf32, #tpu.memory_space<vmem>> -> memref<32xf32, #tpu.memory_space<vmem>>
      %dma_start3A_2550 = tpu.memref_slice %arg6[%multiple_of3A] : memref<3211264xf32, #tpu.memory_space<hbm>> -> memref<32xf32, #tpu.memory_space<hbm>>
      tpu.enqueue_dma source(%dma_start3A_2550 : memref<32xf32, #tpu.memory_space<hbm>>) target(%dma_start3A_2549 : memref<32xf32, #tpu.memory_space<vmem>>) target_semaphore(%arg26 : memref<!tpu.dma_semaphore, #tpu.memory_space<semaphore_mem>>)
      %dma_start3A_2551 = arith.constant 1 : i32
      %dma_start3A_2552 = tpu.memref_slice %arg21[%dma_start3A_2551, %mul3A_2536] : memref<2x4096xf32, #tpu.memory_space<vmem>> -> memref<1x32xf32, #tpu.memory_space<vmem>>
      %dma_start3A_2553 = tpu.memref_squeeze %dma_start3A_2552 : memref<1x32xf32, #tpu.memory_space<vmem>> -> memref<32xf32, #tpu.memory_space<vmem>>
      %dma_start3A_2554 = tpu.memref_slice %arg5[%multiple_of3A_2534] : memref<3211264xf32, #tpu.memory_space<hbm>> -> memref<32xf32, #tpu.memory_space<hbm>>
      %dma_start3A_2555 = tpu.memref_slice %arg21[%dma_start3A_2551, %mul3A_2536] : memref<2x4096xf32, #tpu.memory_space<vmem>> -> memref<1x32xf32, #tpu.memory_space<vmem>>
      %dma_start3A_2556 = tpu.memref_squeeze %dma_start3A_2555 : memref<1x32xf32, #tpu.memory_space<vmem>> -> memref<32xf32, #tpu.memory_space<vmem>>
      %dma_start3A_2557 = tpu.memref_slice %arg5[%multiple_of3A_2534] : memref<3211264xf32, #tpu.memory_space<hbm>> -> memref<32xf32, #tpu.memory_space<hbm>>
      tpu.enqueue_dma source(%dma_start3A_2557 : memref<32xf32, #tpu.memory_space<hbm>>) target(%dma_start3A_2556 : memref<32xf32, #tpu.memory_space<vmem>>) target_semaphore(%arg26 : memref<!tpu.dma_semaphore, #tpu.memory_space<semaphore_mem>>)
      %dma_start3A_2558 = arith.constant 1 : i32
      %dma_start3A_2559 = tpu.memref_slice %arg23[%dma_start3A_2558, %mul3A_2536] : memref<2x4096xf32, #tpu.memory_space<vmem>> -> memref<1x32xf32, #tpu.memory_space<vmem>>
      %dma_start3A_2560 = tpu.memref_squeeze %dma_start3A_2559 : memref<1x32xf32, #tpu.memory_space<vmem>> -> memref<32xf32, #tpu.memory_space<vmem>>
      %dma_start3A_2561 = tpu.memref_slice %arg7[%multiple_of3A_2534] : memref<3211264xf32, #tpu.memory_space<hbm>> -> memref<32xf32, #tpu.memory_space<hbm>>
      %dma_start3A_2562 = tpu.memref_slice %arg23[%dma_start3A_2558, %mul3A_2536] : memref<2x4096xf32, #tpu.memory_space<vmem>> -> memref<1x32xf32, #tpu.memory_space<vmem>>
      %dma_start3A_2563 = tpu.memref_squeeze %dma_start3A_2562 : memref<1x32xf32, #tpu.memory_space<vmem>> -> memref<32xf32, #tpu.memory_space<vmem>>
      %dma_start3A_2564 = tpu.memref_slice %arg7[%multiple_of3A_2534] : memref<3211264xf32, #tpu.memory_space<hbm>> -> memref<32xf32, #tpu.memory_space<hbm>>
      tpu.enqueue_dma source(%dma_start3A_2564 : memref<32xf32, #tpu.memory_space<hbm>>) target(%dma_start3A_2563 : memref<32xf32, #tpu.memory_space<vmem>>) target_semaphore(%arg26 : memref<!tpu.dma_semaphore, #tpu.memory_space<semaphore_mem>>)
    }
    %scan3A_2274 = arith.constant 128 : i32
    %dma_wait3A_2275 = arith.constant 1 : i32
    %dma_wait3A_2276 = arith.constant 0 : i32
    %dma_wait3A_2277 = tpu.memref_slice %arg20[%dma_wait3A_2275, %dma_wait3A_2276] : memref<2x4096xf32, #tpu.memory_space<vmem>> -> memref<1x4096xf32, #tpu.memory_space<vmem>>
    %dma_wait3A_2278 = tpu.memref_squeeze %dma_wait3A_2277 : memref<1x4096xf32, #tpu.memory_space<vmem>> -> memref<4096xf32, #tpu.memory_space<vmem>>
    %dma_wait3A_2279 = arith.constant 0 : i32
    %dma_wait3A_2280 = tpu.memref_slice %arg10[%dma_wait3A_2279] : memref<524288xf32, #tpu.memory_space<hbm>> -> memref<4096xf32, #tpu.memory_space<hbm>>
    %dma_wait3A_2281 = arith.constant 0 : i32
    %dma_wait3A_2282 = tpu.memref_slice %arg20[%dma_wait3A_2275, %dma_wait3A_2281] : memref<2x4096xf32, #tpu.memory_space<vmem>> -> memref<1x4096xf32, #tpu.memory_space<vmem>>
    %dma_wait3A_2283 = tpu.memref_squeeze %dma_wait3A_2282 : memref<1x4096xf32, #tpu.memory_space<vmem>> -> memref<4096xf32, #tpu.memory_space<vmem>>
    %dma_wait3A_2284 = arith.constant 0 : i32
    %dma_wait3A_2285 = tpu.memref_slice %arg10[%dma_wait3A_2284] : memref<524288xf32, #tpu.memory_space<hbm>> -> memref<4096xf32, #tpu.memory_space<hbm>>
    tpu.wait_dma2 semaphore(%arg26 : memref<!tpu.dma_semaphore, #tpu.memory_space<semaphore_mem>>) src(%dma_wait3A_2285 : memref<4096xf32, #tpu.memory_space<hbm>>) dst(%dma_wait3A_2283 : memref<4096xf32, #tpu.memory_space<vmem>>)
    %dma_wait3A_2286 = arith.constant 1 : i32
    %dma_wait3A_2287 = arith.constant 0 : i32
    %dma_wait3A_2288 = tpu.memref_slice %arg20[%dma_wait3A_2286, %dma_wait3A_2287] : memref<2x4096xf32, #tpu.memory_space<vmem>> -> memref<1x4096xf32, #tpu.memory_space<vmem>>
    %dma_wait3A_2289 = tpu.memref_squeeze %dma_wait3A_2288 : memref<1x4096xf32, #tpu.memory_space<vmem>> -> memref<4096xf32, #tpu.memory_space<vmem>>
    %dma_wait3A_2290 = arith.constant 0 : i32
    %dma_wait3A_2291 = tpu.memref_slice %arg10[%dma_wait3A_2290] : memref<524288xf32, #tpu.memory_space<hbm>> -> memref<4096xf32, #tpu.memory_space<hbm>>
    %dma_wait3A_2292 = arith.constant 0 : i32
    %dma_wait3A_2293 = tpu.memref_slice %arg20[%dma_wait3A_2286, %dma_wait3A_2292] : memref<2x4096xf32, #tpu.memory_space<vmem>> -> memref<1x4096xf32, #tpu.memory_space<vmem>>
    %dma_wait3A_2294 = tpu.memref_squeeze %dma_wait3A_2293 : memref<1x4096xf32, #tpu.memory_space<vmem>> -> memref<4096xf32, #tpu.memory_space<vmem>>
    %dma_wait3A_2295 = arith.constant 0 : i32
    %dma_wait3A_2296 = tpu.memref_slice %arg10[%dma_wait3A_2295] : memref<524288xf32, #tpu.memory_space<hbm>> -> memref<4096xf32, #tpu.memory_space<hbm>>
    tpu.wait_dma2 semaphore(%arg26 : memref<!tpu.dma_semaphore, #tpu.memory_space<semaphore_mem>>) src(%dma_wait3A_2296 : memref<4096xf32, #tpu.memory_space<hbm>>) dst(%dma_wait3A_2294 : memref<4096xf32, #tpu.memory_space<vmem>>)
    %dma_wait3A_2297 = arith.constant 1 : i32
    %dma_wait3A_2298 = arith.constant 0 : i32
    %dma_wait3A_2299 = tpu.memref_slice %arg20[%dma_wait3A_2297, %dma_wait3A_2298] : memref<2x4096xf32, #tpu.memory_space<vmem>> -> memref<1x4096xf32, #tpu.memory_space<vmem>>
    %dma_wait3A_2300 = tpu.memref_squeeze %dma_wait3A_2299 : memref<1x4096xf32, #tpu.memory_space<vmem>> -> memref<4096xf32, #tpu.memory_space<vmem>>
    %dma_wait3A_2301 = arith.constant 0 : i32
    %dma_wait3A_2302 = tpu.memref_slice %arg10[%dma_wait3A_2301] : memref<524288xf32, #tpu.memory_space<hbm>> -> memref<4096xf32, #tpu.memory_space<hbm>>
    %dma_wait3A_2303 = arith.constant 0 : i32
    %dma_wait3A_2304 = tpu.memref_slice %arg20[%dma_wait3A_2297, %dma_wait3A_2303] : memref<2x4096xf32, #tpu.memory_space<vmem>> -> memref<1x4096xf32, #tpu.memory_space<vmem>>
    %dma_wait3A_2305 = tpu.memref_squeeze %dma_wait3A_2304 : memref<1x4096xf32, #tpu.memory_space<vmem>> -> memref<4096xf32, #tpu.memory_space<vmem>>
    %dma_wait3A_2306 = arith.constant 0 : i32
    %dma_wait3A_2307 = tpu.memref_slice %arg10[%dma_wait3A_2306] : memref<524288xf32, #tpu.memory_space<hbm>> -> memref<4096xf32, #tpu.memory_space<hbm>>
    tpu.wait_dma2 semaphore(%arg26 : memref<!tpu.dma_semaphore, #tpu.memory_space<semaphore_mem>>) src(%dma_wait3A_2307 : memref<4096xf32, #tpu.memory_space<hbm>>) dst(%dma_wait3A_2305 : memref<4096xf32, #tpu.memory_space<vmem>>)
    %dma_wait3A_2308 = arith.constant 1 : i32
    %dma_wait3A_2309 = arith.constant 0 : i32
    %dma_wait3A_2310 = tpu.memref_slice %arg20[%dma_wait3A_2308, %dma_wait3A_2309] : memref<2x4096xf32, #tpu.memory_space<vmem>> -> memref<1x4096xf32, #tpu.memory_space<vmem>>
    %dma_wait3A_2311 = tpu.memref_squeeze %dma_wait3A_2310 : memref<1x4096xf32, #tpu.memory_space<vmem>> -> memref<4096xf32, #tpu.memory_space<vmem>>
    %dma_wait3A_2312 = arith.constant 0 : i32
    %dma_wait3A_2313 = tpu.memref_slice %arg10[%dma_wait3A_2312] : memref<524288xf32, #tpu.memory_space<hbm>> -> memref<4096xf32, #tpu.memory_space<hbm>>
    %dma_wait3A_2314 = arith.constant 0 : i32
    %dma_wait3A_2315 = tpu.memref_slice %arg20[%dma_wait3A_2308, %dma_wait3A_2314] : memref<2x4096xf32, #tpu.memory_space<vmem>> -> memref<1x4096xf32, #tpu.memory_space<vmem>>
    %dma_wait3A_2316 = tpu.memref_squeeze %dma_wait3A_2315 : memref<1x4096xf32, #tpu.memory_space<vmem>> -> memref<4096xf32, #tpu.memory_space<vmem>>
    %dma_wait3A_2317 = arith.constant 0 : i32
    %dma_wait3A_2318 = tpu.memref_slice %arg10[%dma_wait3A_2317] : memref<524288xf32, #tpu.memory_space<hbm>> -> memref<4096xf32, #tpu.memory_space<hbm>>
    tpu.wait_dma2 semaphore(%arg26 : memref<!tpu.dma_semaphore, #tpu.memory_space<semaphore_mem>>) src(%dma_wait3A_2318 : memref<4096xf32, #tpu.memory_space<hbm>>) dst(%dma_wait3A_2316 : memref<4096xf32, #tpu.memory_space<vmem>>)
    %dma_wait3A_2319 = arith.constant 1 : i32
    %dma_wait3A_2320 = arith.constant 0 : i32
    %dma_wait3A_2321 = tpu.memref_slice %arg20[%dma_wait3A_2319, %dma_wait3A_2320] : memref<2x4096xf32, #tpu.memory_space<vmem>> -> memref<1x4096xf32, #tpu.memory_space<vmem>>
    %dma_wait3A_2322 = tpu.memref_squeeze %dma_wait3A_2321 : memref<1x4096xf32, #tpu.memory_space<vmem>> -> memref<4096xf32, #tpu.memory_space<vmem>>
    %dma_wait3A_2323 = tpu.memref_slice %arg10[%mul3A_2106] : memref<524288xf32, #tpu.memory_space<hbm>> -> memref<4096xf32, #tpu.memory_space<hbm>>
    %dma_wait3A_2324 = tpu.memref_slice %arg10[%mul3A_2106] : memref<524288xf32, #tpu.memory_space<hbm>> -> memref<4096xf32, #tpu.memory_space<hbm>>
    %dma_wait3A_2325 = arith.constant 0 : i32
    %dma_wait3A_2326 = tpu.memref_slice %arg20[%dma_wait3A_2319, %dma_wait3A_2325] : memref<2x4096xf32, #tpu.memory_space<vmem>> -> memref<1x4096xf32, #tpu.memory_space<vmem>>
    %dma_wait3A_2327 = tpu.memref_squeeze %dma_wait3A_2326 : memref<1x4096xf32, #tpu.memory_space<vmem>> -> memref<4096xf32, #tpu.memory_space<vmem>>
    tpu.wait_dma2 semaphore(%arg27 : memref<!tpu.dma_semaphore, #tpu.memory_space<semaphore_mem>>) src(%dma_wait3A_2327 : memref<4096xf32, #tpu.memory_space<vmem>>) dst(%dma_wait3A_2324 : memref<4096xf32, #tpu.memory_space<hbm>>)
    %dma_wait3A_2328 = arith.constant 1 : i32
    %dma_wait3A_2329 = arith.constant 0 : i32
    %dma_wait3A_2330 = tpu.memref_slice %arg21[%dma_wait3A_2328, %dma_wait3A_2329] : memref<2x4096xf32, #tpu.memory_space<vmem>> -> memref<1x4096xf32, #tpu.memory_space<vmem>>
    %dma_wait3A_2331 = tpu.memref_squeeze %dma_wait3A_2330 : memref<1x4096xf32, #tpu.memory_space<vmem>> -> memref<4096xf32, #tpu.memory_space<vmem>>
    %dma_wait3A_2332 = tpu.memref_slice %arg11[%mul3A_2106] : memref<524288xf32, #tpu.memory_space<hbm>> -> memref<4096xf32, #tpu.memory_space<hbm>>
    %dma_wait3A_2333 = tpu.memref_slice %arg11[%mul3A_2106] : memref<524288xf32, #tpu.memory_space<hbm>> -> memref<4096xf32, #tpu.memory_space<hbm>>
    %dma_wait3A_2334 = arith.constant 0 : i32
    %dma_wait3A_2335 = tpu.memref_slice %arg21[%dma_wait3A_2328, %dma_wait3A_2334] : memref<2x4096xf32, #tpu.memory_space<vmem>> -> memref<1x4096xf32, #tpu.memory_space<vmem>>
    %dma_wait3A_2336 = tpu.memref_squeeze %dma_wait3A_2335 : memref<1x4096xf32, #tpu.memory_space<vmem>> -> memref<4096xf32, #tpu.memory_space<vmem>>
    tpu.wait_dma2 semaphore(%arg27 : memref<!tpu.dma_semaphore, #tpu.memory_space<semaphore_mem>>) src(%dma_wait3A_2336 : memref<4096xf32, #tpu.memory_space<vmem>>) dst(%dma_wait3A_2333 : memref<4096xf32, #tpu.memory_space<hbm>>)
    %dma_wait3A_2337 = arith.constant 1 : i32
    %dma_wait3A_2338 = arith.constant 0 : i32
    %dma_wait3A_2339 = tpu.memref_slice %arg22[%dma_wait3A_2337, %dma_wait3A_2338] : memref<2x4096xf32, #tpu.memory_space<vmem>> -> memref<1x4096xf32, #tpu.memory_space<vmem>>
    %dma_wait3A_2340 = tpu.memref_squeeze %dma_wait3A_2339 : memref<1x4096xf32, #tpu.memory_space<vmem>> -> memref<4096xf32, #tpu.memory_space<vmem>>
    %dma_wait3A_2341 = tpu.memref_slice %arg12[%mul3A_2106] : memref<524288xf32, #tpu.memory_space<hbm>> -> memref<4096xf32, #tpu.memory_space<hbm>>
    %dma_wait3A_2342 = tpu.memref_slice %arg12[%mul3A_2106] : memref<524288xf32, #tpu.memory_space<hbm>> -> memref<4096xf32, #tpu.memory_space<hbm>>
    %dma_wait3A_2343 = arith.constant 0 : i32
    %dma_wait3A_2344 = tpu.memref_slice %arg22[%dma_wait3A_2337, %dma_wait3A_2343] : memref<2x4096xf32, #tpu.memory_space<vmem>> -> memref<1x4096xf32, #tpu.memory_space<vmem>>
    %dma_wait3A_2345 = tpu.memref_squeeze %dma_wait3A_2344 : memref<1x4096xf32, #tpu.memory_space<vmem>> -> memref<4096xf32, #tpu.memory_space<vmem>>
    tpu.wait_dma2 semaphore(%arg27 : memref<!tpu.dma_semaphore, #tpu.memory_space<semaphore_mem>>) src(%dma_wait3A_2345 : memref<4096xf32, #tpu.memory_space<vmem>>) dst(%dma_wait3A_2342 : memref<4096xf32, #tpu.memory_space<hbm>>)
    %dma_wait3A_2346 = arith.constant 1 : i32
    %dma_wait3A_2347 = arith.constant 0 : i32
    %dma_wait3A_2348 = tpu.memref_slice %arg23[%dma_wait3A_2346, %dma_wait3A_2347] : memref<2x4096xf32, #tpu.memory_space<vmem>> -> memref<1x4096xf32, #tpu.memory_space<vmem>>
    %dma_wait3A_2349 = tpu.memref_squeeze %dma_wait3A_2348 : memref<1x4096xf32, #tpu.memory_space<vmem>> -> memref<4096xf32, #tpu.memory_space<vmem>>
    %dma_wait3A_2350 = tpu.memref_slice %arg13[%mul3A_2106] : memref<524288xf32, #tpu.memory_space<hbm>> -> memref<4096xf32, #tpu.memory_space<hbm>>
    %dma_wait3A_2351 = tpu.memref_slice %arg13[%mul3A_2106] : memref<524288xf32, #tpu.memory_space<hbm>> -> memref<4096xf32, #tpu.memory_space<hbm>>
    %dma_wait3A_2352 = arith.constant 0 : i32
    %dma_wait3A_2353 = tpu.memref_slice %arg23[%dma_wait3A_2346, %dma_wait3A_2352] : memref<2x4096xf32, #tpu.memory_space<vmem>> -> memref<1x4096xf32, #tpu.memory_space<vmem>>
    %dma_wait3A_2354 = tpu.memref_squeeze %dma_wait3A_2353 : memref<1x4096xf32, #tpu.memory_space<vmem>> -> memref<4096xf32, #tpu.memory_space<vmem>>
    tpu.wait_dma2 semaphore(%arg27 : memref<!tpu.dma_semaphore, #tpu.memory_space<semaphore_mem>>) src(%dma_wait3A_2354 : memref<4096xf32, #tpu.memory_space<vmem>>) dst(%dma_wait3A_2351 : memref<4096xf32, #tpu.memory_space<hbm>>)
    %add3A_2355 = arith.constant 384 : i32
    %add3A_2356 = arith.addi %mul3A_2, %add3A_2355 : i32
    %mul3A_2357 = arith.constant 32 : i32
    %mul3A_2358 = arith.muli %add3A_2356, %mul3A_2357 : i32
    %dma_start3A_2359 = arith.constant 1 : i32
    %dma_start3A_2360 = arith.constant 0 : i32
    %dma_start3A_2361 = tpu.memref_slice %arg20[%dma_start3A_2359, %dma_start3A_2360] : memref<2x4096xf32, #tpu.memory_space<vmem>> -> memref<1x4096xf32, #tpu.memory_space<vmem>>
    %dma_start3A_2362 = tpu.memref_squeeze %dma_start3A_2361 : memref<1x4096xf32, #tpu.memory_space<vmem>> -> memref<4096xf32, #tpu.memory_space<vmem>>
    %dma_start3A_2363 = tpu.memref_slice %arg10[%mul3A_2358] : memref<524288xf32, #tpu.memory_space<hbm>> -> memref<4096xf32, #tpu.memory_space<hbm>>
    %dma_start3A_2364 = tpu.memref_slice %arg10[%mul3A_2358] : memref<524288xf32, #tpu.memory_space<hbm>> -> memref<4096xf32, #tpu.memory_space<hbm>>
    %dma_start3A_2365 = arith.constant 0 : i32
    %dma_start3A_2366 = tpu.memref_slice %arg20[%dma_start3A_2359, %dma_start3A_2365] : memref<2x4096xf32, #tpu.memory_space<vmem>> -> memref<1x4096xf32, #tpu.memory_space<vmem>>
    %dma_start3A_2367 = tpu.memref_squeeze %dma_start3A_2366 : memref<1x4096xf32, #tpu.memory_space<vmem>> -> memref<4096xf32, #tpu.memory_space<vmem>>
    tpu.enqueue_dma source(%dma_start3A_2367 : memref<4096xf32, #tpu.memory_space<vmem>>) target(%dma_start3A_2364 : memref<4096xf32, #tpu.memory_space<hbm>>) target_semaphore(%arg27 : memref<!tpu.dma_semaphore, #tpu.memory_space<semaphore_mem>>)
    %dma_start3A_2368 = arith.constant 1 : i32
    %dma_start3A_2369 = arith.constant 0 : i32
    %dma_start3A_2370 = tpu.memref_slice %arg21[%dma_start3A_2368, %dma_start3A_2369] : memref<2x4096xf32, #tpu.memory_space<vmem>> -> memref<1x4096xf32, #tpu.memory_space<vmem>>
    %dma_start3A_2371 = tpu.memref_squeeze %dma_start3A_2370 : memref<1x4096xf32, #tpu.memory_space<vmem>> -> memref<4096xf32, #tpu.memory_space<vmem>>
    %dma_start3A_2372 = tpu.memref_slice %arg11[%mul3A_2358] : memref<524288xf32, #tpu.memory_space<hbm>> -> memref<4096xf32, #tpu.memory_space<hbm>>
    %dma_start3A_2373 = tpu.memref_slice %arg11[%mul3A_2358] : memref<524288xf32, #tpu.memory_space<hbm>> -> memref<4096xf32, #tpu.memory_space<hbm>>
    %dma_start3A_2374 = arith.constant 0 : i32
    %dma_start3A_2375 = tpu.memref_slice %arg21[%dma_start3A_2368, %dma_start3A_2374] : memref<2x4096xf32, #tpu.memory_space<vmem>> -> memref<1x4096xf32, #tpu.memory_space<vmem>>
    %dma_start3A_2376 = tpu.memref_squeeze %dma_start3A_2375 : memref<1x4096xf32, #tpu.memory_space<vmem>> -> memref<4096xf32, #tpu.memory_space<vmem>>
    tpu.enqueue_dma source(%dma_start3A_2376 : memref<4096xf32, #tpu.memory_space<vmem>>) target(%dma_start3A_2373 : memref<4096xf32, #tpu.memory_space<hbm>>) target_semaphore(%arg27 : memref<!tpu.dma_semaphore, #tpu.memory_space<semaphore_mem>>)
    %dma_start3A_2377 = arith.constant 1 : i32
    %dma_start3A_2378 = arith.constant 0 : i32
    %dma_start3A_2379 = tpu.memref_slice %arg22[%dma_start3A_2377, %dma_start3A_2378] : memref<2x4096xf32, #tpu.memory_space<vmem>> -> memref<1x4096xf32, #tpu.memory_space<vmem>>
    %dma_start3A_2380 = tpu.memref_squeeze %dma_start3A_2379 : memref<1x4096xf32, #tpu.memory_space<vmem>> -> memref<4096xf32, #tpu.memory_space<vmem>>
    %dma_start3A_2381 = tpu.memref_slice %arg12[%mul3A_2358] : memref<524288xf32, #tpu.memory_space<hbm>> -> memref<4096xf32, #tpu.memory_space<hbm>>
    %dma_start3A_2382 = tpu.memref_slice %arg12[%mul3A_2358] : memref<524288xf32, #tpu.memory_space<hbm>> -> memref<4096xf32, #tpu.memory_space<hbm>>
    %dma_start3A_2383 = arith.constant 0 : i32
    %dma_start3A_2384 = tpu.memref_slice %arg22[%dma_start3A_2377, %dma_start3A_2383] : memref<2x4096xf32, #tpu.memory_space<vmem>> -> memref<1x4096xf32, #tpu.memory_space<vmem>>
    %dma_start3A_2385 = tpu.memref_squeeze %dma_start3A_2384 : memref<1x4096xf32, #tpu.memory_space<vmem>> -> memref<4096xf32, #tpu.memory_space<vmem>>
    tpu.enqueue_dma source(%dma_start3A_2385 : memref<4096xf32, #tpu.memory_space<vmem>>) target(%dma_start3A_2382 : memref<4096xf32, #tpu.memory_space<hbm>>) target_semaphore(%arg27 : memref<!tpu.dma_semaphore, #tpu.memory_space<semaphore_mem>>)
    %dma_start3A_2386 = arith.constant 1 : i32
    %dma_start3A_2387 = arith.constant 0 : i32
    %dma_start3A_2388 = tpu.memref_slice %arg23[%dma_start3A_2386, %dma_start3A_2387] : memref<2x4096xf32, #tpu.memory_space<vmem>> -> memref<1x4096xf32, #tpu.memory_space<vmem>>
    %dma_start3A_2389 = tpu.memref_squeeze %dma_start3A_2388 : memref<1x4096xf32, #tpu.memory_space<vmem>> -> memref<4096xf32, #tpu.memory_space<vmem>>
    %dma_start3A_2390 = tpu.memref_slice %arg13[%mul3A_2358] : memref<524288xf32, #tpu.memory_space<hbm>> -> memref<4096xf32, #tpu.memory_space<hbm>>
    %dma_start3A_2391 = tpu.memref_slice %arg13[%mul3A_2358] : memref<524288xf32, #tpu.memory_space<hbm>> -> memref<4096xf32, #tpu.memory_space<hbm>>
    %dma_start3A_2392 = arith.constant 0 : i32
    %dma_start3A_2393 = tpu.memref_slice %arg23[%dma_start3A_2386, %dma_start3A_2392] : memref<2x4096xf32, #tpu.memory_space<vmem>> -> memref<1x4096xf32, #tpu.memory_space<vmem>>
    %dma_start3A_2394 = tpu.memref_squeeze %dma_start3A_2393 : memref<1x4096xf32, #tpu.memory_space<vmem>> -> memref<4096xf32, #tpu.memory_space<vmem>>
    tpu.enqueue_dma source(%dma_start3A_2394 : memref<4096xf32, #tpu.memory_space<vmem>>) target(%dma_start3A_2391 : memref<4096xf32, #tpu.memory_space<hbm>>) target_semaphore(%arg27 : memref<!tpu.dma_semaphore, #tpu.memory_space<semaphore_mem>>)
    %dma_wait3A_2395 = arith.constant 0 : i32
    %dma_wait3A_2396 = tpu.memref_slice %arg24[%dma_wait3A_2395] : memref<512xf32, #tpu.memory_space<vmem>> -> memref<128xf32, #tpu.memory_space<vmem>>
    %dma_wait3A_2397 = arith.constant 0 : i32
    %dma_wait3A_2398 = tpu.memref_slice %arg16[%dma_wait3A_2397] : memref<512xi32, #tpu.memory_space<vmem>> -> memref<128xi32, #tpu.memory_space<vmem>>
    %dma_wait3A_2399 = arith.constant 0 : i32
    %dma_wait3A_2400 = tpu.memref_slice %arg8[%dma_wait3A_2399] : memref<100000xf32, #tpu.memory_space<hbm>> -> memref<100000xf32, #tpu.memory_space<hbm>>
    tpu.wait_indirect_dma semaphore(%arg28 : memref<!tpu.dma_semaphore, #tpu.memory_space<semaphore_mem>>) src(%dma_wait3A_2400 : memref<100000xf32, #tpu.memory_space<hbm>>) dst(%dma_wait3A_2396 : memref<128xf32, #tpu.memory_space<vmem>>)
    %dma_wait3A_2401 = arith.constant 0 : i32
    %dma_wait3A_2402 = tpu.memref_slice %arg25[%dma_wait3A_2401] : memref<512xf32, #tpu.memory_space<vmem>> -> memref<128xf32, #tpu.memory_space<vmem>>
    %dma_wait3A_2403 = arith.constant 0 : i32
    %dma_wait3A_2404 = tpu.memref_slice %arg17[%dma_wait3A_2403] : memref<512xi32, #tpu.memory_space<vmem>> -> memref<128xi32, #tpu.memory_space<vmem>>
    %dma_wait3A_2405 = arith.constant 0 : i32
    %dma_wait3A_2406 = tpu.memref_slice %arg9[%dma_wait3A_2405] : memref<100000xf32, #tpu.memory_space<hbm>> -> memref<100000xf32, #tpu.memory_space<hbm>>
    tpu.wait_indirect_dma semaphore(%arg28 : memref<!tpu.dma_semaphore, #tpu.memory_space<semaphore_mem>>) src(%dma_wait3A_2406 : memref<100000xf32, #tpu.memory_space<hbm>>) dst(%dma_wait3A_2402 : memref<128xf32, #tpu.memory_space<vmem>>)
    %dma_wait3A_2407 = arith.constant 128 : i32
    %dma_wait3A_2408 = tpu.memref_slice %arg24[%dma_wait3A_2407] : memref<512xf32, #tpu.memory_space<vmem>> -> memref<128xf32, #tpu.memory_space<vmem>>
    %dma_wait3A_2409 = arith.constant 128 : i32
    %dma_wait3A_2410 = tpu.memref_slice %arg16[%dma_wait3A_2409] : memref<512xi32, #tpu.memory_space<vmem>> -> memref<128xi32, #tpu.memory_space<vmem>>
    %dma_wait3A_2411 = arith.constant 0 : i32
    %dma_wait3A_2412 = tpu.memref_slice %arg8[%dma_wait3A_2411] : memref<100000xf32, #tpu.memory_space<hbm>> -> memref<100000xf32, #tpu.memory_space<hbm>>
    tpu.wait_indirect_dma semaphore(%arg28 : memref<!tpu.dma_semaphore, #tpu.memory_space<semaphore_mem>>) src(%dma_wait3A_2412 : memref<100000xf32, #tpu.memory_space<hbm>>) dst(%dma_wait3A_2408 : memref<128xf32, #tpu.memory_space<vmem>>)
    %dma_wait3A_2413 = arith.constant 128 : i32
    %dma_wait3A_2414 = tpu.memref_slice %arg25[%dma_wait3A_2413] : memref<512xf32, #tpu.memory_space<vmem>> -> memref<128xf32, #tpu.memory_space<vmem>>
    %dma_wait3A_2415 = arith.constant 128 : i32
    %dma_wait3A_2416 = tpu.memref_slice %arg17[%dma_wait3A_2415] : memref<512xi32, #tpu.memory_space<vmem>> -> memref<128xi32, #tpu.memory_space<vmem>>
    %dma_wait3A_2417 = arith.constant 0 : i32
    %dma_wait3A_2418 = tpu.memref_slice %arg9[%dma_wait3A_2417] : memref<100000xf32, #tpu.memory_space<hbm>> -> memref<100000xf32, #tpu.memory_space<hbm>>
    tpu.wait_indirect_dma semaphore(%arg28 : memref<!tpu.dma_semaphore, #tpu.memory_space<semaphore_mem>>) src(%dma_wait3A_2418 : memref<100000xf32, #tpu.memory_space<hbm>>) dst(%dma_wait3A_2414 : memref<128xf32, #tpu.memory_space<vmem>>)
    %dma_wait3A_2419 = arith.constant 256 : i32
    %dma_wait3A_2420 = tpu.memref_slice %arg24[%dma_wait3A_2419] : memref<512xf32, #tpu.memory_space<vmem>> -> memref<128xf32, #tpu.memory_space<vmem>>
    %dma_wait3A_2421 = arith.constant 256 : i32
    %dma_wait3A_2422 = tpu.memref_slice %arg16[%dma_wait3A_2421] : memref<512xi32, #tpu.memory_space<vmem>> -> memref<128xi32, #tpu.memory_space<vmem>>
    %dma_wait3A_2423 = arith.constant 0 : i32
    %dma_wait3A_2424 = tpu.memref_slice %arg8[%dma_wait3A_2423] : memref<100000xf32, #tpu.memory_space<hbm>> -> memref<100000xf32, #tpu.memory_space<hbm>>
    tpu.wait_indirect_dma semaphore(%arg28 : memref<!tpu.dma_semaphore, #tpu.memory_space<semaphore_mem>>) src(%dma_wait3A_2424 : memref<100000xf32, #tpu.memory_space<hbm>>) dst(%dma_wait3A_2420 : memref<128xf32, #tpu.memory_space<vmem>>)
    %dma_wait3A_2425 = arith.constant 256 : i32
    %dma_wait3A_2426 = tpu.memref_slice %arg25[%dma_wait3A_2425] : memref<512xf32, #tpu.memory_space<vmem>> -> memref<128xf32, #tpu.memory_space<vmem>>
    %dma_wait3A_2427 = arith.constant 256 : i32
    %dma_wait3A_2428 = tpu.memref_slice %arg17[%dma_wait3A_2427] : memref<512xi32, #tpu.memory_space<vmem>> -> memref<128xi32, #tpu.memory_space<vmem>>
    %dma_wait3A_2429 = arith.constant 0 : i32
    %dma_wait3A_2430 = tpu.memref_slice %arg9[%dma_wait3A_2429] : memref<100000xf32, #tpu.memory_space<hbm>> -> memref<100000xf32, #tpu.memory_space<hbm>>
    tpu.wait_indirect_dma semaphore(%arg28 : memref<!tpu.dma_semaphore, #tpu.memory_space<semaphore_mem>>) src(%dma_wait3A_2430 : memref<100000xf32, #tpu.memory_space<hbm>>) dst(%dma_wait3A_2426 : memref<128xf32, #tpu.memory_space<vmem>>)
    %dma_wait3A_2431 = arith.constant 384 : i32
    %dma_wait3A_2432 = tpu.memref_slice %arg24[%dma_wait3A_2431] : memref<512xf32, #tpu.memory_space<vmem>> -> memref<128xf32, #tpu.memory_space<vmem>>
    %dma_wait3A_2433 = arith.constant 384 : i32
    %dma_wait3A_2434 = tpu.memref_slice %arg16[%dma_wait3A_2433] : memref<512xi32, #tpu.memory_space<vmem>> -> memref<128xi32, #tpu.memory_space<vmem>>
    %dma_wait3A_2435 = arith.constant 0 : i32
    %dma_wait3A_2436 = tpu.memref_slice %arg8[%dma_wait3A_2435] : memref<100000xf32, #tpu.memory_space<hbm>> -> memref<100000xf32, #tpu.memory_space<hbm>>
    tpu.wait_indirect_dma semaphore(%arg28 : memref<!tpu.dma_semaphore, #tpu.memory_space<semaphore_mem>>) src(%dma_wait3A_2436 : memref<100000xf32, #tpu.memory_space<hbm>>) dst(%dma_wait3A_2432 : memref<128xf32, #tpu.memory_space<vmem>>)
    %dma_wait3A_2437 = arith.constant 384 : i32
    %dma_wait3A_2438 = tpu.memref_slice %arg25[%dma_wait3A_2437] : memref<512xf32, #tpu.memory_space<vmem>> -> memref<128xf32, #tpu.memory_space<vmem>>
    %dma_wait3A_2439 = arith.constant 384 : i32
    %dma_wait3A_2440 = tpu.memref_slice %arg17[%dma_wait3A_2439] : memref<512xi32, #tpu.memory_space<vmem>> -> memref<128xi32, #tpu.memory_space<vmem>>
    %dma_wait3A_2441 = arith.constant 0 : i32
    %dma_wait3A_2442 = tpu.memref_slice %arg9[%dma_wait3A_2441] : memref<100000xf32, #tpu.memory_space<hbm>> -> memref<100000xf32, #tpu.memory_space<hbm>>
    tpu.wait_indirect_dma semaphore(%arg28 : memref<!tpu.dma_semaphore, #tpu.memory_space<semaphore_mem>>) src(%dma_wait3A_2442 : memref<100000xf32, #tpu.memory_space<hbm>>) dst(%dma_wait3A_2438 : memref<128xf32, #tpu.memory_space<vmem>>)
    %dma_start3A_2443 = tpu.memref_slice %arg14[%mul3A_2] : memref<16384xf32, #tpu.memory_space<hbm>> -> memref<512xf32, #tpu.memory_space<hbm>>
    %dma_start3A_2444 = tpu.memref_slice %arg14[%mul3A_2] : memref<16384xf32, #tpu.memory_space<hbm>> -> memref<512xf32, #tpu.memory_space<hbm>>
    tpu.enqueue_dma source(%arg24 : memref<512xf32, #tpu.memory_space<vmem>>) target(%dma_start3A_2444 : memref<512xf32, #tpu.memory_space<hbm>>) target_semaphore(%arg27 : memref<!tpu.dma_semaphore, #tpu.memory_space<semaphore_mem>>)
    %dma_start3A_2445 = tpu.memref_slice %arg15[%mul3A_2] : memref<16384xf32, #tpu.memory_space<hbm>> -> memref<512xf32, #tpu.memory_space<hbm>>
    %dma_start3A_2446 = tpu.memref_slice %arg15[%mul3A_2] : memref<16384xf32, #tpu.memory_space<hbm>> -> memref<512xf32, #tpu.memory_space<hbm>>
    tpu.enqueue_dma source(%arg25 : memref<512xf32, #tpu.memory_space<vmem>>) target(%dma_start3A_2446 : memref<512xf32, #tpu.memory_space<hbm>>) target_semaphore(%arg27 : memref<!tpu.dma_semaphore, #tpu.memory_space<semaphore_mem>>)
    %dma_wait3A_2447 = arith.constant 0 : i32
    %dma_wait3A_2448 = arith.constant 0 : i32
    %dma_wait3A_2449 = tpu.memref_slice %arg20[%dma_wait3A_2447, %dma_wait3A_2448] : memref<2x4096xf32, #tpu.memory_space<vmem>> -> memref<1x4096xf32, #tpu.memory_space<vmem>>
    %dma_wait3A_2450 = tpu.memref_squeeze %dma_wait3A_2449 : memref<1x4096xf32, #tpu.memory_space<vmem>> -> memref<4096xf32, #tpu.memory_space<vmem>>
    %dma_wait3A_2451 = tpu.memref_slice %arg10[%mul3A_2232] : memref<524288xf32, #tpu.memory_space<hbm>> -> memref<4096xf32, #tpu.memory_space<hbm>>
    %dma_wait3A_2452 = tpu.memref_slice %arg10[%mul3A_2232] : memref<524288xf32, #tpu.memory_space<hbm>> -> memref<4096xf32, #tpu.memory_space<hbm>>
    %dma_wait3A_2453 = arith.constant 0 : i32
    %dma_wait3A_2454 = tpu.memref_slice %arg20[%dma_wait3A_2447, %dma_wait3A_2453] : memref<2x4096xf32, #tpu.memory_space<vmem>> -> memref<1x4096xf32, #tpu.memory_space<vmem>>
    %dma_wait3A_2455 = tpu.memref_squeeze %dma_wait3A_2454 : memref<1x4096xf32, #tpu.memory_space<vmem>> -> memref<4096xf32, #tpu.memory_space<vmem>>
    tpu.wait_dma2 semaphore(%arg27 : memref<!tpu.dma_semaphore, #tpu.memory_space<semaphore_mem>>) src(%dma_wait3A_2455 : memref<4096xf32, #tpu.memory_space<vmem>>) dst(%dma_wait3A_2452 : memref<4096xf32, #tpu.memory_space<hbm>>)
    %dma_wait3A_2456 = arith.constant 0 : i32
    %dma_wait3A_2457 = arith.constant 0 : i32
    %dma_wait3A_2458 = tpu.memref_slice %arg21[%dma_wait3A_2456, %dma_wait3A_2457] : memref<2x4096xf32, #tpu.memory_space<vmem>> -> memref<1x4096xf32, #tpu.memory_space<vmem>>
    %dma_wait3A_2459 = tpu.memref_squeeze %dma_wait3A_2458 : memref<1x4096xf32, #tpu.memory_space<vmem>> -> memref<4096xf32, #tpu.memory_space<vmem>>
    %dma_wait3A_2460 = tpu.memref_slice %arg11[%mul3A_2232] : memref<524288xf32, #tpu.memory_space<hbm>> -> memref<4096xf32, #tpu.memory_space<hbm>>
    %dma_wait3A_2461 = tpu.memref_slice %arg11[%mul3A_2232] : memref<524288xf32, #tpu.memory_space<hbm>> -> memref<4096xf32, #tpu.memory_space<hbm>>
    %dma_wait3A_2462 = arith.constant 0 : i32
    %dma_wait3A_2463 = tpu.memref_slice %arg21[%dma_wait3A_2456, %dma_wait3A_2462] : memref<2x4096xf32, #tpu.memory_space<vmem>> -> memref<1x4096xf32, #tpu.memory_space<vmem>>
    %dma_wait3A_2464 = tpu.memref_squeeze %dma_wait3A_2463 : memref<1x4096xf32, #tpu.memory_space<vmem>> -> memref<4096xf32, #tpu.memory_space<vmem>>
    tpu.wait_dma2 semaphore(%arg27 : memref<!tpu.dma_semaphore, #tpu.memory_space<semaphore_mem>>) src(%dma_wait3A_2464 : memref<4096xf32, #tpu.memory_space<vmem>>) dst(%dma_wait3A_2461 : memref<4096xf32, #tpu.memory_space<hbm>>)
    %dma_wait3A_2465 = arith.constant 0 : i32
    %dma_wait3A_2466 = arith.constant 0 : i32
    %dma_wait3A_2467 = tpu.memref_slice %arg22[%dma_wait3A_2465, %dma_wait3A_2466] : memref<2x4096xf32, #tpu.memory_space<vmem>> -> memref<1x4096xf32, #tpu.memory_space<vmem>>
    %dma_wait3A_2468 = tpu.memref_squeeze %dma_wait3A_2467 : memref<1x4096xf32, #tpu.memory_space<vmem>> -> memref<4096xf32, #tpu.memory_space<vmem>>
    %dma_wait3A_2469 = tpu.memref_slice %arg12[%mul3A_2232] : memref<524288xf32, #tpu.memory_space<hbm>> -> memref<4096xf32, #tpu.memory_space<hbm>>
    %dma_wait3A_2470 = tpu.memref_slice %arg12[%mul3A_2232] : memref<524288xf32, #tpu.memory_space<hbm>> -> memref<4096xf32, #tpu.memory_space<hbm>>
    %dma_wait3A_2471 = arith.constant 0 : i32
    %dma_wait3A_2472 = tpu.memref_slice %arg22[%dma_wait3A_2465, %dma_wait3A_2471] : memref<2x4096xf32, #tpu.memory_space<vmem>> -> memref<1x4096xf32, #tpu.memory_space<vmem>>
    %dma_wait3A_2473 = tpu.memref_squeeze %dma_wait3A_2472 : memref<1x4096xf32, #tpu.memory_space<vmem>> -> memref<4096xf32, #tpu.memory_space<vmem>>
    tpu.wait_dma2 semaphore(%arg27 : memref<!tpu.dma_semaphore, #tpu.memory_space<semaphore_mem>>) src(%dma_wait3A_2473 : memref<4096xf32, #tpu.memory_space<vmem>>) dst(%dma_wait3A_2470 : memref<4096xf32, #tpu.memory_space<hbm>>)
    %dma_wait3A_2474 = arith.constant 0 : i32
    %dma_wait3A_2475 = arith.constant 0 : i32
    %dma_wait3A_2476 = tpu.memref_slice %arg23[%dma_wait3A_2474, %dma_wait3A_2475] : memref<2x4096xf32, #tpu.memory_space<vmem>> -> memref<1x4096xf32, #tpu.memory_space<vmem>>
    %dma_wait3A_2477 = tpu.memref_squeeze %dma_wait3A_2476 : memref<1x4096xf32, #tpu.memory_space<vmem>> -> memref<4096xf32, #tpu.memory_space<vmem>>
    %dma_wait3A_2478 = tpu.memref_slice %arg13[%mul3A_2232] : memref<524288xf32, #tpu.memory_space<hbm>> -> memref<4096xf32, #tpu.memory_space<hbm>>
    %dma_wait3A_2479 = tpu.memref_slice %arg13[%mul3A_2232] : memref<524288xf32, #tpu.memory_space<hbm>> -> memref<4096xf32, #tpu.memory_space<hbm>>
    %dma_wait3A_2480 = arith.constant 0 : i32
    %dma_wait3A_2481 = tpu.memref_slice %arg23[%dma_wait3A_2474, %dma_wait3A_2480] : memref<2x4096xf32, #tpu.memory_space<vmem>> -> memref<1x4096xf32, #tpu.memory_space<vmem>>
    %dma_wait3A_2482 = tpu.memref_squeeze %dma_wait3A_2481 : memref<1x4096xf32, #tpu.memory_space<vmem>> -> memref<4096xf32, #tpu.memory_space<vmem>>
    tpu.wait_dma2 semaphore(%arg27 : memref<!tpu.dma_semaphore, #tpu.memory_space<semaphore_mem>>) src(%dma_wait3A_2482 : memref<4096xf32, #tpu.memory_space<vmem>>) dst(%dma_wait3A_2479 : memref<4096xf32, #tpu.memory_space<hbm>>)
    %dma_wait3A_2483 = arith.constant 1 : i32
    %dma_wait3A_2484 = arith.constant 0 : i32
    %dma_wait3A_2485 = tpu.memref_slice %arg20[%dma_wait3A_2483, %dma_wait3A_2484] : memref<2x4096xf32, #tpu.memory_space<vmem>> -> memref<1x4096xf32, #tpu.memory_space<vmem>>
    %dma_wait3A_2486 = tpu.memref_squeeze %dma_wait3A_2485 : memref<1x4096xf32, #tpu.memory_space<vmem>> -> memref<4096xf32, #tpu.memory_space<vmem>>
    %dma_wait3A_2487 = tpu.memref_slice %arg10[%mul3A_2358] : memref<524288xf32, #tpu.memory_space<hbm>> -> memref<4096xf32, #tpu.memory_space<hbm>>
    %dma_wait3A_2488 = tpu.memref_slice %arg10[%mul3A_2358] : memref<524288xf32, #tpu.memory_space<hbm>> -> memref<4096xf32, #tpu.memory_space<hbm>>
    %dma_wait3A_2489 = arith.constant 0 : i32
    %dma_wait3A_2490 = tpu.memref_slice %arg20[%dma_wait3A_2483, %dma_wait3A_2489] : memref<2x4096xf32, #tpu.memory_space<vmem>> -> memref<1x4096xf32, #tpu.memory_space<vmem>>
    %dma_wait3A_2491 = tpu.memref_squeeze %dma_wait3A_2490 : memref<1x4096xf32, #tpu.memory_space<vmem>> -> memref<4096xf32, #tpu.memory_space<vmem>>
    tpu.wait_dma2 semaphore(%arg27 : memref<!tpu.dma_semaphore, #tpu.memory_space<semaphore_mem>>) src(%dma_wait3A_2491 : memref<4096xf32, #tpu.memory_space<vmem>>) dst(%dma_wait3A_2488 : memref<4096xf32, #tpu.memory_space<hbm>>)
    %dma_wait3A_2492 = arith.constant 1 : i32
    %dma_wait3A_2493 = arith.constant 0 : i32
    %dma_wait3A_2494 = tpu.memref_slice %arg21[%dma_wait3A_2492, %dma_wait3A_2493] : memref<2x4096xf32, #tpu.memory_space<vmem>> -> memref<1x4096xf32, #tpu.memory_space<vmem>>
    %dma_wait3A_2495 = tpu.memref_squeeze %dma_wait3A_2494 : memref<1x4096xf32, #tpu.memory_space<vmem>> -> memref<4096xf32, #tpu.memory_space<vmem>>
    %dma_wait3A_2496 = tpu.memref_slice %arg11[%mul3A_2358] : memref<524288xf32, #tpu.memory_space<hbm>> -> memref<4096xf32, #tpu.memory_space<hbm>>
    %dma_wait3A_2497 = tpu.memref_slice %arg11[%mul3A_2358] : memref<524288xf32, #tpu.memory_space<hbm>> -> memref<4096xf32, #tpu.memory_space<hbm>>
    %dma_wait3A_2498 = arith.constant 0 : i32
    %dma_wait3A_2499 = tpu.memref_slice %arg21[%dma_wait3A_2492, %dma_wait3A_2498] : memref<2x4096xf32, #tpu.memory_space<vmem>> -> memref<1x4096xf32, #tpu.memory_space<vmem>>
    %dma_wait3A_2500 = tpu.memref_squeeze %dma_wait3A_2499 : memref<1x4096xf32, #tpu.memory_space<vmem>> -> memref<4096xf32, #tpu.memory_space<vmem>>
    tpu.wait_dma2 semaphore(%arg27 : memref<!tpu.dma_semaphore, #tpu.memory_space<semaphore_mem>>) src(%dma_wait3A_2500 : memref<4096xf32, #tpu.memory_space<vmem>>) dst(%dma_wait3A_2497 : memref<4096xf32, #tpu.memory_space<hbm>>)
    %dma_wait3A_2501 = arith.constant 1 : i32
    %dma_wait3A_2502 = arith.constant 0 : i32
    %dma_wait3A_2503 = tpu.memref_slice %arg22[%dma_wait3A_2501, %dma_wait3A_2502] : memref<2x4096xf32, #tpu.memory_space<vmem>> -> memref<1x4096xf32, #tpu.memory_space<vmem>>
    %dma_wait3A_2504 = tpu.memref_squeeze %dma_wait3A_2503 : memref<1x4096xf32, #tpu.memory_space<vmem>> -> memref<4096xf32, #tpu.memory_space<vmem>>
    %dma_wait3A_2505 = tpu.memref_slice %arg12[%mul3A_2358] : memref<524288xf32, #tpu.memory_space<hbm>> -> memref<4096xf32, #tpu.memory_space<hbm>>
    %dma_wait3A_2506 = tpu.memref_slice %arg12[%mul3A_2358] : memref<524288xf32, #tpu.memory_space<hbm>> -> memref<4096xf32, #tpu.memory_space<hbm>>
    %dma_wait3A_2507 = arith.constant 0 : i32
    %dma_wait3A_2508 = tpu.memref_slice %arg22[%dma_wait3A_2501, %dma_wait3A_2507] : memref<2x4096xf32, #tpu.memory_space<vmem>> -> memref<1x4096xf32, #tpu.memory_space<vmem>>
    %dma_wait3A_2509 = tpu.memref_squeeze %dma_wait3A_2508 : memref<1x4096xf32, #tpu.memory_space<vmem>> -> memref<4096xf32, #tpu.memory_space<vmem>>
    tpu.wait_dma2 semaphore(%arg27 : memref<!tpu.dma_semaphore, #tpu.memory_space<semaphore_mem>>) src(%dma_wait3A_2509 : memref<4096xf32, #tpu.memory_space<vmem>>) dst(%dma_wait3A_2506 : memref<4096xf32, #tpu.memory_space<hbm>>)
    %dma_wait3A_2510 = arith.constant 1 : i32
    %dma_wait3A_2511 = arith.constant 0 : i32
    %dma_wait3A_2512 = tpu.memref_slice %arg23[%dma_wait3A_2510, %dma_wait3A_2511] : memref<2x4096xf32, #tpu.memory_space<vmem>> -> memref<1x4096xf32, #tpu.memory_space<vmem>>
    %dma_wait3A_2513 = tpu.memref_squeeze %dma_wait3A_2512 : memref<1x4096xf32, #tpu.memory_space<vmem>> -> memref<4096xf32, #tpu.memory_space<vmem>>
    %dma_wait3A_2514 = tpu.memref_slice %arg13[%mul3A_2358] : memref<524288xf32, #tpu.memory_space<hbm>> -> memref<4096xf32, #tpu.memory_space<hbm>>
    %dma_wait3A_2515 = tpu.memref_slice %arg13[%mul3A_2358] : memref<524288xf32, #tpu.memory_space<hbm>> -> memref<4096xf32, #tpu.memory_space<hbm>>
    %dma_wait3A_2516 = arith.constant 0 : i32
    %dma_wait3A_2517 = tpu.memref_slice %arg23[%dma_wait3A_2510, %dma_wait3A_2516] : memref<2x4096xf32, #tpu.memory_space<vmem>> -> memref<1x4096xf32, #tpu.memory_space<vmem>>
    %dma_wait3A_2518 = tpu.memref_squeeze %dma_wait3A_2517 : memref<1x4096xf32, #tpu.memory_space<vmem>> -> memref<4096xf32, #tpu.memory_space<vmem>>
    tpu.wait_dma2 semaphore(%arg27 : memref<!tpu.dma_semaphore, #tpu.memory_space<semaphore_mem>>) src(%dma_wait3A_2518 : memref<4096xf32, #tpu.memory_space<vmem>>) dst(%dma_wait3A_2515 : memref<4096xf32, #tpu.memory_space<hbm>>)
    %dma_wait3A_2519 = tpu.memref_slice %arg14[%mul3A_2] : memref<16384xf32, #tpu.memory_space<hbm>> -> memref<512xf32, #tpu.memory_space<hbm>>
    %dma_wait3A_2520 = tpu.memref_slice %arg14[%mul3A_2] : memref<16384xf32, #tpu.memory_space<hbm>> -> memref<512xf32, #tpu.memory_space<hbm>>
    tpu.wait_dma2 semaphore(%arg27 : memref<!tpu.dma_semaphore, #tpu.memory_space<semaphore_mem>>) src(%arg24 : memref<512xf32, #tpu.memory_space<vmem>>) dst(%dma_wait3A_2520 : memref<512xf32, #tpu.memory_space<hbm>>)
    %dma_wait3A_2521 = tpu.memref_slice %arg15[%mul3A_2] : memref<16384xf32, #tpu.memory_space<hbm>> -> memref<512xf32, #tpu.memory_space<hbm>>
    %dma_wait3A_2522 = tpu.memref_slice %arg15[%mul3A_2] : memref<16384xf32, #tpu.memory_space<hbm>> -> memref<512xf32, #tpu.memory_space<hbm>>
    tpu.wait_dma2 semaphore(%arg27 : memref<!tpu.dma_semaphore, #tpu.memory_space<semaphore_mem>>) src(%arg25 : memref<512xf32, #tpu.memory_space<vmem>>) dst(%dma_wait3A_2522 : memref<512xf32, #tpu.memory_space<hbm>>)
    return
  }
}

module attributes {stable_mosaic.version = 14 : i64} {
  func.func @body(%arg0: i32, %arg1: memref<32x2048xf32, #tpu.memory_space<vmem>>, %arg2: memref<32x2048xf32, #tpu.memory_space<vmem>>, %arg3: memref<32x2048xf32, #tpu.memory_space<vmem>>, %arg4: memref<32x2048xf32, #tpu.memory_space<vmem>>, %arg5: memref<512x128xf32, #tpu.memory_space<vmem>>, %arg6: memref<512x128xf32, #tpu.memory_space<vmem>>, %arg7: memref<512x128xf32, #tpu.memory_space<vmem>>, %arg8: memref<512x128xf32, #tpu.memory_space<vmem>>) attributes {dimension_semantics = [#tpu.dimension_semantics<arbitrary>], iteration_bounds = array<i64: 49>, scalar_prefetch = 0 : i64, scratch_operands = 0 : i64, tpu.core_type = #tpu.core_type<tc>, window_params = [{transform_indices = @transform_0, window_bounds = array<i64: 32, 2048>}, {transform_indices = @transform_1, window_bounds = array<i64: 32, 2048>}, {transform_indices = @transform_2, window_bounds = array<i64: 32, 2048>}, {transform_indices = @transform_3, window_bounds = array<i64: 32, 2048>}, {transform_indices = @transform_4, window_bounds = array<i64: 512, 128>}, {transform_indices = @transform_5, window_bounds = array<i64: 512, 128>}, {transform_indices = @transform_6, window_bounds = array<i64: 512, 128>}, {transform_indices = @transform_7, window_bounds = array<i64: 512, 128>}]} {
    %get3A = arith.constant 0 : index
    %get3A_0 = arith.constant 0 : index
    %get3A_1 = vector.load %arg1[%get3A, %get3A_0] : memref<32x2048xf32, #tpu.memory_space<vmem>>, vector<32x2048xf32>
    %transpose3A = tpu.transpose %get3A_1, [1, 0] : vector<32x2048xf32> -> vector<2048x32xf32>
    %slice3A = vector.extract_strided_slice %transpose3A {offsets = [0, 0], sizes = [512, 32], strides = [1, 1]} : vector<2048x32xf32> to vector<512x32xf32>
    %slice3A_2 = vector.extract_strided_slice %transpose3A {offsets = [512, 0], sizes = [512, 32], strides = [1, 1]} : vector<2048x32xf32> to vector<512x32xf32>
    %slice3A_3 = vector.extract_strided_slice %transpose3A {offsets = [1024, 0], sizes = [512, 32], strides = [1, 1]} : vector<2048x32xf32> to vector<512x32xf32>
    %slice3A_4 = vector.extract_strided_slice %transpose3A {offsets = [1536, 0], sizes = [512, 32], strides = [1, 1]} : vector<2048x32xf32> to vector<512x32xf32>
    %concatenate3A = tpu.concatenate %slice3A, %slice3A_2, %slice3A_3, %slice3A_4 in 1 : vector<512x32xf32>, vector<512x32xf32>, vector<512x32xf32>, vector<512x32xf32> -> vector<512x128xf32>
    %swap3A = arith.constant 0 : index
    %swap3A_5 = arith.constant 0 : index
    %swap3A_6 = vector.load %arg5[%swap3A, %swap3A_5] : memref<512x128xf32, #tpu.memory_space<vmem>>, vector<512x128xf32>
    tpu.vector_store %arg5[%swap3A, %swap3A_5], %concatenate3A {strides = array<i32>} : memref<512x128xf32, #tpu.memory_space<vmem>>, vector<512x128xf32>,
    %get3A_7 = arith.constant 0 : index
    %get3A_8 = arith.constant 0 : index
    %get3A_9 = vector.load %arg2[%get3A_7, %get3A_8] : memref<32x2048xf32, #tpu.memory_space<vmem>>, vector<32x2048xf32>
    %transpose3A_10 = tpu.transpose %get3A_9, [1, 0] : vector<32x2048xf32> -> vector<2048x32xf32>
    %slice3A_11 = vector.extract_strided_slice %transpose3A_10 {offsets = [0, 0], sizes = [512, 32], strides = [1, 1]} : vector<2048x32xf32> to vector<512x32xf32>
    %slice3A_12 = vector.extract_strided_slice %transpose3A_10 {offsets = [512, 0], sizes = [512, 32], strides = [1, 1]} : vector<2048x32xf32> to vector<512x32xf32>
    %slice3A_13 = vector.extract_strided_slice %transpose3A_10 {offsets = [1024, 0], sizes = [512, 32], strides = [1, 1]} : vector<2048x32xf32> to vector<512x32xf32>
    %slice3A_14 = vector.extract_strided_slice %transpose3A_10 {offsets = [1536, 0], sizes = [512, 32], strides = [1, 1]} : vector<2048x32xf32> to vector<512x32xf32>
    %concatenate3A_15 = tpu.concatenate %slice3A_11, %slice3A_12, %slice3A_13, %slice3A_14 in 1 : vector<512x32xf32>, vector<512x32xf32>, vector<512x32xf32>, vector<512x32xf32> -> vector<512x128xf32>
    %swap3A_16 = arith.constant 0 : index
    %swap3A_17 = arith.constant 0 : index
    %swap3A_18 = vector.load %arg6[%swap3A_16, %swap3A_17] : memref<512x128xf32, #tpu.memory_space<vmem>>, vector<512x128xf32>
    tpu.vector_store %arg6[%swap3A_16, %swap3A_17], %concatenate3A_15 {strides = array<i32>} : memref<512x128xf32, #tpu.memory_space<vmem>>, vector<512x128xf32>,
    %get3A_19 = arith.constant 0 : index
    %get3A_20 = arith.constant 0 : index
    %get3A_21 = vector.load %arg3[%get3A_19, %get3A_20] : memref<32x2048xf32, #tpu.memory_space<vmem>>, vector<32x2048xf32>
    %transpose3A_22 = tpu.transpose %get3A_21, [1, 0] : vector<32x2048xf32> -> vector<2048x32xf32>
    %slice3A_23 = vector.extract_strided_slice %transpose3A_22 {offsets = [0, 0], sizes = [512, 32], strides = [1, 1]} : vector<2048x32xf32> to vector<512x32xf32>
    %slice3A_24 = vector.extract_strided_slice %transpose3A_22 {offsets = [512, 0], sizes = [512, 32], strides = [1, 1]} : vector<2048x32xf32> to vector<512x32xf32>
    %slice3A_25 = vector.extract_strided_slice %transpose3A_22 {offsets = [1024, 0], sizes = [512, 32], strides = [1, 1]} : vector<2048x32xf32> to vector<512x32xf32>
    %slice3A_26 = vector.extract_strided_slice %transpose3A_22 {offsets = [1536, 0], sizes = [512, 32], strides = [1, 1]} : vector<2048x32xf32> to vector<512x32xf32>
    %concatenate3A_27 = tpu.concatenate %slice3A_23, %slice3A_24, %slice3A_25, %slice3A_26 in 1 : vector<512x32xf32>, vector<512x32xf32>, vector<512x32xf32>, vector<512x32xf32> -> vector<512x128xf32>
    %swap3A_28 = arith.constant 0 : index
    %swap3A_29 = arith.constant 0 : index
    %swap3A_30 = vector.load %arg7[%swap3A_28, %swap3A_29] : memref<512x128xf32, #tpu.memory_space<vmem>>, vector<512x128xf32>
    tpu.vector_store %arg7[%swap3A_28, %swap3A_29], %concatenate3A_27 {strides = array<i32>} : memref<512x128xf32, #tpu.memory_space<vmem>>, vector<512x128xf32>,
    %get3A_31 = arith.constant 0 : index
    %get3A_32 = arith.constant 0 : index
    %get3A_33 = vector.load %arg4[%get3A_31, %get3A_32] : memref<32x2048xf32, #tpu.memory_space<vmem>>, vector<32x2048xf32>
    %transpose3A_34 = tpu.transpose %get3A_33, [1, 0] : vector<32x2048xf32> -> vector<2048x32xf32>
    %slice3A_35 = vector.extract_strided_slice %transpose3A_34 {offsets = [0, 0], sizes = [512, 32], strides = [1, 1]} : vector<2048x32xf32> to vector<512x32xf32>
    %slice3A_36 = vector.extract_strided_slice %transpose3A_34 {offsets = [512, 0], sizes = [512, 32], strides = [1, 1]} : vector<2048x32xf32> to vector<512x32xf32>
    %slice3A_37 = vector.extract_strided_slice %transpose3A_34 {offsets = [1024, 0], sizes = [512, 32], strides = [1, 1]} : vector<2048x32xf32> to vector<512x32xf32>
    %slice3A_38 = vector.extract_strided_slice %transpose3A_34 {offsets = [1536, 0], sizes = [512, 32], strides = [1, 1]} : vector<2048x32xf32> to vector<512x32xf32>
    %concatenate3A_39 = tpu.concatenate %slice3A_35, %slice3A_36, %slice3A_37, %slice3A_38 in 1 : vector<512x32xf32>, vector<512x32xf32>, vector<512x32xf32>, vector<512x32xf32> -> vector<512x128xf32>
    %swap3A_40 = arith.constant 0 : index
    %swap3A_41 = arith.constant 0 : index
    %swap3A_42 = vector.load %arg8[%swap3A_40, %swap3A_41] : memref<512x128xf32, #tpu.memory_space<vmem>>, vector<512x128xf32>
    tpu.vector_store %arg8[%swap3A_40, %swap3A_41], %concatenate3A_39 {strides = array<i32>} : memref<512x128xf32, #tpu.memory_space<vmem>>, vector<512x128xf32>,
    return
  }
  func.func @transform_0(%arg0: i32) -> (i32, i32) {
    %c0_i32 = arith.constant 0 : i32
    %c0_i32_0 = arith.constant 0 : i32
    return %c0_i32, %arg0 : i32, i32
  }
  func.func @transform_1(%arg0: i32) -> (i32, i32) {
    %c0_i32 = arith.constant 0 : i32
    %c0_i32_0 = arith.constant 0 : i32
    return %c0_i32, %arg0 : i32, i32
  }
  func.func @transform_2(%arg0: i32) -> (i32, i32) {
    %c0_i32 = arith.constant 0 : i32
    %c0_i32_0 = arith.constant 0 : i32
    return %c0_i32, %arg0 : i32, i32
  }
  func.func @transform_3(%arg0: i32) -> (i32, i32) {
    %c0_i32 = arith.constant 0 : i32
    %c0_i32_0 = arith.constant 0 : i32
    return %c0_i32, %arg0 : i32, i32
  }
  func.func @transform_4(%arg0: i32) -> (i32, i32) {
    %c0_i32 = arith.constant 0 : i32
    %c0_i32_0 = arith.constant 0 : i32
    return %arg0, %c0_i32 : i32, i32
  }
  func.func @transform_5(%arg0: i32) -> (i32, i32) {
    %c0_i32 = arith.constant 0 : i32
    %c0_i32_0 = arith.constant 0 : i32
    return %arg0, %c0_i32 : i32, i32
  }
  func.func @transform_6(%arg0: i32) -> (i32, i32) {
    %c0_i32 = arith.constant 0 : i32
    %c0_i32_0 = arith.constant 0 : i32
    return %arg0, %c0_i32 : i32, i32
  }
  func.func @transform_7(%arg0: i32) -> (i32, i32) {
    %c0_i32 = arith.constant 0 : i32
    %c0_i32_0 = arith.constant 0 : i32
    return %arg0, %c0_i32 : i32, i32
  }
}

module attributes {stable_mosaic.version = 14 : i64} {
  func.func @body(%arg0: i32, %arg1: memref<512x32xf32, #tpu.memory_space<vmem>>, %arg2: memref<512x32xf32, #tpu.memory_space<vmem>>, %arg3: memref<512x32xf32, #tpu.memory_space<vmem>>, %arg4: memref<512x32xf32, #tpu.memory_space<vmem>>, %arg5: memref<1x1x512xf32, #tpu.memory_space<vmem>>, %arg6: memref<1x1x512xf32, #tpu.memory_space<vmem>>, %arg7: memref<32x128xf32, #tpu.memory_space<vmem>>, %arg8: memref<32x128xf32, #tpu.memory_space<vmem>>, %arg9: memref<1x128xf32, #tpu.memory_space<vmem>>, %arg10: memref<128x64xf32, #tpu.memory_space<vmem>>, %arg11: memref<1x64xf32, #tpu.memory_space<vmem>>, %arg12: memref<1x32xf32, #tpu.memory_space<vmem>>, %arg13: memref<1x64xf32, #tpu.memory_space<vmem>>, %arg14: memref<1xf32, #tpu.memory_space<smem>>, %arg15: memref<1x1x512xf32, #tpu.memory_space<vmem>>) attributes {dimension_semantics = [#tpu.dimension_semantics<arbitrary>], iteration_bounds = array<i64: 32>, scalar_prefetch = 0 : i64, scratch_operands = 0 : i64, tpu.core_type = #tpu.core_type<tc>, window_params = [{transform_indices = @transform_0, window_bounds = array<i64: 512, 32>}, {transform_indices = @transform_1, window_bounds = array<i64: 512, 32>}, {transform_indices = @transform_2, window_bounds = array<i64: 512, 32>}, {transform_indices = @transform_3, window_bounds = array<i64: 512, 32>}, {transform_indices = @transform_4, window_bounds = array<i64: 1, 1, 512>}, {transform_indices = @transform_5, window_bounds = array<i64: 1, 1, 512>}, {pipeline_mode = #tpu.pipeline_mode<synchronous>, transform_indices = @transform_6, window_bounds = array<i64: 32, 128>}, {pipeline_mode = #tpu.pipeline_mode<synchronous>, transform_indices = @transform_7, window_bounds = array<i64: 32, 128>}, {pipeline_mode = #tpu.pipeline_mode<synchronous>, transform_indices = @transform_8, window_bounds = array<i64: 1, 128>}, {pipeline_mode = #tpu.pipeline_mode<synchronous>, transform_indices = @transform_9, window_bounds = array<i64: 128, 64>}, {pipeline_mode = #tpu.pipeline_mode<synchronous>, transform_indices = @transform_10, window_bounds = array<i64: 1, 64>}, {pipeline_mode = #tpu.pipeline_mode<synchronous>, transform_indices = @transform_11, window_bounds = array<i64: 1, 32>}, {pipeline_mode = #tpu.pipeline_mode<synchronous>, transform_indices = @transform_12, window_bounds = array<i64: 1, 64>}, {transform_indices = @transform_13, window_bounds = array<i64: 1>}, {transform_indices = @transform_14, window_bounds = array<i64: 1, 1, 512>}]} {
    %get3A = arith.constant 0 : index
    %get3A_0 = arith.constant 0 : index
    %get3A_1 = vector.load %arg1[%get3A, %get3A_0] : memref<512x32xf32, #tpu.memory_space<vmem>>, vector<512x32xf32>
    %get3A_2 = arith.constant 0 : index
    %get3A_3 = arith.constant 0 : index
    %get3A_4 = vector.load %arg2[%get3A_2, %get3A_3] : memref<512x32xf32, #tpu.memory_space<vmem>>, vector<512x32xf32>
    %mul3A = arith.mulf %get3A_1, %get3A_4 : vector<512x32xf32>
    %get3A_5 = arith.constant 0 : index
    %get3A_6 = arith.constant 0 : index
    %get3A_7 = vector.load %arg3[%get3A_5, %get3A_6] : memref<512x32xf32, #tpu.memory_space<vmem>>, vector<512x32xf32>
    %get3A_8 = arith.constant 0 : index
    %get3A_9 = arith.constant 0 : index
    %get3A_10 = vector.load %arg7[%get3A_8, %get3A_9] : memref<32x128xf32, #tpu.memory_space<vmem>>, vector<32x128xf32>
    %dot_general3A = arith.constant dense<0.000000e+00> : vector<512x128xf32>
    %dot_general3A_11 = tpu.matmul %get3A_7, %get3A_10, %dot_general3A {dimension_numbers = #tpu.dot_dimension_numbers<[1], [0], [0], [1], [0, 0, 1, 1], [], []>, transpose_lhs_hint = false} : vector<512x32xf32>, vector<32x128xf32>, vector<512x128xf32> -> vector<512x128xf32>
    %get3A_12 = arith.constant 0 : index
    %get3A_13 = arith.constant 0 : index
    %get3A_14 = vector.load %arg4[%get3A_12, %get3A_13] : memref<512x32xf32, #tpu.memory_space<vmem>>, vector<512x32xf32>
    %get3A_15 = arith.constant 0 : index
    %get3A_16 = arith.constant 0 : index
    %get3A_17 = vector.load %arg8[%get3A_15, %get3A_16] : memref<32x128xf32, #tpu.memory_space<vmem>>, vector<32x128xf32>
    %dot_general3A_18 = arith.constant dense<0.000000e+00> : vector<512x128xf32>
    %dot_general3A_19 = tpu.matmul %get3A_14, %get3A_17, %dot_general3A_18 {dimension_numbers = #tpu.dot_dimension_numbers<[1], [0], [0], [1], [0, 0, 1, 1], [], []>, transpose_lhs_hint = false} : vector<512x32xf32>, vector<32x128xf32>, vector<512x128xf32> -> vector<512x128xf32>
    %add3A = arith.addf %dot_general3A_11, %dot_general3A_19 : vector<512x128xf32>
    %get3A_20 = arith.constant 0 : index
    %get3A_21 = arith.constant 0 : index
    %get3A_22 = vector.load %arg9[%get3A_20, %get3A_21] : memref<1x128xf32, #tpu.memory_space<vmem>>, vector<1x128xf32>
    %add3A_23 = vector.broadcast %get3A_22 : vector<1x128xf32> to vector<512x128xf32>
    %add3A_24 = arith.addf %add3A, %add3A_23 : vector<512x128xf32>
    %max3A = arith.constant 0.000000e+00 : f32
    %max3A_25 = vector.broadcast %max3A : f32 to vector<512x128xf32>
    %max3A_26 = arith.maximumf %add3A_24, %max3A_25 : vector<512x128xf32>
    %get3A_27 = arith.constant 0 : index
    %get3A_28 = arith.constant 0 : index
    %get3A_29 = vector.load %arg10[%get3A_27, %get3A_28] : memref<128x64xf32, #tpu.memory_space<vmem>>, vector<128x64xf32>
    %dot_general3A_30 = arith.constant dense<0.000000e+00> : vector<512x64xf32>
    %dot_general3A_31 = tpu.matmul %max3A_26, %get3A_29, %dot_general3A_30 {dimension_numbers = #tpu.dot_dimension_numbers<[1], [0], [0], [1], [0, 0, 1, 1], [], []>, transpose_lhs_hint = false} : vector<512x128xf32>, vector<128x64xf32>, vector<512x64xf32> -> vector<512x64xf32>
    %get3A_32 = arith.constant 0 : index
    %get3A_33 = arith.constant 0 : index
    %get3A_34 = vector.load %arg11[%get3A_32, %get3A_33] : memref<1x64xf32, #tpu.memory_space<vmem>>, vector<1x64xf32>
    %add3A_35 = vector.broadcast %get3A_34 : vector<1x64xf32> to vector<512x64xf32>
    %add3A_36 = arith.addf %dot_general3A_31, %add3A_35 : vector<512x64xf32>
    %max3A_37 = arith.constant 0.000000e+00 : f32
    %max3A_38 = vector.broadcast %max3A_37 : f32 to vector<512x64xf32>
    %max3A_39 = arith.maximumf %add3A_36, %max3A_38 : vector<512x64xf32>
    %get3A_40 = arith.constant 0 : index
    %get3A_41 = arith.constant 0 : index
    %get3A_42 = vector.load %arg12[%get3A_40, %get3A_41] : memref<1x32xf32, #tpu.memory_space<vmem>>, vector<1x32xf32>
    %mul3A_43 = vector.broadcast %get3A_42 : vector<1x32xf32> to vector<512x32xf32>
    %mul3A_44 = arith.mulf %mul3A, %mul3A_43 : vector<512x32xf32>
    %reduce_sum3A = arith.constant dense<0.000000e+00> : vector<512xf32>
    %reduce_sum3A_45 = vector.multi_reduction <add>, %mul3A_44, %reduce_sum3A [1] : vector<512x32xf32> to vector<512xf32>
    %get3A_46 = arith.constant 0 : index
    %get3A_47 = arith.constant 0 : index
    %get3A_48 = vector.load %arg13[%get3A_46, %get3A_47] : memref<1x64xf32, #tpu.memory_space<vmem>>, vector<1x64xf32>
    %mul3A_49 = vector.broadcast %get3A_48 : vector<1x64xf32> to vector<512x64xf32>
    %mul3A_50 = arith.mulf %max3A_39, %mul3A_49 : vector<512x64xf32>
    %reduce_sum3A_51 = arith.constant dense<0.000000e+00> : vector<512xf32>
    %reduce_sum3A_52 = vector.multi_reduction <add>, %mul3A_50, %reduce_sum3A_51 [1] : vector<512x64xf32> to vector<512xf32>
    %add3A_53 = arith.addf %reduce_sum3A_45, %reduce_sum3A_52 : vector<512xf32>
    %get3A_54 = arith.constant 0 : index
    %get3A_55 = memref.load %arg14[%get3A_54] : memref<1xf32, #tpu.memory_space<smem>>
    %add3A_56 = vector.broadcast %get3A_55 : f32 to vector<512xf32>
    %add3A_57 = arith.addf %add3A_53, %add3A_56 : vector<512xf32>
    %reshape3A = vector.shape_cast %add3A_57 : vector<512xf32> to vector<1x1x512xf32>
    %get3A_58 = arith.constant 0 : index
    %get3A_59 = arith.constant 0 : index
    %get3A_60 = arith.constant 0 : index
    %get3A_61 = vector.load %arg5[%get3A_58, %get3A_59, %get3A_60] : memref<1x1x512xf32, #tpu.memory_space<vmem>>, vector<1x1x512xf32>
    %add3A_62 = arith.addf %reshape3A, %get3A_61 : vector<1x1x512xf32>
    %get3A_63 = arith.constant 0 : index
    %get3A_64 = arith.constant 0 : index
    %get3A_65 = arith.constant 0 : index
    %get3A_66 = vector.load %arg6[%get3A_63, %get3A_64, %get3A_65] : memref<1x1x512xf32, #tpu.memory_space<vmem>>, vector<1x1x512xf32>
    %add3A_67 = arith.addf %add3A_62, %get3A_66 : vector<1x1x512xf32>
    %swap3A = arith.constant 0 : index
    %swap3A_68 = arith.constant 0 : index
    %swap3A_69 = arith.constant 0 : index
    %swap3A_70 = vector.load %arg15[%swap3A, %swap3A_68, %swap3A_69] : memref<1x1x512xf32, #tpu.memory_space<vmem>>, vector<1x1x512xf32>
    tpu.vector_store %arg15[%swap3A, %swap3A_68, %swap3A_69], %add3A_67 {strides = array<i32>} : memref<1x1x512xf32, #tpu.memory_space<vmem>>, vector<1x1x512xf32>,
    return
  }
  func.func @transform_0(%arg0: i32) -> (i32, i32) {
    %c0_i32 = arith.constant 0 : i32
    %c0_i32_0 = arith.constant 0 : i32
    return %arg0, %c0_i32 : i32, i32
  }
  func.func @transform_1(%arg0: i32) -> (i32, i32) {
    %c0_i32 = arith.constant 0 : i32
    %c0_i32_0 = arith.constant 0 : i32
    return %arg0, %c0_i32 : i32, i32
  }
  func.func @transform_2(%arg0: i32) -> (i32, i32) {
    %c0_i32 = arith.constant 0 : i32
    %c0_i32_0 = arith.constant 0 : i32
    return %arg0, %c0_i32 : i32, i32
  }
  func.func @transform_3(%arg0: i32) -> (i32, i32) {
    %c0_i32 = arith.constant 0 : i32
    %c0_i32_0 = arith.constant 0 : i32
    return %arg0, %c0_i32 : i32, i32
  }
  func.func @transform_4(%arg0: i32) -> (i32, i32, i32) {
    %c0_i32 = arith.constant 0 : i32
    %c0_i32_0 = arith.constant 0 : i32
    %c0_i32_1 = arith.constant 0 : i32
    return %arg0, %c0_i32, %c0_i32_0 : i32, i32, i32
  }
  func.func @transform_5(%arg0: i32) -> (i32, i32, i32) {
    %c0_i32 = arith.constant 0 : i32
    %c0_i32_0 = arith.constant 0 : i32
    %c0_i32_1 = arith.constant 0 : i32
    return %arg0, %c0_i32, %c0_i32_0 : i32, i32, i32
  }
  func.func @transform_6(%arg0: i32) -> (i32, i32) {
    %c0_i32 = arith.constant 0 : i32
    %c0_i32_0 = arith.constant 0 : i32
    %c0_i32_1 = arith.constant 0 : i32
    return %c0_i32, %c0_i32_0 : i32, i32
  }
  func.func @transform_7(%arg0: i32) -> (i32, i32) {
    %c0_i32 = arith.constant 0 : i32
    %c0_i32_0 = arith.constant 0 : i32
    %c0_i32_1 = arith.constant 0 : i32
    return %c0_i32, %c0_i32_0 : i32, i32
  }
  func.func @transform_8(%arg0: i32) -> (i32, i32) {
    %c0_i32 = arith.constant 0 : i32
    %c0_i32_0 = arith.constant 0 : i32
    %c0_i32_1 = arith.constant 0 : i32
    return %c0_i32, %c0_i32_0 : i32, i32
  }
  func.func @transform_9(%arg0: i32) -> (i32, i32) {
    %c0_i32 = arith.constant 0 : i32
    %c0_i32_0 = arith.constant 0 : i32
    %c0_i32_1 = arith.constant 0 : i32
    return %c0_i32, %c0_i32_0 : i32, i32
  }
  func.func @transform_10(%arg0: i32) -> (i32, i32) {
    %c0_i32 = arith.constant 0 : i32
    %c0_i32_0 = arith.constant 0 : i32
    %c0_i32_1 = arith.constant 0 : i32
    return %c0_i32, %c0_i32_0 : i32, i32
  }
  func.func @transform_11(%arg0: i32) -> (i32, i32) {
    %c0_i32 = arith.constant 0 : i32
    %c0_i32_0 = arith.constant 0 : i32
    %c0_i32_1 = arith.constant 0 : i32
    return %c0_i32, %c0_i32_0 : i32, i32
  }
  func.func @transform_12(%arg0: i32) -> (i32, i32) {
    %c0_i32 = arith.constant 0 : i32
    %c0_i32_0 = arith.constant 0 : i32
    %c0_i32_1 = arith.constant 0 : i32
    return %c0_i32, %c0_i32_0 : i32, i32
  }
  func.func @transform_13(%arg0: i32) -> i32 {
    %c0_i32 = arith.constant 0 : i32
    %c0_i32_0 = arith.constant 0 : i32
    return %c0_i32 : i32
  }
  func.func @transform_14(%arg0: i32) -> (i32, i32, i32) {
    %c0_i32 = arith.constant 0 : i32
    %c0_i32_0 = arith.constant 0 : i32
    %c0_i32_1 = arith.constant 0 : i32
    return %arg0, %c0_i32, %c0_i32_0 : i32, i32, i32
  }
}

</mosaic_0001>

<sc_bundles>
// kernel: kernel.5.cloned.1.call-start
scs
__scs_entry_jumppad:
0x0: {  	(pc) =	sbr.rel $0x88, $3  }
0x1: {  	(tag) =	ssettag $0x0;
	lr =	simm.s32 $0x1  }
0x2: {  	[smem:$0x3F93] =	sst lr;
	_ =	strace $0xD0000000  }
0x3: {  	_ = 	snop  }
0x4: {  	_ = 	snop  }
0x5: {  	_ = 	snop  }
0x6: {  	_ = 	snop  }
0x7: {  	_ = 	snop  }
__scs_overlays_trampoline_lowered:
0x8: {  	[smem:$0x3FA2] =	sst s0  }
0x9: {  	[smem:$0x3FA3] =	sst s1  }
0xa: {  	[smem:$0x3FA4] =	sst s2  }
0xb: {  	[smem:$0x3FA5] =	sst s3  }
0xc: {  	[smem:$0x3FA6] =	sst s4  }
0xd: {  	[smem:$0x3FA7] =	sst s5  }
0xe: {  	[smem:$0x3FA8] =	sst s6  }
0xf: {  	[smem:$0x3FA9] =	sst s7  }
0x10: {  	[smem:$0x3FAA] =	sst s8  }
0x11: {  	[smem:$0x3FAB] =	sst s9;
	s0 =	simm.s32 @!p0 $0x0  }
0x12: {  	s1 =	sld [smem:$0x3F91];
	s0 =	simm.s32 @p0 $0x1  }
0x13: {  	[smem:$0x3FAC] =	sst s0;
	s0 =	simm.s32 @!p1 $0x0  }
0x14: {  	s2 =	sld [smem:$0x3F90];
	s0 =	simm.s32 @p1 $0x1  }
0x15: {  	[smem:$0x3FAD] =	sst s0;
	s0 =	simm.s32 @!p2 $0x0  }
0x16: {  	s3 =	sld [smem:$0x3FDB];
	s0 =	simm.s32 @p2 $0x1  }
0x17: {  	s4 =	simm.s32 $0x1BF5;
	[smem:$0x3FAF] =	sst s0  }
0x18: {  	s0 =	sld [smem:$0x3F92];
	_ =	swait.ge [sflag:s4], $0x0  }
0x19: {  	s7 =	sld [smem:$0x3F93]  }
0x1a: {  	s8 =	sadd.s32 $0xFFFFE003, lr  }
0x1b: {  	s9 =	sadd.s32 $0xFFFFFEF7, lr;
	s5 =	simm.s32 $0xFFFFFFFF;
	p2 =	slt.u32 s8, $0xFFFFF086  }
0x1c: {  	p1 =	slt.u32 s9, $0xF7A;
	s5 =	simm.s32 @!p2 $0x0  }
0x1d: {  	s5 =	simm.s32 @p1 $0x1;
	p0 =	seq.s32 s7, s2  }
0x1e: {  	s7 =	smul.u32 @!p0 $0xF7A, s2;
	p2 =	seq.s32 @!p0 s5, $0x0  }
0x1f: {  	s9 =	smul.u32 $0xF7A, s1;
	s8 =	simm.s32 @!p0 $0x1BF5;
	p2 =	por !p2, p0  }
0x20: {  	[sflag:s8] =	ssyncset.s32 @!p0 $0xFFFFF086;
	s6 =	sadd.s32 @!p0 s3, s7;
	s7 =	simm.s32 @!p0 $0x108  }
0x21: {  	s3 =	sadd.s32 s3, s9;
	s6 =	sadd.s32 @!p0 $0x88, s6;
	s7 =	simm.s32 @p2 $0x1082  }
0x22: {  	[simem:s7], [sflag:s8] =	dma.local @!p0 [hbm:s6], $0xF7A  }
0x23: {  	s9 =	sor.u32 $0xD0000000, s2;
	s6 =	simm.s32 $0x108;
	_ =	swait.ge @!p0 [sflag:s8], $0x0  }
0x24: {  	s3 =	sadd.s32 $0x88, s3;
	s6 =	simm.s32 @!p1 $0x1082;
	[sflag:s4] =	ssyncset.s32 $0xFFFFF086  }
0x25: {  	[simem:s6], [sflag:s4] =	dma.local [hbm:s3], $0xF7A  }
0x26: {  	[smem:$0x3F93] =	sst s1;
	(tag) =	ssettag s2;
	_ =	strace s9  }
0x27: {  	s1 =	sld [smem:$0x3FA3]  }
0x28: {  	s2 =	sld [smem:$0x3FA4]  }
0x29: {  	s4 =	sld [smem:$0x3FA6]  }
0x2a: {  	p0 =	seq.s32 s5, $0x0;
	s5 =	sld [smem:$0x3FA7]  }
0x2b: {  	s6 =	sld [smem:$0x3FA8]  }
0x2c: {  	s7 =	sld [smem:$0x3FA9]  }
0x2d: {  	s3 =	simm.s32 $0x108;
	s8 =	sld [smem:$0x3FAA]  }
0x2e: {  	s3 =	simm.s32 @!p0 $0x1082;
	s9 =	sld [smem:$0x3FAB]  }
0x2f: {  	lr =	sadd.s32 s0, s3;
	s0 =	sld [smem:$0x3FA2]  }
0x30: {  	s3 =	sld [smem:$0x3FA5]  }
0x31: {  	[smem:$0x3FAE] =	sst s10  }
0x32: {  	s10 =	sld [smem:$0x3FAC];
	_ =	sdelay $0x3  }
0x33: {  	p0 =	seq.s32 s10, $0x1;
	s10 =	sld [smem:$0x3FAE];
	_ =	sdelay $0x3  }
0x34: {  	[smem:$0x3FAE] =	sst s10  }
0x35: {  	s10 =	sld [smem:$0x3FAD];
	_ =	sdelay $0x3  }
0x36: {  	p1 =	seq.s32 s10, $0x1;
	s10 =	sld [smem:$0x3FAE];
	_ =	sdelay $0x3  }
0x37: {  	[smem:$0x3FAE] =	sst s10  }
0x38: {  	s10 =	sld [smem:$0x3FAF]  }
0x39: {  	_ = 	snop;
	(pc) =	sbr.ind lr, $3  }
0x3a: {  	_ = 	snop  }
0x3b: {  	_ = 	snop  }
0x3c: {  	p2 =	seq.s32 s10, $0x1;
	s10 =	sld [smem:$0x3FAE]  }
0x3d: {  	_ =	shalt  }
0x3e: {  	_ =	shalt  }
0x3f: {  	_ =	shalt  }
0x40: {  	_ =	shalt  }
0x41: {  	_ =	shalt  }
0x42: {  	_ =	shalt  }
0x43: {  	_ =	shalt  }
0x44: {  	_ =	shalt  }
0x45: {  	_ =	shalt  }
0x46: {  	_ =	shalt  }
0x47: {  	_ =	shalt  }
0x48: {  	_ =	shalt  }
0x49: {  	_ =	shalt  }
0x4a: {  	_ =	shalt  }
0x4b: {  	_ =	shalt  }
0x4c: {  	_ =	shalt  }
0x4d: {  	_ =	shalt  }
0x4e: {  	_ =	shalt  }
0x4f: {  	_ =	shalt  }
0x50: {  	_ =	shalt  }
0x51: {  	_ =	shalt  }
0x52: {  	_ =	shalt  }
0x53: {  	_ =	shalt  }
0x54: {  	_ =	shalt  }
0x55: {  	_ =	shalt  }
0x56: {  	_ =	shalt  }
0x57: {  	_ =	shalt  }
0x58: {  	_ =	shalt  }
0x59: {  	_ =	shalt  }
0x5a: {  	_ =	shalt  }
0x5b: {  	_ =	shalt  }
0x5c: {  	_ =	shalt  }
0x5d: {  	_ =	shalt  }
0x5e: {  	_ =	shalt  }
0x5f: {  	_ =	shalt  }
0x60: {  	_ =	shalt  }
0x61: {  	_ =	shalt  }
0x62: {  	_ =	shalt  }
0x63: {  	_ =	shalt  }
0x64: {  	_ =	shalt  }
0x65: {  	_ =	shalt  }
0x66: {  	_ =	shalt  }
0x67: {  	_ =	shalt  }
0x68: {  	_ =	shalt  }
0x69: {  	_ =	shalt  }
0x6a: {  	_ =	shalt  }
0x6b: {  	_ =	shalt  }
0x6c: {  	_ =	shalt  }
0x6d: {  	_ =	shalt  }
0x6e: {  	_ =	shalt  }
0x6f: {  	_ =	shalt  }
0x70: {  	_ =	shalt  }
0x71: {  	_ =	shalt  }
0x72: {  	_ =	shalt  }
0x73: {  	_ =	shalt  }
0x74: {  	_ =	shalt  }
0x75: {  	_ =	shalt  }
0x76: {  	_ =	shalt  }
0x77: {  	_ =	shalt  }
0x78: {  	_ =	shalt  }
0x79: {  	_ =	shalt  }
0x7a: {  	_ =	shalt  }
0x7b: {  	_ =	shalt  }
0x7c: {  	_ =	shalt  }
0x7d: {  	_ =	shalt  }
0x7e: {  	_ =	shalt  }
0x7f: {  	_ =	shalt  }
0x80: {  	_ =	shalt  }
0x81: {  	_ =	shalt  }
0x82: {  	_ =	shalt  }
0x83: {  	_ =	shalt  }
0x84: {  	_ =	shalt  }
0x85: {  	_ =	shalt  }
0x86: {  	_ =	shalt  }
0x87: {  	_ =	shalt  }
.Lfunc_end0:
.L_simem_size_0:
called_computation_lowered:
.L_overlay_start_0:
0x88: {  	s2 =	sld [smem:$0x3FD9]  }
0x89: {  	s3 =	sld [smem:$0x3FFE];
	_ =	sdelay $0x1  }
0x8a: {  	s1 =	srdreg.scid  }
0x8b: {  	s0 =	sand.u32 $0x1, s1  }
0x8c: {  	s17 =	sshll.u32 s0, $0xA;
	s2 =	sadd.s32 s3, s2  }
0x8d: {  	s2 =	sadd.s32 s2, s17  }
0x8e: {  	[smem:$0x3FBA] =	sst s2  }
0x8f: {  	_ = 	snop  }
0x90: {  	s2 =	sld [smem:$0x3FC9]  }
0x91: {  	s18 =	sld [smem:$0x3FC8]  }
0x92: {  	s4 =	sld [smem:$0x3FD0];
	(tm) =	ssettm $0x1  }
0x93: {  	s5 =	sld [smem:$0x3FFB];
	_ =	sdelay $0x3  }
0x94: {  	_ =	strace s5  }
0x95: {  	s5 =	sld [smem:$0x3FFC];
	_ =	sdelay $0x3  }
0x96: {  	_ =	strace s5  }
0x97: {  	s5 =	sld [smem:$0x3FFD];
	_ =	sdelay $0x3  }
0x98: {  	_ =	strace s5  }
0x99: {  	_ =	strace $0x8FFFFFFF  }
0x9a: {  	s19 =	sld [smem:$0x3FDB];
	_ =	sdelay $0x1  }
0x9b: {  	s6 =	simm.s32 $_scs_section_size  }
0x9c: {  	s7 =	simm.s32 $_size__tile_overlayer_lowered;
	s8 =	simm.s32 $_tile_overlayer_lowered  }
0x9d: {  	s22 =	simm.s32 $0x1BFF;
	s21 =	sshll.u32 s8, $0x1;
	s5 =	sadd.s32 s6, s19  }
0x9e: {  	s9 =	simm.s32 $0x0;
	s20 =	sshll.u32 s7, $0x1;
	s7 =	sadd.s32 s21, s5  }
0x9f: {  	[timem:s9], [sflag:s22] =	dma.local [hbm:s7], s20  }
0xa0: {  	_ =	swait.ge [sflag:s22], s20  }
0xa1: {  	s6 =	ssub.s32 $0x0, s20;
	[sflag:s22] =	ssyncset.done $0x0  }
0xa2: {  	[sflag:s22] =	ssyncadd.s32 s6;
	_ =	sdelay $0x1  }
0xa3: {  	s23 =	simm.s32 $0x1B8B  }
0xa4: {  	_ =	swait.ge [sflag:s23], $0x1  }
0xa5: {  	[sflag:s23] =	ssyncset.done $0x0  }
0xa6: {  	s25 =	simm.s32 $0x1B8E;
	s24 =	sld [smem:$0x3FFE];
	[sflag:s23] =	ssyncadd.s32 $0xFFFFFFFF  }
0xa7: {  	s26 =	simm.s32 $execute0_lowered;
	[smem:$0x3FD2] =	sst s25  }
0xa8: {  	s7 =	sshll.u32 s26, $0x1;
	_ =	strace $0x80000046;
	[dreg:$0x1] =	wrdreg $0xFFFFFFFF  }
0xa9: {  	s28 =	simm.s32 $_size_execute0_lowered;
	s5 =	sadd.s32 s5, s7;
	[dreg:$0x0] =	wrdreg $0x0  }
0xaa: {  	s7 =	sshll.u32 s28, $0x1;
	[dreg:$0x2] =	wrdreg s5  }
0xab: {  	[dreg:$0x3] =	wrdreg s7  }
0xac: {  	[dreg:$0x4] =	wrdreg $0xC0  }
0xad: {  	_ =	task [dreg:s9], $0x5FFFF  }
0xae: {  	[dreg:$0x1] =	wrdreg $0xFFFFFFFF  }
0xaf: {  	[dreg:$0x0] =	wrdreg $0x60  }
0xb0: {  	[dreg:$0x2] =	wrdreg s2  }
0xb1: {  	[dreg:$0x3] =	wrdreg s18  }
0xb2: {  	[dreg:$0x4] =	wrdreg s24  }
0xb3: {  	[dreg:$0x5] =	wrdreg s4  }
0xb4: {  	[dreg:$0x6] =	wrdreg $0x9  }
0xb5: {  	_ =	task.clear_ibuf [dreg:s9], $0x7FFFF;
	_ =	strace $0x90000046  }
0xb6: {  	s29 =	simm.s32 $0x9;
	_ =	strace $0x80000048  }
0xb7: {  	_ =	swait.ge [sflag:s29], $0x1  }
0xb8: {  	[sflag:s29] =	ssyncadd.s32 $0xFFFFFFFF  }
0xb9: {  	_ =	strace $0x90000048  }
0xba: {  	_ =	sfence  }
0xbb: {  	s30 =	sld [smem:$0x0];
	_ =	sdelay $0x2  }
0xbc: {  	s31 =	sshll.u32 s1, $0xD;
	s1 =	sshrl.u32 s1, $0x2  }
0xbd: {  	s3 =	sand.u32 $0x4000, s31;
	s1 =	sadd.s32 s1, s30  }
0xbe: {  	s0 =	sor.u32 s3, s0;
	s1 =	sshll.u32 s1, $0x11  }
0xbf: {  	s0 =	sor.u32 s1, s0  }
0xc0: {  	s0 =	sadd.s32 $0x8F2B, s0  }
0xc1: {  	[sflag:s0] =	ssyncadd.remote.s32 $0x1  }
0xc2: {  	_ =	sfence.sel $0xFFFF  }
0xc3: {  	[dreg:$0x0] =	wrdreg $0xFFFFFFFF;
	(pc) =	sbr.abs _section_cstart, $3  }
0xc4: {  	[dreg:$0x1] =	wrdreg $0xFFFFFFFF  }
0xc5: {  	_ =	task.clear_ibuf [dreg:s9], $0x2FFFF;
	_ =	strace $0x9FFFFFFF  }
0xc6: {  	(tm) =	ssettm $0x7FFFFFFF  }
0xc7: {  	_ =	shalt  }
tec
execute0_lowered:
.L_overlay_start_1:
0x0: {  	(tag) =	ssettag $0x1  }
0x1: {  	s0 =	rddreg [dreg:$0x0]  }
0x2: {  	s2 =	rddreg [dreg:$0x1]  }
0x3: {  	s3 =	rddreg [dreg:$0x2]  }
0x4: {  	s4 =	rddreg [dreg:$0x3]  }
0x5: {  	s1 =	simm.s32 $0x0;
	s5 =	srdreg.scid;
	s8 =	stileid.u32  }
0x6: {  	s31 =	simm.s32 $0x4;
	s5 =	sand.u32 $0x1, s5;
	s8 =	sshll.u32 s8, $0x1  }
0x7: {  	s6 =	sadd.s32 $0x18FA00, s3;
	s9 =	ssub.s32 $0x2, s5;
	s5 =	sor.u32 s5, s8  }
0x8: {  	[smem:$0x7FF] =	sst s1;
	s7 =	sadd.s32 $0x19FA00, s3;
	s24 =	sshll.u32 s5, $0xB  }
0x9: {  	s10 =	sadd.s32 $0x1AFA00, s3;
	s11 =	sadd.s32 $0x1BFA00, s3;
	s12 =	sadd.s32 s6, s24  }
0xa: {  	_ =	strace $0x80000047;
	s25 =	sadd.s32 s7, s24;
	[dreg:$0x5] =	wrdreg s12  }
0xb: {  	s28 =	sadd.s32 $0x1600, s3;
	s13 =	sadd.s32 s10, s24;
	[dreg:$0x6] =	wrdreg s25  }
0xc: {  	s5 =	sshll.u32 s5, $0x6;
	s29 =	sadd.s32 s11, s24;
	[dreg:$0x7] =	wrdreg s13  }
0xd: {  	s26 =	sor.u32 $0x200, s24;
	s0 =	sadd.s32 s0, s5;
	[dreg:$0x8] =	wrdreg s29  }
0xe: {  	s23 =	sshrl.u32 s9, $0x1;
	s14 =	sadd.s32 s6, s26;
	[dreg:$0x15] =	wrdreg s0  }
0xf: {  	s8 =	ssub.s32 s9, s23;
	s15 =	sadd.s32 s7, s26;
	[dreg:$0x9] =	wrdreg s14  }
0x10: {  	s17 =	sor.u32 $0x400, s24;
	s16 =	sadd.s32 s10, s26;
	[dreg:$0xa] =	wrdreg s15  }
0x11: {  	s9 =	sor.u32 $0x600, s24;
	s12 =	sadd.s32 s11, s26;
	[dreg:$0xb] =	wrdreg s16  }
0x12: {  	s18 =	sadd.s32 s6, s17;
	s19 =	sadd.s32 s7, s17;
	[dreg:$0xc] =	wrdreg s12  }
0x13: {  	s20 =	sadd.s32 s10, s17;
	s21 =	sadd.s32 s11, s17;
	[dreg:$0xd] =	wrdreg s18  }
0x14: {  	s6 =	sadd.s32 s6, s9;
	s22 =	sadd.s32 s7, s9;
	[dreg:$0xe] =	wrdreg s19  }
0x15: {  	s23 =	sadd.s32 s10, s9;
	s24 =	sadd.s32 s11, s9;
	[dreg:$0xf] =	wrdreg s20  }
0x16: {  	s25 =	sadd.s32 s2, s5;
	s26 =	sadd.s32 s4, s5;
	[dreg:$0x10] =	wrdreg s21  }
0x17: {  	s29 =	sadd.s32 s5, s3;
	s30 =	smax.u32 s8, $0x1;
	[dreg:$0x11] =	wrdreg s6  }
0x18: {  	s2 =	simm.s32 $0x80;
	s17 =	simm.s32 $0x8A20;
	[dreg:$0x12] =	wrdreg s22  }
0x19: {  	s5 =	simm.s32 $0x1;
	s7 =	simm.s32 $0x2820;
	[dreg:$0x13] =	wrdreg s23  }
0x1a: {  	s8 =	simm.s32 $0x4820;
	s9 =	simm.s32 $0x6820;
	[dreg:$0x14] =	wrdreg s24  }
0x1b: {  	s10 =	simm.s32 $0x1820;
	s11 =	simm.s32 $0x3820;
	[dreg:$0x16] =	wrdreg s25  }
0x1c: {  	s13 =	simm.s32 $0x7820;
	s19 =	sadd.s32 $0x7A00, s3;
	[dreg:$0x17] =	wrdreg s26  }
0x1d: {  	s23 =	sadd.s32 $0x69A00, s3;
	s24 =	sadd.s32 $0xCBA00, s3;
	s25 =	sadd.s32 $0x12DA00, s3  }
0x1e: {  	s26 =	sadd.s32 $0x4800, s3;
	s0 =	sadd.s32 $0x1CFA00, s29;
	s16 =	simm.s32 $0x8820  }
0x1f: {  	s6 =	simm.s32 $0x820;
	s12 =	simm.s32 $0x5820;
	s14 =	simm.s32 $0x2  }
0x20: {  	s15 =	simm.s32 $0x0;
	[dreg:$0x18] =	wrdreg s0;
	s0 =	simm.s32 $0x3  }
.LBB2_1:
0x21: {  	s3 =	rddreg [dreg:$0x15]  }
0x22: {  	[tilespmem:s1], [sflag:$0x4] =	stream.linear.gather [hbm4b:s3+s1], $0x200, $0x38;
	[tilespmem:$0x8C20] =	vst v63  }
0x23: {  	_ =	swait.ge [sflag:s31], $0x200  }
0x24: {  	[sflag:s31] =	ssyncset.done $0x0  }
0x25: {  	s4 =	simm.s32 $0x200;
	s20 =	rddreg [dreg:$0x16];
	[sflag:s31] =	ssyncadd.s32 $0xFFFFFE00  }
0x26: {  	[tilespmem:s4], [sflag:$0x4] =	stream.linear.gather [hbm4b:s20+s1], $0x200, $0x38;
	[tilespmem:$0x8C20] =	vst v63  }
0x27: {  	_ =	swait.ge [sflag:s31], $0x200  }
0x28: {  	[sflag:s31] =	ssyncset.done $0x0  }
0x29: {  	[sflag:s31] =	ssyncadd.s32 $0xFFFFFE00  }
0x2a: {  	v0 =	vld [tilespmem:$0x0]  }
0x2b: {  	v1 =	vld [tilespmem:$0x200]  }
0x2c: {  	v4 =	vld [tilespmem:$0x10]  }
0x2d: {  	v6 =	vld [tilespmem:$0x210]  }
0x2e: {  	v7 =	vld [tilespmem:$0x20]  }
0x2f: {  	v8 =	vld [tilespmem:$0x220]  }
0x30: {  	v33 =	vld [tilespmem:$0x30]  }
0x31: {  	v9 =	vld [tilespmem:$0x230];
	v2 =	vshll.u32 v0, $0x5  }
0x32: {  	v12 =	vld [tilespmem:$0x40];
	v3 =	vshll.u32 v0, $0x7;
	v0 =	vshrl.u32 v0, $0x4;
	v5 =	vshll.u32 v1, $0x7  }
0x33: {  	v13 =	vld [tilespmem:$0x240];
	v29 =	vshll.u32 v4, $0x7;
	v30 =	vshll.u32 v6, $0x5;
	v31 =	vshll.u32 v6, $0x7  }
0x34: {  	v48 =	vld [tilespmem:$0x50];
	v6 =	vshrl.u32 v6, $0x4;
	v34 =	vshll.u32 v7, $0x5;
	v35 =	vshll.u32 v7, $0x7  }
0x35: {  	v14 =	vld [tilespmem:$0x250];
	v7 =	vshrl.u32 v7, $0x4;
	v37 =	vshll.u32 v8, $0x5;
	v39 =	vshll.u32 v8, $0x7  }
0x36: {  	v55 =	vld [tilespmem:$0x60];
	v10 =	vshll.u32 v33, $0x5;
	v11 =	vshll.u32 v33, $0x7;
	v8 =	vshrl.u32 v8, $0x4  }
0x37: {  	v15 =	vld [tilespmem:$0x260];
	v42 =	vshll.u32 v9, $0x5;
	v43 =	vshll.u32 v9, $0x7;
	v45 =	vshrl.u32 v9, $0x4  }
0x38: {  	v18 =	vld [tilespmem:$0x70];
	v46 =	vshll.u32 v12, $0x5;
	v47 =	vshll.u32 v12, $0x7;
	v50 =	vshrl.u32 v12, $0x4  }
0x39: {  	v51 =	vshll.u32 v13, $0x5;
	v52 =	vshll.u32 v13, $0x7;
	v13 =	vshrl.u32 v13, $0x4  }
0x3a: {  	v56 =	vshll.u32 v48, $0x5;
	v57 =	vshll.u32 v48, $0x7;
	v58 =	vshll.u32 v14, $0x5  }
0x3b: {  	v60 =	vshll.u32 v14, $0x7;
	v16 =	vshll.u32 v55, $0x5;
	v17 =	vshll.u32 v55, $0x7  }
0x3c: {  	v14 =	vshrl.u32 v14, $0x4;
	v63 =	vshll.u32 v15, $0x5;
	v21 =	vshll.u32 v15, $0x7  }
0x3d: {  	v23 =	vshrl.u32 v15, $0x4;
	v24 =	vshll.u32 v18, $0x5;
	v25 =	vshll.u32 v18, $0x7  }
0x3e: {  	v28 =	vshrl.u32 v18, $0x4;
	v2 =	vand.u32 $0xFFFF0000, v2;
	v3 =	vand.u32 $0xFF80, v3  }
0x3f: {  	v0 =	vand.u32 $0x60, v0;
	v5 =	vand.u32 $0xFF80, v5;
	v32 =	vand.u32 $0x60, v6  }
0x40: {  	v6 =	vand.u32 $0xFF80, v35;
	v36 =	vand.u32 $0x60, v7;
	v38 =	vand.u32 $0xFFFF0000, v37  }
0x41: {  	v26 =	vld [tilespmem:$0x80];
	v7 =	vand.u32 $0xFF80, v39;
	v10 =	vand.u32 $0xFFFF0000, v10;
	v11 =	vand.u32 $0xFF80, v11  }
0x42: {  	v40 =	vand.u32 $0x60, v8;
	v8 =	vand.u32 $0x60, v45;
	v9 =	vand.u32 $0xFFFF0000, v46  }
0x43: {  	v12 =	vand.u32 $0xFF80, v52;
	v54 =	vand.u32 $0x60, v13;
	v13 =	vand.u32 $0xFF80, v57  }
0x44: {  	v59 =	vand.u32 $0xFFFF0000, v58;
	v16 =	vand.u32 $0xFFFF0000, v16;
	v17 =	vand.u32 $0xFF80, v17  }
0x45: {  	v61 =	vand.u32 $0x60, v14;
	v14 =	vand.u32 $0x60, v23;
	v15 =	vand.u32 $0xFFFF0000, v24  }
0x46: {  	v35 =	vshll.u32 v26, $0x5;
	v2 =	vor.u32 v3, v2;
	v3 =	vshll.u32 v1, $0x5  }
0x47: {  	v1 =	vshrl.u32 v1, $0x4;
	v41 =	vor.u32 v11, v10;
	v10 =	vand.u32 $0xFFFF0000, v42  }
0x48: {  	v11 =	vand.u32 $0xFF80, v43;
	v62 =	vor.u32 v17, v16;
	v16 =	vand.u32 $0xFFFF0000, v63  }
0x49: {  	v17 =	vand.u32 $0xFF80, v21;
	v3 =	vand.u32 $0xFFFF0000, v3;
	v0 =	vor.u32 v0, v2  }
0x4a: {  	v20 =	vld [tilespmem:$0x270];
	v1 =	vand.u32 $0x60, v1;
	v44 =	vor.u32 v11, v10;
	v10 =	vand.u32 $0xFF80, v47  }
0x4b: {  	v11 =	vshrl.u32 v48, $0x4;
	v22 =	vor.u32 v17, v16;
	v16 =	vand.u32 $0xFF80, v25  }
0x4c: {  	v17 =	vshrl.u32 v26, $0x4;
	v2 =	vor.u32 v5, v3;
	v3 =	vshll.u32 v4, $0x5  }
0x4d: {  	v5 =	vand.u32 $0xFF80, v29;
	v49 =	vor.u32 v10, v9;
	v9 =	vand.u32 $0x60, v50  }
0x4e: {  	v10 =	vand.u32 $0xFFFF0000, v51;
	v11 =	vand.u32 $0x60, v11;
	v27 =	vor.u32 v16, v15  }
0x4f: {  	v24 =	vld [tilespmem:$0xA0];
	v15 =	vand.u32 $0x60, v28;
	v29 =	vshll.u32 v20, $0x5;
	v17 =	vand.u32 $0x60, v17  }
0x50: {  	v52 =	vld [tilespmem:$0x2B0];
	v3 =	vand.u32 $0xFFFF0000, v3;
	v1 =	vor.u32 v1, v2;
	v53 =	vor.u32 v12, v10  }
0x51: {  	v10 =	vand.u32 $0xFFFF0000, v56;
	v12 =	vshrl.u32 v55, $0x4;
	v16 =	vand.u32 $0xFFFF0000, v29  }
0x52: {  	v2 =	vor.u32 v5, v3;
	v3 =	vshrl.u32 v4, $0x4;
	v4 =	vand.u32 $0xFFFF0000, v30  }
0x53: {  	v21 =	vld [tilespmem:$0x290];
	v5 =	vand.u32 $0xFF80, v31;
	v10 =	vor.u32 v13, v10;
	v13 =	vand.u32 $0xFF80, v60  }
0x54: {  	v19 =	vand.u32 $0x60, v12;
	v30 =	vshll.u32 v20, $0x7;
	v20 =	vshrl.u32 v20, $0x4  }
0x55: {  	v45 =	vshll.u32 v24, $0x5;
	v46 =	vshll.u32 v24, $0x7;
	v58 =	vshll.u32 v52, $0x5  }
0x56: {  	v47 =	vld [tilespmem:$0xB0];
	v60 =	vshll.u32 v52, $0x7;
	v3 =	vand.u32 $0x60, v3;
	v10 =	vor.u32 v11, v10  }
0x57: {  	v11 =	vor.u32 v13, v59;
	v13 =	vor.u32 v14, v22;
	v18 =	vand.u32 $0xFF80, v30  }
0x58: {  	v14 =	vor.u32 v15, v27;
	v42 =	vshll.u32 v21, $0x7;
	v59 =	vand.u32 $0xFFFF0000, v58  }
0x59: {  	v2 =	vor.u32 v3, v2;
	v3 =	vor.u32 v5, v4;
	v4 =	vand.u32 $0xFFFF0000, v34  }
0x5a: {  	v5 =	vshrl.u32 v33, $0x4;
	v12 =	vor.u32 v61, v11;
	v11 =	vor.u32 v19, v62  }
0x5b: {  	v33 =	vand.u32 $0x60, v20;
	v56 =	vshll.u32 v47, $0x5;
	v57 =	vshll.u32 v47, $0x7  }
0x5c: {  	v3 =	vor.u32 v32, v3;
	v4 =	vor.u32 v6, v4;
	v6 =	vor.u32 v7, v38  }
0x5d: {  	v55 =	vld [tilespmem:$0xC0];
	v5 =	vand.u32 $0x60, v5;
	v7 =	vor.u32 v8, v44;
	v8 =	vor.u32 v9, v49  }
0x5e: {  	v31 =	vld [tilespmem:$0x280];
	v9 =	vor.u32 v54, v53;
	v32 =	vor.u32 v18, v16;
	v16 =	vand.u32 $0xFFFF0000, v35  }
0x5f: {  	v44 =	vshrl.u32 v21, $0x4;
	v49 =	vshrl.u32 v24, $0x4;
	v4 =	vor.u32 v36, v4  }
0x60: {  	v6 =	vor.u32 v40, v6;
	v5 =	vor.u32 v5, v41;
	v15 =	vor.u32 v33, v32  }
0x61: {  	v27 =	vld [tilespmem:$0x2C0];
	v36 =	vshll.u32 v26, $0x7;
	v41 =	vshll.u32 v21, $0x5;
	v21 =	vand.u32 $0xFFFF0000, v45  }
0x62: {  	v30 =	vld [tilespmem:$0xD0];
	v28 =	vshll.u32 v55, $0x5;
	v29 =	vshll.u32 v55, $0x7;
	v20 =	vand.u32 $0xFF80, v36  }
0x63: {  	v34 =	vld [tilespmem:$0x90];
	v37 =	vshll.u32 v31, $0x5;
	v39 =	vshll.u32 v31, $0x7;
	v19 =	vshrl.u32 v31, $0x4  }
0x64: {  	v28 =	vand.u32 $0xFFFF0000, v28;
	v29 =	vand.u32 $0xFF80, v29;
	v16 =	vor.u32 v20, v16  }
0x65: {  	v38 =	vand.u32 $0xFFFF0000, v37;
	v20 =	vand.u32 $0xFF80, v39;
	v19 =	vand.u32 $0x60, v19  }
0x66: {  	v61 =	vor.u32 v29, v28;
	v62 =	vshll.u32 v27, $0x5;
	v63 =	vshll.u32 v27, $0x7  }
0x67: {  	v35 =	vshll.u32 v30, $0x5;
	v36 =	vshll.u32 v30, $0x7;
	v39 =	vshrl.u32 v30, $0x4  }
0x68: {  	v16 =	vor.u32 v17, v16;
	v22 =	vshll.u32 v34, $0x5;
	v23 =	vshll.u32 v34, $0x7  }
0x69: {  	v26 =	vld [tilespmem:$0x2A0];
	v17 =	vor.u32 v20, v38;
	v18 =	vshrl.u32 v34, $0x4;
	v20 =	vand.u32 $0x60, v44  }
0x6a: {  	v32 =	vld [tilespmem:$0x2D0];
	v28 =	vand.u32 $0xFFFF0000, v62;
	v29 =	vand.u32 $0xFF80, v63;
	v34 =	vshrl.u32 v27, $0x4  }
0x6b: {  	v45 =	vld [tilespmem:$0xF0];
	v27 =	vand.u32 $0xFFFF0000, v35;
	v22 =	vand.u32 $0xFFFF0000, v22;
	v23 =	vand.u32 $0xFF80, v23  }
0x6c: {  	v25 =	vand.u32 $0x60, v18;
	v18 =	vor.u32 v19, v17;
	v33 =	vor.u32 v29, v28  }
0x6d: {  	v28 =	vand.u32 $0xFF80, v36;
	v40 =	vor.u32 v23, v22;
	v22 =	vand.u32 $0xFFFF0000, v41  }
0x6e: {  	v23 =	vand.u32 $0xFF80, v42;
	v50 =	vshll.u32 v26, $0x5;
	v51 =	vshll.u32 v26, $0x7  }
0x6f: {  	v26 =	vshrl.u32 v26, $0x4;
	v38 =	vor.u32 v28, v27;
	v27 =	vand.u32 $0x60, v39  }
0x70: {  	v41 =	vshll.u32 v32, $0x7;
	v35 =	vshll.u32 v45, $0x7;
	v17 =	vor.u32 v25, v40  }
0x71: {  	v43 =	vor.u32 v23, v22;
	v22 =	vand.u32 $0xFF80, v46;
	v24 =	vand.u32 $0xFF80, v51  }
0x72: {  	v37 =	vld [tilespmem:$0xE0];
	v54 =	vand.u32 $0x60, v26;
	v26 =	vand.u32 $0xFF80, v57;
	v23 =	vshrl.u32 v47, $0x4  }
0x73: {  	v25 =	vshrl.u32 v52, $0x4;
	v40 =	vshll.u32 v32, $0x5;
	v30 =	vand.u32 $0xFF80, v41  }
0x74: {  	v32 =	vshrl.u32 v32, $0x4;
	v35 =	vand.u32 $0xFF80, v35;
	v19 =	vor.u32 v20, v43  }
0x75: {  	v48 =	vor.u32 v22, v21;
	v21 =	vand.u32 $0x60, v49;
	v22 =	vand.u32 $0xFFFF0000, v50  }
0x76: {  	v58 =	vld [tilespmem:$0x110];
	v23 =	vand.u32 $0x60, v23;
	v25 =	vand.u32 $0x60, v25;
	v28 =	vand.u32 $0xFFFF0000, v40  }
0x77: {  	v44 =	vand.u32 $0x60, v32;
	v46 =	vshll.u32 v37, $0x5;
	v47 =	vshll.u32 v37, $0x7  }
0x78: {  	v29 =	vshrl.u32 v37, $0x4;
	v20 =	vor.u32 v21, v48;
	v53 =	vor.u32 v24, v22  }
0x79: {  	v36 =	vld [tilespmem:$0x100];
	v22 =	vand.u32 $0xFFFF0000, v56;
	v24 =	vshrl.u32 v55, $0x4;
	v43 =	vor.u32 v30, v28  }
0x7a: {  	v28 =	vand.u32 $0xFFFF0000, v46;
	v32 =	vand.u32 $0xFF80, v47;
	v29 =	vand.u32 $0x60, v29  }
0x7b: {  	v42 =	vld [tilespmem:$0x2E0];
	v30 =	vshrl.u32 v45, $0x4;
	v46 =	vshll.u32 v58, $0x5;
	v47 =	vshll.u32 v58, $0x7  }
0x7c: {  	v21 =	vor.u32 v54, v53;
	v22 =	vor.u32 v26, v22;
	v26 =	vand.u32 $0xFF80, v60  }
0x7d: {  	v31 =	vand.u32 $0x60, v24;
	v28 =	vor.u32 v32, v28;
	v37 =	vand.u32 $0x60, v30  }
0x7e: {  	v56 =	vshll.u32 v36, $0x5;
	v57 =	vshll.u32 v36, $0x7;
	v60 =	vshrl.u32 v36, $0x4  }
0x7f: {  	v63 =	vld [tilespmem:$0x310];
	v22 =	vor.u32 v23, v22;
	v23 =	vor.u32 v26, v59;
	v26 =	vand.u32 $0x60, v34  }
0x80: {  	v48 =	vshll.u32 v42, $0x5;
	v28 =	vor.u32 v29, v28;
	v50 =	vshll.u32 v42, $0x7  }
0x81: {  	v34 =	vshll.u32 v45, $0x5;
	v24 =	vor.u32 v25, v23;
	v23 =	vor.u32 v31, v61  }
0x82: {  	v45 =	vld [tilespmem:$0x120];
	v25 =	vor.u32 v26, v33;
	v26 =	vor.u32 v27, v38;
	v27 =	vor.u32 v44, v43  }
0x83: {  	v33 =	vld [tilespmem:$0x2F0];
	v49 =	vand.u32 $0xFFFF0000, v48;
	v32 =	vand.u32 $0xFF80, v50;
	v31 =	vshrl.u32 v42, $0x4  }
0x84: {  	v34 =	vand.u32 $0xFFFF0000, v34;
	v38 =	vld [tilespmem:$0x300];
	v48 =	vshll.u32 v63, $0x5;
	v50 =	vshll.u32 v63, $0x7  }
0x85: {  	v29 =	vor.u32 v32, v49;
	v31 =	vand.u32 $0x60, v31;
	v51 =	vor.u32 v35, v34  }
0x86: {  	v42 =	vld [tilespmem:$0x130];
	v30 =	vor.u32 v31, v29;
	v29 =	vor.u32 v37, v51;
	v37 =	vshrl.u32 v63, $0x4  }
0x87: {  	v49 =	vand.u32 $0xFFFF0000, v48;
	v37 =	vand.u32 $0x60, v37;
	v40 =	vshll.u32 v45, $0x5  }
0x88: {  	v41 =	vshll.u32 v45, $0x7;
	v52 =	vshll.u32 v33, $0x5;
	v53 =	vshll.u32 v33, $0x7  }
0x89: {  	v39 =	vld [tilespmem:$0x320];
	v55 =	vshrl.u32 v33, $0x4;
	v33 =	vand.u32 $0xFFFF0000, v56;
	v61 =	vshll.u32 v38, $0x5  }
0x8a: {  	v62 =	vshll.u32 v38, $0x7;
	v38 =	vshrl.u32 v38, $0x4;
	v40 =	vand.u32 $0xFFFF0000, v40  }
0x8b: {  	v41 =	vand.u32 $0xFF80, v41;
	v56 =	vshll.u32 v42, $0x5;
	v34 =	vand.u32 $0xFFFF0000, v52  }
0x8c: {  	v63 =	vld [tilespmem:$0x340];
	v35 =	vand.u32 $0xFF80, v53;
	v32 =	vand.u32 $0x60, v55;
	v36 =	vand.u32 $0xFF80, v62  }
0x8d: {  	v44 =	vand.u32 $0x60, v38;
	v38 =	vand.u32 $0xFF80, v47;
	v51 =	vor.u32 v41, v40  }
0x8e: {  	v52 =	vshll.u32 v39, $0x5;
	v53 =	vshll.u32 v39, $0x7;
	v55 =	vshrl.u32 v39, $0x4  }
0x8f: {  	v39 =	vand.u32 $0xFFFF0000, v56;
	v54 =	vor.u32 v35, v34;
	v34 =	vand.u32 $0xFF80, v57  }
0x90: {  	v35 =	vshrl.u32 v58, $0x4;
	v40 =	vand.u32 $0xFFFF0000, v52;
	v41 =	vand.u32 $0xFF80, v53  }
0x91: {  	[tilespmem:$0x620] =	vst v3;
	v57 =	vshll.u32 v42, $0x7;
	v53 =	vshll.u32 v63, $0x5;
	v3 =	vshrl.u32 v63, $0x4  }
0x92: {  	v31 =	vor.u32 v32, v54;
	v59 =	vor.u32 v34, v33;
	v33 =	vand.u32 $0x60, v60  }
0x93: {  	[tilespmem:$0x4D0] =	vst v26;
	v26 =	vld [tilespmem:$0x1C0];
	v34 =	vand.u32 $0xFFFF0000, v61;
	v35 =	vand.u32 $0x60, v35;
	v54 =	vor.u32 v41, v40  }
0x94: {  	[tilespmem:$0x610] =	vst v1;
	v40 =	vand.u32 $0xFF80, v57;
	v60 =	vshrl.u32 v42, $0x4;
	v1 =	vand.u32 $0xFFFF0000, v53  }
0x95: {  	v33 =	vor.u32 v33, v59;
	v43 =	vor.u32 v36, v34;
	v34 =	vand.u32 $0xFFFF0000, v46  }
0x96: {  	v58 =	vld [tilespmem:$0x140];
	v36 =	vshrl.u32 v45, $0x4;
	v59 =	vor.u32 v40, v39;
	v39 =	vand.u32 $0x60, v60  }
0x97: {  	v32 =	vor.u32 v44, v43;
	v34 =	vor.u32 v38, v34;
	v38 =	vand.u32 $0xFF80, v50  }
0x98: {  	v45 =	vld [tilespmem:$0x360];
	v43 =	vand.u32 $0x60, v36;
	v39 =	vor.u32 v39, v59;
	[tilespmem:$0x500] =	vst v33;
	v33 =	vshll.u32 v26, $0x5  }
0x99: {  	[tilespmem:$0x700] =	vst v31;
	v31 =	vld [tilespmem:$0x3C0];
	v34 =	vor.u32 v35, v34;
	v35 =	vor.u32 v38, v49;
	v38 =	vand.u32 $0x60, v55  }
0x9a: {  	v44 =	vld [tilespmem:$0x330];
	v55 =	vshll.u32 v63, $0x7;
	v36 =	vor.u32 v37, v35;
	v35 =	vor.u32 v43, v51  }
0x9b: {  	[tilespmem:$0x410] =	vst v2;
	v37 =	vor.u32 v38, v54;
	v50 =	vshll.u32 v58, $0x5;
	v51 =	vshll.u32 v58, $0x7  }
0x9c: {  	v41 =	vshrl.u32 v58, $0x4;
	v2 =	vand.u32 $0xFF80, v55;
	[tilespmem:$0x510] =	vst v34;
	v34 =	vshll.u32 v26, $0x7  }
0x9d: {  	[tilespmem:$0x440] =	vst v8;
	v52 =	vand.u32 $0x60, v41;
	v1 =	vor.u32 v2, v1;
	v2 =	vand.u32 $0x60, v3  }
0x9e: {  	v49 =	vld [tilespmem:$0x150];
	[tilespmem:$0x520] =	vst v35;
	v35 =	vand.u32 $0xFF80, v34;
	v2 =	vor.u32 v2, v1;
	v53 =	vshll.u32 v45, $0x7  }
0x9f: {  	[tilespmem:$0x730] =	vst v37;
	v55 =	vshrl.u32 v45, $0x4;
	v37 =	vshll.u32 v31, $0x7;
	v61 =	vshll.u32 v44, $0x5  }
0xa0: {  	[tilespmem:$0x530] =	vst v39;
	v54 =	vld [tilespmem:$0x350];
	v62 =	vshll.u32 v44, $0x7;
	v44 =	vshrl.u32 v44, $0x4;
	v8 =	vand.u32 $0xFF80, v53  }
0xa1: {  	v58 =	vld [tilespmem:$0x160];
	[tilespmem:$0x750] =	vst v2;
	v2 =	vand.u32 $0xFFFF0000, v33;
	v39 =	vand.u32 $0xFF80, v37;
	v40 =	vand.u32 $0xFFFF0000, v61  }
0xa2: {  	v42 =	vand.u32 $0xFF80, v62;
	v48 =	vand.u32 $0x60, v44;
	v44 =	vand.u32 $0xFF80, v51  }
0xa3: {  	v56 =	vshll.u32 v49, $0x5;
	v57 =	vshll.u32 v49, $0x7;
	v59 =	vshrl.u32 v49, $0x4  }
0xa4: {  	v47 =	vor.u32 v42, v40;
	v40 =	vand.u32 $0xFFFF0000, v50;
	v41 =	vand.u32 $0xFF80, v57  }
0xa5: {  	[tilespmem:$0x420] =	vst v4;
	v60 =	vshll.u32 v54, $0x5;
	v61 =	vshll.u32 v54, $0x7;
	v4 =	vand.u32 $0x60, v59  }
0xa6: {  	v46 =	vshrl.u32 v54, $0x4;
	v51 =	vshrl.u32 v58, $0x4;
	v57 =	vand.u32 $0x60, v55  }
0xa7: {  	[tilespmem:$0x400] =	vst v0;
	v38 =	vor.u32 v48, v47;
	v0 =	vor.u32 v44, v40;
	v40 =	vand.u32 $0xFFFF0000, v56  }
0xa8: {  	v62 =	vand.u32 $0xFFFF0000, v60;
	v63 =	vand.u32 $0xFF80, v61;
	v47 =	vshll.u32 v58, $0x5  }
0xa9: {  	[tilespmem:$0x630] =	vst v6;
	v49 =	vld [tilespmem:$0x170];
	v48 =	vshll.u32 v58, $0x7;
	v0 =	vor.u32 v52, v0;
	v3 =	vor.u32 v41, v40  }
0xaa: {  	[tilespmem:$0x430] =	vst v5;
	v5 =	vand.u32 $0xFFFF0000, v47;
	v6 =	vand.u32 $0xFF80, v48;
	v52 =	vshll.u32 v45, $0x5  }
0xab: {  	v1 =	vor.u32 v4, v3;
	v3 =	vor.u32 v63, v62;
	v4 =	vand.u32 $0x60, v46  }
0xac: {  	[tilespmem:$0x450] =	vst v10;
	v54 =	vld [tilespmem:$0x370];
	v50 =	vor.u32 v6, v5;
	v5 =	vand.u32 $0x60, v51;
	v6 =	vand.u32 $0xFFFF0000, v52  }
0xad: {  	[tilespmem:$0x640] =	vst v7;
	v55 =	vld [tilespmem:$0x3A0];
	v3 =	vor.u32 v4, v3;
	v4 =	vor.u32 v5, v50;
	v56 =	vor.u32 v8, v6  }
0xae: {  	[tilespmem:$0x650] =	vst v9;
	v59 =	vshll.u32 v49, $0x5;
	v60 =	vshll.u32 v49, $0x7;
	v7 =	vshrl.u32 v49, $0x4  }
0xaf: {  	v58 =	vld [tilespmem:$0x180];
	[tilespmem:$0x550] =	vst v1;
	v1 =	vor.u32 v35, v2;
	v2 =	vshrl.u32 v26, $0x4;
	v5 =	vor.u32 v57, v56  }
0xb0: {  	[tilespmem:$0x480] =	vst v16;
	v6 =	vand.u32 $0xFFFF0000, v59;
	v10 =	vand.u32 $0xFF80, v60;
	v7 =	vand.u32 $0x60, v7  }
0xb1: {  	[tilespmem:$0x4C0] =	vst v23;
	v61 =	vshll.u32 v54, $0x5;
	v16 =	vshll.u32 v54, $0x7;
	v9 =	vshrl.u32 v54, $0x4  }
0xb2: {  	v23 =	vshll.u32 v55, $0x7;
	[tilespmem:$0x760] =	vst v3;
	v2 =	vand.u32 $0x60, v2;
	v3 =	vshll.u32 v31, $0x5  }
0xb3: {  	v41 =	vld [tilespmem:$0x190];
	v6 =	vor.u32 v10, v6;
	v63 =	vand.u32 $0xFFFF0000, v61;
	v10 =	vand.u32 $0xFF80, v16  }
0xb4: {  	[tilespmem:$0x690] =	vst v18;
	v45 =	vld [tilespmem:$0x390];
	v18 =	vshll.u32 v58, $0x5;
	v40 =	vshll.u32 v58, $0x7;
	v9 =	vand.u32 $0x60, v9  }
0xb5: {  	[tilespmem:$0x670] =	vst v13;
	v8 =	vshrl.u32 v58, $0x4;
	v61 =	vshll.u32 v55, $0x5;
	v16 =	vshrl.u32 v55, $0x4  }
0xb6: {  	[tilespmem:$0x740] =	vst v38;
	v38 =	vld [tilespmem:$0x3D0];
	v3 =	vand.u32 $0xFFFF0000, v3;
	v1 =	vor.u32 v2, v1;
	v6 =	vor.u32 v7, v6  }
0xb7: {  	[tilespmem:$0x660] =	vst v12;
	v62 =	vld [tilespmem:$0x380];
	v12 =	vand.u32 $0xFFFF0000, v18;
	v13 =	vand.u32 $0xFF80, v40;
	v7 =	vor.u32 v10, v63  }
0xb8: {  	v8 =	vand.u32 $0x60, v8;
	v48 =	vshll.u32 v41, $0x5;
	v49 =	vshll.u32 v41, $0x7  }
0xb9: {  	[tilespmem:$0x680] =	vst v15;
	v52 =	vshrl.u32 v41, $0x4;
	v53 =	vshll.u32 v45, $0x5;
	v54 =	vshll.u32 v45, $0x7  }
0xba: {  	[tilespmem:$0x6E0] =	vst v27;
	v15 =	vshrl.u32 v45, $0x4;
	v63 =	vand.u32 $0xFFFF0000, v61;
	v27 =	vand.u32 $0x60, v16  }
0xbb: {  	[tilespmem:$0x470] =	vst v14;
	v50 =	vld [tilespmem:$0x1A0];
	v40 =	vshrl.u32 v31, $0x4;
	v2 =	vor.u32 v39, v3;
	v45 =	vshll.u32 v38, $0x5  }
0xbc: {  	[tilespmem:$0x720] =	vst v36;
	v36 =	vld [tilespmem:$0x1D0];
	v42 =	vor.u32 v13, v12;
	v43 =	vshll.u32 v62, $0x5;
	v44 =	vshll.u32 v62, $0x7  }
0xbd: {  	[tilespmem:$0x460] =	vst v11;
	v7 =	vor.u32 v9, v7;
	v47 =	vshrl.u32 v62, $0x4;
	v11 =	vand.u32 $0xFFFF0000, v48  }
0xbe: {  	[tilespmem:$0x490] =	vst v17;
	v14 =	vand.u32 $0xFF80, v54;
	v57 =	vand.u32 $0x60, v15;
	v3 =	vand.u32 $0x60, v40  }
0xbf: {  	[tilespmem:$0x6A0] =	vst v19;
	v48 =	vshll.u32 v38, $0x7;
	v12 =	vand.u32 $0xFFFF0000, v43;
	v13 =	vand.u32 $0xFF80, v44  }
0xc0: {  	[tilespmem:$0x4A0] =	vst v20;
	v8 =	vor.u32 v8, v42;
	v10 =	vand.u32 $0x60, v47;
	v59 =	vshll.u32 v50, $0x5  }
0xc1: {  	[tilespmem:$0x6B0] =	vst v21;
	v60 =	vshll.u32 v50, $0x7;
	v2 =	vor.u32 v3, v2;
	v3 =	vshll.u32 v36, $0x5  }
0xc2: {  	[tilespmem:$0x4B0] =	vst v22;
	v58 =	vld [tilespmem:$0x1B0];
	v42 =	vshll.u32 v36, $0x7;
	v43 =	vshrl.u32 v36, $0x4;
	v47 =	vand.u32 $0xFFFF0000, v45  }
0xc3: {  	[tilespmem:$0x570] =	vst v6;
	v6 =	vand.u32 $0xFF80, v48;
	v46 =	vor.u32 v13, v12;
	v12 =	vand.u32 $0xFF80, v49  }
0xc4: {  	[tilespmem:$0x4E0] =	vst v28;
	v15 =	vand.u32 $0xFF80, v60;
	v13 =	vshrl.u32 v50, $0x4;
	v3 =	vand.u32 $0xFFFF0000, v3  }
0xc5: {  	[tilespmem:$0x770] =	vst v5;
	v5 =	vand.u32 $0xFF80, v42;
	v44 =	vand.u32 $0x60, v43;
	v9 =	vor.u32 v10, v46  }
0xc6: {  	[tilespmem:$0x6C0] =	vst v24;
	v41 =	vld [tilespmem:$0x1E0];
	v51 =	vor.u32 v12, v11;
	v11 =	vand.u32 $0x60, v52;
	v12 =	vand.u32 $0xFFFF0000, v53  }
0xc7: {  	[tilespmem:$0x6D0] =	vst v25;
	v13 =	vand.u32 $0x60, v13;
	v24 =	vshll.u32 v58, $0x5;
	v25 =	vshll.u32 v58, $0x7  }
0xc8: {  	[tilespmem:$0x6F0] =	vst v30;
	v62 =	vld [tilespmem:$0x3B0];
	v3 =	vor.u32 v5, v3;
	v5 =	vor.u32 v6, v47;
	v10 =	vor.u32 v11, v51  }
0xc9: {  	[tilespmem:$0x4F0] =	vst v29;
	v56 =	vor.u32 v14, v12;
	v12 =	vand.u32 $0xFFFF0000, v59;
	v18 =	vand.u32 $0xFFFF0000, v24  }
0xca: {  	[tilespmem:$0x710] =	vst v32;
	v19 =	vand.u32 $0xFF80, v25;
	v14 =	vshrl.u32 v58, $0x4;
	v3 =	vor.u32 v44, v3  }
0xcb: {  	[tilespmem:$0x540] =	vst v0;
	v49 =	vshll.u32 v41, $0x5;
	v50 =	vshll.u32 v41, $0x7;
	v51 =	vshrl.u32 v38, $0x4  }
0xcc: {  	[tilespmem:$0x560] =	vst v4;
	v4 =	vshrl.u32 v41, $0x4;
	v11 =	vor.u32 v57, v56;
	v12 =	vor.u32 v15, v12  }
0xcd: {  	[tilespmem:$0x5C0] =	vst v1;
	v15 =	vand.u32 $0xFF80, v23;
	v28 =	vor.u32 v19, v18;
	v29 =	vshll.u32 v62, $0x5  }
0xce: {  	[tilespmem:$0x580] =	vst v8;
	v30 =	vshll.u32 v62, $0x7;
	v14 =	vand.u32 $0x60, v14;
	v0 =	vshrl.u32 v62, $0x4  }
0xcf: {  	v46 =	vld [tilespmem:$0x3E0];
	[tilespmem:$0x790] =	vst v9;
	v8 =	vand.u32 $0xFFFF0000, v49;
	v9 =	vand.u32 $0xFF80, v50;
	v53 =	vand.u32 $0x60, v51  }
0xd0: {  	[tilespmem:$0x780] =	vst v7;
	v52 =	vld [tilespmem:$0x1F0];
	v4 =	vand.u32 $0x60, v4;
	v12 =	vor.u32 v13, v12;
	v13 =	vor.u32 v15, v63  }
0xd1: {  	[tilespmem:$0x7D0] =	vst v2;
	v18 =	vand.u32 $0xFFFF0000, v29;
	v19 =	vand.u32 $0xFF80, v30;
	v14 =	vor.u32 v14, v28  }
0xd2: {  	[tilespmem:$0x590] =	vst v10;
	v0 =	vand.u32 $0x60, v0;
	v8 =	vor.u32 v9, v8;
	v32 =	vor.u32 v19, v18  }
0xd3: {  	[tilespmem:$0x5D0] =	vst v3;
	v13 =	vor.u32 v27, v13;
	v4 =	vor.u32 v4, v8;
	v0 =	vor.u32 v0, v32  }
0xd4: {  	v56 =	vld [tilespmem:$0x3F0];
	[tilespmem:$0x7A0] =	vst v11;
	v54 =	vshll.u32 v46, $0x5;
	v55 =	vshll.u32 v46, $0x7;
	v1 =	vshrl.u32 v46, $0x4  }
0xd5: {  	[tilespmem:$0x5A0] =	vst v12;
	v58 =	vshll.u32 v52, $0x5;
	v59 =	vshll.u32 v52, $0x7;
	v3 =	vshrl.u32 v52, $0x4  }
0xd6: {  	v9 =	vand.u32 $0xFFFF0000, v54;
	v10 =	vand.u32 $0xFF80, v55;
	[tilespmem:$0x7C0] =	vst v0;
	v0 =	vor.u32 v53, v5  }
0xd7: {  	[tilespmem:$0x5B0] =	vst v14;
	v1 =	vand.u32 $0x60, v1;
	v2 =	vand.u32 $0xFFFF0000, v58;
	v60 =	vand.u32 $0xFF80, v59  }
0xd8: {  	v57 =	vor.u32 v10, v9;
	v2 =	vor.u32 v60, v2;
	[tilespmem:$0x7E0] =	vst v0;
	v0 =	vand.u32 $0x60, v3  }
0xd9: {  	[tilespmem:$0x7B0] =	vst v13;
	v3 =	vshll.u32 v56, $0x5;
	v61 =	vshll.u32 v56, $0x7;
	v63 =	vshrl.u32 v56, $0x4  }
0xda: {  	[tilespmem:$0x5E0] =	vst v4;
	v1 =	vor.u32 v1, v57;
	v3 =	vand.u32 $0xFFFF0000, v3;
	v62 =	vand.u32 $0xFF80, v61  }
0xdb: {  	v0 =	vor.u32 v0, v2;
	v2 =	vand.u32 $0x60, v63;
	[tilespmem:$0x7F0] =	vst v1;
	v1 =	vor.u32 v62, v3  }
0xdc: {  	[tilespmem:$0x5F0] =	vst v0;
	v0 =	vor.u32 v2, v1  }
0xdd: {  	[tilespmem:$0x800] =	vst v0  }
0xde: {  	[tilespmem:s16], [sflag:$0x3] =	stream.indirect.gather [hbm4b:s26+s2], $0x1, s1, s2, $0xb8;
	[tilespmem:$0x8C20] =	vst v63  }
0xdf: {  	_ = 	snop  }
0xe0: {  	[tilespmem:s17], [sflag:$0x3] =	stream.indirect.gather [hbm4b:s28+s2], $0x1, s4, s2, $0xb8;
	[tilespmem:$0x8C20] =	vst v63  }
0xe1: {  	s21 =	simm.s32 $0x88A0  }
0xe2: {  	[tilespmem:s21], [sflag:$0x3] =	stream.indirect.gather [hbm4b:s26+s2], $0x1, s2, s2, $0xb8;
	[tilespmem:$0x8C20] =	vst v63  }
0xe3: {  	s22 =	simm.s32 $0x280;
	s29 =	simm.s32 $0x8AA0  }
0xe4: {  	[tilespmem:s29], [sflag:$0x3] =	stream.indirect.gather [hbm4b:s28+s2], $0x1, s22, s2, $0xb8;
	[tilespmem:$0x8C20] =	vst v63  }
0xe5: {  	s16 =	simm.s32 $0x8920;
	s4 =	simm.s32 $0x100  }
0xe6: {  	[tilespmem:s16], [sflag:$0x3] =	stream.indirect.gather [hbm4b:s26+s2], $0x1, s4, s2, $0xb8;
	[tilespmem:$0x8C20] =	vst v63  }
0xe7: {  	s18 =	simm.s32 $0x8B20;
	s17 =	simm.s32 $0x300  }
0xe8: {  	[tilespmem:s18], [sflag:$0x3] =	stream.indirect.gather [hbm4b:s28+s2], $0x1, s17, s2, $0xb8;
	[tilespmem:$0x8C20] =	vst v63  }
0xe9: {  	s20 =	simm.s32 $0x180;
	s21 =	simm.s32 $0x89A0  }
0xea: {  	[tilespmem:s21], [sflag:$0x3] =	stream.indirect.gather [hbm4b:s26+s2], $0x1, s20, s2, $0xb8;
	[tilespmem:$0x8C20] =	vst v63  }
0xeb: {  	s3 =	simm.s32 $0x400;
	s22 =	simm.s32 $0x380;
	s29 =	simm.s32 $0x8BA0  }
0xec: {  	[tilespmem:s29], [sflag:$0x3] =	stream.indirect.gather [hbm4b:s28+s2], $0x1, s22, s2, $0xb8;
	[tilespmem:$0x8C20] =	vst v63  }
0xed: {  	s16 =	simm.s32 $0x610;
	s4 =	simm.s32 $0x80;
	s17 =	simm.s32 $0x0;
	v0 =	vld [tilespmem:s3+$0x0]  }
.LBB2_2:
0xee: {  	p0 =	sne.s32 s4, $0x3F80;
	v1 =	vld [tilespmem:s16+$0x0];
	_ =	sdelay $0x3  }
0xef: {  	(v2sf) =	vpush v0, $0x0;
	_ =	sdelay $0x1  }
0xf0: {  	(v2sf) =	vpush v1, $0x0;
	_ =	sdelay $0xc  }
0xf1: {  	s18 =	spop (v2sf)  }
0xf2: {  	s20 =	sshra.s32 s17, $0x2;
	s17 =	smov.u32 s4;
	s18 =	sshrl.u32 s18, $0x3  }
0xf3: {  	s21 =	sadd.s32 $0x820, s20;
	s22 =	sadd.s32 s19, s18;
	s29 =	spop (v2sf)  }
0xf4: {  	[tilespmem:s21], [sflag:$0x1] =	stream.linear.gather [hbm4b:s22+s1], $0x20, $0x38;
	[tilespmem:$0x8C20] =	vst v63  }
0xf5: {  	s18 =	sadd.s32 s24, s18;
	s21 =	sadd.s32 $0x4820, s20;
	s22 =	sshrl.u32 s29, $0x3  }
0xf6: {  	[tilespmem:s21], [sflag:$0x1] =	stream.linear.gather [hbm4b:s18+s1], $0x20, $0x38;
	[tilespmem:$0x8C20] =	vst v63  }
.Ltmp0:
0xf7: {  	s18 =	sadd.s32 $0x2820, s20;
	s21 =	sadd.s32 s23, s22;
	(pc) =	sbr.rel @p0 .LBB2_2-.Ltmp0, $4  }
0xf8: {  	[tilespmem:s18], [sflag:$0x1] =	stream.linear.gather [hbm4b:s21+s1], $0x20, $0x38;
	[tilespmem:$0x8C20] =	vst v63  }
0xf9: {  	s3 =	sadd.s32 $0x1, s3;
	s18 =	sadd.s32 $0x6820, s20;
	s20 =	sadd.s32 s25, s22  }
0xfa: {  	[tilespmem:s18], [sflag:$0x1] =	stream.linear.gather [hbm4b:s20+s1], $0x20, $0x38;
	[tilespmem:$0x8C20] =	vst v63  }
0xfb: {  	s4 =	sadd.s32 $0x80, s4;
	s16 =	sadd.s32 $0x1, s16;
	v0 =	vld [tilespmem:s3+$0x0]  }
0xfc: {  	_ = 	snop  }
0xfd: {  	v1 =	vld [tilespmem:s16+$0x0];
	_ =	sdelay $0x2  }
0xfe: {  	(v2sf) =	vpush v0, $0x0;
	_ =	sdelay $0x1  }
0xff: {  	(v2sf) =	vpush v1, $0x0;
	_ =	sdelay $0xc  }
0x100: {  	s3 =	spop (v2sf)  }
0x101: {  	s4 =	sshra.s32 s17, $0x2;
	s3 =	sshrl.u32 s3, $0x3  }
0x102: {  	s22 =	sadd.s32 $0x820, s4;
	s18 =	spop (v2sf);
	s29 =	sadd.s32 s19, s3  }
0x103: {  	[tilespmem:s22], [sflag:$0x1] =	stream.linear.gather [hbm4b:s29+s1], $0x20, $0x38;
	[tilespmem:$0x8C20] =	vst v63  }
0x104: {  	s20 =	sadd.s32 $0x4820, s4;
	s3 =	sadd.s32 s24, s3;
	s21 =	sshrl.u32 s18, $0x3  }
0x105: {  	[tilespmem:s20], [sflag:$0x1] =	stream.linear.gather [hbm4b:s3+s1], $0x20, $0x38;
	[tilespmem:$0x8C20] =	vst v63  }
0x106: {  	s22 =	sadd.s32 $0x2820, s4;
	s29 =	sadd.s32 s23, s21  }
0x107: {  	[tilespmem:s22], [sflag:$0x1] =	stream.linear.gather [hbm4b:s29+s1], $0x20, $0x38;
	[tilespmem:$0x8C20] =	vst v63  }
0x108: {  	s16 =	sadd.s32 $0x6820, s4;
	s18 =	sadd.s32 s25, s21  }
0x109: {  	[tilespmem:s16], [sflag:$0x1] =	stream.linear.gather [hbm4b:s18+s1], $0x20, $0x38;
	[tilespmem:$0x8C20] =	vst v63  }
0x10a: {  	_ =	swait.ge [sflag:s5], $0x1000  }
0x10b: {  	[sflag:s5] =	ssyncset.done $0x0  }
0x10c: {  	[sflag:s5] =	ssyncadd.s32 $0xFFFFF000  }
0x10d: {  	_ =	swait.ge [sflag:s5], $0x1000  }
0x10e: {  	[sflag:s5] =	ssyncset.done $0x0  }
0x10f: {  	[sflag:s5] =	ssyncadd.s32 $0xFFFFF000  }
0x110: {  	_ =	swait.ge [sflag:s5], $0x1000  }
0x111: {  	[sflag:s5] =	ssyncset.done $0x0  }
0x112: {  	[sflag:s5] =	ssyncadd.s32 $0xFFFFF000  }
0x113: {  	_ =	swait.ge [sflag:s5], $0x1000  }
0x114: {  	[sflag:s5] =	ssyncset.done $0x0  }
0x115: {  	s16 =	simm.s32 $0x0;
	s20 =	rddreg [dreg:$0x5];
	[sflag:s5] =	ssyncadd.s32 $0xFFFFF000  }
0x116: {  	[hbm4b:s20+s16] =	stream.linear.scatter [tilespmem:s6], [sflag:$0x2], $0x1000, $0x38;
	[tilespmem:$0x8C20] =	vst v63  }
0x117: {  	s21 =	rddreg [dreg:$0x6]  }
0x118: {  	[hbm4b:s21+s16] =	stream.linear.scatter [tilespmem:s7], [sflag:$0x2], $0x1000, $0x38;
	[tilespmem:$0x8C20] =	vst v63  }
0x119: {  	s22 =	rddreg [dreg:$0x7]  }
0x11a: {  	[hbm4b:s22+s16] =	stream.linear.scatter [tilespmem:s8], [sflag:$0x2], $0x1000, $0x38;
	[tilespmem:$0x8C20] =	vst v63  }
0x11b: {  	s17 =	simm.s32 $0x480;
	s29 =	rddreg [dreg:$0x8]  }
0x11c: {  	[hbm4b:s29+s16] =	stream.linear.scatter [tilespmem:s9], [sflag:$0x2], $0x1000, $0x38;
	[tilespmem:$0x8C20] =	vst v63  }
0x11d: {  	s4 =	simm.s32 $0x80;
	s3 =	simm.s32 $0x690;
	v0 =	vld [tilespmem:s17+$0x0]  }
.LBB2_4:
0x11e: {  	p0 =	sne.s32 s4, $0x3F80;
	v1 =	vld [tilespmem:s3+$0x0];
	_ =	sdelay $0x3  }
0x11f: {  	(v2sf) =	vpush v0, $0x0;
	_ =	sdelay $0x1  }
0x120: {  	(v2sf) =	vpush v1, $0x0;
	_ =	sdelay $0xc  }
0x121: {  	s18 =	spop (v2sf)  }
0x122: {  	s20 =	sshra.s32 s16, $0x2;
	s16 =	smov.u32 s4;
	s18 =	sshrl.u32 s18, $0x3  }
0x123: {  	s21 =	sadd.s32 $0x1820, s20;
	s22 =	sadd.s32 s19, s18;
	s29 =	spop (v2sf)  }
0x124: {  	[tilespmem:s21], [sflag:$0x1] =	stream.linear.gather [hbm4b:s22+s1], $0x20, $0x38;
	[tilespmem:$0x8C20] =	vst v63  }
0x125: {  	s18 =	sadd.s32 s24, s18;
	s21 =	sadd.s32 $0x5820, s20;
	s22 =	sshrl.u32 s29, $0x3  }
0x126: {  	[tilespmem:s21], [sflag:$0x1] =	stream.linear.gather [hbm4b:s18+s1], $0x20, $0x38;
	[tilespmem:$0x8C20] =	vst v63  }
.Ltmp1:
0x127: {  	s18 =	sadd.s32 $0x3820, s20;
	s21 =	sadd.s32 s23, s22;
	(pc) =	sbr.rel @p0 .LBB2_4-.Ltmp1, $4  }
0x128: {  	[tilespmem:s18], [sflag:$0x1] =	stream.linear.gather [hbm4b:s21+s1], $0x20, $0x38;
	[tilespmem:$0x8C20] =	vst v63  }
0x129: {  	s17 =	sadd.s32 $0x1, s17;
	s18 =	sadd.s32 $0x7820, s20;
	s20 =	sadd.s32 s25, s22  }
0x12a: {  	[tilespmem:s18], [sflag:$0x1] =	stream.linear.gather [hbm4b:s20+s1], $0x20, $0x38;
	[tilespmem:$0x8C20] =	vst v63  }
0x12b: {  	s4 =	sadd.s32 $0x80, s4;
	s3 =	sadd.s32 $0x1, s3;
	v0 =	vld [tilespmem:s17+$0x0]  }
0x12c: {  	_ = 	snop  }
0x12d: {  	v1 =	vld [tilespmem:s3+$0x0];
	_ =	sdelay $0x2  }
0x12e: {  	(v2sf) =	vpush v0, $0x0;
	_ =	sdelay $0x1  }
0x12f: {  	(v2sf) =	vpush v1, $0x0;
	_ =	sdelay $0xc  }
0x130: {  	s18 =	spop (v2sf)  }
0x131: {  	s4 =	sshra.s32 s16, $0x2;
	s3 =	sshrl.u32 s18, $0x3  }
0x132: {  	s16 =	sadd.s32 $0x1820, s4;
	s18 =	spop (v2sf);
	s17 =	sadd.s32 s19, s3  }
0x133: {  	[tilespmem:s16], [sflag:$0x1] =	stream.linear.gather [hbm4b:s17+s1], $0x20, $0x38;
	[tilespmem:$0x8C20] =	vst v63  }
0x134: {  	s20 =	sadd.s32 $0x5820, s4;
	s3 =	sadd.s32 s24, s3;
	s21 =	sshrl.u32 s18, $0x3  }
0x135: {  	[tilespmem:s20], [sflag:$0x1] =	stream.linear.gather [hbm4b:s3+s1], $0x20, $0x38;
	[tilespmem:$0x8C20] =	vst v63  }
0x136: {  	s22 =	sadd.s32 $0x3820, s4;
	s29 =	sadd.s32 s23, s21  }
0x137: {  	[tilespmem:s22], [sflag:$0x1] =	stream.linear.gather [hbm4b:s29+s1], $0x20, $0x38;
	[tilespmem:$0x8C20] =	vst v63  }
0x138: {  	s16 =	sadd.s32 $0x7820, s4;
	s18 =	sadd.s32 s25, s21  }
0x139: {  	[tilespmem:s16], [sflag:$0x1] =	stream.linear.gather [hbm4b:s18+s1], $0x20, $0x38;
	[tilespmem:$0x8C20] =	vst v63  }
0x13a: {  	_ =	swait.ge [sflag:s5], $0x1000  }
0x13b: {  	[sflag:s5] =	ssyncset.done $0x0  }
0x13c: {  	[sflag:s5] =	ssyncadd.s32 $0xFFFFF000  }
0x13d: {  	_ =	swait.ge [sflag:s5], $0x1000  }
0x13e: {  	[sflag:s5] =	ssyncset.done $0x0  }
0x13f: {  	[sflag:s5] =	ssyncadd.s32 $0xFFFFF000  }
0x140: {  	_ =	swait.ge [sflag:s5], $0x1000  }
0x141: {  	[sflag:s5] =	ssyncset.done $0x0  }
0x142: {  	[sflag:s5] =	ssyncadd.s32 $0xFFFFF000  }
0x143: {  	_ =	swait.ge [sflag:s5], $0x1000  }
0x144: {  	[sflag:s5] =	ssyncset.done $0x0  }
0x145: {  	s16 =	simm.s32 $0x0;
	s20 =	rddreg [dreg:$0x9];
	[sflag:s5] =	ssyncadd.s32 $0xFFFFF000  }
0x146: {  	[hbm4b:s20+s16] =	stream.linear.scatter [tilespmem:s10], [sflag:$0x2], $0x1000, $0x38;
	[tilespmem:$0x8C20] =	vst v63  }
0x147: {  	s21 =	rddreg [dreg:$0xa]  }
0x148: {  	[hbm4b:s21+s16] =	stream.linear.scatter [tilespmem:s11], [sflag:$0x2], $0x1000, $0x38;
	[tilespmem:$0x8C20] =	vst v63  }
0x149: {  	s22 =	rddreg [dreg:$0xb]  }
0x14a: {  	[hbm4b:s22+s16] =	stream.linear.scatter [tilespmem:s12], [sflag:$0x2], $0x1000, $0x38;
	[tilespmem:$0x8C20] =	vst v63  }
0x14b: {  	s17 =	simm.s32 $0x500;
	s29 =	rddreg [dreg:$0xc]  }
0x14c: {  	[hbm4b:s29+s16] =	stream.linear.scatter [tilespmem:s13], [sflag:$0x2], $0x1000, $0x38;
	[tilespmem:$0x8C20] =	vst v63  }
0x14d: {  	s4 =	simm.s32 $0x80;
	s3 =	simm.s32 $0x710;
	v0 =	vld [tilespmem:s17+$0x0]  }
.LBB2_6:
0x14e: {  	p0 =	sne.s32 s4, $0x3F80;
	v1 =	vld [tilespmem:s3+$0x0];
	_ =	sdelay $0x3  }
0x14f: {  	(v2sf) =	vpush v0, $0x0;
	_ =	sdelay $0x1  }
0x150: {  	(v2sf) =	vpush v1, $0x0;
	_ =	sdelay $0xc  }
0x151: {  	s18 =	spop (v2sf)  }
0x152: {  	s20 =	sshra.s32 s16, $0x2;
	s16 =	smov.u32 s4;
	s18 =	sshrl.u32 s18, $0x3  }
0x153: {  	s21 =	sadd.s32 $0x820, s20;
	s22 =	sadd.s32 s19, s18;
	s29 =	spop (v2sf)  }
0x154: {  	[tilespmem:s21], [sflag:$0x1] =	stream.linear.gather [hbm4b:s22+s1], $0x20, $0x38;
	[tilespmem:$0x8C20] =	vst v63  }
0x155: {  	s18 =	sadd.s32 s24, s18;
	s21 =	sadd.s32 $0x4820, s20;
	s22 =	sshrl.u32 s29, $0x3  }
0x156: {  	[tilespmem:s21], [sflag:$0x1] =	stream.linear.gather [hbm4b:s18+s1], $0x20, $0x38;
	[tilespmem:$0x8C20] =	vst v63  }
.Ltmp2:
0x157: {  	s18 =	sadd.s32 $0x2820, s20;
	s21 =	sadd.s32 s23, s22;
	(pc) =	sbr.rel @p0 .LBB2_6-.Ltmp2, $4  }
0x158: {  	[tilespmem:s18], [sflag:$0x1] =	stream.linear.gather [hbm4b:s21+s1], $0x20, $0x38;
	[tilespmem:$0x8C20] =	vst v63  }
0x159: {  	s17 =	sadd.s32 $0x1, s17;
	s18 =	sadd.s32 $0x6820, s20;
	s20 =	sadd.s32 s25, s22  }
0x15a: {  	[tilespmem:s18], [sflag:$0x1] =	stream.linear.gather [hbm4b:s20+s1], $0x20, $0x38;
	[tilespmem:$0x8C20] =	vst v63  }
0x15b: {  	s4 =	sadd.s32 $0x80, s4;
	s3 =	sadd.s32 $0x1, s3;
	v0 =	vld [tilespmem:s17+$0x0]  }
0x15c: {  	_ = 	snop  }
0x15d: {  	v1 =	vld [tilespmem:s3+$0x0];
	_ =	sdelay $0x2  }
0x15e: {  	(v2sf) =	vpush v0, $0x0;
	_ =	sdelay $0x1  }
0x15f: {  	(v2sf) =	vpush v1, $0x0;
	_ =	sdelay $0xc  }
0x160: {  	s18 =	spop (v2sf)  }
0x161: {  	s4 =	sshra.s32 s16, $0x2;
	s3 =	sshrl.u32 s18, $0x3  }
0x162: {  	s16 =	sadd.s32 $0x820, s4;
	s18 =	spop (v2sf);
	s17 =	sadd.s32 s19, s3  }
0x163: {  	[tilespmem:s16], [sflag:$0x1] =	stream.linear.gather [hbm4b:s17+s1], $0x20, $0x38;
	[tilespmem:$0x8C20] =	vst v63  }
0x164: {  	s20 =	sadd.s32 $0x4820, s4;
	s3 =	sadd.s32 s24, s3;
	s21 =	sshrl.u32 s18, $0x3  }
0x165: {  	[tilespmem:s20], [sflag:$0x1] =	stream.linear.gather [hbm4b:s3+s1], $0x20, $0x38;
	[tilespmem:$0x8C20] =	vst v63  }
0x166: {  	s22 =	sadd.s32 $0x2820, s4;
	s29 =	sadd.s32 s23, s21  }
0x167: {  	[tilespmem:s22], [sflag:$0x1] =	stream.linear.gather [hbm4b:s29+s1], $0x20, $0x38;
	[tilespmem:$0x8C20] =	vst v63  }
0x168: {  	s16 =	sadd.s32 $0x6820, s4;
	s18 =	sadd.s32 s25, s21  }
0x169: {  	[tilespmem:s16], [sflag:$0x1] =	stream.linear.gather [hbm4b:s18+s1], $0x20, $0x38;
	[tilespmem:$0x8C20] =	vst v63  }
0x16a: {  	_ =	swait.ge [sflag:s5], $0x1000  }
0x16b: {  	[sflag:s5] =	ssyncset.done $0x0  }
0x16c: {  	[sflag:s5] =	ssyncadd.s32 $0xFFFFF000  }
0x16d: {  	_ =	swait.ge [sflag:s5], $0x1000  }
0x16e: {  	[sflag:s5] =	ssyncset.done $0x0  }
0x16f: {  	[sflag:s5] =	ssyncadd.s32 $0xFFFFF000  }
0x170: {  	_ =	swait.ge [sflag:s5], $0x1000  }
0x171: {  	[sflag:s5] =	ssyncset.done $0x0  }
0x172: {  	[sflag:s5] =	ssyncadd.s32 $0xFFFFF000  }
0x173: {  	_ =	swait.ge [sflag:s5], $0x1000  }
0x174: {  	[sflag:s5] =	ssyncset.done $0x0  }
0x175: {  	[sflag:s5] =	ssyncadd.s32 $0xFFFFF000  }
0x176: {  	_ =	swait.ge [sflag:s14], $0x1000  }
0x177: {  	[sflag:s14] =	ssyncset.done $0x0  }
0x178: {  	[sflag:s14] =	ssyncadd.s32 $0xFFFFF000  }
0x179: {  	_ =	swait.ge [sflag:s14], $0x1000  }
0x17a: {  	[sflag:s14] =	ssyncset.done $0x0  }
0x17b: {  	[sflag:s14] =	ssyncadd.s32 $0xFFFFF000  }
0x17c: {  	_ =	swait.ge [sflag:s14], $0x1000  }
0x17d: {  	[sflag:s14] =	ssyncset.done $0x0  }
0x17e: {  	[sflag:s14] =	ssyncadd.s32 $0xFFFFF000  }
0x17f: {  	_ =	swait.ge [sflag:s14], $0x1000  }
0x180: {  	[sflag:s14] =	ssyncset.done $0x0  }
0x181: {  	s16 =	simm.s32 $0x0;
	s20 =	rddreg [dreg:$0xd];
	[sflag:s14] =	ssyncadd.s32 $0xFFFFF000  }
0x182: {  	[hbm4b:s20+s16] =	stream.linear.scatter [tilespmem:s6], [sflag:$0x2], $0x1000, $0x38;
	[tilespmem:$0x8C20] =	vst v63  }
0x183: {  	s21 =	rddreg [dreg:$0xe]  }
0x184: {  	[hbm4b:s21+s16] =	stream.linear.scatter [tilespmem:s7], [sflag:$0x2], $0x1000, $0x38;
	[tilespmem:$0x8C20] =	vst v63  }
0x185: {  	s22 =	rddreg [dreg:$0xf]  }
0x186: {  	[hbm4b:s22+s16] =	stream.linear.scatter [tilespmem:s8], [sflag:$0x2], $0x1000, $0x38;
	[tilespmem:$0x8C20] =	vst v63  }
0x187: {  	s17 =	simm.s32 $0x580;
	s29 =	rddreg [dreg:$0x10]  }
0x188: {  	[hbm4b:s29+s16] =	stream.linear.scatter [tilespmem:s9], [sflag:$0x2], $0x1000, $0x38;
	[tilespmem:$0x8C20] =	vst v63  }
0x189: {  	s4 =	simm.s32 $0x80;
	s3 =	simm.s32 $0x790;
	v0 =	vld [tilespmem:s17+$0x0]  }
.LBB2_8:
0x18a: {  	p0 =	sne.s32 s4, $0x3F80;
	v1 =	vld [tilespmem:s3+$0x0];
	_ =	sdelay $0x3  }
0x18b: {  	(v2sf) =	vpush v0, $0x0;
	_ =	sdelay $0x1  }
0x18c: {  	(v2sf) =	vpush v1, $0x0;
	_ =	sdelay $0xc  }
0x18d: {  	s18 =	spop (v2sf)  }
0x18e: {  	s20 =	sshra.s32 s16, $0x2;
	s16 =	smov.u32 s4;
	s18 =	sshrl.u32 s18, $0x3  }
0x18f: {  	s21 =	sadd.s32 $0x1820, s20;
	s22 =	sadd.s32 s19, s18;
	s29 =	spop (v2sf)  }
0x190: {  	[tilespmem:s21], [sflag:$0x1] =	stream.linear.gather [hbm4b:s22+s1], $0x20, $0x38;
	[tilespmem:$0x8C20] =	vst v63  }
0x191: {  	s18 =	sadd.s32 s24, s18;
	s21 =	sadd.s32 $0x5820, s20;
	s22 =	sshrl.u32 s29, $0x3  }
0x192: {  	[tilespmem:s21], [sflag:$0x1] =	stream.linear.gather [hbm4b:s18+s1], $0x20, $0x38;
	[tilespmem:$0x8C20] =	vst v63  }
.Ltmp3:
0x193: {  	s18 =	sadd.s32 $0x3820, s20;
	s21 =	sadd.s32 s23, s22;
	(pc) =	sbr.rel @p0 .LBB2_8-.Ltmp3, $4  }
0x194: {  	[tilespmem:s18], [sflag:$0x1] =	stream.linear.gather [hbm4b:s21+s1], $0x20, $0x38;
	[tilespmem:$0x8C20] =	vst v63  }
0x195: {  	s17 =	sadd.s32 $0x1, s17;
	s18 =	sadd.s32 $0x7820, s20;
	s20 =	sadd.s32 s25, s22  }
0x196: {  	[tilespmem:s18], [sflag:$0x1] =	stream.linear.gather [hbm4b:s20+s1], $0x20, $0x38;
	[tilespmem:$0x8C20] =	vst v63  }
0x197: {  	s4 =	sadd.s32 $0x80, s4;
	s3 =	sadd.s32 $0x1, s3;
	v0 =	vld [tilespmem:s17+$0x0]  }
0x198: {  	_ = 	snop  }
0x199: {  	v1 =	vld [tilespmem:s3+$0x0];
	_ =	sdelay $0x2  }
0x19a: {  	(v2sf) =	vpush v0, $0x0;
	_ =	sdelay $0x1  }
0x19b: {  	(v2sf) =	vpush v1, $0x0;
	_ =	sdelay $0xc  }
0x19c: {  	s18 =	spop (v2sf)  }
0x19d: {  	s4 =	sshra.s32 s16, $0x2;
	s3 =	sshrl.u32 s18, $0x3  }
0x19e: {  	s16 =	sadd.s32 $0x1820, s4;
	s20 =	spop (v2sf);
	s17 =	sadd.s32 s19, s3  }
0x19f: {  	[tilespmem:s16], [sflag:$0x1] =	stream.linear.gather [hbm4b:s17+s1], $0x20, $0x38;
	[tilespmem:$0x8C20] =	vst v63  }
0x1a0: {  	s21 =	sadd.s32 $0x5820, s4;
	s3 =	sadd.s32 s24, s3;
	s16 =	sshrl.u32 s20, $0x3  }
0x1a1: {  	[tilespmem:s21], [sflag:$0x1] =	stream.linear.gather [hbm4b:s3+s1], $0x20, $0x38;
	[tilespmem:$0x8C20] =	vst v63  }
0x1a2: {  	s22 =	sadd.s32 $0x3820, s4;
	s29 =	sadd.s32 s23, s16  }
0x1a3: {  	[tilespmem:s22], [sflag:$0x1] =	stream.linear.gather [hbm4b:s29+s1], $0x20, $0x38;
	[tilespmem:$0x8C20] =	vst v63  }
0x1a4: {  	s4 =	sadd.s32 $0x7820, s4;
	s16 =	sadd.s32 s25, s16  }
0x1a5: {  	[tilespmem:s4], [sflag:$0x1] =	stream.linear.gather [hbm4b:s16+s1], $0x20, $0x38;
	[tilespmem:$0x8C20] =	vst v63  }
0x1a6: {  	_ =	swait.ge [sflag:s5], $0x1000  }
0x1a7: {  	[sflag:s5] =	ssyncset.done $0x0  }
0x1a8: {  	[sflag:s5] =	ssyncadd.s32 $0xFFFFF000  }
0x1a9: {  	_ =	swait.ge [sflag:s5], $0x1000  }
0x1aa: {  	[sflag:s5] =	ssyncset.done $0x0  }
0x1ab: {  	[sflag:s5] =	ssyncadd.s32 $0xFFFFF000  }
0x1ac: {  	_ =	swait.ge [sflag:s5], $0x1000  }
0x1ad: {  	[sflag:s5] =	ssyncset.done $0x0  }
0x1ae: {  	[sflag:s5] =	ssyncadd.s32 $0xFFFFF000  }
0x1af: {  	_ =	swait.ge [sflag:s5], $0x1000  }
0x1b0: {  	[sflag:s5] =	ssyncset.done $0x0  }
0x1b1: {  	[sflag:s5] =	ssyncadd.s32 $0xFFFFF000  }
0x1b2: {  	_ =	swait.ge [sflag:s14], $0x1000  }
0x1b3: {  	[sflag:s14] =	ssyncset.done $0x0  }
0x1b4: {  	[sflag:s14] =	ssyncadd.s32 $0xFFFFF000  }
0x1b5: {  	_ =	swait.ge [sflag:s14], $0x1000  }
0x1b6: {  	[sflag:s14] =	ssyncset.done $0x0  }
0x1b7: {  	[sflag:s14] =	ssyncadd.s32 $0xFFFFF000  }
0x1b8: {  	_ =	swait.ge [sflag:s14], $0x1000  }
0x1b9: {  	[sflag:s14] =	ssyncset.done $0x0  }
0x1ba: {  	[sflag:s14] =	ssyncadd.s32 $0xFFFFF000  }
0x1bb: {  	_ =	swait.ge [sflag:s14], $0x1000  }
0x1bc: {  	[sflag:s14] =	ssyncset.done $0x0  }
0x1bd: {  	s17 =	rddreg [dreg:$0x11];
	[sflag:s14] =	ssyncadd.s32 $0xFFFFF000  }
0x1be: {  	[hbm4b:s17+s1] =	stream.linear.scatter [tilespmem:s10], [sflag:$0x2], $0x1000, $0x38;
	[tilespmem:$0x8C20] =	vst v63  }
0x1bf: {  	s18 =	rddreg [dreg:$0x12]  }
0x1c0: {  	[hbm4b:s18+s1] =	stream.linear.scatter [tilespmem:s11], [sflag:$0x2], $0x1000, $0x38;
	[tilespmem:$0x8C20] =	vst v63  }
0x1c1: {  	s20 =	rddreg [dreg:$0x13]  }
0x1c2: {  	[hbm4b:s20+s1] =	stream.linear.scatter [tilespmem:s12], [sflag:$0x2], $0x1000, $0x38;
	[tilespmem:$0x8C20] =	vst v63  }
0x1c3: {  	s21 =	rddreg [dreg:$0x14]  }
0x1c4: {  	[hbm4b:s21+s1] =	stream.linear.scatter [tilespmem:s13], [sflag:$0x2], $0x1000, $0x38;
	[tilespmem:$0x8C20] =	vst v63  }
0x1c5: {  	_ =	swait.ge [sflag:s0], $0x80  }
0x1c6: {  	[sflag:s0] =	ssyncset.done $0x0  }
0x1c7: {  	[sflag:s0] =	ssyncadd.s32 $0xFFFFFF80  }
0x1c8: {  	_ =	swait.ge [sflag:s0], $0x80  }
0x1c9: {  	[sflag:s0] =	ssyncset.done $0x0  }
0x1ca: {  	[sflag:s0] =	ssyncadd.s32 $0xFFFFFF80  }
0x1cb: {  	_ =	swait.ge [sflag:s0], $0x80  }
0x1cc: {  	[sflag:s0] =	ssyncset.done $0x0  }
0x1cd: {  	[sflag:s0] =	ssyncadd.s32 $0xFFFFFF80  }
0x1ce: {  	_ =	swait.ge [sflag:s0], $0x80  }
0x1cf: {  	[sflag:s0] =	ssyncset.done $0x0  }
0x1d0: {  	[sflag:s0] =	ssyncadd.s32 $0xFFFFFF80  }
0x1d1: {  	_ =	swait.ge [sflag:s0], $0x80  }
0x1d2: {  	[sflag:s0] =	ssyncset.done $0x0  }
0x1d3: {  	[sflag:s0] =	ssyncadd.s32 $0xFFFFFF80  }
0x1d4: {  	_ =	swait.ge [sflag:s0], $0x80  }
0x1d5: {  	[sflag:s0] =	ssyncset.done $0x0  }
0x1d6: {  	[sflag:s0] =	ssyncadd.s32 $0xFFFFFF80  }
0x1d7: {  	_ =	swait.ge [sflag:s0], $0x80  }
0x1d8: {  	[sflag:s0] =	ssyncset.done $0x0  }
0x1d9: {  	[sflag:s0] =	ssyncadd.s32 $0xFFFFFF80  }
0x1da: {  	_ =	swait.ge [sflag:s0], $0x80  }
0x1db: {  	[sflag:s0] =	ssyncset.done $0x0  }
0x1dc: {  	s16 =	simm.s32 $0x8820;
	s22 =	rddreg [dreg:$0x17];
	[sflag:s0] =	ssyncadd.s32 $0xFFFFFF80  }
0x1dd: {  	[hbm4b:s22+s1] =	stream.linear.scatter [tilespmem:s16], [sflag:$0x2], $0x200, $0x38;
	[tilespmem:$0x8C20] =	vst v63  }
0x1de: {  	s17 =	simm.s32 $0x8A20;
	s29 =	rddreg [dreg:$0x18]  }
0x1df: {  	[hbm4b:s29+s1] =	stream.linear.scatter [tilespmem:s17], [sflag:$0x2], $0x200, $0x38;
	[tilespmem:$0x8C20] =	vst v63  }
0x1e0: {  	_ =	swait.ge [sflag:s14], $0x1000  }
0x1e1: {  	[sflag:s14] =	ssyncset.done $0x0  }
0x1e2: {  	[sflag:s14] =	ssyncadd.s32 $0xFFFFF000  }
0x1e3: {  	_ =	swait.ge [sflag:s14], $0x1000  }
0x1e4: {  	[sflag:s14] =	ssyncset.done $0x0  }
0x1e5: {  	[sflag:s14] =	ssyncadd.s32 $0xFFFFF000  }
0x1e6: {  	_ =	swait.ge [sflag:s14], $0x1000  }
0x1e7: {  	[sflag:s14] =	ssyncset.done $0x0  }
0x1e8: {  	[sflag:s14] =	ssyncadd.s32 $0xFFFFF000  }
0x1e9: {  	_ =	swait.ge [sflag:s14], $0x1000  }
0x1ea: {  	[sflag:s14] =	ssyncset.done $0x0  }
0x1eb: {  	[sflag:s14] =	ssyncadd.s32 $0xFFFFF000  }
0x1ec: {  	_ =	swait.ge [sflag:s14], $0x1000  }
0x1ed: {  	[sflag:s14] =	ssyncset.done $0x0  }
0x1ee: {  	[sflag:s14] =	ssyncadd.s32 $0xFFFFF000  }
0x1ef: {  	_ =	swait.ge [sflag:s14], $0x1000  }
0x1f0: {  	[sflag:s14] =	ssyncset.done $0x0  }
0x1f1: {  	[sflag:s14] =	ssyncadd.s32 $0xFFFFF000  }
0x1f2: {  	_ =	swait.ge [sflag:s14], $0x1000  }
0x1f3: {  	[sflag:s14] =	ssyncset.done $0x0  }
0x1f4: {  	[sflag:s14] =	ssyncadd.s32 $0xFFFFF000  }
0x1f5: {  	_ =	swait.ge [sflag:s14], $0x1000  }
0x1f6: {  	[sflag:s14] =	ssyncset.done $0x0  }
0x1f7: {  	s15 =	sadd.s32 $0x1, s15;
	[sflag:s14] =	ssyncadd.s32 $0xFFFFF000  }
0x1f8: {  	p0 =	sne.s32 s15, s30;
	_ =	swait.ge [sflag:s14], $0x200  }
.Ltmp4:
0x1f9: {  	[sflag:s14] =	ssyncset.done $0x0;
	(pc) =	sbr.rel @p0 .LBB2_1-.Ltmp4, $4  }
0x1fa: {  	[sflag:s14] =	ssyncadd.s32 $0xFFFFFE00  }
0x1fb: {  	_ =	swait.ge [sflag:s14], $0x200  }
0x1fc: {  	[sflag:s14] =	ssyncset.done $0x0  }
0x1fd: {  	[sflag:s14] =	ssyncadd.s32 $0xFFFFFE00  }
0x1fe: {  	_ =	sfence.sel $0x180000  }
0x1ff: {  	[bflag:$0x0] =	sbarrier.arrive $0xFFFF  }
0x200: {  	_ =	strace $0x90000047  }
0x201: {  	s0 =	stileid.u32;
	[bflag:$0x2] =	sbarrier.arrive $0xFFFF  }
0x202: {  	p0 =	sne.s32 s0, $0x0;
	s0 =	rddreg [dreg:$0x4]  }
0x203: {  	s0 =	sadd.s32 @!p0 $0x100000, s0  }
0x204: {  	[sflag:s0] =	ssyncadd.tile.s32 @!p0 $0x1;
	_ =	shalt  }
.Lfunc_end2:
_tile_overlayer_lowered:
.L_overlay_start_2:
0x205: {  	(tag) =	ssettag $0x2  }
0x206: {  	s0 =	rddreg [dreg:$0x0];
	s2 =	stileid.u32  }
0x207: {  	s1 =	rddreg [dreg:$0x1];
	p0 =	sne.s32 s2, $0x0  }
0x208: {  	s3 =	rddreg [dreg:$0x2];
	[bflag:$0x3] =	sbarrier.arrive $0xFFFF;
	s2 =	simm.s32 @!p0 $0x1C04  }
0x209: {  	[timem:s3], [sflag:s2] =	dma.local @!p0 [hbm:s0], s1  }
0x20a: {  	s0 =	simm.s32 @!p0 $0x4  }
0x20b: {  	_ =	swait.ge @!p0 [sflag:s0], s1  }
0x20c: {  	s1 =	ssub.s32 @!p0 $0x0, s1;
	[sflag:s0] =	ssyncset.done @!p0 $0x0  }
0x20d: {  	[sflag:s0] =	ssyncadd.s32 @!p0 s1  }
0x20e: {  	[bflag:$0x3] =	sbarrier.arrive $0xFFFF  }
0x20f: {  	_ =	shalt  }

</sc_bundles>
